<compile_context>
chip_gen: v7x
topology: tpu7x:2x2x1
jax: 0.10.2.dev20260603
libtpu: 0.0.44.dev20260713+nightly
codegen_flags: <defaults>
</compile_context>

<pallas_src>
import jax
import jax.numpy as jnp
from jax import lax
from jax.experimental import pallas as pl
from jax.experimental.pallas import tpu as pltpu
from jax.experimental.pallas import tpu_sc as plsc

N = 10000
E = 320000
D = 128
DE = 16
L = 3

NC = 2
NS = 16
NW = NC * NS
EPW = E // NW
K = 80
NCH = EPW // K
NP = 10240
RPT = NP // NS
RZ = K
NZC = RPT // RZ

_f32 = jnp.float32



SB = 25
NSC = NCH // SB
SBK = SB * K


def _sc_edge_pass(hw_hbm, ssrc_hbm, sdst_hbm, se_hbm, src_hbm, dst4_hbm,
                  eemb_hbm,
                  num128_out, denom_out,
                  grow2, eemb_b, srci_s, dsti_s, se_s,
                  sg2, dg2, ex_b, denom_v, acc128,
                  gsem, ssem, dsem, esem, ksem):
    c = lax.axis_index("c")
    s = lax.axis_index("s")
    wid = c * NS + s
    ebase = wid * EPW

    zeros = jnp.zeros((16,), _f32)

    @pl.loop(0, N // 16)
    def _(i):
        denom_v[pl.ds(i * 16, 16)] = zeros

    @pl.loop(0, RZ)
    def _(i):
        for k in range(D // 16):
            grow2[i, pl.ds(k * 16, 16)] = zeros

    for i in range(NZC):
        r0 = s * RPT + i * RZ

        @pl.when(r0 < N)
        def _():
            pltpu.sync_copy(grow2.at[pl.ds(0, RZ)], acc128.at[pl.ds(r0, RZ)])
    plsc.subcore_barrier()

    def issue(jj, par, sbase):
        isl = srci_s.at[pl.ds(jj * K, K)]
        gd = grow2.at[pl.ds(par * K, K)]
        pltpu.async_copy(hw_hbm.at[isl], gd, gsem)
        pltpu.async_copy(ssrc_hbm.at[isl], sg2.at[pl.ds(par * K, K)], ssem)
        pltpu.async_copy(sdst_hbm.at[dsti_s.at[jj]], dg2.at[pl.ds(par * K, K)],
                         dsem)

    pltpu.async_copy(eemb_hbm.at[pl.ds(ebase, K)], eemb_b, esem)

    @pl.loop(0, NSC)
    def _(ss):
        sbase = ebase + ss * SBK
        pltpu.sync_copy(src_hbm.at[pl.ds(sbase, SBK)], srci_s)
        pltpu.sync_copy(dst4_hbm.at[wid, ss], dsti_s)
        pltpu.sync_copy(se_hbm.at[pl.ds(sbase, SBK)], se_s)

        issue(0, 0, sbase)

        @pl.loop(0, SB)
        def _(jj):
            par = lax.rem(jj, 2)
            pb = par * K

            isl = srci_s.at[pl.ds(jj * K, K)]
            gd = grow2.at[pl.ds(pb, K)]
            pltpu.make_async_copy(hw_hbm.at[isl], gd, gsem).wait()
            pltpu.make_async_copy(ssrc_hbm.at[isl], sg2.at[pl.ds(pb, K)],
                                  ssem).wait()
            pltpu.make_async_copy(sdst_hbm.at[dsti_s.at[jj]],
                                  dg2.at[pl.ds(pb, K)], dsem).wait()

            @pl.loop(0, K // 16)
            def _(g):
                o = g * 16
                lg = (sg2[pl.ds(pb + o, 16)]
                      + dg2[pl.ds(pb + o, 16)]
                      + se_s[pl.ds(jj * K + o, 16)])
                lg = jnp.maximum(lg, 0.2 * lg)
                ex = jnp.exp(lg)
                ex_b[pl.ds(o, 16)] = ex
                plsc.addupdate_scatter(denom_v, [dsti_s[jj, pl.ds(o, 16)]], ex)

            @pl.when(jj >= 1)
            def _():
                jp = jj - 1
                pltpu.make_async_copy(
                    grow2.at[pl.ds((1 - par) * K, K)],
                    acc128.at[dsti_s.at[jp]], ksem).wait()

            @pl.when(jj < SB - 1)
            def _():
                issue(jj + 1, 1 - par, sbase)

            pltpu.make_async_copy(
                eemb_hbm.at[pl.ds(sbase + jj * K, K)], eemb_b, esem).wait()

            @pl.loop(0, K)
            def _(e):
                sc = plsc.load_gather(
                    ex_b, [jnp.full((16,), 0, jnp.int32) + e])
                for k in range(D // 16):
                    cs = pl.ds(k * 16, 16)
                    grow2[pb + e, cs] = (grow2[pb + e, cs]
                                         + eemb_b[e, cs]) * sc

            @pl.when(ss * SB + jj + 1 < NCH)
            def _():
                pltpu.async_copy(
                    eemb_hbm.at[pl.ds(sbase + (jj + 1) * K, K)], eemb_b, esem)

            pltpu.async_copy(grow2.at[pl.ds(pb, K)],
                             acc128.at[dsti_s.at[jj]], ksem, add=True)

        pltpu.make_async_copy(
            grow2.at[pl.ds(((SB - 1) % 2) * K, K)],
            acc128.at[dsti_s.at[SB - 1]], ksem).wait()

    plsc.subcore_barrier()

    for i in range(NZC):
        r0 = s * RPT + i * RZ

        @pl.when(r0 < N)
        def _():
            pltpu.sync_copy(acc128.at[pl.ds(r0, RZ)],
                            num128_out.at[c, pl.ds(r0, RZ)])
    pltpu.sync_copy(denom_v, denom_out.at[pl.ds(wid * N, N)])


_sc_mesh = plsc.VectorSubcoreMesh(
    core_axis_name="c", subcore_axis_name="s", num_cores=NC, num_subcores=NS)

_edge_pass = pl.kernel(
    _sc_edge_pass,
    out_type=[
        jax.ShapeDtypeStruct((NC, N, D), _f32),
        jax.ShapeDtypeStruct((NW * N,), _f32),
    ],
    mesh=_sc_mesh,
    compiler_params=pltpu.CompilerParams(needs_layout_passes=False),
    scratch_types=[
        pltpu.VMEM((2 * K, D), _f32),
        pltpu.VMEM((K, D), _f32),
        pltpu.VMEM((SBK,), jnp.int32),
        pltpu.VMEM((SB, K), jnp.int32),
        pltpu.VMEM((SBK,), _f32),
        pltpu.VMEM((2 * K,), _f32),
        pltpu.VMEM((2 * K,), _f32),
        pltpu.VMEM((K,), _f32),
        pltpu.VMEM((N,), _f32),
        pltpu.VMEM_SHARED((N, D), _f32),
        pltpu.SemaphoreType.DMA,
        pltpu.SemaphoreType.DMA,
        pltpu.SemaphoreType.DMA,
        pltpu.SemaphoreType.DMA,
        pltpu.SemaphoreType.DMA,
    ],
)



def _tc_head_body(x_ref, wemb_ref, bemb_ref, w_ref, apad_ref, hw_ref, s_ref):
    h = jnp.dot(x_ref[...], wemb_ref[...], preferred_element_type=_f32)
    h = h + bemb_ref[...]
    hw = jnp.dot(h, w_ref[...], preferred_element_type=_f32)
    hw_ref[...] = hw
    s_ref[...] = jnp.dot(hw, apad_ref[...], preferred_element_type=_f32)


_tc_head = pl.pallas_call(
    _tc_head_body,
    out_shape=[
        jax.ShapeDtypeStruct((N, D), _f32),
        jax.ShapeDtypeStruct((N, D), _f32),
    ],
)


def _tc_se_body(ea_ref, ewp_ref, out_ref):
    out_ref[...] = jnp.dot(ea_ref[...], ewp_ref[...],
                           preferred_element_type=_f32)


_SEB = 16000

_tc_se = pl.pallas_call(
    _tc_se_body,
    grid=(E // _SEB,),
    in_specs=[
        pl.BlockSpec((_SEB, DE), lambda i: (i, 0)),
        pl.BlockSpec((DE, 8), lambda i: (0, 0)),
    ],
    out_specs=pl.BlockSpec((_SEB, 8), lambda i: (i, 0)),
    out_shape=jax.ShapeDtypeStruct((E, 8), _f32),
)


def _tc_eemb_body(ea_ref, ew_ref, out_ref):
    out_ref[...] = jnp.dot(ea_ref[...], ew_ref[...],
                           preferred_element_type=_f32)


_tc_eemb = pl.pallas_call(
    _tc_eemb_body,
    grid=(E // _SEB,),
    in_specs=[
        pl.BlockSpec((_SEB, DE), lambda i: (i, 0)),
        pl.BlockSpec((DE, D), lambda i: (0, 0)),
    ],
    out_specs=pl.BlockSpec((_SEB, D), lambda i: (i, 0)),
    out_shape=jax.ShapeDtypeStruct((E, D), _f32),
)


def _combine_bn(n128_ref, dnm_ref, g_ref, b_ref):
    num = n128_ref[0, :, :] + n128_ref[1, :, :]
    ones = jnp.ones((NW, D), _f32)
    db = lax.dot_general(dnm_ref[...], ones, (((0,), (0,)), ((), ())),
                         preferred_element_type=_f32)
    out = num / (db + 1e-16)
    mean = jnp.mean(out, axis=0, keepdims=True)
    var = jnp.mean((out - mean) ** 2, axis=0, keepdims=True)
    return g_ref[...] * (out - mean) / jnp.sqrt(var + 1e-5) + b_ref[...]


def _tc_mid_body(n128_ref, dnm_ref, g_ref, b_ref,
                 wn_ref, apad_ref, hw_ref, s_ref):
    h = jnp.maximum(_combine_bn(n128_ref, dnm_ref, g_ref, b_ref), 0.0)
    hw = jnp.dot(h, wn_ref[...], preferred_element_type=_f32)
    hw_ref[...] = hw
    s_ref[...] = jnp.dot(hw, apad_ref[...], preferred_element_type=_f32)


_tc_mid = pl.pallas_call(
    _tc_mid_body,
    out_shape=[
        jax.ShapeDtypeStruct((N, D), _f32),
        jax.ShapeDtypeStruct((N, D), _f32),
    ],
)


def _tc_tail_body(n128_ref, dnm_ref, g_ref, b_ref, h_ref):
    h_ref[...] = _combine_bn(n128_ref, dnm_ref, g_ref, b_ref)


_tc_tail = pl.pallas_call(
    _tc_tail_body,
    out_shape=jax.ShapeDtypeStruct((N, D), _f32),
)



def kernel(x_frag, edge_index_frag, edge_attr_frag, W_emb, b_emb, Ws,
           edge_Ws, att_src, att_dst, gammas, betas):
    src_flat = edge_index_frag[0]
    dst4 = edge_index_frag[1].reshape(NW, NSC, SB, K)

    ew = jnp.einsum("lde,le->ld", edge_Ws, att_src)
    ewp = jnp.zeros((DE, 8), _f32).at[:, :L].set(ew.T)
    se8 = _tc_se(edge_attr_frag, ewp)

    def apad(l):
        a = jnp.zeros((D, D), _f32)
        return a.at[:, 0].set(att_src[l]).at[:, 1].set(att_dst[l])

    hw, s2 = _tc_head(x_frag, W_emb, b_emb.reshape(1, D), Ws[0], apad(0))

    for l in range(L):
        eemb = _tc_eemb(edge_attr_frag, edge_Ws[l])
        n128, dnm = _edge_pass(hw, s2[:, 0], s2[:, 1], se8[:, l],
                               src_flat, dst4, eemb)
        dnm = dnm.reshape(NW, N)
        g = gammas[l].reshape(1, D)
        b = betas[l].reshape(1, D)
        if l < L - 1:
            hw, s2 = _tc_mid(n128, dnm, g, b, Ws[l + 1], apad(l + 1))
        else:
            h = _tc_tail(n128, dnm, g, b)
    return h

# --- scband reference (transcript-rebuilt; emitter-appended) ---
"""Pipeline reference for scband-gnnattach-54623394070827 (READ-ONLY COPY).

The authoritative reference and input builder live on the scoring server;
editing this copy changes nothing except your own understanding.
"""

import jax, jax.numpy as jnp
import numpy as np

N = 10000
E = 320000
D_IN = 128
EMB = 128
DE = 16
L = 3

def setup_inputs(seed: int = 0) -> dict:
    key = jax.random.key(seed)
    ks = jax.random.split(key, 10)
    x_frag = jax.random.normal(ks[0], (N, D_IN), dtype=jnp.float32)
    edge_index_frag = jax.random.randint(ks[1], (2, E), 0, N, dtype=jnp.int32)
    edge_attr_frag = jax.random.normal(ks[2], (E, DE), dtype=jnp.float32)
    W_emb = jax.random.normal(ks[3], (D_IN, EMB), dtype=jnp.float32) * 0.05
    b_emb = jnp.zeros((EMB,), dtype=jnp.float32)
    Ws = jax.random.normal(ks[4], (L, EMB, EMB), dtype=jnp.float32) * 0.05
    edge_Ws = jax.random.normal(ks[5], (L, DE, EMB), dtype=jnp.float32) * 0.05
    att_src = jax.random.normal(ks[6], (L, EMB), dtype=jnp.float32) * 0.05
    att_dst = jax.random.normal(ks[7], (L, EMB), dtype=jnp.float32) * 0.05
    gammas = jnp.ones((L, EMB), dtype=jnp.float32)
    betas = jnp.zeros((L, EMB), dtype=jnp.float32)
    return {"x_frag": x_frag, "edge_index_frag": edge_index_frag, "edge_attr_frag": edge_attr_frag,
            "W_emb": W_emb, "b_emb": b_emb, "Ws": Ws, "edge_Ws": edge_Ws,
            "att_src": att_src, "att_dst": att_dst, "gammas": gammas, "betas": betas}

def _gat_layer(h, src, dst, edge_attr, W, edge_W, a_src, a_dst):
    hW = h @ W
    e_emb = edge_attr @ edge_W
    m = hW[src] + e_emb  # gather over src nodes
    logits = jax.nn.leaky_relu(jnp.sum(m * a_src, axis=-1) + jnp.sum(hW[dst] * a_dst, axis=-1), negative_slope=0.2)
    seg_max = jax.ops.segment_max(logits, dst, num_segments=N)
    seg_max = jnp.where(jnp.isfinite(seg_max), seg_max, 0.0)
    ex = jnp.exp(logits - seg_max[dst])
    denom = jax.ops.segment_sum(ex, dst, num_segments=N)
    alpha = ex / (denom[dst] + 1e-16)
    out = jax.ops.segment_sum(m * alpha[:, None], dst, num_segments=N)
    return out

def _batch_norm(h, gamma, beta):
    mean = jnp.mean(h, axis=0)
    var = jnp.var(h, axis=0)
    return gamma * (h - mean) / jnp.sqrt(var + 1e-5) + beta

def reference(x_frag, edge_index_frag, edge_attr_frag, W_emb, b_emb, Ws, edge_Ws, att_src, att_dst, gammas, betas):
    src = edge_index_frag[0]
    dst = edge_index_frag[1]
    h = x_frag @ W_emb + b_emb
    for l in range(L):
        h_conv = _gat_layer(h, src, dst, edge_attr_frag, Ws[l], edge_Ws[l], att_src[l], att_dst[l])
        h_bn = _batch_norm(h_conv, gammas[l], betas[l])
        if l == L - 1:
            h = h_bn  # dropout p=0 -> identity
        else:
            h = jax.nn.relu(h_bn)
    return h  # JK='last'

if __name__ == "__main__":
    import jax
    _d = setup_inputs()
    print(jax.jit(kernel)(*tuple(_d.values())))

</pallas_src>

<mosaic_0001>
#map = affine_map<(d0, d1) -> (0, 0)>
#map1 = affine_map<(d0, d1) -> (0)>
#map2 = affine_map<(d0, d1) -> (0, 0, 0, 0)>
#map3 = affine_map<(d0, d1) -> (0, 0, 0)>
module attributes {stable_mosaic.version = 14 : i64} {
  func.func @_sc_edge_pass(%arg0: i32, %arg1: i32, %arg2: memref<10000x128xf32, #tpu.memory_space<hbm>>, %arg3: memref<10000xf32, #tpu.memory_space<hbm>>, %arg4: memref<10000xf32, #tpu.memory_space<hbm>>, %arg5: memref<320000xf32, #tpu.memory_space<hbm>>, %arg6: memref<320000xi32, #tpu.memory_space<hbm>>, %arg7: memref<32x5x25x80xi32, #tpu.memory_space<hbm>>, %arg8: memref<320000x128xf32, #tpu.memory_space<hbm>>, %arg9: memref<2x10000x128xf32, #tpu.memory_space<hbm>>, %arg10: memref<320000xf32, #tpu.memory_space<hbm>>, %arg11: memref<160x128xf32, #tpu.memory_space<vmem>>, %arg12: memref<80x128xf32, #tpu.memory_space<vmem>>, %arg13: memref<2000xi32, #tpu.memory_space<vmem>>, %arg14: memref<25x80xi32, #tpu.memory_space<vmem>>, %arg15: memref<2000xf32, #tpu.memory_space<vmem>>, %arg16: memref<160xf32, #tpu.memory_space<vmem>>, %arg17: memref<160xf32, #tpu.memory_space<vmem>>, %arg18: memref<80xf32, #tpu.memory_space<vmem>>, %arg19: memref<10000xf32, #tpu.memory_space<vmem>>, %arg20: memref<10000x128xf32, #tpu.memory_space<vmem_shared>>, %arg21: memref<!tpu.dma_semaphore, #tpu.memory_space<semaphore_mem>>, %arg22: memref<!tpu.dma_semaphore, #tpu.memory_space<semaphore_mem>>, %arg23: memref<!tpu.dma_semaphore, #tpu.memory_space<semaphore_mem>>, %arg24: memref<!tpu.dma_semaphore, #tpu.memory_space<semaphore_mem>>, %arg25: memref<!tpu.dma_semaphore, #tpu.memory_space<semaphore_mem>>) attributes {dimension_semantics = [#tpu.dimension_semantics<core_parallel>, #tpu.dimension_semantics<subcore_parallel>], iteration_bounds = array<i64: 2, 16>, scalar_prefetch = 0 : i64, scratch_operands = 15 : i64, tpu.core_type = #tpu.core_type<sc_vector_subcore>, window_params = [{transform_indices = #map}, {transform_indices = #map1}, {transform_indices = #map1}, {transform_indices = #map1}, {transform_indices = #map1}, {transform_indices = #map2}, {transform_indices = #map}, {transform_indices = #map3}, {transform_indices = #map1}]} {
    %mul3A = arith.constant 16 : i32
    %mul3A_0 = arith.muli %arg0, %mul3A : i32
    %add3A = arith.addi %mul3A_0, %arg1 : i32
    %mul3A_1 = arith.constant 10000 : i32
    %mul3A_2 = arith.muli %add3A, %mul3A_1 : i32
    %broadcast_in_dim3A = arith.constant 0.000000e+00 : f32
    %broadcast_in_dim3A_3 = vector.broadcast %broadcast_in_dim3A : f32 to vector<16xf32>
    %scan3A = arith.constant 0 : i32
    %scan3A_4 = arith.constant 625 : i32
    %scan3A_5 = arith.addi %scan3A, %scan3A_4 : i32
    %scan3A_6 = arith.constant 1 : i32
    scf.for %scan3A_165 = %scan3A to %scan3A_5 step %scan3A_6  : i32 {
      %mul3A_166 = arith.constant 1 : i32
      %mul3A_167 = arith.muli %scan3A_165, %mul3A_166 : i32
      %add3A_168 = arith.constant 0 : i32
      %add3A_169 = arith.addi %add3A_168, %mul3A_167 : i32
      %mul3A_170 = arith.constant 16 : i32
      %mul3A_171 = arith.muli %add3A_169, %mul3A_170 : i32
      %swap3A = arith.index_cast %mul3A_171 : i32 to index
      %swap3A_172 = tpu.vector_load %arg19[%swap3A] {strides = array<i32>} : memref<10000xf32, #tpu.memory_space<vmem>>, vector<16xf32>,
      tpu.vector_store %arg19[%swap3A], %broadcast_in_dim3A_3 {strides = array<i32>} : memref<10000xf32, #tpu.memory_space<vmem>>, vector<16xf32>,
    }
    %scan3A_7 = arith.constant 625 : i32
    %scan3A_8 = arith.constant 0 : i32
    %scan3A_9 = arith.constant 80 : i32
    %scan3A_10 = arith.addi %scan3A_8, %scan3A_9 : i32
    %scan3A_11 = arith.constant 1 : i32
    scf.for %scan3A_165 = %scan3A_8 to %scan3A_10 step %scan3A_11  : i32 {
      %mul3A_166 = arith.constant 1 : i32
      %mul3A_167 = arith.muli %scan3A_165, %mul3A_166 : i32
      %add3A_168 = arith.constant 0 : i32
      %add3A_169 = arith.addi %add3A_168, %mul3A_167 : i32
      %swap3A = arith.index_cast %add3A_169 : i32 to index
      %swap3A_170 = arith.constant 0 : index
      %swap3A_171 = tpu.vector_load %arg11[%swap3A, %swap3A_170] {strides = array<i32>} : memref<160x128xf32, #tpu.memory_space<vmem>>, vector<16xf32>,
      tpu.vector_store %arg11[%swap3A, %swap3A_170], %broadcast_in_dim3A_3 {strides = array<i32>} : memref<160x128xf32, #tpu.memory_space<vmem>>, vector<16xf32>,
      %swap3A_172 = arith.index_cast %add3A_169 : i32 to index
      %swap3A_173 = arith.constant 16 : index
      %swap3A_174 = tpu.vector_load %arg11[%swap3A_172, %swap3A_173] {strides = array<i32>} : memref<160x128xf32, #tpu.memory_space<vmem>>, vector<16xf32>,
      tpu.vector_store %arg11[%swap3A_172, %swap3A_173], %broadcast_in_dim3A_3 {strides = array<i32>} : memref<160x128xf32, #tpu.memory_space<vmem>>, vector<16xf32>,
      %swap3A_175 = arith.index_cast %add3A_169 : i32 to index
      %swap3A_176 = arith.constant 32 : index
      %swap3A_177 = tpu.vector_load %arg11[%swap3A_175, %swap3A_176] {strides = array<i32>} : memref<160x128xf32, #tpu.memory_space<vmem>>, vector<16xf32>,
      tpu.vector_store %arg11[%swap3A_175, %swap3A_176], %broadcast_in_dim3A_3 {strides = array<i32>} : memref<160x128xf32, #tpu.memory_space<vmem>>, vector<16xf32>,
      %swap3A_178 = arith.index_cast %add3A_169 : i32 to index
      %swap3A_179 = arith.constant 48 : index
      %swap3A_180 = tpu.vector_load %arg11[%swap3A_178, %swap3A_179] {strides = array<i32>} : memref<160x128xf32, #tpu.memory_space<vmem>>, vector<16xf32>,
      tpu.vector_store %arg11[%swap3A_178, %swap3A_179], %broadcast_in_dim3A_3 {strides = array<i32>} : memref<160x128xf32, #tpu.memory_space<vmem>>, vector<16xf32>,
      %swap3A_181 = arith.index_cast %add3A_169 : i32 to index
      %swap3A_182 = arith.constant 64 : index
      %swap3A_183 = tpu.vector_load %arg11[%swap3A_181, %swap3A_182] {strides = array<i32>} : memref<160x128xf32, #tpu.memory_space<vmem>>, vector<16xf32>,
      tpu.vector_store %arg11[%swap3A_181, %swap3A_182], %broadcast_in_dim3A_3 {strides = array<i32>} : memref<160x128xf32, #tpu.memory_space<vmem>>, vector<16xf32>,
      %swap3A_184 = arith.index_cast %add3A_169 : i32 to index
      %swap3A_185 = arith.constant 80 : index
      %swap3A_186 = tpu.vector_load %arg11[%swap3A_184, %swap3A_185] {strides = array<i32>} : memref<160x128xf32, #tpu.memory_space<vmem>>, vector<16xf32>,
      tpu.vector_store %arg11[%swap3A_184, %swap3A_185], %broadcast_in_dim3A_3 {strides = array<i32>} : memref<160x128xf32, #tpu.memory_space<vmem>>, vector<16xf32>,
      %swap3A_187 = arith.index_cast %add3A_169 : i32 to index
      %swap3A_188 = arith.constant 96 : index
      %swap3A_189 = tpu.vector_load %arg11[%swap3A_187, %swap3A_188] {strides = array<i32>} : memref<160x128xf32, #tpu.memory_space<vmem>>, vector<16xf32>,
      tpu.vector_store %arg11[%swap3A_187, %swap3A_188], %broadcast_in_dim3A_3 {strides = array<i32>} : memref<160x128xf32, #tpu.memory_space<vmem>>, vector<16xf32>,
      %swap3A_190 = arith.index_cast %add3A_169 : i32 to index
      %swap3A_191 = arith.constant 112 : index
      %swap3A_192 = tpu.vector_load %arg11[%swap3A_190, %swap3A_191] {strides = array<i32>} : memref<160x128xf32, #tpu.memory_space<vmem>>, vector<16xf32>,
      tpu.vector_store %arg11[%swap3A_190, %swap3A_191], %broadcast_in_dim3A_3 {strides = array<i32>} : memref<160x128xf32, #tpu.memory_space<vmem>>, vector<16xf32>,
    }
    %scan3A_12 = arith.constant 80 : i32
    %mul3A_13 = arith.constant 640 : i32
    %mul3A_14 = arith.muli %arg1, %mul3A_13 : i32
    %add3A_15 = arith.constant 0 : i32
    %add3A_16 = arith.addi %mul3A_14, %add3A_15 : i32
    %lt3A = arith.constant 10000 : i32
    %lt3A_17 = arith.cmpi slt, %add3A_16, %lt3A : i32
    %convert_element_type3A = arith.extui %lt3A_17 : i1 to i32
    %cond3A = arith.constant 0 : i32
    %cond3A_18 = arith.cmpi ne, %convert_element_type3A, %cond3A : i32
    scf.if %cond3A_18 {
      "tpu.region"() ({
        %run_scoped3A = tpu.sem_alloc : memref<!tpu.dma_semaphore, #tpu.memory_space<semaphore_mem>>
        %dma_start3A_165 = arith.constant 0 : i32
        %dma_start3A_166 = arith.constant 0 : i32
        %dma_start3A_167 = tpu.memref_slice %arg11[%dma_start3A_165, %dma_start3A_166] : memref<160x128xf32, #tpu.memory_space<vmem>> -> memref<80x128xf32, #tpu.memory_space<vmem>>
        %dma_start3A_168 = arith.constant 0 : i32
        %dma_start3A_169 = tpu.memref_slice %arg20[%add3A_16, %dma_start3A_168] : memref<10000x128xf32, #tpu.memory_space<vmem_shared>> -> memref<80x128xf32, #tpu.memory_space<vmem_shared>>
        %dma_start3A_170 = arith.constant 0 : i32
        %dma_start3A_171 = tpu.memref_slice %arg20[%add3A_16, %dma_start3A_170] : memref<10000x128xf32, #tpu.memory_space<vmem_shared>> -> memref<80x128xf32, #tpu.memory_space<vmem_shared>>
        %dma_start3A_172 = arith.constant 0 : i32
        %dma_start3A_173 = arith.constant 0 : i32
        %dma_start3A_174 = tpu.memref_slice %arg11[%dma_start3A_172, %dma_start3A_173] : memref<160x128xf32, #tpu.memory_space<vmem>> -> memref<80x128xf32, #tpu.memory_space<vmem>>
        tpu.enqueue_dma source(%dma_start3A_174 : memref<80x128xf32, #tpu.memory_space<vmem>>) target(%dma_start3A_171 : memref<80x128xf32, #tpu.memory_space<vmem_shared>>) target_semaphore(%run_scoped3A : memref<!tpu.dma_semaphore, #tpu.memory_space<semaphore_mem>>)
        %dma_wait3A = arith.constant 0 : i32
        %dma_wait3A_175 = arith.constant 0 : i32
        %dma_wait3A_176 = tpu.memref_slice %arg11[%dma_wait3A, %dma_wait3A_175] : memref<160x128xf32, #tpu.memory_space<vmem>> -> memref<80x128xf32, #tpu.memory_space<vmem>>
        %dma_wait3A_177 = arith.constant 0 : i32
        %dma_wait3A_178 = tpu.memref_slice %arg20[%add3A_16, %dma_wait3A_177] : memref<10000x128xf32, #tpu.memory_space<vmem_shared>> -> memref<80x128xf32, #tpu.memory_space<vmem_shared>>
        %dma_wait3A_179 = arith.constant 0 : i32
        %dma_wait3A_180 = tpu.memref_slice %arg20[%add3A_16, %dma_wait3A_179] : memref<10000x128xf32, #tpu.memory_space<vmem_shared>> -> memref<80x128xf32, #tpu.memory_space<vmem_shared>>
        %dma_wait3A_181 = arith.constant 0 : i32
        %dma_wait3A_182 = arith.constant 0 : i32
        %dma_wait3A_183 = tpu.memref_slice %arg11[%dma_wait3A_181, %dma_wait3A_182] : memref<160x128xf32, #tpu.memory_space<vmem>> -> memref<80x128xf32, #tpu.memory_space<vmem>>
        tpu.wait_dma2 semaphore(%run_scoped3A : memref<!tpu.dma_semaphore, #tpu.memory_space<semaphore_mem>>) src(%dma_wait3A_183 : memref<80x128xf32, #tpu.memory_space<vmem>>) dst(%dma_wait3A_180 : memref<80x128xf32, #tpu.memory_space<vmem_shared>>)
        tpu.yield
      }) : () -> ()
    } else {
    }
    %mul3A_19 = arith.constant 640 : i32
    %mul3A_20 = arith.muli %arg1, %mul3A_19 : i32
    %add3A_21 = arith.constant 80 : i32
    %add3A_22 = arith.addi %mul3A_20, %add3A_21 : i32
    %lt3A_23 = arith.constant 10000 : i32
    %lt3A_24 = arith.cmpi slt, %add3A_22, %lt3A_23 : i32
    %convert_element_type3A_25 = arith.extui %lt3A_24 : i1 to i32
    %cond3A_26 = arith.constant 0 : i32
    %cond3A_27 = arith.cmpi ne, %convert_element_type3A_25, %cond3A_26 : i32
    scf.if %cond3A_27 {
      "tpu.region"() ({
        %run_scoped3A = tpu.sem_alloc : memref<!tpu.dma_semaphore, #tpu.memory_space<semaphore_mem>>
        %dma_start3A_165 = arith.constant 0 : i32
        %dma_start3A_166 = arith.constant 0 : i32
        %dma_start3A_167 = tpu.memref_slice %arg11[%dma_start3A_165, %dma_start3A_166] : memref<160x128xf32, #tpu.memory_space<vmem>> -> memref<80x128xf32, #tpu.memory_space<vmem>>
        %dma_start3A_168 = arith.constant 0 : i32
        %dma_start3A_169 = tpu.memref_slice %arg20[%add3A_22, %dma_start3A_168] : memref<10000x128xf32, #tpu.memory_space<vmem_shared>> -> memref<80x128xf32, #tpu.memory_space<vmem_shared>>
        %dma_start3A_170 = arith.constant 0 : i32
        %dma_start3A_171 = tpu.memref_slice %arg20[%add3A_22, %dma_start3A_170] : memref<10000x128xf32, #tpu.memory_space<vmem_shared>> -> memref<80x128xf32, #tpu.memory_space<vmem_shared>>
        %dma_start3A_172 = arith.constant 0 : i32
        %dma_start3A_173 = arith.constant 0 : i32
        %dma_start3A_174 = tpu.memref_slice %arg11[%dma_start3A_172, %dma_start3A_173] : memref<160x128xf32, #tpu.memory_space<vmem>> -> memref<80x128xf32, #tpu.memory_space<vmem>>
        tpu.enqueue_dma source(%dma_start3A_174 : memref<80x128xf32, #tpu.memory_space<vmem>>) target(%dma_start3A_171 : memref<80x128xf32, #tpu.memory_space<vmem_shared>>) target_semaphore(%run_scoped3A : memref<!tpu.dma_semaphore, #tpu.memory_space<semaphore_mem>>)
        %dma_wait3A = arith.constant 0 : i32
        %dma_wait3A_175 = arith.constant 0 : i32
        %dma_wait3A_176 = tpu.memref_slice %arg11[%dma_wait3A, %dma_wait3A_175] : memref<160x128xf32, #tpu.memory_space<vmem>> -> memref<80x128xf32, #tpu.memory_space<vmem>>
        %dma_wait3A_177 = arith.constant 0 : i32
        %dma_wait3A_178 = tpu.memref_slice %arg20[%add3A_22, %dma_wait3A_177] : memref<10000x128xf32, #tpu.memory_space<vmem_shared>> -> memref<80x128xf32, #tpu.memory_space<vmem_shared>>
        %dma_wait3A_179 = arith.constant 0 : i32
        %dma_wait3A_180 = tpu.memref_slice %arg20[%add3A_22, %dma_wait3A_179] : memref<10000x128xf32, #tpu.memory_space<vmem_shared>> -> memref<80x128xf32, #tpu.memory_space<vmem_shared>>
        %dma_wait3A_181 = arith.constant 0 : i32
        %dma_wait3A_182 = arith.constant 0 : i32
        %dma_wait3A_183 = tpu.memref_slice %arg11[%dma_wait3A_181, %dma_wait3A_182] : memref<160x128xf32, #tpu.memory_space<vmem>> -> memref<80x128xf32, #tpu.memory_space<vmem>>
        tpu.wait_dma2 semaphore(%run_scoped3A : memref<!tpu.dma_semaphore, #tpu.memory_space<semaphore_mem>>) src(%dma_wait3A_183 : memref<80x128xf32, #tpu.memory_space<vmem>>) dst(%dma_wait3A_180 : memref<80x128xf32, #tpu.memory_space<vmem_shared>>)
        tpu.yield
      }) : () -> ()
    } else {
    }
    %mul3A_28 = arith.constant 640 : i32
    %mul3A_29 = arith.muli %arg1, %mul3A_28 : i32
    %add3A_30 = arith.constant 160 : i32
    %add3A_31 = arith.addi %mul3A_29, %add3A_30 : i32
    %lt3A_32 = arith.constant 10000 : i32
    %lt3A_33 = arith.cmpi slt, %add3A_31, %lt3A_32 : i32
    %convert_element_type3A_34 = arith.extui %lt3A_33 : i1 to i32
    %cond3A_35 = arith.constant 0 : i32
    %cond3A_36 = arith.cmpi ne, %convert_element_type3A_34, %cond3A_35 : i32
    scf.if %cond3A_36 {
      "tpu.region"() ({
        %run_scoped3A = tpu.sem_alloc : memref<!tpu.dma_semaphore, #tpu.memory_space<semaphore_mem>>
        %dma_start3A_165 = arith.constant 0 : i32
        %dma_start3A_166 = arith.constant 0 : i32
        %dma_start3A_167 = tpu.memref_slice %arg11[%dma_start3A_165, %dma_start3A_166] : memref<160x128xf32, #tpu.memory_space<vmem>> -> memref<80x128xf32, #tpu.memory_space<vmem>>
        %dma_start3A_168 = arith.constant 0 : i32
        %dma_start3A_169 = tpu.memref_slice %arg20[%add3A_31, %dma_start3A_168] : memref<10000x128xf32, #tpu.memory_space<vmem_shared>> -> memref<80x128xf32, #tpu.memory_space<vmem_shared>>
        %dma_start3A_170 = arith.constant 0 : i32
        %dma_start3A_171 = tpu.memref_slice %arg20[%add3A_31, %dma_start3A_170] : memref<10000x128xf32, #tpu.memory_space<vmem_shared>> -> memref<80x128xf32, #tpu.memory_space<vmem_shared>>
        %dma_start3A_172 = arith.constant 0 : i32
        %dma_start3A_173 = arith.constant 0 : i32
        %dma_start3A_174 = tpu.memref_slice %arg11[%dma_start3A_172, %dma_start3A_173] : memref<160x128xf32, #tpu.memory_space<vmem>> -> memref<80x128xf32, #tpu.memory_space<vmem>>
        tpu.enqueue_dma source(%dma_start3A_174 : memref<80x128xf32, #tpu.memory_space<vmem>>) target(%dma_start3A_171 : memref<80x128xf32, #tpu.memory_space<vmem_shared>>) target_semaphore(%run_scoped3A : memref<!tpu.dma_semaphore, #tpu.memory_space<semaphore_mem>>)
        %dma_wait3A = arith.constant 0 : i32
        %dma_wait3A_175 = arith.constant 0 : i32
        %dma_wait3A_176 = tpu.memref_slice %arg11[%dma_wait3A, %dma_wait3A_175] : memref<160x128xf32, #tpu.memory_space<vmem>> -> memref<80x128xf32, #tpu.memory_space<vmem>>
        %dma_wait3A_177 = arith.constant 0 : i32
        %dma_wait3A_178 = tpu.memref_slice %arg20[%add3A_31, %dma_wait3A_177] : memref<10000x128xf32, #tpu.memory_space<vmem_shared>> -> memref<80x128xf32, #tpu.memory_space<vmem_shared>>
        %dma_wait3A_179 = arith.constant 0 : i32
        %dma_wait3A_180 = tpu.memref_slice %arg20[%add3A_31, %dma_wait3A_179] : memref<10000x128xf32, #tpu.memory_space<vmem_shared>> -> memref<80x128xf32, #tpu.memory_space<vmem_shared>>
        %dma_wait3A_181 = arith.constant 0 : i32
        %dma_wait3A_182 = arith.constant 0 : i32
        %dma_wait3A_183 = tpu.memref_slice %arg11[%dma_wait3A_181, %dma_wait3A_182] : memref<160x128xf32, #tpu.memory_space<vmem>> -> memref<80x128xf32, #tpu.memory_space<vmem>>
        tpu.wait_dma2 semaphore(%run_scoped3A : memref<!tpu.dma_semaphore, #tpu.memory_space<semaphore_mem>>) src(%dma_wait3A_183 : memref<80x128xf32, #tpu.memory_space<vmem>>) dst(%dma_wait3A_180 : memref<80x128xf32, #tpu.memory_space<vmem_shared>>)
        tpu.yield
      }) : () -> ()
    } else {
    }
    %mul3A_37 = arith.constant 640 : i32
    %mul3A_38 = arith.muli %arg1, %mul3A_37 : i32
    %add3A_39 = arith.constant 240 : i32
    %add3A_40 = arith.addi %mul3A_38, %add3A_39 : i32
    %lt3A_41 = arith.constant 10000 : i32
    %lt3A_42 = arith.cmpi slt, %add3A_40, %lt3A_41 : i32
    %convert_element_type3A_43 = arith.extui %lt3A_42 : i1 to i32
    %cond3A_44 = arith.constant 0 : i32
    %cond3A_45 = arith.cmpi ne, %convert_element_type3A_43, %cond3A_44 : i32
    scf.if %cond3A_45 {
      "tpu.region"() ({
        %run_scoped3A = tpu.sem_alloc : memref<!tpu.dma_semaphore, #tpu.memory_space<semaphore_mem>>
        %dma_start3A_165 = arith.constant 0 : i32
        %dma_start3A_166 = arith.constant 0 : i32
        %dma_start3A_167 = tpu.memref_slice %arg11[%dma_start3A_165, %dma_start3A_166] : memref<160x128xf32, #tpu.memory_space<vmem>> -> memref<80x128xf32, #tpu.memory_space<vmem>>
        %dma_start3A_168 = arith.constant 0 : i32
        %dma_start3A_169 = tpu.memref_slice %arg20[%add3A_40, %dma_start3A_168] : memref<10000x128xf32, #tpu.memory_space<vmem_shared>> -> memref<80x128xf32, #tpu.memory_space<vmem_shared>>
        %dma_start3A_170 = arith.constant 0 : i32
        %dma_start3A_171 = tpu.memref_slice %arg20[%add3A_40, %dma_start3A_170] : memref<10000x128xf32, #tpu.memory_space<vmem_shared>> -> memref<80x128xf32, #tpu.memory_space<vmem_shared>>
        %dma_start3A_172 = arith.constant 0 : i32
        %dma_start3A_173 = arith.constant 0 : i32
        %dma_start3A_174 = tpu.memref_slice %arg11[%dma_start3A_172, %dma_start3A_173] : memref<160x128xf32, #tpu.memory_space<vmem>> -> memref<80x128xf32, #tpu.memory_space<vmem>>
        tpu.enqueue_dma source(%dma_start3A_174 : memref<80x128xf32, #tpu.memory_space<vmem>>) target(%dma_start3A_171 : memref<80x128xf32, #tpu.memory_space<vmem_shared>>) target_semaphore(%run_scoped3A : memref<!tpu.dma_semaphore, #tpu.memory_space<semaphore_mem>>)
        %dma_wait3A = arith.constant 0 : i32
        %dma_wait3A_175 = arith.constant 0 : i32
        %dma_wait3A_176 = tpu.memref_slice %arg11[%dma_wait3A, %dma_wait3A_175] : memref<160x128xf32, #tpu.memory_space<vmem>> -> memref<80x128xf32, #tpu.memory_space<vmem>>
        %dma_wait3A_177 = arith.constant 0 : i32
        %dma_wait3A_178 = tpu.memref_slice %arg20[%add3A_40, %dma_wait3A_177] : memref<10000x128xf32, #tpu.memory_space<vmem_shared>> -> memref<80x128xf32, #tpu.memory_space<vmem_shared>>
        %dma_wait3A_179 = arith.constant 0 : i32
        %dma_wait3A_180 = tpu.memref_slice %arg20[%add3A_40, %dma_wait3A_179] : memref<10000x128xf32, #tpu.memory_space<vmem_shared>> -> memref<80x128xf32, #tpu.memory_space<vmem_shared>>
        %dma_wait3A_181 = arith.constant 0 : i32
        %dma_wait3A_182 = arith.constant 0 : i32
        %dma_wait3A_183 = tpu.memref_slice %arg11[%dma_wait3A_181, %dma_wait3A_182] : memref<160x128xf32, #tpu.memory_space<vmem>> -> memref<80x128xf32, #tpu.memory_space<vmem>>
        tpu.wait_dma2 semaphore(%run_scoped3A : memref<!tpu.dma_semaphore, #tpu.memory_space<semaphore_mem>>) src(%dma_wait3A_183 : memref<80x128xf32, #tpu.memory_space<vmem>>) dst(%dma_wait3A_180 : memref<80x128xf32, #tpu.memory_space<vmem_shared>>)
        tpu.yield
      }) : () -> ()
    } else {
    }
    %mul3A_46 = arith.constant 640 : i32
    %mul3A_47 = arith.muli %arg1, %mul3A_46 : i32
    %add3A_48 = arith.constant 320 : i32
    %add3A_49 = arith.addi %mul3A_47, %add3A_48 : i32
    %lt3A_50 = arith.constant 10000 : i32
    %lt3A_51 = arith.cmpi slt, %add3A_49, %lt3A_50 : i32
    %convert_element_type3A_52 = arith.extui %lt3A_51 : i1 to i32
    %cond3A_53 = arith.constant 0 : i32
    %cond3A_54 = arith.cmpi ne, %convert_element_type3A_52, %cond3A_53 : i32
    scf.if %cond3A_54 {
      "tpu.region"() ({
        %run_scoped3A = tpu.sem_alloc : memref<!tpu.dma_semaphore, #tpu.memory_space<semaphore_mem>>
        %dma_start3A_165 = arith.constant 0 : i32
        %dma_start3A_166 = arith.constant 0 : i32
        %dma_start3A_167 = tpu.memref_slice %arg11[%dma_start3A_165, %dma_start3A_166] : memref<160x128xf32, #tpu.memory_space<vmem>> -> memref<80x128xf32, #tpu.memory_space<vmem>>
        %dma_start3A_168 = arith.constant 0 : i32
        %dma_start3A_169 = tpu.memref_slice %arg20[%add3A_49, %dma_start3A_168] : memref<10000x128xf32, #tpu.memory_space<vmem_shared>> -> memref<80x128xf32, #tpu.memory_space<vmem_shared>>
        %dma_start3A_170 = arith.constant 0 : i32
        %dma_start3A_171 = tpu.memref_slice %arg20[%add3A_49, %dma_start3A_170] : memref<10000x128xf32, #tpu.memory_space<vmem_shared>> -> memref<80x128xf32, #tpu.memory_space<vmem_shared>>
        %dma_start3A_172 = arith.constant 0 : i32
        %dma_start3A_173 = arith.constant 0 : i32
        %dma_start3A_174 = tpu.memref_slice %arg11[%dma_start3A_172, %dma_start3A_173] : memref<160x128xf32, #tpu.memory_space<vmem>> -> memref<80x128xf32, #tpu.memory_space<vmem>>
        tpu.enqueue_dma source(%dma_start3A_174 : memref<80x128xf32, #tpu.memory_space<vmem>>) target(%dma_start3A_171 : memref<80x128xf32, #tpu.memory_space<vmem_shared>>) target_semaphore(%run_scoped3A : memref<!tpu.dma_semaphore, #tpu.memory_space<semaphore_mem>>)
        %dma_wait3A = arith.constant 0 : i32
        %dma_wait3A_175 = arith.constant 0 : i32
        %dma_wait3A_176 = tpu.memref_slice %arg11[%dma_wait3A, %dma_wait3A_175] : memref<160x128xf32, #tpu.memory_space<vmem>> -> memref<80x128xf32, #tpu.memory_space<vmem>>
        %dma_wait3A_177 = arith.constant 0 : i32
        %dma_wait3A_178 = tpu.memref_slice %arg20[%add3A_49, %dma_wait3A_177] : memref<10000x128xf32, #tpu.memory_space<vmem_shared>> -> memref<80x128xf32, #tpu.memory_space<vmem_shared>>
        %dma_wait3A_179 = arith.constant 0 : i32
        %dma_wait3A_180 = tpu.memref_slice %arg20[%add3A_49, %dma_wait3A_179] : memref<10000x128xf32, #tpu.memory_space<vmem_shared>> -> memref<80x128xf32, #tpu.memory_space<vmem_shared>>
        %dma_wait3A_181 = arith.constant 0 : i32
        %dma_wait3A_182 = arith.constant 0 : i32
        %dma_wait3A_183 = tpu.memref_slice %arg11[%dma_wait3A_181, %dma_wait3A_182] : memref<160x128xf32, #tpu.memory_space<vmem>> -> memref<80x128xf32, #tpu.memory_space<vmem>>
        tpu.wait_dma2 semaphore(%run_scoped3A : memref<!tpu.dma_semaphore, #tpu.memory_space<semaphore_mem>>) src(%dma_wait3A_183 : memref<80x128xf32, #tpu.memory_space<vmem>>) dst(%dma_wait3A_180 : memref<80x128xf32, #tpu.memory_space<vmem_shared>>)
        tpu.yield
      }) : () -> ()
    } else {
    }
    %mul3A_55 = arith.constant 640 : i32
    %mul3A_56 = arith.muli %arg1, %mul3A_55 : i32
    %add3A_57 = arith.constant 400 : i32
    %add3A_58 = arith.addi %mul3A_56, %add3A_57 : i32
    %lt3A_59 = arith.constant 10000 : i32
    %lt3A_60 = arith.cmpi slt, %add3A_58, %lt3A_59 : i32
    %convert_element_type3A_61 = arith.extui %lt3A_60 : i1 to i32
    %cond3A_62 = arith.constant 0 : i32
    %cond3A_63 = arith.cmpi ne, %convert_element_type3A_61, %cond3A_62 : i32
    scf.if %cond3A_63 {
      "tpu.region"() ({
        %run_scoped3A = tpu.sem_alloc : memref<!tpu.dma_semaphore, #tpu.memory_space<semaphore_mem>>
        %dma_start3A_165 = arith.constant 0 : i32
        %dma_start3A_166 = arith.constant 0 : i32
        %dma_start3A_167 = tpu.memref_slice %arg11[%dma_start3A_165, %dma_start3A_166] : memref<160x128xf32, #tpu.memory_space<vmem>> -> memref<80x128xf32, #tpu.memory_space<vmem>>
        %dma_start3A_168 = arith.constant 0 : i32
        %dma_start3A_169 = tpu.memref_slice %arg20[%add3A_58, %dma_start3A_168] : memref<10000x128xf32, #tpu.memory_space<vmem_shared>> -> memref<80x128xf32, #tpu.memory_space<vmem_shared>>
        %dma_start3A_170 = arith.constant 0 : i32
        %dma_start3A_171 = tpu.memref_slice %arg20[%add3A_58, %dma_start3A_170] : memref<10000x128xf32, #tpu.memory_space<vmem_shared>> -> memref<80x128xf32, #tpu.memory_space<vmem_shared>>
        %dma_start3A_172 = arith.constant 0 : i32
        %dma_start3A_173 = arith.constant 0 : i32
        %dma_start3A_174 = tpu.memref_slice %arg11[%dma_start3A_172, %dma_start3A_173] : memref<160x128xf32, #tpu.memory_space<vmem>> -> memref<80x128xf32, #tpu.memory_space<vmem>>
        tpu.enqueue_dma source(%dma_start3A_174 : memref<80x128xf32, #tpu.memory_space<vmem>>) target(%dma_start3A_171 : memref<80x128xf32, #tpu.memory_space<vmem_shared>>) target_semaphore(%run_scoped3A : memref<!tpu.dma_semaphore, #tpu.memory_space<semaphore_mem>>)
        %dma_wait3A = arith.constant 0 : i32
        %dma_wait3A_175 = arith.constant 0 : i32
        %dma_wait3A_176 = tpu.memref_slice %arg11[%dma_wait3A, %dma_wait3A_175] : memref<160x128xf32, #tpu.memory_space<vmem>> -> memref<80x128xf32, #tpu.memory_space<vmem>>
        %dma_wait3A_177 = arith.constant 0 : i32
        %dma_wait3A_178 = tpu.memref_slice %arg20[%add3A_58, %dma_wait3A_177] : memref<10000x128xf32, #tpu.memory_space<vmem_shared>> -> memref<80x128xf32, #tpu.memory_space<vmem_shared>>
        %dma_wait3A_179 = arith.constant 0 : i32
        %dma_wait3A_180 = tpu.memref_slice %arg20[%add3A_58, %dma_wait3A_179] : memref<10000x128xf32, #tpu.memory_space<vmem_shared>> -> memref<80x128xf32, #tpu.memory_space<vmem_shared>>
        %dma_wait3A_181 = arith.constant 0 : i32
        %dma_wait3A_182 = arith.constant 0 : i32
        %dma_wait3A_183 = tpu.memref_slice %arg11[%dma_wait3A_181, %dma_wait3A_182] : memref<160x128xf32, #tpu.memory_space<vmem>> -> memref<80x128xf32, #tpu.memory_space<vmem>>
        tpu.wait_dma2 semaphore(%run_scoped3A : memref<!tpu.dma_semaphore, #tpu.memory_space<semaphore_mem>>) src(%dma_wait3A_183 : memref<80x128xf32, #tpu.memory_space<vmem>>) dst(%dma_wait3A_180 : memref<80x128xf32, #tpu.memory_space<vmem_shared>>)
        tpu.yield
      }) : () -> ()
    } else {
    }
    %mul3A_64 = arith.constant 640 : i32
    %mul3A_65 = arith.muli %arg1, %mul3A_64 : i32
    %add3A_66 = arith.constant 480 : i32
    %add3A_67 = arith.addi %mul3A_65, %add3A_66 : i32
    %lt3A_68 = arith.constant 10000 : i32
    %lt3A_69 = arith.cmpi slt, %add3A_67, %lt3A_68 : i32
    %convert_element_type3A_70 = arith.extui %lt3A_69 : i1 to i32
    %cond3A_71 = arith.constant 0 : i32
    %cond3A_72 = arith.cmpi ne, %convert_element_type3A_70, %cond3A_71 : i32
    scf.if %cond3A_72 {
      "tpu.region"() ({
        %run_scoped3A = tpu.sem_alloc : memref<!tpu.dma_semaphore, #tpu.memory_space<semaphore_mem>>
        %dma_start3A_165 = arith.constant 0 : i32
        %dma_start3A_166 = arith.constant 0 : i32
        %dma_start3A_167 = tpu.memref_slice %arg11[%dma_start3A_165, %dma_start3A_166] : memref<160x128xf32, #tpu.memory_space<vmem>> -> memref<80x128xf32, #tpu.memory_space<vmem>>
        %dma_start3A_168 = arith.constant 0 : i32
        %dma_start3A_169 = tpu.memref_slice %arg20[%add3A_67, %dma_start3A_168] : memref<10000x128xf32, #tpu.memory_space<vmem_shared>> -> memref<80x128xf32, #tpu.memory_space<vmem_shared>>
        %dma_start3A_170 = arith.constant 0 : i32
        %dma_start3A_171 = tpu.memref_slice %arg20[%add3A_67, %dma_start3A_170] : memref<10000x128xf32, #tpu.memory_space<vmem_shared>> -> memref<80x128xf32, #tpu.memory_space<vmem_shared>>
        %dma_start3A_172 = arith.constant 0 : i32
        %dma_start3A_173 = arith.constant 0 : i32
        %dma_start3A_174 = tpu.memref_slice %arg11[%dma_start3A_172, %dma_start3A_173] : memref<160x128xf32, #tpu.memory_space<vmem>> -> memref<80x128xf32, #tpu.memory_space<vmem>>
        tpu.enqueue_dma source(%dma_start3A_174 : memref<80x128xf32, #tpu.memory_space<vmem>>) target(%dma_start3A_171 : memref<80x128xf32, #tpu.memory_space<vmem_shared>>) target_semaphore(%run_scoped3A : memref<!tpu.dma_semaphore, #tpu.memory_space<semaphore_mem>>)
        %dma_wait3A = arith.constant 0 : i32
        %dma_wait3A_175 = arith.constant 0 : i32
        %dma_wait3A_176 = tpu.memref_slice %arg11[%dma_wait3A, %dma_wait3A_175] : memref<160x128xf32, #tpu.memory_space<vmem>> -> memref<80x128xf32, #tpu.memory_space<vmem>>
        %dma_wait3A_177 = arith.constant 0 : i32
        %dma_wait3A_178 = tpu.memref_slice %arg20[%add3A_67, %dma_wait3A_177] : memref<10000x128xf32, #tpu.memory_space<vmem_shared>> -> memref<80x128xf32, #tpu.memory_space<vmem_shared>>
        %dma_wait3A_179 = arith.constant 0 : i32
        %dma_wait3A_180 = tpu.memref_slice %arg20[%add3A_67, %dma_wait3A_179] : memref<10000x128xf32, #tpu.memory_space<vmem_shared>> -> memref<80x128xf32, #tpu.memory_space<vmem_shared>>
        %dma_wait3A_181 = arith.constant 0 : i32
        %dma_wait3A_182 = arith.constant 0 : i32
        %dma_wait3A_183 = tpu.memref_slice %arg11[%dma_wait3A_181, %dma_wait3A_182] : memref<160x128xf32, #tpu.memory_space<vmem>> -> memref<80x128xf32, #tpu.memory_space<vmem>>
        tpu.wait_dma2 semaphore(%run_scoped3A : memref<!tpu.dma_semaphore, #tpu.memory_space<semaphore_mem>>) src(%dma_wait3A_183 : memref<80x128xf32, #tpu.memory_space<vmem>>) dst(%dma_wait3A_180 : memref<80x128xf32, #tpu.memory_space<vmem_shared>>)
        tpu.yield
      }) : () -> ()
    } else {
    }
    %mul3A_73 = arith.constant 640 : i32
    %mul3A_74 = arith.muli %arg1, %mul3A_73 : i32
    %add3A_75 = arith.constant 560 : i32
    %add3A_76 = arith.addi %mul3A_74, %add3A_75 : i32
    %lt3A_77 = arith.constant 10000 : i32
    %lt3A_78 = arith.cmpi slt, %add3A_76, %lt3A_77 : i32
    %convert_element_type3A_79 = arith.extui %lt3A_78 : i1 to i32
    %cond3A_80 = arith.constant 0 : i32
    %cond3A_81 = arith.cmpi ne, %convert_element_type3A_79, %cond3A_80 : i32
    scf.if %cond3A_81 {
      "tpu.region"() ({
        %run_scoped3A = tpu.sem_alloc : memref<!tpu.dma_semaphore, #tpu.memory_space<semaphore_mem>>
        %dma_start3A_165 = arith.constant 0 : i32
        %dma_start3A_166 = arith.constant 0 : i32
        %dma_start3A_167 = tpu.memref_slice %arg11[%dma_start3A_165, %dma_start3A_166] : memref<160x128xf32, #tpu.memory_space<vmem>> -> memref<80x128xf32, #tpu.memory_space<vmem>>
        %dma_start3A_168 = arith.constant 0 : i32
        %dma_start3A_169 = tpu.memref_slice %arg20[%add3A_76, %dma_start3A_168] : memref<10000x128xf32, #tpu.memory_space<vmem_shared>> -> memref<80x128xf32, #tpu.memory_space<vmem_shared>>
        %dma_start3A_170 = arith.constant 0 : i32
        %dma_start3A_171 = tpu.memref_slice %arg20[%add3A_76, %dma_start3A_170] : memref<10000x128xf32, #tpu.memory_space<vmem_shared>> -> memref<80x128xf32, #tpu.memory_space<vmem_shared>>
        %dma_start3A_172 = arith.constant 0 : i32
        %dma_start3A_173 = arith.constant 0 : i32
        %dma_start3A_174 = tpu.memref_slice %arg11[%dma_start3A_172, %dma_start3A_173] : memref<160x128xf32, #tpu.memory_space<vmem>> -> memref<80x128xf32, #tpu.memory_space<vmem>>
        tpu.enqueue_dma source(%dma_start3A_174 : memref<80x128xf32, #tpu.memory_space<vmem>>) target(%dma_start3A_171 : memref<80x128xf32, #tpu.memory_space<vmem_shared>>) target_semaphore(%run_scoped3A : memref<!tpu.dma_semaphore, #tpu.memory_space<semaphore_mem>>)
        %dma_wait3A = arith.constant 0 : i32
        %dma_wait3A_175 = arith.constant 0 : i32
        %dma_wait3A_176 = tpu.memref_slice %arg11[%dma_wait3A, %dma_wait3A_175] : memref<160x128xf32, #tpu.memory_space<vmem>> -> memref<80x128xf32, #tpu.memory_space<vmem>>
        %dma_wait3A_177 = arith.constant 0 : i32
        %dma_wait3A_178 = tpu.memref_slice %arg20[%add3A_76, %dma_wait3A_177] : memref<10000x128xf32, #tpu.memory_space<vmem_shared>> -> memref<80x128xf32, #tpu.memory_space<vmem_shared>>
        %dma_wait3A_179 = arith.constant 0 : i32
        %dma_wait3A_180 = tpu.memref_slice %arg20[%add3A_76, %dma_wait3A_179] : memref<10000x128xf32, #tpu.memory_space<vmem_shared>> -> memref<80x128xf32, #tpu.memory_space<vmem_shared>>
        %dma_wait3A_181 = arith.constant 0 : i32
        %dma_wait3A_182 = arith.constant 0 : i32
        %dma_wait3A_183 = tpu.memref_slice %arg11[%dma_wait3A_181, %dma_wait3A_182] : memref<160x128xf32, #tpu.memory_space<vmem>> -> memref<80x128xf32, #tpu.memory_space<vmem>>
        tpu.wait_dma2 semaphore(%run_scoped3A : memref<!tpu.dma_semaphore, #tpu.memory_space<semaphore_mem>>) src(%dma_wait3A_183 : memref<80x128xf32, #tpu.memory_space<vmem>>) dst(%dma_wait3A_180 : memref<80x128xf32, #tpu.memory_space<vmem_shared>>)
        tpu.yield
      }) : () -> ()
    } else {
    }
    %barrier3A = arith.constant 0 : index
    tpu.barrier barrier_id(%barrier3A)
    %dma_start3A = arith.constant 0 : i32
    %dma_start3A_82 = tpu.memref_slice %arg8[%mul3A_2, %dma_start3A] : memref<320000x128xf32, #tpu.memory_space<hbm>> -> memref<80x128xf32, #tpu.memory_space<hbm>>
    %dma_start3A_83 = arith.constant 0 : i32
    %dma_start3A_84 = tpu.memref_slice %arg8[%mul3A_2, %dma_start3A_83] : memref<320000x128xf32, #tpu.memory_space<hbm>> -> memref<80x128xf32, #tpu.memory_space<hbm>>
    tpu.enqueue_dma source(%dma_start3A_84 : memref<80x128xf32, #tpu.memory_space<hbm>>) target(%arg12 : memref<80x128xf32, #tpu.memory_space<vmem>>) target_semaphore(%arg24 : memref<!tpu.dma_semaphore, #tpu.memory_space<semaphore_mem>>)
    %scan3A_85 = arith.constant 0 : i32
    %scan3A_86 = arith.constant 5 : i32
    %scan3A_87 = arith.addi %scan3A_85, %scan3A_86 : i32
    %scan3A_88 = arith.constant 1 : i32
    scf.for %scan3A_165 = %scan3A_85 to %scan3A_87 step %scan3A_88  : i32 {
      %mul3A_166 = arith.constant 1 : i32
      %mul3A_167 = arith.muli %scan3A_165, %mul3A_166 : i32
      %add3A_168 = arith.constant 0 : i32
      %add3A_169 = arith.addi %add3A_168, %mul3A_167 : i32
      %mul3A_170 = arith.constant 2000 : i32
      %mul3A_171 = arith.muli %add3A_169, %mul3A_170 : i32
      %add3A_172 = arith.addi %mul3A_2, %mul3A_171 : i32
      "tpu.region"() ({
        %run_scoped3A = tpu.sem_alloc : memref<!tpu.dma_semaphore, #tpu.memory_space<semaphore_mem>>
        %dma_start3A_209 = tpu.memref_slice %arg6[%add3A_172] : memref<320000xi32, #tpu.memory_space<hbm>> -> memref<2000xi32, #tpu.memory_space<hbm>>
        %dma_start3A_210 = tpu.memref_slice %arg6[%add3A_172] : memref<320000xi32, #tpu.memory_space<hbm>> -> memref<2000xi32, #tpu.memory_space<hbm>>
        tpu.enqueue_dma source(%dma_start3A_210 : memref<2000xi32, #tpu.memory_space<hbm>>) target(%arg13 : memref<2000xi32, #tpu.memory_space<vmem>>) target_semaphore(%run_scoped3A : memref<!tpu.dma_semaphore, #tpu.memory_space<semaphore_mem>>)
        %dma_wait3A_211 = tpu.memref_slice %arg6[%add3A_172] : memref<320000xi32, #tpu.memory_space<hbm>> -> memref<2000xi32, #tpu.memory_space<hbm>>
        %dma_wait3A_212 = tpu.memref_slice %arg6[%add3A_172] : memref<320000xi32, #tpu.memory_space<hbm>> -> memref<2000xi32, #tpu.memory_space<hbm>>
        tpu.wait_dma2 semaphore(%run_scoped3A : memref<!tpu.dma_semaphore, #tpu.memory_space<semaphore_mem>>) src(%dma_wait3A_212 : memref<2000xi32, #tpu.memory_space<hbm>>) dst(%arg13 : memref<2000xi32, #tpu.memory_space<vmem>>)
        tpu.yield
      }) : () -> ()
      "tpu.region"() ({
        %run_scoped3A = tpu.sem_alloc : memref<!tpu.dma_semaphore, #tpu.memory_space<semaphore_mem>>
        %dma_start3A_209 = arith.constant 0 : i32
        %dma_start3A_210 = arith.constant 0 : i32
        %dma_start3A_211 = tpu.memref_slice %arg7[%add3A, %add3A_169, %dma_start3A_209, %dma_start3A_210] : memref<32x5x25x80xi32, #tpu.memory_space<hbm>> -> memref<1x1x25x80xi32, #tpu.memory_space<hbm>>
        %dma_start3A_212 = tpu.memref_squeeze %dma_start3A_211 : memref<1x1x25x80xi32, #tpu.memory_space<hbm>> -> memref<25x80xi32, #tpu.memory_space<hbm>>
        %dma_start3A_213 = arith.constant 0 : i32
        %dma_start3A_214 = arith.constant 0 : i32
        %dma_start3A_215 = tpu.memref_slice %arg7[%add3A, %add3A_169, %dma_start3A_213, %dma_start3A_214] : memref<32x5x25x80xi32, #tpu.memory_space<hbm>> -> memref<1x1x25x80xi32, #tpu.memory_space<hbm>>
        %dma_start3A_216 = tpu.memref_squeeze %dma_start3A_215 : memref<1x1x25x80xi32, #tpu.memory_space<hbm>> -> memref<25x80xi32, #tpu.memory_space<hbm>>
        tpu.enqueue_dma source(%dma_start3A_216 : memref<25x80xi32, #tpu.memory_space<hbm>>) target(%arg14 : memref<25x80xi32, #tpu.memory_space<vmem>>) target_semaphore(%run_scoped3A : memref<!tpu.dma_semaphore, #tpu.memory_space<semaphore_mem>>)
        %dma_wait3A_217 = arith.constant 0 : i32
        %dma_wait3A_218 = arith.constant 0 : i32
        %dma_wait3A_219 = tpu.memref_slice %arg7[%add3A, %add3A_169, %dma_wait3A_217, %dma_wait3A_218] : memref<32x5x25x80xi32, #tpu.memory_space<hbm>> -> memref<1x1x25x80xi32, #tpu.memory_space<hbm>>
        %dma_wait3A_220 = tpu.memref_squeeze %dma_wait3A_219 : memref<1x1x25x80xi32, #tpu.memory_space<hbm>> -> memref<25x80xi32, #tpu.memory_space<hbm>>
        %dma_wait3A_221 = arith.constant 0 : i32
        %dma_wait3A_222 = arith.constant 0 : i32
        %dma_wait3A_223 = tpu.memref_slice %arg7[%add3A, %add3A_169, %dma_wait3A_221, %dma_wait3A_222] : memref<32x5x25x80xi32, #tpu.memory_space<hbm>> -> memref<1x1x25x80xi32, #tpu.memory_space<hbm>>
        %dma_wait3A_224 = tpu.memref_squeeze %dma_wait3A_223 : memref<1x1x25x80xi32, #tpu.memory_space<hbm>> -> memref<25x80xi32, #tpu.memory_space<hbm>>
        tpu.wait_dma2 semaphore(%run_scoped3A : memref<!tpu.dma_semaphore, #tpu.memory_space<semaphore_mem>>) src(%dma_wait3A_224 : memref<25x80xi32, #tpu.memory_space<hbm>>) dst(%arg14 : memref<25x80xi32, #tpu.memory_space<vmem>>)
        tpu.yield
      }) : () -> ()
      "tpu.region"() ({
        %run_scoped3A = tpu.sem_alloc : memref<!tpu.dma_semaphore, #tpu.memory_space<semaphore_mem>>
        %dma_start3A_209 = tpu.memref_slice %arg5[%add3A_172] : memref<320000xf32, #tpu.memory_space<hbm>> -> memref<2000xf32, #tpu.memory_space<hbm>>
        %dma_start3A_210 = tpu.memref_slice %arg5[%add3A_172] : memref<320000xf32, #tpu.memory_space<hbm>> -> memref<2000xf32, #tpu.memory_space<hbm>>
        tpu.enqueue_dma source(%dma_start3A_210 : memref<2000xf32, #tpu.memory_space<hbm>>) target(%arg15 : memref<2000xf32, #tpu.memory_space<vmem>>) target_semaphore(%run_scoped3A : memref<!tpu.dma_semaphore, #tpu.memory_space<semaphore_mem>>)
        %dma_wait3A_211 = tpu.memref_slice %arg5[%add3A_172] : memref<320000xf32, #tpu.memory_space<hbm>> -> memref<2000xf32, #tpu.memory_space<hbm>>
        %dma_wait3A_212 = tpu.memref_slice %arg5[%add3A_172] : memref<320000xf32, #tpu.memory_space<hbm>> -> memref<2000xf32, #tpu.memory_space<hbm>>
        tpu.wait_dma2 semaphore(%run_scoped3A : memref<!tpu.dma_semaphore, #tpu.memory_space<semaphore_mem>>) src(%dma_wait3A_212 : memref<2000xf32, #tpu.memory_space<hbm>>) dst(%arg15 : memref<2000xf32, #tpu.memory_space<vmem>>)
        tpu.yield
      }) : () -> ()
      %dma_start3A_173 = arith.constant 0 : i32
      %dma_start3A_174 = arith.constant 0 : i32
      %dma_start3A_175 = tpu.memref_slice %arg11[%dma_start3A_173, %dma_start3A_174] : memref<160x128xf32, #tpu.memory_space<vmem>> -> memref<80x128xf32, #tpu.memory_space<vmem>>
      %dma_start3A_176 = arith.constant 0 : i32
      %dma_start3A_177 = tpu.memref_slice %arg13[%dma_start3A_176] : memref<2000xi32, #tpu.memory_space<vmem>> -> memref<80xi32, #tpu.memory_space<vmem>>
      %dma_start3A_178 = arith.constant 0 : i32
      %dma_start3A_179 = arith.constant 0 : i32
      %dma_start3A_180 = tpu.memref_slice %arg2[%dma_start3A_178, %dma_start3A_179] : memref<10000x128xf32, #tpu.memory_space<hbm>> -> memref<10000x128xf32, #tpu.memory_space<hbm>>
      tpu.enqueue_indirect_dma source(%dma_start3A_180 : memref<10000x128xf32, #tpu.memory_space<hbm>>) target(%dma_start3A_175 : memref<80x128xf32, #tpu.memory_space<vmem>>) offsets(%dma_start3A_177 : memref<80xi32, #tpu.memory_space<vmem>>) semaphore(%arg21 : memref<!tpu.dma_semaphore, #tpu.memory_space<semaphore_mem>>)
      %dma_start3A_181 = arith.constant 0 : i32
      %dma_start3A_182 = tpu.memref_slice %arg16[%dma_start3A_181] : memref<160xf32, #tpu.memory_space<vmem>> -> memref<80xf32, #tpu.memory_space<vmem>>
      %dma_start3A_183 = arith.constant 0 : i32
      %dma_start3A_184 = tpu.memref_slice %arg13[%dma_start3A_183] : memref<2000xi32, #tpu.memory_space<vmem>> -> memref<80xi32, #tpu.memory_space<vmem>>
      %dma_start3A_185 = arith.constant 0 : i32
      %dma_start3A_186 = tpu.memref_slice %arg3[%dma_start3A_185] : memref<10000xf32, #tpu.memory_space<hbm>> -> memref<10000xf32, #tpu.memory_space<hbm>>
      tpu.enqueue_indirect_dma source(%dma_start3A_186 : memref<10000xf32, #tpu.memory_space<hbm>>) target(%dma_start3A_182 : memref<80xf32, #tpu.memory_space<vmem>>) offsets(%dma_start3A_184 : memref<80xi32, #tpu.memory_space<vmem>>) semaphore(%arg22 : memref<!tpu.dma_semaphore, #tpu.memory_space<semaphore_mem>>)
      %dma_start3A_187 = arith.constant 0 : i32
      %dma_start3A_188 = arith.constant 0 : i32
      %dma_start3A_189 = tpu.memref_slice %arg17[%dma_start3A_188] : memref<160xf32, #tpu.memory_space<vmem>> -> memref<80xf32, #tpu.memory_space<vmem>>
      %dma_start3A_190 = arith.constant 0 : i32
      %dma_start3A_191 = tpu.memref_slice %arg14[%dma_start3A_187, %dma_start3A_190] : memref<25x80xi32, #tpu.memory_space<vmem>> -> memref<1x80xi32, #tpu.memory_space<vmem>>
      %dma_start3A_192 = tpu.memref_squeeze %dma_start3A_191 : memref<1x80xi32, #tpu.memory_space<vmem>> -> memref<80xi32, #tpu.memory_space<vmem>>
      %dma_start3A_193 = arith.constant 0 : i32
      %dma_start3A_194 = tpu.memref_slice %arg4[%dma_start3A_193] : memref<10000xf32, #tpu.memory_space<hbm>> -> memref<10000xf32, #tpu.memory_space<hbm>>
      tpu.enqueue_indirect_dma source(%dma_start3A_194 : memref<10000xf32, #tpu.memory_space<hbm>>) target(%dma_start3A_189 : memref<80xf32, #tpu.memory_space<vmem>>) offsets(%dma_start3A_192 : memref<80xi32, #tpu.memory_space<vmem>>) semaphore(%arg23 : memref<!tpu.dma_semaphore, #tpu.memory_space<semaphore_mem>>)
      %scan3A_195 = arith.constant 0 : i32
      %scan3A_196 = arith.constant 25 : i32
      %scan3A_197 = arith.addi %scan3A_195, %scan3A_196 : i32
      %scan3A_198 = arith.constant 1 : i32
      scf.for %scan3A_209 = %scan3A_195 to %scan3A_197 step %scan3A_198  : i32 {
        %mul3A_210 = arith.constant 1 : i32
        %mul3A_211 = arith.muli %scan3A_209, %mul3A_210 : i32
        %add3A_212 = arith.constant 0 : i32
        %add3A_213 = arith.addi %add3A_212, %mul3A_211 : i32
        %rem3A = arith.constant 2 : i32
        %rem3A_214 = arith.remsi %add3A_213, %rem3A : i32
        %mul3A_215 = arith.constant 80 : i32
        %mul3A_216 = arith.muli %rem3A_214, %mul3A_215 : i32
        %mul3A_217 = arith.constant 80 : i32
        %mul3A_218 = arith.muli %add3A_213, %mul3A_217 : i32
        %dma_wait3A_219 = arith.constant 0 : i32
        %dma_wait3A_220 = tpu.memref_slice %arg11[%mul3A_216, %dma_wait3A_219] : memref<160x128xf32, #tpu.memory_space<vmem>> -> memref<80x128xf32, #tpu.memory_space<vmem>>
        %dma_wait3A_221 = tpu.memref_slice %arg13[%mul3A_218] : memref<2000xi32, #tpu.memory_space<vmem>> -> memref<80xi32, #tpu.memory_space<vmem>>
        %dma_wait3A_222 = arith.constant 0 : i32
        %dma_wait3A_223 = arith.constant 0 : i32
        %dma_wait3A_224 = tpu.memref_slice %arg2[%dma_wait3A_222, %dma_wait3A_223] : memref<10000x128xf32, #tpu.memory_space<hbm>> -> memref<10000x128xf32, #tpu.memory_space<hbm>>
        tpu.wait_indirect_dma semaphore(%arg21 : memref<!tpu.dma_semaphore, #tpu.memory_space<semaphore_mem>>) src(%dma_wait3A_224 : memref<10000x128xf32, #tpu.memory_space<hbm>>) dst(%dma_wait3A_220 : memref<80x128xf32, #tpu.memory_space<vmem>>)
        %dma_wait3A_225 = tpu.memref_slice %arg16[%mul3A_216] : memref<160xf32, #tpu.memory_space<vmem>> -> memref<80xf32, #tpu.memory_space<vmem>>
        %dma_wait3A_226 = tpu.memref_slice %arg13[%mul3A_218] : memref<2000xi32, #tpu.memory_space<vmem>> -> memref<80xi32, #tpu.memory_space<vmem>>
        %dma_wait3A_227 = arith.constant 0 : i32
        %dma_wait3A_228 = tpu.memref_slice %arg3[%dma_wait3A_227] : memref<10000xf32, #tpu.memory_space<hbm>> -> memref<10000xf32, #tpu.memory_space<hbm>>
        tpu.wait_indirect_dma semaphore(%arg22 : memref<!tpu.dma_semaphore, #tpu.memory_space<semaphore_mem>>) src(%dma_wait3A_228 : memref<10000xf32, #tpu.memory_space<hbm>>) dst(%dma_wait3A_225 : memref<80xf32, #tpu.memory_space<vmem>>)
        %dma_wait3A_229 = tpu.memref_slice %arg17[%mul3A_216] : memref<160xf32, #tpu.memory_space<vmem>> -> memref<80xf32, #tpu.memory_space<vmem>>
        %dma_wait3A_230 = arith.constant 0 : i32
        %dma_wait3A_231 = tpu.memref_slice %arg14[%add3A_213, %dma_wait3A_230] : memref<25x80xi32, #tpu.memory_space<vmem>> -> memref<1x80xi32, #tpu.memory_space<vmem>>
        %dma_wait3A_232 = tpu.memref_squeeze %dma_wait3A_231 : memref<1x80xi32, #tpu.memory_space<vmem>> -> memref<80xi32, #tpu.memory_space<vmem>>
        %dma_wait3A_233 = arith.constant 0 : i32
        %dma_wait3A_234 = tpu.memref_slice %arg4[%dma_wait3A_233] : memref<10000xf32, #tpu.memory_space<hbm>> -> memref<10000xf32, #tpu.memory_space<hbm>>
        tpu.wait_indirect_dma semaphore(%arg23 : memref<!tpu.dma_semaphore, #tpu.memory_space<semaphore_mem>>) src(%dma_wait3A_234 : memref<10000xf32, #tpu.memory_space<hbm>>) dst(%dma_wait3A_229 : memref<80xf32, #tpu.memory_space<vmem>>)
        %scan3A_235 = arith.constant 0 : i32
        %scan3A_236 = arith.constant 5 : i32
        %scan3A_237 = arith.addi %scan3A_235, %scan3A_236 : i32
        %scan3A_238 = arith.constant 1 : i32
        scf.for %scan3A_279 = %scan3A_235 to %scan3A_237 step %scan3A_238  : i32 {
          %mul3A_280 = arith.constant 1 : i32
          %mul3A_281 = arith.muli %scan3A_279, %mul3A_280 : i32
          %add3A_282 = arith.constant 0 : i32
          %add3A_283 = arith.addi %add3A_282, %mul3A_281 : i32
          %mul3A_284 = arith.constant 16 : i32
          %mul3A_285 = arith.muli %add3A_283, %mul3A_284 : i32
          %add3A_286 = arith.addi %mul3A_216, %mul3A_285 : i32
          %get3A = arith.index_cast %add3A_286 : i32 to index
          %get3A_287 = tpu.vector_load %arg16[%get3A] {strides = array<i32>} : memref<160xf32, #tpu.memory_space<vmem>>, vector<16xf32>,
          %add3A_288 = arith.addi %mul3A_216, %mul3A_285 : i32
          %get3A_289 = arith.index_cast %add3A_288 : i32 to index
          %get3A_290 = tpu.vector_load %arg17[%get3A_289] {strides = array<i32>} : memref<160xf32, #tpu.memory_space<vmem>>, vector<16xf32>,
          %add3A_291 = arith.addf %get3A_287, %get3A_290 : vector<16xf32>
          %mul3A_292 = arith.constant 80 : i32
          %mul3A_293 = arith.muli %add3A_213, %mul3A_292 : i32
          %add3A_294 = arith.addi %mul3A_293, %mul3A_285 : i32
          %get3A_295 = arith.index_cast %add3A_294 : i32 to index
          %get3A_296 = tpu.vector_load %arg15[%get3A_295] {strides = array<i32>} : memref<2000xf32, #tpu.memory_space<vmem>>, vector<16xf32>,
          %add3A_297 = arith.addf %add3A_291, %get3A_296 : vector<16xf32>
          %mul3A_298 = arith.constant 2.000000e-01 : f32
          %mul3A_299 = vector.broadcast %mul3A_298 : f32 to vector<16xf32>
          %mul3A_300 = arith.mulf %mul3A_299, %add3A_297 : vector<16xf32>
          %max3A = arith.maximumf %add3A_297, %mul3A_300 : vector<16xf32>
          %exp3A = math.exp %max3A : vector<16xf32>
          %swap3A = arith.index_cast %mul3A_285 : i32 to index
          %swap3A_301 = tpu.vector_load %arg18[%swap3A] {strides = array<i32>} : memref<80xf32, #tpu.memory_space<vmem>>, vector<16xf32>,
          tpu.vector_store %arg18[%swap3A], %exp3A {strides = array<i32>} : memref<80xf32, #tpu.memory_space<vmem>>, vector<16xf32>,
          %get3A_302 = arith.index_cast %add3A_213 : i32 to index
          %get3A_303 = arith.index_cast %mul3A_285 : i32 to index
          %get3A_304 = tpu.vector_load %arg14[%get3A_302, %get3A_303] {strides = array<i32>} : memref<25x80xi32, #tpu.memory_space<vmem>>, vector<16xi32>,
          tpu.vector_store_idx %arg19[%get3A_304], %exp3A {add = true} : memref<10000xf32, #tpu.memory_space<vmem>>[vector<16xi32>], vector<16xf32>,
        }
        %scan3A_239 = arith.constant 5 : i32
        %ge3A = arith.constant 1 : i32
        %ge3A_240 = arith.cmpi sge, %add3A_213, %ge3A : i32
        %convert_element_type3A_241 = arith.extui %ge3A_240 : i1 to i32
        %cond3A_242 = arith.constant 0 : i32
        %cond3A_243 = arith.cmpi ne, %convert_element_type3A_241, %cond3A_242 : i32
        scf.if %cond3A_243 {
          %sub3A = arith.constant 1 : i32
          %sub3A_279 = arith.subi %add3A_213, %sub3A : i32
          %sub3A_280 = arith.constant 1 : i32
          %sub3A_281 = arith.subi %sub3A_280, %rem3A_214 : i32
          %mul3A_282 = arith.constant 80 : i32
          %mul3A_283 = arith.muli %sub3A_281, %mul3A_282 : i32
          %dma_wait3A_284 = arith.constant 0 : i32
          %dma_wait3A_285 = tpu.memref_slice %arg11[%mul3A_283, %dma_wait3A_284] : memref<160x128xf32, #tpu.memory_space<vmem>> -> memref<80x128xf32, #tpu.memory_space<vmem>>
          %dma_wait3A_286 = arith.constant 0 : i32
          %dma_wait3A_287 = tpu.memref_slice %arg14[%sub3A_279, %dma_wait3A_286] : memref<25x80xi32, #tpu.memory_space<vmem>> -> memref<1x80xi32, #tpu.memory_space<vmem>>
          %dma_wait3A_288 = tpu.memref_squeeze %dma_wait3A_287 : memref<1x80xi32, #tpu.memory_space<vmem>> -> memref<80xi32, #tpu.memory_space<vmem>>
          %dma_wait3A_289 = arith.constant 0 : i32
          %dma_wait3A_290 = arith.constant 0 : i32
          %dma_wait3A_291 = tpu.memref_slice %arg20[%dma_wait3A_289, %dma_wait3A_290] : memref<10000x128xf32, #tpu.memory_space<vmem_shared>> -> memref<10000x128xf32, #tpu.memory_space<vmem_shared>>
          tpu.wait_indirect_dma semaphore(%arg25 : memref<!tpu.dma_semaphore, #tpu.memory_space<semaphore_mem>>) src(%dma_wait3A_285 : memref<80x128xf32, #tpu.memory_space<vmem>>) dst(%dma_wait3A_291 : memref<10000x128xf32, #tpu.memory_space<vmem_shared>>)
        } else {
        }
        %lt3A_244 = arith.constant 24 : i32
        %lt3A_245 = arith.cmpi slt, %add3A_213, %lt3A_244 : i32
        %convert_element_type3A_246 = arith.extui %lt3A_245 : i1 to i32
        %cond3A_247 = arith.constant 0 : i32
        %cond3A_248 = arith.cmpi ne, %convert_element_type3A_246, %cond3A_247 : i32
        scf.if %cond3A_248 {
          %add3A_279 = arith.constant 1 : i32
          %add3A_280 = arith.addi %add3A_213, %add3A_279 : i32
          %sub3A = arith.constant 1 : i32
          %sub3A_281 = arith.subi %sub3A, %rem3A_214 : i32
          %mul3A_282 = arith.constant 80 : i32
          %mul3A_283 = arith.muli %add3A_280, %mul3A_282 : i32
          %mul3A_284 = arith.constant 80 : i32
          %mul3A_285 = arith.muli %sub3A_281, %mul3A_284 : i32
          %dma_start3A_286 = arith.constant 0 : i32
          %dma_start3A_287 = tpu.memref_slice %arg11[%mul3A_285, %dma_start3A_286] : memref<160x128xf32, #tpu.memory_space<vmem>> -> memref<80x128xf32, #tpu.memory_space<vmem>>
          %dma_start3A_288 = tpu.memref_slice %arg13[%mul3A_283] : memref<2000xi32, #tpu.memory_space<vmem>> -> memref<80xi32, #tpu.memory_space<vmem>>
          %dma_start3A_289 = arith.constant 0 : i32
          %dma_start3A_290 = arith.constant 0 : i32
          %dma_start3A_291 = tpu.memref_slice %arg2[%dma_start3A_289, %dma_start3A_290] : memref<10000x128xf32, #tpu.memory_space<hbm>> -> memref<10000x128xf32, #tpu.memory_space<hbm>>
          tpu.enqueue_indirect_dma source(%dma_start3A_291 : memref<10000x128xf32, #tpu.memory_space<hbm>>) target(%dma_start3A_287 : memref<80x128xf32, #tpu.memory_space<vmem>>) offsets(%dma_start3A_288 : memref<80xi32, #tpu.memory_space<vmem>>) semaphore(%arg21 : memref<!tpu.dma_semaphore, #tpu.memory_space<semaphore_mem>>)
          %mul3A_292 = arith.constant 80 : i32
          %mul3A_293 = arith.muli %sub3A_281, %mul3A_292 : i32
          %dma_start3A_294 = tpu.memref_slice %arg16[%mul3A_293] : memref<160xf32, #tpu.memory_space<vmem>> -> memref<80xf32, #tpu.memory_space<vmem>>
          %dma_start3A_295 = tpu.memref_slice %arg13[%mul3A_283] : memref<2000xi32, #tpu.memory_space<vmem>> -> memref<80xi32, #tpu.memory_space<vmem>>
          %dma_start3A_296 = arith.constant 0 : i32
          %dma_start3A_297 = tpu.memref_slice %arg3[%dma_start3A_296] : memref<10000xf32, #tpu.memory_space<hbm>> -> memref<10000xf32, #tpu.memory_space<hbm>>
          tpu.enqueue_indirect_dma source(%dma_start3A_297 : memref<10000xf32, #tpu.memory_space<hbm>>) target(%dma_start3A_294 : memref<80xf32, #tpu.memory_space<vmem>>) offsets(%dma_start3A_295 : memref<80xi32, #tpu.memory_space<vmem>>) semaphore(%arg22 : memref<!tpu.dma_semaphore, #tpu.memory_space<semaphore_mem>>)
          %mul3A_298 = arith.constant 80 : i32
          %mul3A_299 = arith.muli %sub3A_281, %mul3A_298 : i32
          %dma_start3A_300 = tpu.memref_slice %arg17[%mul3A_299] : memref<160xf32, #tpu.memory_space<vmem>> -> memref<80xf32, #tpu.memory_space<vmem>>
          %dma_start3A_301 = arith.constant 0 : i32
          %dma_start3A_302 = tpu.memref_slice %arg14[%add3A_280, %dma_start3A_301] : memref<25x80xi32, #tpu.memory_space<vmem>> -> memref<1x80xi32, #tpu.memory_space<vmem>>
          %dma_start3A_303 = tpu.memref_squeeze %dma_start3A_302 : memref<1x80xi32, #tpu.memory_space<vmem>> -> memref<80xi32, #tpu.memory_space<vmem>>
          %dma_start3A_304 = arith.constant 0 : i32
          %dma_start3A_305 = tpu.memref_slice %arg4[%dma_start3A_304] : memref<10000xf32, #tpu.memory_space<hbm>> -> memref<10000xf32, #tpu.memory_space<hbm>>
          tpu.enqueue_indirect_dma source(%dma_start3A_305 : memref<10000xf32, #tpu.memory_space<hbm>>) target(%dma_start3A_300 : memref<80xf32, #tpu.memory_space<vmem>>) offsets(%dma_start3A_303 : memref<80xi32, #tpu.memory_space<vmem>>) semaphore(%arg23 : memref<!tpu.dma_semaphore, #tpu.memory_space<semaphore_mem>>)
        } else {
        }
        %mul3A_249 = arith.constant 80 : i32
        %mul3A_250 = arith.muli %add3A_213, %mul3A_249 : i32
        %add3A_251 = arith.addi %add3A_172, %mul3A_250 : i32
        %dma_wait3A_252 = arith.constant 0 : i32
        %dma_wait3A_253 = tpu.memref_slice %arg8[%add3A_251, %dma_wait3A_252] : memref<320000x128xf32, #tpu.memory_space<hbm>> -> memref<80x128xf32, #tpu.memory_space<hbm>>
        %dma_wait3A_254 = arith.constant 0 : i32
        %dma_wait3A_255 = tpu.memref_slice %arg8[%add3A_251, %dma_wait3A_254] : memref<320000x128xf32, #tpu.memory_space<hbm>> -> memref<80x128xf32, #tpu.memory_space<hbm>>
        tpu.wait_dma2 semaphore(%arg24 : memref<!tpu.dma_semaphore, #tpu.memory_space<semaphore_mem>>) src(%dma_wait3A_255 : memref<80x128xf32, #tpu.memory_space<hbm>>) dst(%arg12 : memref<80x128xf32, #tpu.memory_space<vmem>>)
        %scan3A_256 = arith.constant 0 : i32
        %scan3A_257 = arith.constant 80 : i32
        %scan3A_258 = arith.addi %scan3A_256, %scan3A_257 : i32
        %scan3A_259 = arith.constant 1 : i32
        scf.for %scan3A_279 = %scan3A_256 to %scan3A_258 step %scan3A_259  : i32 {
          %mul3A_280 = arith.constant 1 : i32
          %mul3A_281 = arith.muli %scan3A_279, %mul3A_280 : i32
          %add3A_282 = arith.constant 0 : i32
          %add3A_283 = arith.addi %add3A_282, %mul3A_281 : i32
          %broadcast_in_dim3A_284 = arith.constant 0 : i32
          %broadcast_in_dim3A_285 = vector.broadcast %broadcast_in_dim3A_284 : i32 to vector<16xi32>
          %add3A_286 = vector.broadcast %add3A_283 : i32 to vector<16xi32>
          %add3A_287 = arith.addi %broadcast_in_dim3A_285, %add3A_286 : vector<16xi32>
          %gather3A = tpu.vector_load_idx %arg18[%add3A_287] : memref<80xf32, #tpu.memory_space<vmem>>[vector<16xi32>], vector<16xf32>,
          %add3A_288 = arith.addi %mul3A_216, %add3A_283 : i32
          %get3A = arith.index_cast %add3A_288 : i32 to index
          %get3A_289 = arith.constant 0 : index
          %get3A_290 = tpu.vector_load %arg11[%get3A, %get3A_289] {strides = array<i32>} : memref<160x128xf32, #tpu.memory_space<vmem>>, vector<16xf32>,
          %get3A_291 = arith.index_cast %add3A_283 : i32 to index
          %get3A_292 = arith.constant 0 : index
          %get3A_293 = tpu.vector_load %arg12[%get3A_291, %get3A_292] {strides = array<i32>} : memref<80x128xf32, #tpu.memory_space<vmem>>, vector<16xf32>,
          %add3A_294 = arith.addf %get3A_290, %get3A_293 : vector<16xf32>
          %mul3A_295 = arith.mulf %add3A_294, %gather3A : vector<16xf32>
          %add3A_296 = arith.addi %mul3A_216, %add3A_283 : i32
          %swap3A = arith.index_cast %add3A_296 : i32 to index
          %swap3A_297 = arith.constant 0 : index
          %swap3A_298 = tpu.vector_load %arg11[%swap3A, %swap3A_297] {strides = array<i32>} : memref<160x128xf32, #tpu.memory_space<vmem>>, vector<16xf32>,
          tpu.vector_store %arg11[%swap3A, %swap3A_297], %mul3A_295 {strides = array<i32>} : memref<160x128xf32, #tpu.memory_space<vmem>>, vector<16xf32>,
          %add3A_299 = arith.addi %mul3A_216, %add3A_283 : i32
          %get3A_300 = arith.index_cast %add3A_299 : i32 to index
          %get3A_301 = arith.constant 16 : index
          %get3A_302 = tpu.vector_load %arg11[%get3A_300, %get3A_301] {strides = array<i32>} : memref<160x128xf32, #tpu.memory_space<vmem>>, vector<16xf32>,
          %get3A_303 = arith.index_cast %add3A_283 : i32 to index
          %get3A_304 = arith.constant 16 : index
          %get3A_305 = tpu.vector_load %arg12[%get3A_303, %get3A_304] {strides = array<i32>} : memref<80x128xf32, #tpu.memory_space<vmem>>, vector<16xf32>,
          %add3A_306 = arith.addf %get3A_302, %get3A_305 : vector<16xf32>
          %mul3A_307 = arith.mulf %add3A_306, %gather3A : vector<16xf32>
          %add3A_308 = arith.addi %mul3A_216, %add3A_283 : i32
          %swap3A_309 = arith.index_cast %add3A_308 : i32 to index
          %swap3A_310 = arith.constant 16 : index
          %swap3A_311 = tpu.vector_load %arg11[%swap3A_309, %swap3A_310] {strides = array<i32>} : memref<160x128xf32, #tpu.memory_space<vmem>>, vector<16xf32>,
          tpu.vector_store %arg11[%swap3A_309, %swap3A_310], %mul3A_307 {strides = array<i32>} : memref<160x128xf32, #tpu.memory_space<vmem>>, vector<16xf32>,
          %add3A_312 = arith.addi %mul3A_216, %add3A_283 : i32
          %get3A_313 = arith.index_cast %add3A_312 : i32 to index
          %get3A_314 = arith.constant 32 : index
          %get3A_315 = tpu.vector_load %arg11[%get3A_313, %get3A_314] {strides = array<i32>} : memref<160x128xf32, #tpu.memory_space<vmem>>, vector<16xf32>,
          %get3A_316 = arith.index_cast %add3A_283 : i32 to index
          %get3A_317 = arith.constant 32 : index
          %get3A_318 = tpu.vector_load %arg12[%get3A_316, %get3A_317] {strides = array<i32>} : memref<80x128xf32, #tpu.memory_space<vmem>>, vector<16xf32>,
          %add3A_319 = arith.addf %get3A_315, %get3A_318 : vector<16xf32>
          %mul3A_320 = arith.mulf %add3A_319, %gather3A : vector<16xf32>
          %add3A_321 = arith.addi %mul3A_216, %add3A_283 : i32
          %swap3A_322 = arith.index_cast %add3A_321 : i32 to index
          %swap3A_323 = arith.constant 32 : index
          %swap3A_324 = tpu.vector_load %arg11[%swap3A_322, %swap3A_323] {strides = array<i32>} : memref<160x128xf32, #tpu.memory_space<vmem>>, vector<16xf32>,
          tpu.vector_store %arg11[%swap3A_322, %swap3A_323], %mul3A_320 {strides = array<i32>} : memref<160x128xf32, #tpu.memory_space<vmem>>, vector<16xf32>,
          %add3A_325 = arith.addi %mul3A_216, %add3A_283 : i32
          %get3A_326 = arith.index_cast %add3A_325 : i32 to index
          %get3A_327 = arith.constant 48 : index
          %get3A_328 = tpu.vector_load %arg11[%get3A_326, %get3A_327] {strides = array<i32>} : memref<160x128xf32, #tpu.memory_space<vmem>>, vector<16xf32>,
          %get3A_329 = arith.index_cast %add3A_283 : i32 to index
          %get3A_330 = arith.constant 48 : index
          %get3A_331 = tpu.vector_load %arg12[%get3A_329, %get3A_330] {strides = array<i32>} : memref<80x128xf32, #tpu.memory_space<vmem>>, vector<16xf32>,
          %add3A_332 = arith.addf %get3A_328, %get3A_331 : vector<16xf32>
          %mul3A_333 = arith.mulf %add3A_332, %gather3A : vector<16xf32>
          %add3A_334 = arith.addi %mul3A_216, %add3A_283 : i32
          %swap3A_335 = arith.index_cast %add3A_334 : i32 to index
          %swap3A_336 = arith.constant 48 : index
          %swap3A_337 = tpu.vector_load %arg11[%swap3A_335, %swap3A_336] {strides = array<i32>} : memref<160x128xf32, #tpu.memory_space<vmem>>, vector<16xf32>,
          tpu.vector_store %arg11[%swap3A_335, %swap3A_336], %mul3A_333 {strides = array<i32>} : memref<160x128xf32, #tpu.memory_space<vmem>>, vector<16xf32>,
          %add3A_338 = arith.addi %mul3A_216, %add3A_283 : i32
          %get3A_339 = arith.index_cast %add3A_338 : i32 to index
          %get3A_340 = arith.constant 64 : index
          %get3A_341 = tpu.vector_load %arg11[%get3A_339, %get3A_340] {strides = array<i32>} : memref<160x128xf32, #tpu.memory_space<vmem>>, vector<16xf32>,
          %get3A_342 = arith.index_cast %add3A_283 : i32 to index
          %get3A_343 = arith.constant 64 : index
          %get3A_344 = tpu.vector_load %arg12[%get3A_342, %get3A_343] {strides = array<i32>} : memref<80x128xf32, #tpu.memory_space<vmem>>, vector<16xf32>,
          %add3A_345 = arith.addf %get3A_341, %get3A_344 : vector<16xf32>
          %mul3A_346 = arith.mulf %add3A_345, %gather3A : vector<16xf32>
          %add3A_347 = arith.addi %mul3A_216, %add3A_283 : i32
          %swap3A_348 = arith.index_cast %add3A_347 : i32 to index
          %swap3A_349 = arith.constant 64 : index
          %swap3A_350 = tpu.vector_load %arg11[%swap3A_348, %swap3A_349] {strides = array<i32>} : memref<160x128xf32, #tpu.memory_space<vmem>>, vector<16xf32>,
          tpu.vector_store %arg11[%swap3A_348, %swap3A_349], %mul3A_346 {strides = array<i32>} : memref<160x128xf32, #tpu.memory_space<vmem>>, vector<16xf32>,
          %add3A_351 = arith.addi %mul3A_216, %add3A_283 : i32
          %get3A_352 = arith.index_cast %add3A_351 : i32 to index
          %get3A_353 = arith.constant 80 : index
          %get3A_354 = tpu.vector_load %arg11[%get3A_352, %get3A_353] {strides = array<i32>} : memref<160x128xf32, #tpu.memory_space<vmem>>, vector<16xf32>,
          %get3A_355 = arith.index_cast %add3A_283 : i32 to index
          %get3A_356 = arith.constant 80 : index
          %get3A_357 = tpu.vector_load %arg12[%get3A_355, %get3A_356] {strides = array<i32>} : memref<80x128xf32, #tpu.memory_space<vmem>>, vector<16xf32>,
          %add3A_358 = arith.addf %get3A_354, %get3A_357 : vector<16xf32>
          %mul3A_359 = arith.mulf %add3A_358, %gather3A : vector<16xf32>
          %add3A_360 = arith.addi %mul3A_216, %add3A_283 : i32
          %swap3A_361 = arith.index_cast %add3A_360 : i32 to index
          %swap3A_362 = arith.constant 80 : index
          %swap3A_363 = tpu.vector_load %arg11[%swap3A_361, %swap3A_362] {strides = array<i32>} : memref<160x128xf32, #tpu.memory_space<vmem>>, vector<16xf32>,
          tpu.vector_store %arg11[%swap3A_361, %swap3A_362], %mul3A_359 {strides = array<i32>} : memref<160x128xf32, #tpu.memory_space<vmem>>, vector<16xf32>,
          %add3A_364 = arith.addi %mul3A_216, %add3A_283 : i32
          %get3A_365 = arith.index_cast %add3A_364 : i32 to index
          %get3A_366 = arith.constant 96 : index
          %get3A_367 = tpu.vector_load %arg11[%get3A_365, %get3A_366] {strides = array<i32>} : memref<160x128xf32, #tpu.memory_space<vmem>>, vector<16xf32>,
          %get3A_368 = arith.index_cast %add3A_283 : i32 to index
          %get3A_369 = arith.constant 96 : index
          %get3A_370 = tpu.vector_load %arg12[%get3A_368, %get3A_369] {strides = array<i32>} : memref<80x128xf32, #tpu.memory_space<vmem>>, vector<16xf32>,
          %add3A_371 = arith.addf %get3A_367, %get3A_370 : vector<16xf32>
          %mul3A_372 = arith.mulf %add3A_371, %gather3A : vector<16xf32>
          %add3A_373 = arith.addi %mul3A_216, %add3A_283 : i32
          %swap3A_374 = arith.index_cast %add3A_373 : i32 to index
          %swap3A_375 = arith.constant 96 : index
          %swap3A_376 = tpu.vector_load %arg11[%swap3A_374, %swap3A_375] {strides = array<i32>} : memref<160x128xf32, #tpu.memory_space<vmem>>, vector<16xf32>,
          tpu.vector_store %arg11[%swap3A_374, %swap3A_375], %mul3A_372 {strides = array<i32>} : memref<160x128xf32, #tpu.memory_space<vmem>>, vector<16xf32>,
          %add3A_377 = arith.addi %mul3A_216, %add3A_283 : i32
          %get3A_378 = arith.index_cast %add3A_377 : i32 to index
          %get3A_379 = arith.constant 112 : index
          %get3A_380 = tpu.vector_load %arg11[%get3A_378, %get3A_379] {strides = array<i32>} : memref<160x128xf32, #tpu.memory_space<vmem>>, vector<16xf32>,
          %get3A_381 = arith.index_cast %add3A_283 : i32 to index
          %get3A_382 = arith.constant 112 : index
          %get3A_383 = tpu.vector_load %arg12[%get3A_381, %get3A_382] {strides = array<i32>} : memref<80x128xf32, #tpu.memory_space<vmem>>, vector<16xf32>,
          %add3A_384 = arith.addf %get3A_380, %get3A_383 : vector<16xf32>
          %mul3A_385 = arith.mulf %add3A_384, %gather3A : vector<16xf32>
          %add3A_386 = arith.addi %mul3A_216, %add3A_283 : i32
          %swap3A_387 = arith.index_cast %add3A_386 : i32 to index
          %swap3A_388 = arith.constant 112 : index
          %swap3A_389 = tpu.vector_load %arg11[%swap3A_387, %swap3A_388] {strides = array<i32>} : memref<160x128xf32, #tpu.memory_space<vmem>>, vector<16xf32>,
          tpu.vector_store %arg11[%swap3A_387, %swap3A_388], %mul3A_385 {strides = array<i32>} : memref<160x128xf32, #tpu.memory_space<vmem>>, vector<16xf32>,
        }
        %scan3A_260 = arith.constant 80 : i32
        %mul3A_261 = arith.constant 25 : i32
        %mul3A_262 = arith.muli %add3A_169, %mul3A_261 : i32
        %add3A_263 = arith.addi %mul3A_262, %add3A_213 : i32
        %add3A_264 = arith.constant 1 : i32
        %add3A_265 = arith.addi %add3A_263, %add3A_264 : i32
        %lt3A_266 = arith.constant 125 : i32
        %lt3A_267 = arith.cmpi slt, %add3A_265, %lt3A_266 : i32
        %convert_element_type3A_268 = arith.extui %lt3A_267 : i1 to i32
        %cond3A_269 = arith.constant 0 : i32
        %cond3A_270 = arith.cmpi ne, %convert_element_type3A_268, %cond3A_269 : i32
        scf.if %cond3A_270 {
          %add3A_279 = arith.constant 1 : i32
          %add3A_280 = arith.addi %add3A_213, %add3A_279 : i32
          %mul3A_281 = arith.constant 80 : i32
          %mul3A_282 = arith.muli %add3A_280, %mul3A_281 : i32
          %add3A_283 = arith.addi %add3A_172, %mul3A_282 : i32
          %dma_start3A_284 = arith.constant 0 : i32
          %dma_start3A_285 = tpu.memref_slice %arg8[%add3A_283, %dma_start3A_284] : memref<320000x128xf32, #tpu.memory_space<hbm>> -> memref<80x128xf32, #tpu.memory_space<hbm>>
          %dma_start3A_286 = arith.constant 0 : i32
          %dma_start3A_287 = tpu.memref_slice %arg8[%add3A_283, %dma_start3A_286] : memref<320000x128xf32, #tpu.memory_space<hbm>> -> memref<80x128xf32, #tpu.memory_space<hbm>>
          tpu.enqueue_dma source(%dma_start3A_287 : memref<80x128xf32, #tpu.memory_space<hbm>>) target(%arg12 : memref<80x128xf32, #tpu.memory_space<vmem>>) target_semaphore(%arg24 : memref<!tpu.dma_semaphore, #tpu.memory_space<semaphore_mem>>)
        } else {
        }
        %dma_start3A_271 = arith.constant 0 : i32
        %dma_start3A_272 = tpu.memref_slice %arg11[%mul3A_216, %dma_start3A_271] : memref<160x128xf32, #tpu.memory_space<vmem>> -> memref<80x128xf32, #tpu.memory_space<vmem>>
        %dma_start3A_273 = arith.constant 0 : i32
        %dma_start3A_274 = tpu.memref_slice %arg14[%add3A_213, %dma_start3A_273] : memref<25x80xi32, #tpu.memory_space<vmem>> -> memref<1x80xi32, #tpu.memory_space<vmem>>
        %dma_start3A_275 = tpu.memref_squeeze %dma_start3A_274 : memref<1x80xi32, #tpu.memory_space<vmem>> -> memref<80xi32, #tpu.memory_space<vmem>>
        %dma_start3A_276 = arith.constant 0 : i32
        %dma_start3A_277 = arith.constant 0 : i32
        %dma_start3A_278 = tpu.memref_slice %arg20[%dma_start3A_276, %dma_start3A_277] : memref<10000x128xf32, #tpu.memory_space<vmem_shared>> -> memref<10000x128xf32, #tpu.memory_space<vmem_shared>>
        tpu.enqueue_indirect_dma source(%dma_start3A_272 : memref<80x128xf32, #tpu.memory_space<vmem>>) target(%dma_start3A_278 : memref<10000x128xf32, #tpu.memory_space<vmem_shared>>) offsets(%dma_start3A_275 : memref<80xi32, #tpu.memory_space<vmem>>) semaphore(%arg25 : memref<!tpu.dma_semaphore, #tpu.memory_space<semaphore_mem>>) {add = true}
      }
      %scan3A_199 = arith.constant 25 : i32
      %dma_wait3A = arith.constant 24 : i32
      %dma_wait3A_200 = arith.constant 0 : i32
      %dma_wait3A_201 = arith.constant 0 : i32
      %dma_wait3A_202 = tpu.memref_slice %arg11[%dma_wait3A_200, %dma_wait3A_201] : memref<160x128xf32, #tpu.memory_space<vmem>> -> memref<80x128xf32, #tpu.memory_space<vmem>>
      %dma_wait3A_203 = arith.constant 0 : i32
      %dma_wait3A_204 = tpu.memref_slice %arg14[%dma_wait3A, %dma_wait3A_203] : memref<25x80xi32, #tpu.memory_space<vmem>> -> memref<1x80xi32, #tpu.memory_space<vmem>>
      %dma_wait3A_205 = tpu.memref_squeeze %dma_wait3A_204 : memref<1x80xi32, #tpu.memory_space<vmem>> -> memref<80xi32, #tpu.memory_space<vmem>>
      %dma_wait3A_206 = arith.constant 0 : i32
      %dma_wait3A_207 = arith.constant 0 : i32
      %dma_wait3A_208 = tpu.memref_slice %arg20[%dma_wait3A_206, %dma_wait3A_207] : memref<10000x128xf32, #tpu.memory_space<vmem_shared>> -> memref<10000x128xf32, #tpu.memory_space<vmem_shared>>
      tpu.wait_indirect_dma semaphore(%arg25 : memref<!tpu.dma_semaphore, #tpu.memory_space<semaphore_mem>>) src(%dma_wait3A_202 : memref<80x128xf32, #tpu.memory_space<vmem>>) dst(%dma_wait3A_208 : memref<10000x128xf32, #tpu.memory_space<vmem_shared>>)
    }
    %scan3A_89 = arith.constant 5 : i32
    %barrier3A_90 = arith.constant 0 : index
    tpu.barrier barrier_id(%barrier3A_90)
    %mul3A_91 = arith.constant 640 : i32
    %mul3A_92 = arith.muli %arg1, %mul3A_91 : i32
    %add3A_93 = arith.constant 0 : i32
    %add3A_94 = arith.addi %mul3A_92, %add3A_93 : i32
    %lt3A_95 = arith.constant 10000 : i32
    %lt3A_96 = arith.cmpi slt, %add3A_94, %lt3A_95 : i32
    %convert_element_type3A_97 = arith.extui %lt3A_96 : i1 to i32
    %cond3A_98 = arith.constant 0 : i32
    %cond3A_99 = arith.cmpi ne, %convert_element_type3A_97, %cond3A_98 : i32
    scf.if %cond3A_99 {
      "tpu.region"() ({
        %run_scoped3A = tpu.sem_alloc : memref<!tpu.dma_semaphore, #tpu.memory_space<semaphore_mem>>
        %dma_start3A_165 = arith.constant 0 : i32
        %dma_start3A_166 = tpu.memref_slice %arg9[%arg0, %add3A_94, %dma_start3A_165] : memref<2x10000x128xf32, #tpu.memory_space<hbm>> -> memref<1x80x128xf32, #tpu.memory_space<hbm>>
        %dma_start3A_167 = tpu.memref_squeeze %dma_start3A_166 : memref<1x80x128xf32, #tpu.memory_space<hbm>> -> memref<80x128xf32, #tpu.memory_space<hbm>>
        %dma_start3A_168 = arith.constant 0 : i32
        %dma_start3A_169 = tpu.memref_slice %arg20[%add3A_94, %dma_start3A_168] : memref<10000x128xf32, #tpu.memory_space<vmem_shared>> -> memref<80x128xf32, #tpu.memory_space<vmem_shared>>
        tpu.enqueue_dma source(%dma_start3A_169 : memref<80x128xf32, #tpu.memory_space<vmem_shared>>) target(%dma_start3A_167 : memref<80x128xf32, #tpu.memory_space<hbm>>) target_semaphore(%run_scoped3A : memref<!tpu.dma_semaphore, #tpu.memory_space<semaphore_mem>>)
        %dma_wait3A = arith.constant 0 : i32
        %dma_wait3A_170 = tpu.memref_slice %arg9[%arg0, %add3A_94, %dma_wait3A] : memref<2x10000x128xf32, #tpu.memory_space<hbm>> -> memref<1x80x128xf32, #tpu.memory_space<hbm>>
        %dma_wait3A_171 = tpu.memref_squeeze %dma_wait3A_170 : memref<1x80x128xf32, #tpu.memory_space<hbm>> -> memref<80x128xf32, #tpu.memory_space<hbm>>
        %dma_wait3A_172 = arith.constant 0 : i32
        %dma_wait3A_173 = tpu.memref_slice %arg20[%add3A_94, %dma_wait3A_172] : memref<10000x128xf32, #tpu.memory_space<vmem_shared>> -> memref<80x128xf32, #tpu.memory_space<vmem_shared>>
        tpu.wait_dma2 semaphore(%run_scoped3A : memref<!tpu.dma_semaphore, #tpu.memory_space<semaphore_mem>>) src(%dma_wait3A_173 : memref<80x128xf32, #tpu.memory_space<vmem_shared>>) dst(%dma_wait3A_171 : memref<80x128xf32, #tpu.memory_space<hbm>>)
        tpu.yield
      }) : () -> ()
    } else {
    }
    %mul3A_100 = arith.constant 640 : i32
    %mul3A_101 = arith.muli %arg1, %mul3A_100 : i32
    %add3A_102 = arith.constant 80 : i32
    %add3A_103 = arith.addi %mul3A_101, %add3A_102 : i32
    %lt3A_104 = arith.constant 10000 : i32
    %lt3A_105 = arith.cmpi slt, %add3A_103, %lt3A_104 : i32
    %convert_element_type3A_106 = arith.extui %lt3A_105 : i1 to i32
    %cond3A_107 = arith.constant 0 : i32
    %cond3A_108 = arith.cmpi ne, %convert_element_type3A_106, %cond3A_107 : i32
    scf.if %cond3A_108 {
      "tpu.region"() ({
        %run_scoped3A = tpu.sem_alloc : memref<!tpu.dma_semaphore, #tpu.memory_space<semaphore_mem>>
        %dma_start3A_165 = arith.constant 0 : i32
        %dma_start3A_166 = tpu.memref_slice %arg9[%arg0, %add3A_103, %dma_start3A_165] : memref<2x10000x128xf32, #tpu.memory_space<hbm>> -> memref<1x80x128xf32, #tpu.memory_space<hbm>>
        %dma_start3A_167 = tpu.memref_squeeze %dma_start3A_166 : memref<1x80x128xf32, #tpu.memory_space<hbm>> -> memref<80x128xf32, #tpu.memory_space<hbm>>
        %dma_start3A_168 = arith.constant 0 : i32
        %dma_start3A_169 = tpu.memref_slice %arg20[%add3A_103, %dma_start3A_168] : memref<10000x128xf32, #tpu.memory_space<vmem_shared>> -> memref<80x128xf32, #tpu.memory_space<vmem_shared>>
        tpu.enqueue_dma source(%dma_start3A_169 : memref<80x128xf32, #tpu.memory_space<vmem_shared>>) target(%dma_start3A_167 : memref<80x128xf32, #tpu.memory_space<hbm>>) target_semaphore(%run_scoped3A : memref<!tpu.dma_semaphore, #tpu.memory_space<semaphore_mem>>)
        %dma_wait3A = arith.constant 0 : i32
        %dma_wait3A_170 = tpu.memref_slice %arg9[%arg0, %add3A_103, %dma_wait3A] : memref<2x10000x128xf32, #tpu.memory_space<hbm>> -> memref<1x80x128xf32, #tpu.memory_space<hbm>>
        %dma_wait3A_171 = tpu.memref_squeeze %dma_wait3A_170 : memref<1x80x128xf32, #tpu.memory_space<hbm>> -> memref<80x128xf32, #tpu.memory_space<hbm>>
        %dma_wait3A_172 = arith.constant 0 : i32
        %dma_wait3A_173 = tpu.memref_slice %arg20[%add3A_103, %dma_wait3A_172] : memref<10000x128xf32, #tpu.memory_space<vmem_shared>> -> memref<80x128xf32, #tpu.memory_space<vmem_shared>>
        tpu.wait_dma2 semaphore(%run_scoped3A : memref<!tpu.dma_semaphore, #tpu.memory_space<semaphore_mem>>) src(%dma_wait3A_173 : memref<80x128xf32, #tpu.memory_space<vmem_shared>>) dst(%dma_wait3A_171 : memref<80x128xf32, #tpu.memory_space<hbm>>)
        tpu.yield
      }) : () -> ()
    } else {
    }
    %mul3A_109 = arith.constant 640 : i32
    %mul3A_110 = arith.muli %arg1, %mul3A_109 : i32
    %add3A_111 = arith.constant 160 : i32
    %add3A_112 = arith.addi %mul3A_110, %add3A_111 : i32
    %lt3A_113 = arith.constant 10000 : i32
    %lt3A_114 = arith.cmpi slt, %add3A_112, %lt3A_113 : i32
    %convert_element_type3A_115 = arith.extui %lt3A_114 : i1 to i32
    %cond3A_116 = arith.constant 0 : i32
    %cond3A_117 = arith.cmpi ne, %convert_element_type3A_115, %cond3A_116 : i32
    scf.if %cond3A_117 {
      "tpu.region"() ({
        %run_scoped3A = tpu.sem_alloc : memref<!tpu.dma_semaphore, #tpu.memory_space<semaphore_mem>>
        %dma_start3A_165 = arith.constant 0 : i32
        %dma_start3A_166 = tpu.memref_slice %arg9[%arg0, %add3A_112, %dma_start3A_165] : memref<2x10000x128xf32, #tpu.memory_space<hbm>> -> memref<1x80x128xf32, #tpu.memory_space<hbm>>
        %dma_start3A_167 = tpu.memref_squeeze %dma_start3A_166 : memref<1x80x128xf32, #tpu.memory_space<hbm>> -> memref<80x128xf32, #tpu.memory_space<hbm>>
        %dma_start3A_168 = arith.constant 0 : i32
        %dma_start3A_169 = tpu.memref_slice %arg20[%add3A_112, %dma_start3A_168] : memref<10000x128xf32, #tpu.memory_space<vmem_shared>> -> memref<80x128xf32, #tpu.memory_space<vmem_shared>>
        tpu.enqueue_dma source(%dma_start3A_169 : memref<80x128xf32, #tpu.memory_space<vmem_shared>>) target(%dma_start3A_167 : memref<80x128xf32, #tpu.memory_space<hbm>>) target_semaphore(%run_scoped3A : memref<!tpu.dma_semaphore, #tpu.memory_space<semaphore_mem>>)
        %dma_wait3A = arith.constant 0 : i32
        %dma_wait3A_170 = tpu.memref_slice %arg9[%arg0, %add3A_112, %dma_wait3A] : memref<2x10000x128xf32, #tpu.memory_space<hbm>> -> memref<1x80x128xf32, #tpu.memory_space<hbm>>
        %dma_wait3A_171 = tpu.memref_squeeze %dma_wait3A_170 : memref<1x80x128xf32, #tpu.memory_space<hbm>> -> memref<80x128xf32, #tpu.memory_space<hbm>>
        %dma_wait3A_172 = arith.constant 0 : i32
        %dma_wait3A_173 = tpu.memref_slice %arg20[%add3A_112, %dma_wait3A_172] : memref<10000x128xf32, #tpu.memory_space<vmem_shared>> -> memref<80x128xf32, #tpu.memory_space<vmem_shared>>
        tpu.wait_dma2 semaphore(%run_scoped3A : memref<!tpu.dma_semaphore, #tpu.memory_space<semaphore_mem>>) src(%dma_wait3A_173 : memref<80x128xf32, #tpu.memory_space<vmem_shared>>) dst(%dma_wait3A_171 : memref<80x128xf32, #tpu.memory_space<hbm>>)
        tpu.yield
      }) : () -> ()
    } else {
    }
    %mul3A_118 = arith.constant 640 : i32
    %mul3A_119 = arith.muli %arg1, %mul3A_118 : i32
    %add3A_120 = arith.constant 240 : i32
    %add3A_121 = arith.addi %mul3A_119, %add3A_120 : i32
    %lt3A_122 = arith.constant 10000 : i32
    %lt3A_123 = arith.cmpi slt, %add3A_121, %lt3A_122 : i32
    %convert_element_type3A_124 = arith.extui %lt3A_123 : i1 to i32
    %cond3A_125 = arith.constant 0 : i32
    %cond3A_126 = arith.cmpi ne, %convert_element_type3A_124, %cond3A_125 : i32
    scf.if %cond3A_126 {
      "tpu.region"() ({
        %run_scoped3A = tpu.sem_alloc : memref<!tpu.dma_semaphore, #tpu.memory_space<semaphore_mem>>
        %dma_start3A_165 = arith.constant 0 : i32
        %dma_start3A_166 = tpu.memref_slice %arg9[%arg0, %add3A_121, %dma_start3A_165] : memref<2x10000x128xf32, #tpu.memory_space<hbm>> -> memref<1x80x128xf32, #tpu.memory_space<hbm>>
        %dma_start3A_167 = tpu.memref_squeeze %dma_start3A_166 : memref<1x80x128xf32, #tpu.memory_space<hbm>> -> memref<80x128xf32, #tpu.memory_space<hbm>>
        %dma_start3A_168 = arith.constant 0 : i32
        %dma_start3A_169 = tpu.memref_slice %arg20[%add3A_121, %dma_start3A_168] : memref<10000x128xf32, #tpu.memory_space<vmem_shared>> -> memref<80x128xf32, #tpu.memory_space<vmem_shared>>
        tpu.enqueue_dma source(%dma_start3A_169 : memref<80x128xf32, #tpu.memory_space<vmem_shared>>) target(%dma_start3A_167 : memref<80x128xf32, #tpu.memory_space<hbm>>) target_semaphore(%run_scoped3A : memref<!tpu.dma_semaphore, #tpu.memory_space<semaphore_mem>>)
        %dma_wait3A = arith.constant 0 : i32
        %dma_wait3A_170 = tpu.memref_slice %arg9[%arg0, %add3A_121, %dma_wait3A] : memref<2x10000x128xf32, #tpu.memory_space<hbm>> -> memref<1x80x128xf32, #tpu.memory_space<hbm>>
        %dma_wait3A_171 = tpu.memref_squeeze %dma_wait3A_170 : memref<1x80x128xf32, #tpu.memory_space<hbm>> -> memref<80x128xf32, #tpu.memory_space<hbm>>
        %dma_wait3A_172 = arith.constant 0 : i32
        %dma_wait3A_173 = tpu.memref_slice %arg20[%add3A_121, %dma_wait3A_172] : memref<10000x128xf32, #tpu.memory_space<vmem_shared>> -> memref<80x128xf32, #tpu.memory_space<vmem_shared>>
        tpu.wait_dma2 semaphore(%run_scoped3A : memref<!tpu.dma_semaphore, #tpu.memory_space<semaphore_mem>>) src(%dma_wait3A_173 : memref<80x128xf32, #tpu.memory_space<vmem_shared>>) dst(%dma_wait3A_171 : memref<80x128xf32, #tpu.memory_space<hbm>>)
        tpu.yield
      }) : () -> ()
    } else {
    }
    %mul3A_127 = arith.constant 640 : i32
    %mul3A_128 = arith.muli %arg1, %mul3A_127 : i32
    %add3A_129 = arith.constant 320 : i32
    %add3A_130 = arith.addi %mul3A_128, %add3A_129 : i32
    %lt3A_131 = arith.constant 10000 : i32
    %lt3A_132 = arith.cmpi slt, %add3A_130, %lt3A_131 : i32
    %convert_element_type3A_133 = arith.extui %lt3A_132 : i1 to i32
    %cond3A_134 = arith.constant 0 : i32
    %cond3A_135 = arith.cmpi ne, %convert_element_type3A_133, %cond3A_134 : i32
    scf.if %cond3A_135 {
      "tpu.region"() ({
        %run_scoped3A = tpu.sem_alloc : memref<!tpu.dma_semaphore, #tpu.memory_space<semaphore_mem>>
        %dma_start3A_165 = arith.constant 0 : i32
        %dma_start3A_166 = tpu.memref_slice %arg9[%arg0, %add3A_130, %dma_start3A_165] : memref<2x10000x128xf32, #tpu.memory_space<hbm>> -> memref<1x80x128xf32, #tpu.memory_space<hbm>>
        %dma_start3A_167 = tpu.memref_squeeze %dma_start3A_166 : memref<1x80x128xf32, #tpu.memory_space<hbm>> -> memref<80x128xf32, #tpu.memory_space<hbm>>
        %dma_start3A_168 = arith.constant 0 : i32
        %dma_start3A_169 = tpu.memref_slice %arg20[%add3A_130, %dma_start3A_168] : memref<10000x128xf32, #tpu.memory_space<vmem_shared>> -> memref<80x128xf32, #tpu.memory_space<vmem_shared>>
        tpu.enqueue_dma source(%dma_start3A_169 : memref<80x128xf32, #tpu.memory_space<vmem_shared>>) target(%dma_start3A_167 : memref<80x128xf32, #tpu.memory_space<hbm>>) target_semaphore(%run_scoped3A : memref<!tpu.dma_semaphore, #tpu.memory_space<semaphore_mem>>)
        %dma_wait3A = arith.constant 0 : i32
        %dma_wait3A_170 = tpu.memref_slice %arg9[%arg0, %add3A_130, %dma_wait3A] : memref<2x10000x128xf32, #tpu.memory_space<hbm>> -> memref<1x80x128xf32, #tpu.memory_space<hbm>>
        %dma_wait3A_171 = tpu.memref_squeeze %dma_wait3A_170 : memref<1x80x128xf32, #tpu.memory_space<hbm>> -> memref<80x128xf32, #tpu.memory_space<hbm>>
        %dma_wait3A_172 = arith.constant 0 : i32
        %dma_wait3A_173 = tpu.memref_slice %arg20[%add3A_130, %dma_wait3A_172] : memref<10000x128xf32, #tpu.memory_space<vmem_shared>> -> memref<80x128xf32, #tpu.memory_space<vmem_shared>>
        tpu.wait_dma2 semaphore(%run_scoped3A : memref<!tpu.dma_semaphore, #tpu.memory_space<semaphore_mem>>) src(%dma_wait3A_173 : memref<80x128xf32, #tpu.memory_space<vmem_shared>>) dst(%dma_wait3A_171 : memref<80x128xf32, #tpu.memory_space<hbm>>)
        tpu.yield
      }) : () -> ()
    } else {
    }
    %mul3A_136 = arith.constant 640 : i32
    %mul3A_137 = arith.muli %arg1, %mul3A_136 : i32
    %add3A_138 = arith.constant 400 : i32
    %add3A_139 = arith.addi %mul3A_137, %add3A_138 : i32
    %lt3A_140 = arith.constant 10000 : i32
    %lt3A_141 = arith.cmpi slt, %add3A_139, %lt3A_140 : i32
    %convert_element_type3A_142 = arith.extui %lt3A_141 : i1 to i32
    %cond3A_143 = arith.constant 0 : i32
    %cond3A_144 = arith.cmpi ne, %convert_element_type3A_142, %cond3A_143 : i32
    scf.if %cond3A_144 {
      "tpu.region"() ({
        %run_scoped3A = tpu.sem_alloc : memref<!tpu.dma_semaphore, #tpu.memory_space<semaphore_mem>>
        %dma_start3A_165 = arith.constant 0 : i32
        %dma_start3A_166 = tpu.memref_slice %arg9[%arg0, %add3A_139, %dma_start3A_165] : memref<2x10000x128xf32, #tpu.memory_space<hbm>> -> memref<1x80x128xf32, #tpu.memory_space<hbm>>
        %dma_start3A_167 = tpu.memref_squeeze %dma_start3A_166 : memref<1x80x128xf32, #tpu.memory_space<hbm>> -> memref<80x128xf32, #tpu.memory_space<hbm>>
        %dma_start3A_168 = arith.constant 0 : i32
        %dma_start3A_169 = tpu.memref_slice %arg20[%add3A_139, %dma_start3A_168] : memref<10000x128xf32, #tpu.memory_space<vmem_shared>> -> memref<80x128xf32, #tpu.memory_space<vmem_shared>>
        tpu.enqueue_dma source(%dma_start3A_169 : memref<80x128xf32, #tpu.memory_space<vmem_shared>>) target(%dma_start3A_167 : memref<80x128xf32, #tpu.memory_space<hbm>>) target_semaphore(%run_scoped3A : memref<!tpu.dma_semaphore, #tpu.memory_space<semaphore_mem>>)
        %dma_wait3A = arith.constant 0 : i32
        %dma_wait3A_170 = tpu.memref_slice %arg9[%arg0, %add3A_139, %dma_wait3A] : memref<2x10000x128xf32, #tpu.memory_space<hbm>> -> memref<1x80x128xf32, #tpu.memory_space<hbm>>
        %dma_wait3A_171 = tpu.memref_squeeze %dma_wait3A_170 : memref<1x80x128xf32, #tpu.memory_space<hbm>> -> memref<80x128xf32, #tpu.memory_space<hbm>>
        %dma_wait3A_172 = arith.constant 0 : i32
        %dma_wait3A_173 = tpu.memref_slice %arg20[%add3A_139, %dma_wait3A_172] : memref<10000x128xf32, #tpu.memory_space<vmem_shared>> -> memref<80x128xf32, #tpu.memory_space<vmem_shared>>
        tpu.wait_dma2 semaphore(%run_scoped3A : memref<!tpu.dma_semaphore, #tpu.memory_space<semaphore_mem>>) src(%dma_wait3A_173 : memref<80x128xf32, #tpu.memory_space<vmem_shared>>) dst(%dma_wait3A_171 : memref<80x128xf32, #tpu.memory_space<hbm>>)
        tpu.yield
      }) : () -> ()
    } else {
    }
    %mul3A_145 = arith.constant 640 : i32
    %mul3A_146 = arith.muli %arg1, %mul3A_145 : i32
    %add3A_147 = arith.constant 480 : i32
    %add3A_148 = arith.addi %mul3A_146, %add3A_147 : i32
    %lt3A_149 = arith.constant 10000 : i32
    %lt3A_150 = arith.cmpi slt, %add3A_148, %lt3A_149 : i32
    %convert_element_type3A_151 = arith.extui %lt3A_150 : i1 to i32
    %cond3A_152 = arith.constant 0 : i32
    %cond3A_153 = arith.cmpi ne, %convert_element_type3A_151, %cond3A_152 : i32
    scf.if %cond3A_153 {
      "tpu.region"() ({
        %run_scoped3A = tpu.sem_alloc : memref<!tpu.dma_semaphore, #tpu.memory_space<semaphore_mem>>
        %dma_start3A_165 = arith.constant 0 : i32
        %dma_start3A_166 = tpu.memref_slice %arg9[%arg0, %add3A_148, %dma_start3A_165] : memref<2x10000x128xf32, #tpu.memory_space<hbm>> -> memref<1x80x128xf32, #tpu.memory_space<hbm>>
        %dma_start3A_167 = tpu.memref_squeeze %dma_start3A_166 : memref<1x80x128xf32, #tpu.memory_space<hbm>> -> memref<80x128xf32, #tpu.memory_space<hbm>>
        %dma_start3A_168 = arith.constant 0 : i32
        %dma_start3A_169 = tpu.memref_slice %arg20[%add3A_148, %dma_start3A_168] : memref<10000x128xf32, #tpu.memory_space<vmem_shared>> -> memref<80x128xf32, #tpu.memory_space<vmem_shared>>
        tpu.enqueue_dma source(%dma_start3A_169 : memref<80x128xf32, #tpu.memory_space<vmem_shared>>) target(%dma_start3A_167 : memref<80x128xf32, #tpu.memory_space<hbm>>) target_semaphore(%run_scoped3A : memref<!tpu.dma_semaphore, #tpu.memory_space<semaphore_mem>>)
        %dma_wait3A = arith.constant 0 : i32
        %dma_wait3A_170 = tpu.memref_slice %arg9[%arg0, %add3A_148, %dma_wait3A] : memref<2x10000x128xf32, #tpu.memory_space<hbm>> -> memref<1x80x128xf32, #tpu.memory_space<hbm>>
        %dma_wait3A_171 = tpu.memref_squeeze %dma_wait3A_170 : memref<1x80x128xf32, #tpu.memory_space<hbm>> -> memref<80x128xf32, #tpu.memory_space<hbm>>
        %dma_wait3A_172 = arith.constant 0 : i32
        %dma_wait3A_173 = tpu.memref_slice %arg20[%add3A_148, %dma_wait3A_172] : memref<10000x128xf32, #tpu.memory_space<vmem_shared>> -> memref<80x128xf32, #tpu.memory_space<vmem_shared>>
        tpu.wait_dma2 semaphore(%run_scoped3A : memref<!tpu.dma_semaphore, #tpu.memory_space<semaphore_mem>>) src(%dma_wait3A_173 : memref<80x128xf32, #tpu.memory_space<vmem_shared>>) dst(%dma_wait3A_171 : memref<80x128xf32, #tpu.memory_space<hbm>>)
        tpu.yield
      }) : () -> ()
    } else {
    }
    %mul3A_154 = arith.constant 640 : i32
    %mul3A_155 = arith.muli %arg1, %mul3A_154 : i32
    %add3A_156 = arith.constant 560 : i32
    %add3A_157 = arith.addi %mul3A_155, %add3A_156 : i32
    %lt3A_158 = arith.constant 10000 : i32
    %lt3A_159 = arith.cmpi slt, %add3A_157, %lt3A_158 : i32
    %convert_element_type3A_160 = arith.extui %lt3A_159 : i1 to i32
    %cond3A_161 = arith.constant 0 : i32
    %cond3A_162 = arith.cmpi ne, %convert_element_type3A_160, %cond3A_161 : i32
    scf.if %cond3A_162 {
      "tpu.region"() ({
        %run_scoped3A = tpu.sem_alloc : memref<!tpu.dma_semaphore, #tpu.memory_space<semaphore_mem>>
        %dma_start3A_165 = arith.constant 0 : i32
        %dma_start3A_166 = tpu.memref_slice %arg9[%arg0, %add3A_157, %dma_start3A_165] : memref<2x10000x128xf32, #tpu.memory_space<hbm>> -> memref<1x80x128xf32, #tpu.memory_space<hbm>>
        %dma_start3A_167 = tpu.memref_squeeze %dma_start3A_166 : memref<1x80x128xf32, #tpu.memory_space<hbm>> -> memref<80x128xf32, #tpu.memory_space<hbm>>
        %dma_start3A_168 = arith.constant 0 : i32
        %dma_start3A_169 = tpu.memref_slice %arg20[%add3A_157, %dma_start3A_168] : memref<10000x128xf32, #tpu.memory_space<vmem_shared>> -> memref<80x128xf32, #tpu.memory_space<vmem_shared>>
        tpu.enqueue_dma source(%dma_start3A_169 : memref<80x128xf32, #tpu.memory_space<vmem_shared>>) target(%dma_start3A_167 : memref<80x128xf32, #tpu.memory_space<hbm>>) target_semaphore(%run_scoped3A : memref<!tpu.dma_semaphore, #tpu.memory_space<semaphore_mem>>)
        %dma_wait3A = arith.constant 0 : i32
        %dma_wait3A_170 = tpu.memref_slice %arg9[%arg0, %add3A_157, %dma_wait3A] : memref<2x10000x128xf32, #tpu.memory_space<hbm>> -> memref<1x80x128xf32, #tpu.memory_space<hbm>>
        %dma_wait3A_171 = tpu.memref_squeeze %dma_wait3A_170 : memref<1x80x128xf32, #tpu.memory_space<hbm>> -> memref<80x128xf32, #tpu.memory_space<hbm>>
        %dma_wait3A_172 = arith.constant 0 : i32
        %dma_wait3A_173 = tpu.memref_slice %arg20[%add3A_157, %dma_wait3A_172] : memref<10000x128xf32, #tpu.memory_space<vmem_shared>> -> memref<80x128xf32, #tpu.memory_space<vmem_shared>>
        tpu.wait_dma2 semaphore(%run_scoped3A : memref<!tpu.dma_semaphore, #tpu.memory_space<semaphore_mem>>) src(%dma_wait3A_173 : memref<80x128xf32, #tpu.memory_space<vmem_shared>>) dst(%dma_wait3A_171 : memref<80x128xf32, #tpu.memory_space<hbm>>)
        tpu.yield
      }) : () -> ()
    } else {
    }
    %mul3A_163 = arith.constant 10000 : i32
    %mul3A_164 = arith.muli %add3A, %mul3A_163 : i32
    "tpu.region"() ({
      %run_scoped3A = tpu.sem_alloc : memref<!tpu.dma_semaphore, #tpu.memory_space<semaphore_mem>>
      %dma_start3A_165 = tpu.memref_slice %arg10[%mul3A_164] : memref<320000xf32, #tpu.memory_space<hbm>> -> memref<10000xf32, #tpu.memory_space<hbm>>
      %dma_start3A_166 = tpu.memref_slice %arg10[%mul3A_164] : memref<320000xf32, #tpu.memory_space<hbm>> -> memref<10000xf32, #tpu.memory_space<hbm>>
      tpu.enqueue_dma source(%arg19 : memref<10000xf32, #tpu.memory_space<vmem>>) target(%dma_start3A_166 : memref<10000xf32, #tpu.memory_space<hbm>>) target_semaphore(%run_scoped3A : memref<!tpu.dma_semaphore, #tpu.memory_space<semaphore_mem>>)
      %dma_wait3A = tpu.memref_slice %arg10[%mul3A_164] : memref<320000xf32, #tpu.memory_space<hbm>> -> memref<10000xf32, #tpu.memory_space<hbm>>
      %dma_wait3A_167 = tpu.memref_slice %arg10[%mul3A_164] : memref<320000xf32, #tpu.memory_space<hbm>> -> memref<10000xf32, #tpu.memory_space<hbm>>
      tpu.wait_dma2 semaphore(%run_scoped3A : memref<!tpu.dma_semaphore, #tpu.memory_space<semaphore_mem>>) src(%arg19 : memref<10000xf32, #tpu.memory_space<vmem>>) dst(%dma_wait3A_167 : memref<10000xf32, #tpu.memory_space<hbm>>)
      tpu.yield
    }) : () -> ()
    return
  }
}

#map = affine_map<(d0, d1) -> (0, 0)>
#map1 = affine_map<(d0, d1) -> (0)>
#map2 = affine_map<(d0, d1) -> (0, 0, 0, 0)>
#map3 = affine_map<(d0, d1) -> (0, 0, 0)>
module attributes {stable_mosaic.version = 14 : i64} {
  func.func @_sc_edge_pass(%arg0: i32, %arg1: i32, %arg2: memref<10000x128xf32, #tpu.memory_space<hbm>>, %arg3: memref<10000xf32, #tpu.memory_space<hbm>>, %arg4: memref<10000xf32, #tpu.memory_space<hbm>>, %arg5: memref<320000xf32, #tpu.memory_space<hbm>>, %arg6: memref<320000xi32, #tpu.memory_space<hbm>>, %arg7: memref<32x5x25x80xi32, #tpu.memory_space<hbm>>, %arg8: memref<320000x128xf32, #tpu.memory_space<hbm>>, %arg9: memref<2x10000x128xf32, #tpu.memory_space<hbm>>, %arg10: memref<320000xf32, #tpu.memory_space<hbm>>, %arg11: memref<160x128xf32, #tpu.memory_space<vmem>>, %arg12: memref<80x128xf32, #tpu.memory_space<vmem>>, %arg13: memref<2000xi32, #tpu.memory_space<vmem>>, %arg14: memref<25x80xi32, #tpu.memory_space<vmem>>, %arg15: memref<2000xf32, #tpu.memory_space<vmem>>, %arg16: memref<160xf32, #tpu.memory_space<vmem>>, %arg17: memref<160xf32, #tpu.memory_space<vmem>>, %arg18: memref<80xf32, #tpu.memory_space<vmem>>, %arg19: memref<10000xf32, #tpu.memory_space<vmem>>, %arg20: memref<10000x128xf32, #tpu.memory_space<vmem_shared>>, %arg21: memref<!tpu.dma_semaphore, #tpu.memory_space<semaphore_mem>>, %arg22: memref<!tpu.dma_semaphore, #tpu.memory_space<semaphore_mem>>, %arg23: memref<!tpu.dma_semaphore, #tpu.memory_space<semaphore_mem>>, %arg24: memref<!tpu.dma_semaphore, #tpu.memory_space<semaphore_mem>>, %arg25: memref<!tpu.dma_semaphore, #tpu.memory_space<semaphore_mem>>) attributes {dimension_semantics = [#tpu.dimension_semantics<core_parallel>, #tpu.dimension_semantics<subcore_parallel>], iteration_bounds = array<i64: 2, 16>, scalar_prefetch = 0 : i64, scratch_operands = 15 : i64, tpu.core_type = #tpu.core_type<sc_vector_subcore>, window_params = [{transform_indices = #map}, {transform_indices = #map1}, {transform_indices = #map1}, {transform_indices = #map1}, {transform_indices = #map1}, {transform_indices = #map2}, {transform_indices = #map}, {transform_indices = #map3}, {transform_indices = #map1}]} {
    %mul3A = arith.constant 16 : i32
    %mul3A_0 = arith.muli %arg0, %mul3A : i32
    %add3A = arith.addi %mul3A_0, %arg1 : i32
    %mul3A_1 = arith.constant 10000 : i32
    %mul3A_2 = arith.muli %add3A, %mul3A_1 : i32
    %broadcast_in_dim3A = arith.constant 0.000000e+00 : f32
    %broadcast_in_dim3A_3 = vector.broadcast %broadcast_in_dim3A : f32 to vector<16xf32>
    %scan3A = arith.constant 0 : i32
    %scan3A_4 = arith.constant 625 : i32
    %scan3A_5 = arith.addi %scan3A, %scan3A_4 : i32
    %scan3A_6 = arith.constant 1 : i32
    scf.for %scan3A_165 = %scan3A to %scan3A_5 step %scan3A_6  : i32 {
      %mul3A_166 = arith.constant 1 : i32
      %mul3A_167 = arith.muli %scan3A_165, %mul3A_166 : i32
      %add3A_168 = arith.constant 0 : i32
      %add3A_169 = arith.addi %add3A_168, %mul3A_167 : i32
      %mul3A_170 = arith.constant 16 : i32
      %mul3A_171 = arith.muli %add3A_169, %mul3A_170 : i32
      %swap3A = arith.index_cast %mul3A_171 : i32 to index
      %swap3A_172 = tpu.vector_load %arg19[%swap3A] {strides = array<i32>} : memref<10000xf32, #tpu.memory_space<vmem>>, vector<16xf32>,
      tpu.vector_store %arg19[%swap3A], %broadcast_in_dim3A_3 {strides = array<i32>} : memref<10000xf32, #tpu.memory_space<vmem>>, vector<16xf32>,
    }
    %scan3A_7 = arith.constant 625 : i32
    %scan3A_8 = arith.constant 0 : i32
    %scan3A_9 = arith.constant 80 : i32
    %scan3A_10 = arith.addi %scan3A_8, %scan3A_9 : i32
    %scan3A_11 = arith.constant 1 : i32
    scf.for %scan3A_165 = %scan3A_8 to %scan3A_10 step %scan3A_11  : i32 {
      %mul3A_166 = arith.constant 1 : i32
      %mul3A_167 = arith.muli %scan3A_165, %mul3A_166 : i32
      %add3A_168 = arith.constant 0 : i32
      %add3A_169 = arith.addi %add3A_168, %mul3A_167 : i32
      %swap3A = arith.index_cast %add3A_169 : i32 to index
      %swap3A_170 = arith.constant 0 : index
      %swap3A_171 = tpu.vector_load %arg11[%swap3A, %swap3A_170] {strides = array<i32>} : memref<160x128xf32, #tpu.memory_space<vmem>>, vector<16xf32>,
      tpu.vector_store %arg11[%swap3A, %swap3A_170], %broadcast_in_dim3A_3 {strides = array<i32>} : memref<160x128xf32, #tpu.memory_space<vmem>>, vector<16xf32>,
      %swap3A_172 = arith.index_cast %add3A_169 : i32 to index
      %swap3A_173 = arith.constant 16 : index
      %swap3A_174 = tpu.vector_load %arg11[%swap3A_172, %swap3A_173] {strides = array<i32>} : memref<160x128xf32, #tpu.memory_space<vmem>>, vector<16xf32>,
      tpu.vector_store %arg11[%swap3A_172, %swap3A_173], %broadcast_in_dim3A_3 {strides = array<i32>} : memref<160x128xf32, #tpu.memory_space<vmem>>, vector<16xf32>,
      %swap3A_175 = arith.index_cast %add3A_169 : i32 to index
      %swap3A_176 = arith.constant 32 : index
      %swap3A_177 = tpu.vector_load %arg11[%swap3A_175, %swap3A_176] {strides = array<i32>} : memref<160x128xf32, #tpu.memory_space<vmem>>, vector<16xf32>,
      tpu.vector_store %arg11[%swap3A_175, %swap3A_176], %broadcast_in_dim3A_3 {strides = array<i32>} : memref<160x128xf32, #tpu.memory_space<vmem>>, vector<16xf32>,
      %swap3A_178 = arith.index_cast %add3A_169 : i32 to index
      %swap3A_179 = arith.constant 48 : index
      %swap3A_180 = tpu.vector_load %arg11[%swap3A_178, %swap3A_179] {strides = array<i32>} : memref<160x128xf32, #tpu.memory_space<vmem>>, vector<16xf32>,
      tpu.vector_store %arg11[%swap3A_178, %swap3A_179], %broadcast_in_dim3A_3 {strides = array<i32>} : memref<160x128xf32, #tpu.memory_space<vmem>>, vector<16xf32>,
      %swap3A_181 = arith.index_cast %add3A_169 : i32 to index
      %swap3A_182 = arith.constant 64 : index
      %swap3A_183 = tpu.vector_load %arg11[%swap3A_181, %swap3A_182] {strides = array<i32>} : memref<160x128xf32, #tpu.memory_space<vmem>>, vector<16xf32>,
      tpu.vector_store %arg11[%swap3A_181, %swap3A_182], %broadcast_in_dim3A_3 {strides = array<i32>} : memref<160x128xf32, #tpu.memory_space<vmem>>, vector<16xf32>,
      %swap3A_184 = arith.index_cast %add3A_169 : i32 to index
      %swap3A_185 = arith.constant 80 : index
      %swap3A_186 = tpu.vector_load %arg11[%swap3A_184, %swap3A_185] {strides = array<i32>} : memref<160x128xf32, #tpu.memory_space<vmem>>, vector<16xf32>,
      tpu.vector_store %arg11[%swap3A_184, %swap3A_185], %broadcast_in_dim3A_3 {strides = array<i32>} : memref<160x128xf32, #tpu.memory_space<vmem>>, vector<16xf32>,
      %swap3A_187 = arith.index_cast %add3A_169 : i32 to index
      %swap3A_188 = arith.constant 96 : index
      %swap3A_189 = tpu.vector_load %arg11[%swap3A_187, %swap3A_188] {strides = array<i32>} : memref<160x128xf32, #tpu.memory_space<vmem>>, vector<16xf32>,
      tpu.vector_store %arg11[%swap3A_187, %swap3A_188], %broadcast_in_dim3A_3 {strides = array<i32>} : memref<160x128xf32, #tpu.memory_space<vmem>>, vector<16xf32>,
      %swap3A_190 = arith.index_cast %add3A_169 : i32 to index
      %swap3A_191 = arith.constant 112 : index
      %swap3A_192 = tpu.vector_load %arg11[%swap3A_190, %swap3A_191] {strides = array<i32>} : memref<160x128xf32, #tpu.memory_space<vmem>>, vector<16xf32>,
      tpu.vector_store %arg11[%swap3A_190, %swap3A_191], %broadcast_in_dim3A_3 {strides = array<i32>} : memref<160x128xf32, #tpu.memory_space<vmem>>, vector<16xf32>,
    }
    %scan3A_12 = arith.constant 80 : i32
    %mul3A_13 = arith.constant 640 : i32
    %mul3A_14 = arith.muli %arg1, %mul3A_13 : i32
    %add3A_15 = arith.constant 0 : i32
    %add3A_16 = arith.addi %mul3A_14, %add3A_15 : i32
    %lt3A = arith.constant 10000 : i32
    %lt3A_17 = arith.cmpi slt, %add3A_16, %lt3A : i32
    %convert_element_type3A = arith.extui %lt3A_17 : i1 to i32
    %cond3A = arith.constant 0 : i32
    %cond3A_18 = arith.cmpi ne, %convert_element_type3A, %cond3A : i32
    scf.if %cond3A_18 {
      "tpu.region"() ({
        %run_scoped3A = tpu.sem_alloc : memref<!tpu.dma_semaphore, #tpu.memory_space<semaphore_mem>>
        %dma_start3A_165 = arith.constant 0 : i32
        %dma_start3A_166 = arith.constant 0 : i32
        %dma_start3A_167 = tpu.memref_slice %arg11[%dma_start3A_165, %dma_start3A_166] : memref<160x128xf32, #tpu.memory_space<vmem>> -> memref<80x128xf32, #tpu.memory_space<vmem>>
        %dma_start3A_168 = arith.constant 0 : i32
        %dma_start3A_169 = tpu.memref_slice %arg20[%add3A_16, %dma_start3A_168] : memref<10000x128xf32, #tpu.memory_space<vmem_shared>> -> memref<80x128xf32, #tpu.memory_space<vmem_shared>>
        %dma_start3A_170 = arith.constant 0 : i32
        %dma_start3A_171 = tpu.memref_slice %arg20[%add3A_16, %dma_start3A_170] : memref<10000x128xf32, #tpu.memory_space<vmem_shared>> -> memref<80x128xf32, #tpu.memory_space<vmem_shared>>
        %dma_start3A_172 = arith.constant 0 : i32
        %dma_start3A_173 = arith.constant 0 : i32
        %dma_start3A_174 = tpu.memref_slice %arg11[%dma_start3A_172, %dma_start3A_173] : memref<160x128xf32, #tpu.memory_space<vmem>> -> memref<80x128xf32, #tpu.memory_space<vmem>>
        tpu.enqueue_dma source(%dma_start3A_174 : memref<80x128xf32, #tpu.memory_space<vmem>>) target(%dma_start3A_171 : memref<80x128xf32, #tpu.memory_space<vmem_shared>>) target_semaphore(%run_scoped3A : memref<!tpu.dma_semaphore, #tpu.memory_space<semaphore_mem>>)
        %dma_wait3A = arith.constant 0 : i32
        %dma_wait3A_175 = arith.constant 0 : i32
        %dma_wait3A_176 = tpu.memref_slice %arg11[%dma_wait3A, %dma_wait3A_175] : memref<160x128xf32, #tpu.memory_space<vmem>> -> memref<80x128xf32, #tpu.memory_space<vmem>>
        %dma_wait3A_177 = arith.constant 0 : i32
        %dma_wait3A_178 = tpu.memref_slice %arg20[%add3A_16, %dma_wait3A_177] : memref<10000x128xf32, #tpu.memory_space<vmem_shared>> -> memref<80x128xf32, #tpu.memory_space<vmem_shared>>
        %dma_wait3A_179 = arith.constant 0 : i32
        %dma_wait3A_180 = tpu.memref_slice %arg20[%add3A_16, %dma_wait3A_179] : memref<10000x128xf32, #tpu.memory_space<vmem_shared>> -> memref<80x128xf32, #tpu.memory_space<vmem_shared>>
        %dma_wait3A_181 = arith.constant 0 : i32
        %dma_wait3A_182 = arith.constant 0 : i32
        %dma_wait3A_183 = tpu.memref_slice %arg11[%dma_wait3A_181, %dma_wait3A_182] : memref<160x128xf32, #tpu.memory_space<vmem>> -> memref<80x128xf32, #tpu.memory_space<vmem>>
        tpu.wait_dma2 semaphore(%run_scoped3A : memref<!tpu.dma_semaphore, #tpu.memory_space<semaphore_mem>>) src(%dma_wait3A_183 : memref<80x128xf32, #tpu.memory_space<vmem>>) dst(%dma_wait3A_180 : memref<80x128xf32, #tpu.memory_space<vmem_shared>>)
        tpu.yield
      }) : () -> ()
    } else {
    }
    %mul3A_19 = arith.constant 640 : i32
    %mul3A_20 = arith.muli %arg1, %mul3A_19 : i32
    %add3A_21 = arith.constant 80 : i32
    %add3A_22 = arith.addi %mul3A_20, %add3A_21 : i32
    %lt3A_23 = arith.constant 10000 : i32
    %lt3A_24 = arith.cmpi slt, %add3A_22, %lt3A_23 : i32
    %convert_element_type3A_25 = arith.extui %lt3A_24 : i1 to i32
    %cond3A_26 = arith.constant 0 : i32
    %cond3A_27 = arith.cmpi ne, %convert_element_type3A_25, %cond3A_26 : i32
    scf.if %cond3A_27 {
      "tpu.region"() ({
        %run_scoped3A = tpu.sem_alloc : memref<!tpu.dma_semaphore, #tpu.memory_space<semaphore_mem>>
        %dma_start3A_165 = arith.constant 0 : i32
        %dma_start3A_166 = arith.constant 0 : i32
        %dma_start3A_167 = tpu.memref_slice %arg11[%dma_start3A_165, %dma_start3A_166] : memref<160x128xf32, #tpu.memory_space<vmem>> -> memref<80x128xf32, #tpu.memory_space<vmem>>
        %dma_start3A_168 = arith.constant 0 : i32
        %dma_start3A_169 = tpu.memref_slice %arg20[%add3A_22, %dma_start3A_168] : memref<10000x128xf32, #tpu.memory_space<vmem_shared>> -> memref<80x128xf32, #tpu.memory_space<vmem_shared>>
        %dma_start3A_170 = arith.constant 0 : i32
        %dma_start3A_171 = tpu.memref_slice %arg20[%add3A_22, %dma_start3A_170] : memref<10000x128xf32, #tpu.memory_space<vmem_shared>> -> memref<80x128xf32, #tpu.memory_space<vmem_shared>>
        %dma_start3A_172 = arith.constant 0 : i32
        %dma_start3A_173 = arith.constant 0 : i32
        %dma_start3A_174 = tpu.memref_slice %arg11[%dma_start3A_172, %dma_start3A_173] : memref<160x128xf32, #tpu.memory_space<vmem>> -> memref<80x128xf32, #tpu.memory_space<vmem>>
        tpu.enqueue_dma source(%dma_start3A_174 : memref<80x128xf32, #tpu.memory_space<vmem>>) target(%dma_start3A_171 : memref<80x128xf32, #tpu.memory_space<vmem_shared>>) target_semaphore(%run_scoped3A : memref<!tpu.dma_semaphore, #tpu.memory_space<semaphore_mem>>)
        %dma_wait3A = arith.constant 0 : i32
        %dma_wait3A_175 = arith.constant 0 : i32
        %dma_wait3A_176 = tpu.memref_slice %arg11[%dma_wait3A, %dma_wait3A_175] : memref<160x128xf32, #tpu.memory_space<vmem>> -> memref<80x128xf32, #tpu.memory_space<vmem>>
        %dma_wait3A_177 = arith.constant 0 : i32
        %dma_wait3A_178 = tpu.memref_slice %arg20[%add3A_22, %dma_wait3A_177] : memref<10000x128xf32, #tpu.memory_space<vmem_shared>> -> memref<80x128xf32, #tpu.memory_space<vmem_shared>>
        %dma_wait3A_179 = arith.constant 0 : i32
        %dma_wait3A_180 = tpu.memref_slice %arg20[%add3A_22, %dma_wait3A_179] : memref<10000x128xf32, #tpu.memory_space<vmem_shared>> -> memref<80x128xf32, #tpu.memory_space<vmem_shared>>
        %dma_wait3A_181 = arith.constant 0 : i32
        %dma_wait3A_182 = arith.constant 0 : i32
        %dma_wait3A_183 = tpu.memref_slice %arg11[%dma_wait3A_181, %dma_wait3A_182] : memref<160x128xf32, #tpu.memory_space<vmem>> -> memref<80x128xf32, #tpu.memory_space<vmem>>
        tpu.wait_dma2 semaphore(%run_scoped3A : memref<!tpu.dma_semaphore, #tpu.memory_space<semaphore_mem>>) src(%dma_wait3A_183 : memref<80x128xf32, #tpu.memory_space<vmem>>) dst(%dma_wait3A_180 : memref<80x128xf32, #tpu.memory_space<vmem_shared>>)
        tpu.yield
      }) : () -> ()
    } else {
    }
    %mul3A_28 = arith.constant 640 : i32
    %mul3A_29 = arith.muli %arg1, %mul3A_28 : i32
    %add3A_30 = arith.constant 160 : i32
    %add3A_31 = arith.addi %mul3A_29, %add3A_30 : i32
    %lt3A_32 = arith.constant 10000 : i32
    %lt3A_33 = arith.cmpi slt, %add3A_31, %lt3A_32 : i32
    %convert_element_type3A_34 = arith.extui %lt3A_33 : i1 to i32
    %cond3A_35 = arith.constant 0 : i32
    %cond3A_36 = arith.cmpi ne, %convert_element_type3A_34, %cond3A_35 : i32
    scf.if %cond3A_36 {
      "tpu.region"() ({
        %run_scoped3A = tpu.sem_alloc : memref<!tpu.dma_semaphore, #tpu.memory_space<semaphore_mem>>
        %dma_start3A_165 = arith.constant 0 : i32
        %dma_start3A_166 = arith.constant 0 : i32
        %dma_start3A_167 = tpu.memref_slice %arg11[%dma_start3A_165, %dma_start3A_166] : memref<160x128xf32, #tpu.memory_space<vmem>> -> memref<80x128xf32, #tpu.memory_space<vmem>>
        %dma_start3A_168 = arith.constant 0 : i32
        %dma_start3A_169 = tpu.memref_slice %arg20[%add3A_31, %dma_start3A_168] : memref<10000x128xf32, #tpu.memory_space<vmem_shared>> -> memref<80x128xf32, #tpu.memory_space<vmem_shared>>
        %dma_start3A_170 = arith.constant 0 : i32
        %dma_start3A_171 = tpu.memref_slice %arg20[%add3A_31, %dma_start3A_170] : memref<10000x128xf32, #tpu.memory_space<vmem_shared>> -> memref<80x128xf32, #tpu.memory_space<vmem_shared>>
        %dma_start3A_172 = arith.constant 0 : i32
        %dma_start3A_173 = arith.constant 0 : i32
        %dma_start3A_174 = tpu.memref_slice %arg11[%dma_start3A_172, %dma_start3A_173] : memref<160x128xf32, #tpu.memory_space<vmem>> -> memref<80x128xf32, #tpu.memory_space<vmem>>
        tpu.enqueue_dma source(%dma_start3A_174 : memref<80x128xf32, #tpu.memory_space<vmem>>) target(%dma_start3A_171 : memref<80x128xf32, #tpu.memory_space<vmem_shared>>) target_semaphore(%run_scoped3A : memref<!tpu.dma_semaphore, #tpu.memory_space<semaphore_mem>>)
        %dma_wait3A = arith.constant 0 : i32
        %dma_wait3A_175 = arith.constant 0 : i32
        %dma_wait3A_176 = tpu.memref_slice %arg11[%dma_wait3A, %dma_wait3A_175] : memref<160x128xf32, #tpu.memory_space<vmem>> -> memref<80x128xf32, #tpu.memory_space<vmem>>
        %dma_wait3A_177 = arith.constant 0 : i32
        %dma_wait3A_178 = tpu.memref_slice %arg20[%add3A_31, %dma_wait3A_177] : memref<10000x128xf32, #tpu.memory_space<vmem_shared>> -> memref<80x128xf32, #tpu.memory_space<vmem_shared>>
        %dma_wait3A_179 = arith.constant 0 : i32
        %dma_wait3A_180 = tpu.memref_slice %arg20[%add3A_31, %dma_wait3A_179] : memref<10000x128xf32, #tpu.memory_space<vmem_shared>> -> memref<80x128xf32, #tpu.memory_space<vmem_shared>>
        %dma_wait3A_181 = arith.constant 0 : i32
        %dma_wait3A_182 = arith.constant 0 : i32
        %dma_wait3A_183 = tpu.memref_slice %arg11[%dma_wait3A_181, %dma_wait3A_182] : memref<160x128xf32, #tpu.memory_space<vmem>> -> memref<80x128xf32, #tpu.memory_space<vmem>>
        tpu.wait_dma2 semaphore(%run_scoped3A : memref<!tpu.dma_semaphore, #tpu.memory_space<semaphore_mem>>) src(%dma_wait3A_183 : memref<80x128xf32, #tpu.memory_space<vmem>>) dst(%dma_wait3A_180 : memref<80x128xf32, #tpu.memory_space<vmem_shared>>)
        tpu.yield
      }) : () -> ()
    } else {
    }
    %mul3A_37 = arith.constant 640 : i32
    %mul3A_38 = arith.muli %arg1, %mul3A_37 : i32
    %add3A_39 = arith.constant 240 : i32
    %add3A_40 = arith.addi %mul3A_38, %add3A_39 : i32
    %lt3A_41 = arith.constant 10000 : i32
    %lt3A_42 = arith.cmpi slt, %add3A_40, %lt3A_41 : i32
    %convert_element_type3A_43 = arith.extui %lt3A_42 : i1 to i32
    %cond3A_44 = arith.constant 0 : i32
    %cond3A_45 = arith.cmpi ne, %convert_element_type3A_43, %cond3A_44 : i32
    scf.if %cond3A_45 {
      "tpu.region"() ({
        %run_scoped3A = tpu.sem_alloc : memref<!tpu.dma_semaphore, #tpu.memory_space<semaphore_mem>>
        %dma_start3A_165 = arith.constant 0 : i32
        %dma_start3A_166 = arith.constant 0 : i32
        %dma_start3A_167 = tpu.memref_slice %arg11[%dma_start3A_165, %dma_start3A_166] : memref<160x128xf32, #tpu.memory_space<vmem>> -> memref<80x128xf32, #tpu.memory_space<vmem>>
        %dma_start3A_168 = arith.constant 0 : i32
        %dma_start3A_169 = tpu.memref_slice %arg20[%add3A_40, %dma_start3A_168] : memref<10000x128xf32, #tpu.memory_space<vmem_shared>> -> memref<80x128xf32, #tpu.memory_space<vmem_shared>>
        %dma_start3A_170 = arith.constant 0 : i32
        %dma_start3A_171 = tpu.memref_slice %arg20[%add3A_40, %dma_start3A_170] : memref<10000x128xf32, #tpu.memory_space<vmem_shared>> -> memref<80x128xf32, #tpu.memory_space<vmem_shared>>
        %dma_start3A_172 = arith.constant 0 : i32
        %dma_start3A_173 = arith.constant 0 : i32
        %dma_start3A_174 = tpu.memref_slice %arg11[%dma_start3A_172, %dma_start3A_173] : memref<160x128xf32, #tpu.memory_space<vmem>> -> memref<80x128xf32, #tpu.memory_space<vmem>>
        tpu.enqueue_dma source(%dma_start3A_174 : memref<80x128xf32, #tpu.memory_space<vmem>>) target(%dma_start3A_171 : memref<80x128xf32, #tpu.memory_space<vmem_shared>>) target_semaphore(%run_scoped3A : memref<!tpu.dma_semaphore, #tpu.memory_space<semaphore_mem>>)
        %dma_wait3A = arith.constant 0 : i32
        %dma_wait3A_175 = arith.constant 0 : i32
        %dma_wait3A_176 = tpu.memref_slice %arg11[%dma_wait3A, %dma_wait3A_175] : memref<160x128xf32, #tpu.memory_space<vmem>> -> memref<80x128xf32, #tpu.memory_space<vmem>>
        %dma_wait3A_177 = arith.constant 0 : i32
        %dma_wait3A_178 = tpu.memref_slice %arg20[%add3A_40, %dma_wait3A_177] : memref<10000x128xf32, #tpu.memory_space<vmem_shared>> -> memref<80x128xf32, #tpu.memory_space<vmem_shared>>
        %dma_wait3A_179 = arith.constant 0 : i32
        %dma_wait3A_180 = tpu.memref_slice %arg20[%add3A_40, %dma_wait3A_179] : memref<10000x128xf32, #tpu.memory_space<vmem_shared>> -> memref<80x128xf32, #tpu.memory_space<vmem_shared>>
        %dma_wait3A_181 = arith.constant 0 : i32
        %dma_wait3A_182 = arith.constant 0 : i32
        %dma_wait3A_183 = tpu.memref_slice %arg11[%dma_wait3A_181, %dma_wait3A_182] : memref<160x128xf32, #tpu.memory_space<vmem>> -> memref<80x128xf32, #tpu.memory_space<vmem>>
        tpu.wait_dma2 semaphore(%run_scoped3A : memref<!tpu.dma_semaphore, #tpu.memory_space<semaphore_mem>>) src(%dma_wait3A_183 : memref<80x128xf32, #tpu.memory_space<vmem>>) dst(%dma_wait3A_180 : memref<80x128xf32, #tpu.memory_space<vmem_shared>>)
        tpu.yield
      }) : () -> ()
    } else {
    }
    %mul3A_46 = arith.constant 640 : i32
    %mul3A_47 = arith.muli %arg1, %mul3A_46 : i32
    %add3A_48 = arith.constant 320 : i32
    %add3A_49 = arith.addi %mul3A_47, %add3A_48 : i32
    %lt3A_50 = arith.constant 10000 : i32
    %lt3A_51 = arith.cmpi slt, %add3A_49, %lt3A_50 : i32
    %convert_element_type3A_52 = arith.extui %lt3A_51 : i1 to i32
    %cond3A_53 = arith.constant 0 : i32
    %cond3A_54 = arith.cmpi ne, %convert_element_type3A_52, %cond3A_53 : i32
    scf.if %cond3A_54 {
      "tpu.region"() ({
        %run_scoped3A = tpu.sem_alloc : memref<!tpu.dma_semaphore, #tpu.memory_space<semaphore_mem>>
        %dma_start3A_165 = arith.constant 0 : i32
        %dma_start3A_166 = arith.constant 0 : i32
        %dma_start3A_167 = tpu.memref_slice %arg11[%dma_start3A_165, %dma_start3A_166] : memref<160x128xf32, #tpu.memory_space<vmem>> -> memref<80x128xf32, #tpu.memory_space<vmem>>
        %dma_start3A_168 = arith.constant 0 : i32
        %dma_start3A_169 = tpu.memref_slice %arg20[%add3A_49, %dma_start3A_168] : memref<10000x128xf32, #tpu.memory_space<vmem_shared>> -> memref<80x128xf32, #tpu.memory_space<vmem_shared>>
        %dma_start3A_170 = arith.constant 0 : i32
        %dma_start3A_171 = tpu.memref_slice %arg20[%add3A_49, %dma_start3A_170] : memref<10000x128xf32, #tpu.memory_space<vmem_shared>> -> memref<80x128xf32, #tpu.memory_space<vmem_shared>>
        %dma_start3A_172 = arith.constant 0 : i32
        %dma_start3A_173 = arith.constant 0 : i32
        %dma_start3A_174 = tpu.memref_slice %arg11[%dma_start3A_172, %dma_start3A_173] : memref<160x128xf32, #tpu.memory_space<vmem>> -> memref<80x128xf32, #tpu.memory_space<vmem>>
        tpu.enqueue_dma source(%dma_start3A_174 : memref<80x128xf32, #tpu.memory_space<vmem>>) target(%dma_start3A_171 : memref<80x128xf32, #tpu.memory_space<vmem_shared>>) target_semaphore(%run_scoped3A : memref<!tpu.dma_semaphore, #tpu.memory_space<semaphore_mem>>)
        %dma_wait3A = arith.constant 0 : i32
        %dma_wait3A_175 = arith.constant 0 : i32
        %dma_wait3A_176 = tpu.memref_slice %arg11[%dma_wait3A, %dma_wait3A_175] : memref<160x128xf32, #tpu.memory_space<vmem>> -> memref<80x128xf32, #tpu.memory_space<vmem>>
        %dma_wait3A_177 = arith.constant 0 : i32
        %dma_wait3A_178 = tpu.memref_slice %arg20[%add3A_49, %dma_wait3A_177] : memref<10000x128xf32, #tpu.memory_space<vmem_shared>> -> memref<80x128xf32, #tpu.memory_space<vmem_shared>>
        %dma_wait3A_179 = arith.constant 0 : i32
        %dma_wait3A_180 = tpu.memref_slice %arg20[%add3A_49, %dma_wait3A_179] : memref<10000x128xf32, #tpu.memory_space<vmem_shared>> -> memref<80x128xf32, #tpu.memory_space<vmem_shared>>
        %dma_wait3A_181 = arith.constant 0 : i32
        %dma_wait3A_182 = arith.constant 0 : i32
        %dma_wait3A_183 = tpu.memref_slice %arg11[%dma_wait3A_181, %dma_wait3A_182] : memref<160x128xf32, #tpu.memory_space<vmem>> -> memref<80x128xf32, #tpu.memory_space<vmem>>
        tpu.wait_dma2 semaphore(%run_scoped3A : memref<!tpu.dma_semaphore, #tpu.memory_space<semaphore_mem>>) src(%dma_wait3A_183 : memref<80x128xf32, #tpu.memory_space<vmem>>) dst(%dma_wait3A_180 : memref<80x128xf32, #tpu.memory_space<vmem_shared>>)
        tpu.yield
      }) : () -> ()
    } else {
    }
    %mul3A_55 = arith.constant 640 : i32
    %mul3A_56 = arith.muli %arg1, %mul3A_55 : i32
    %add3A_57 = arith.constant 400 : i32
    %add3A_58 = arith.addi %mul3A_56, %add3A_57 : i32
    %lt3A_59 = arith.constant 10000 : i32
    %lt3A_60 = arith.cmpi slt, %add3A_58, %lt3A_59 : i32
    %convert_element_type3A_61 = arith.extui %lt3A_60 : i1 to i32
    %cond3A_62 = arith.constant 0 : i32
    %cond3A_63 = arith.cmpi ne, %convert_element_type3A_61, %cond3A_62 : i32
    scf.if %cond3A_63 {
      "tpu.region"() ({
        %run_scoped3A = tpu.sem_alloc : memref<!tpu.dma_semaphore, #tpu.memory_space<semaphore_mem>>
        %dma_start3A_165 = arith.constant 0 : i32
        %dma_start3A_166 = arith.constant 0 : i32
        %dma_start3A_167 = tpu.memref_slice %arg11[%dma_start3A_165, %dma_start3A_166] : memref<160x128xf32, #tpu.memory_space<vmem>> -> memref<80x128xf32, #tpu.memory_space<vmem>>
        %dma_start3A_168 = arith.constant 0 : i32
        %dma_start3A_169 = tpu.memref_slice %arg20[%add3A_58, %dma_start3A_168] : memref<10000x128xf32, #tpu.memory_space<vmem_shared>> -> memref<80x128xf32, #tpu.memory_space<vmem_shared>>
        %dma_start3A_170 = arith.constant 0 : i32
        %dma_start3A_171 = tpu.memref_slice %arg20[%add3A_58, %dma_start3A_170] : memref<10000x128xf32, #tpu.memory_space<vmem_shared>> -> memref<80x128xf32, #tpu.memory_space<vmem_shared>>
        %dma_start3A_172 = arith.constant 0 : i32
        %dma_start3A_173 = arith.constant 0 : i32
        %dma_start3A_174 = tpu.memref_slice %arg11[%dma_start3A_172, %dma_start3A_173] : memref<160x128xf32, #tpu.memory_space<vmem>> -> memref<80x128xf32, #tpu.memory_space<vmem>>
        tpu.enqueue_dma source(%dma_start3A_174 : memref<80x128xf32, #tpu.memory_space<vmem>>) target(%dma_start3A_171 : memref<80x128xf32, #tpu.memory_space<vmem_shared>>) target_semaphore(%run_scoped3A : memref<!tpu.dma_semaphore, #tpu.memory_space<semaphore_mem>>)
        %dma_wait3A = arith.constant 0 : i32
        %dma_wait3A_175 = arith.constant 0 : i32
        %dma_wait3A_176 = tpu.memref_slice %arg11[%dma_wait3A, %dma_wait3A_175] : memref<160x128xf32, #tpu.memory_space<vmem>> -> memref<80x128xf32, #tpu.memory_space<vmem>>
        %dma_wait3A_177 = arith.constant 0 : i32
        %dma_wait3A_178 = tpu.memref_slice %arg20[%add3A_58, %dma_wait3A_177] : memref<10000x128xf32, #tpu.memory_space<vmem_shared>> -> memref<80x128xf32, #tpu.memory_space<vmem_shared>>
        %dma_wait3A_179 = arith.constant 0 : i32
        %dma_wait3A_180 = tpu.memref_slice %arg20[%add3A_58, %dma_wait3A_179] : memref<10000x128xf32, #tpu.memory_space<vmem_shared>> -> memref<80x128xf32, #tpu.memory_space<vmem_shared>>
        %dma_wait3A_181 = arith.constant 0 : i32
        %dma_wait3A_182 = arith.constant 0 : i32
        %dma_wait3A_183 = tpu.memref_slice %arg11[%dma_wait3A_181, %dma_wait3A_182] : memref<160x128xf32, #tpu.memory_space<vmem>> -> memref<80x128xf32, #tpu.memory_space<vmem>>
        tpu.wait_dma2 semaphore(%run_scoped3A : memref<!tpu.dma_semaphore, #tpu.memory_space<semaphore_mem>>) src(%dma_wait3A_183 : memref<80x128xf32, #tpu.memory_space<vmem>>) dst(%dma_wait3A_180 : memref<80x128xf32, #tpu.memory_space<vmem_shared>>)
        tpu.yield
      }) : () -> ()
    } else {
    }
    %mul3A_64 = arith.constant 640 : i32
    %mul3A_65 = arith.muli %arg1, %mul3A_64 : i32
    %add3A_66 = arith.constant 480 : i32
    %add3A_67 = arith.addi %mul3A_65, %add3A_66 : i32
    %lt3A_68 = arith.constant 10000 : i32
    %lt3A_69 = arith.cmpi slt, %add3A_67, %lt3A_68 : i32
    %convert_element_type3A_70 = arith.extui %lt3A_69 : i1 to i32
    %cond3A_71 = arith.constant 0 : i32
    %cond3A_72 = arith.cmpi ne, %convert_element_type3A_70, %cond3A_71 : i32
    scf.if %cond3A_72 {
      "tpu.region"() ({
        %run_scoped3A = tpu.sem_alloc : memref<!tpu.dma_semaphore, #tpu.memory_space<semaphore_mem>>
        %dma_start3A_165 = arith.constant 0 : i32
        %dma_start3A_166 = arith.constant 0 : i32
        %dma_start3A_167 = tpu.memref_slice %arg11[%dma_start3A_165, %dma_start3A_166] : memref<160x128xf32, #tpu.memory_space<vmem>> -> memref<80x128xf32, #tpu.memory_space<vmem>>
        %dma_start3A_168 = arith.constant 0 : i32
        %dma_start3A_169 = tpu.memref_slice %arg20[%add3A_67, %dma_start3A_168] : memref<10000x128xf32, #tpu.memory_space<vmem_shared>> -> memref<80x128xf32, #tpu.memory_space<vmem_shared>>
        %dma_start3A_170 = arith.constant 0 : i32
        %dma_start3A_171 = tpu.memref_slice %arg20[%add3A_67, %dma_start3A_170] : memref<10000x128xf32, #tpu.memory_space<vmem_shared>> -> memref<80x128xf32, #tpu.memory_space<vmem_shared>>
        %dma_start3A_172 = arith.constant 0 : i32
        %dma_start3A_173 = arith.constant 0 : i32
        %dma_start3A_174 = tpu.memref_slice %arg11[%dma_start3A_172, %dma_start3A_173] : memref<160x128xf32, #tpu.memory_space<vmem>> -> memref<80x128xf32, #tpu.memory_space<vmem>>
        tpu.enqueue_dma source(%dma_start3A_174 : memref<80x128xf32, #tpu.memory_space<vmem>>) target(%dma_start3A_171 : memref<80x128xf32, #tpu.memory_space<vmem_shared>>) target_semaphore(%run_scoped3A : memref<!tpu.dma_semaphore, #tpu.memory_space<semaphore_mem>>)
        %dma_wait3A = arith.constant 0 : i32
        %dma_wait3A_175 = arith.constant 0 : i32
        %dma_wait3A_176 = tpu.memref_slice %arg11[%dma_wait3A, %dma_wait3A_175] : memref<160x128xf32, #tpu.memory_space<vmem>> -> memref<80x128xf32, #tpu.memory_space<vmem>>
        %dma_wait3A_177 = arith.constant 0 : i32
        %dma_wait3A_178 = tpu.memref_slice %arg20[%add3A_67, %dma_wait3A_177] : memref<10000x128xf32, #tpu.memory_space<vmem_shared>> -> memref<80x128xf32, #tpu.memory_space<vmem_shared>>
        %dma_wait3A_179 = arith.constant 0 : i32
        %dma_wait3A_180 = tpu.memref_slice %arg20[%add3A_67, %dma_wait3A_179] : memref<10000x128xf32, #tpu.memory_space<vmem_shared>> -> memref<80x128xf32, #tpu.memory_space<vmem_shared>>
        %dma_wait3A_181 = arith.constant 0 : i32
        %dma_wait3A_182 = arith.constant 0 : i32
        %dma_wait3A_183 = tpu.memref_slice %arg11[%dma_wait3A_181, %dma_wait3A_182] : memref<160x128xf32, #tpu.memory_space<vmem>> -> memref<80x128xf32, #tpu.memory_space<vmem>>
        tpu.wait_dma2 semaphore(%run_scoped3A : memref<!tpu.dma_semaphore, #tpu.memory_space<semaphore_mem>>) src(%dma_wait3A_183 : memref<80x128xf32, #tpu.memory_space<vmem>>) dst(%dma_wait3A_180 : memref<80x128xf32, #tpu.memory_space<vmem_shared>>)
        tpu.yield
      }) : () -> ()
    } else {
    }
    %mul3A_73 = arith.constant 640 : i32
    %mul3A_74 = arith.muli %arg1, %mul3A_73 : i32
    %add3A_75 = arith.constant 560 : i32
    %add3A_76 = arith.addi %mul3A_74, %add3A_75 : i32
    %lt3A_77 = arith.constant 10000 : i32
    %lt3A_78 = arith.cmpi slt, %add3A_76, %lt3A_77 : i32
    %convert_element_type3A_79 = arith.extui %lt3A_78 : i1 to i32
    %cond3A_80 = arith.constant 0 : i32
    %cond3A_81 = arith.cmpi ne, %convert_element_type3A_79, %cond3A_80 : i32
    scf.if %cond3A_81 {
      "tpu.region"() ({
        %run_scoped3A = tpu.sem_alloc : memref<!tpu.dma_semaphore, #tpu.memory_space<semaphore_mem>>
        %dma_start3A_165 = arith.constant 0 : i32
        %dma_start3A_166 = arith.constant 0 : i32
        %dma_start3A_167 = tpu.memref_slice %arg11[%dma_start3A_165, %dma_start3A_166] : memref<160x128xf32, #tpu.memory_space<vmem>> -> memref<80x128xf32, #tpu.memory_space<vmem>>
        %dma_start3A_168 = arith.constant 0 : i32
        %dma_start3A_169 = tpu.memref_slice %arg20[%add3A_76, %dma_start3A_168] : memref<10000x128xf32, #tpu.memory_space<vmem_shared>> -> memref<80x128xf32, #tpu.memory_space<vmem_shared>>
        %dma_start3A_170 = arith.constant 0 : i32
        %dma_start3A_171 = tpu.memref_slice %arg20[%add3A_76, %dma_start3A_170] : memref<10000x128xf32, #tpu.memory_space<vmem_shared>> -> memref<80x128xf32, #tpu.memory_space<vmem_shared>>
        %dma_start3A_172 = arith.constant 0 : i32
        %dma_start3A_173 = arith.constant 0 : i32
        %dma_start3A_174 = tpu.memref_slice %arg11[%dma_start3A_172, %dma_start3A_173] : memref<160x128xf32, #tpu.memory_space<vmem>> -> memref<80x128xf32, #tpu.memory_space<vmem>>
        tpu.enqueue_dma source(%dma_start3A_174 : memref<80x128xf32, #tpu.memory_space<vmem>>) target(%dma_start3A_171 : memref<80x128xf32, #tpu.memory_space<vmem_shared>>) target_semaphore(%run_scoped3A : memref<!tpu.dma_semaphore, #tpu.memory_space<semaphore_mem>>)
        %dma_wait3A = arith.constant 0 : i32
        %dma_wait3A_175 = arith.constant 0 : i32
        %dma_wait3A_176 = tpu.memref_slice %arg11[%dma_wait3A, %dma_wait3A_175] : memref<160x128xf32, #tpu.memory_space<vmem>> -> memref<80x128xf32, #tpu.memory_space<vmem>>
        %dma_wait3A_177 = arith.constant 0 : i32
        %dma_wait3A_178 = tpu.memref_slice %arg20[%add3A_76, %dma_wait3A_177] : memref<10000x128xf32, #tpu.memory_space<vmem_shared>> -> memref<80x128xf32, #tpu.memory_space<vmem_shared>>
        %dma_wait3A_179 = arith.constant 0 : i32
        %dma_wait3A_180 = tpu.memref_slice %arg20[%add3A_76, %dma_wait3A_179] : memref<10000x128xf32, #tpu.memory_space<vmem_shared>> -> memref<80x128xf32, #tpu.memory_space<vmem_shared>>
        %dma_wait3A_181 = arith.constant 0 : i32
        %dma_wait3A_182 = arith.constant 0 : i32
        %dma_wait3A_183 = tpu.memref_slice %arg11[%dma_wait3A_181, %dma_wait3A_182] : memref<160x128xf32, #tpu.memory_space<vmem>> -> memref<80x128xf32, #tpu.memory_space<vmem>>
        tpu.wait_dma2 semaphore(%run_scoped3A : memref<!tpu.dma_semaphore, #tpu.memory_space<semaphore_mem>>) src(%dma_wait3A_183 : memref<80x128xf32, #tpu.memory_space<vmem>>) dst(%dma_wait3A_180 : memref<80x128xf32, #tpu.memory_space<vmem_shared>>)
        tpu.yield
      }) : () -> ()
    } else {
    }
    %barrier3A = arith.constant 0 : index
    tpu.barrier barrier_id(%barrier3A)
    %dma_start3A = arith.constant 0 : i32
    %dma_start3A_82 = tpu.memref_slice %arg8[%mul3A_2, %dma_start3A] : memref<320000x128xf32, #tpu.memory_space<hbm>> -> memref<80x128xf32, #tpu.memory_space<hbm>>
    %dma_start3A_83 = arith.constant 0 : i32
    %dma_start3A_84 = tpu.memref_slice %arg8[%mul3A_2, %dma_start3A_83] : memref<320000x128xf32, #tpu.memory_space<hbm>> -> memref<80x128xf32, #tpu.memory_space<hbm>>
    tpu.enqueue_dma source(%dma_start3A_84 : memref<80x128xf32, #tpu.memory_space<hbm>>) target(%arg12 : memref<80x128xf32, #tpu.memory_space<vmem>>) target_semaphore(%arg24 : memref<!tpu.dma_semaphore, #tpu.memory_space<semaphore_mem>>)
    %scan3A_85 = arith.constant 0 : i32
    %scan3A_86 = arith.constant 5 : i32
    %scan3A_87 = arith.addi %scan3A_85, %scan3A_86 : i32
    %scan3A_88 = arith.constant 1 : i32
    scf.for %scan3A_165 = %scan3A_85 to %scan3A_87 step %scan3A_88  : i32 {
      %mul3A_166 = arith.constant 1 : i32
      %mul3A_167 = arith.muli %scan3A_165, %mul3A_166 : i32
      %add3A_168 = arith.constant 0 : i32
      %add3A_169 = arith.addi %add3A_168, %mul3A_167 : i32
      %mul3A_170 = arith.constant 2000 : i32
      %mul3A_171 = arith.muli %add3A_169, %mul3A_170 : i32
      %add3A_172 = arith.addi %mul3A_2, %mul3A_171 : i32
      "tpu.region"() ({
        %run_scoped3A = tpu.sem_alloc : memref<!tpu.dma_semaphore, #tpu.memory_space<semaphore_mem>>
        %dma_start3A_209 = tpu.memref_slice %arg6[%add3A_172] : memref<320000xi32, #tpu.memory_space<hbm>> -> memref<2000xi32, #tpu.memory_space<hbm>>
        %dma_start3A_210 = tpu.memref_slice %arg6[%add3A_172] : memref<320000xi32, #tpu.memory_space<hbm>> -> memref<2000xi32, #tpu.memory_space<hbm>>
        tpu.enqueue_dma source(%dma_start3A_210 : memref<2000xi32, #tpu.memory_space<hbm>>) target(%arg13 : memref<2000xi32, #tpu.memory_space<vmem>>) target_semaphore(%run_scoped3A : memref<!tpu.dma_semaphore, #tpu.memory_space<semaphore_mem>>)
        %dma_wait3A_211 = tpu.memref_slice %arg6[%add3A_172] : memref<320000xi32, #tpu.memory_space<hbm>> -> memref<2000xi32, #tpu.memory_space<hbm>>
        %dma_wait3A_212 = tpu.memref_slice %arg6[%add3A_172] : memref<320000xi32, #tpu.memory_space<hbm>> -> memref<2000xi32, #tpu.memory_space<hbm>>
        tpu.wait_dma2 semaphore(%run_scoped3A : memref<!tpu.dma_semaphore, #tpu.memory_space<semaphore_mem>>) src(%dma_wait3A_212 : memref<2000xi32, #tpu.memory_space<hbm>>) dst(%arg13 : memref<2000xi32, #tpu.memory_space<vmem>>)
        tpu.yield
      }) : () -> ()
      "tpu.region"() ({
        %run_scoped3A = tpu.sem_alloc : memref<!tpu.dma_semaphore, #tpu.memory_space<semaphore_mem>>
        %dma_start3A_209 = arith.constant 0 : i32
        %dma_start3A_210 = arith.constant 0 : i32
        %dma_start3A_211 = tpu.memref_slice %arg7[%add3A, %add3A_169, %dma_start3A_209, %dma_start3A_210] : memref<32x5x25x80xi32, #tpu.memory_space<hbm>> -> memref<1x1x25x80xi32, #tpu.memory_space<hbm>>
        %dma_start3A_212 = tpu.memref_squeeze %dma_start3A_211 : memref<1x1x25x80xi32, #tpu.memory_space<hbm>> -> memref<25x80xi32, #tpu.memory_space<hbm>>
        %dma_start3A_213 = arith.constant 0 : i32
        %dma_start3A_214 = arith.constant 0 : i32
        %dma_start3A_215 = tpu.memref_slice %arg7[%add3A, %add3A_169, %dma_start3A_213, %dma_start3A_214] : memref<32x5x25x80xi32, #tpu.memory_space<hbm>> -> memref<1x1x25x80xi32, #tpu.memory_space<hbm>>
        %dma_start3A_216 = tpu.memref_squeeze %dma_start3A_215 : memref<1x1x25x80xi32, #tpu.memory_space<hbm>> -> memref<25x80xi32, #tpu.memory_space<hbm>>
        tpu.enqueue_dma source(%dma_start3A_216 : memref<25x80xi32, #tpu.memory_space<hbm>>) target(%arg14 : memref<25x80xi32, #tpu.memory_space<vmem>>) target_semaphore(%run_scoped3A : memref<!tpu.dma_semaphore, #tpu.memory_space<semaphore_mem>>)
        %dma_wait3A_217 = arith.constant 0 : i32
        %dma_wait3A_218 = arith.constant 0 : i32
        %dma_wait3A_219 = tpu.memref_slice %arg7[%add3A, %add3A_169, %dma_wait3A_217, %dma_wait3A_218] : memref<32x5x25x80xi32, #tpu.memory_space<hbm>> -> memref<1x1x25x80xi32, #tpu.memory_space<hbm>>
        %dma_wait3A_220 = tpu.memref_squeeze %dma_wait3A_219 : memref<1x1x25x80xi32, #tpu.memory_space<hbm>> -> memref<25x80xi32, #tpu.memory_space<hbm>>
        %dma_wait3A_221 = arith.constant 0 : i32
        %dma_wait3A_222 = arith.constant 0 : i32
        %dma_wait3A_223 = tpu.memref_slice %arg7[%add3A, %add3A_169, %dma_wait3A_221, %dma_wait3A_222] : memref<32x5x25x80xi32, #tpu.memory_space<hbm>> -> memref<1x1x25x80xi32, #tpu.memory_space<hbm>>
        %dma_wait3A_224 = tpu.memref_squeeze %dma_wait3A_223 : memref<1x1x25x80xi32, #tpu.memory_space<hbm>> -> memref<25x80xi32, #tpu.memory_space<hbm>>
        tpu.wait_dma2 semaphore(%run_scoped3A : memref<!tpu.dma_semaphore, #tpu.memory_space<semaphore_mem>>) src(%dma_wait3A_224 : memref<25x80xi32, #tpu.memory_space<hbm>>) dst(%arg14 : memref<25x80xi32, #tpu.memory_space<vmem>>)
        tpu.yield
      }) : () -> ()
      "tpu.region"() ({
        %run_scoped3A = tpu.sem_alloc : memref<!tpu.dma_semaphore, #tpu.memory_space<semaphore_mem>>
        %dma_start3A_209 = tpu.memref_slice %arg5[%add3A_172] : memref<320000xf32, #tpu.memory_space<hbm>> -> memref<2000xf32, #tpu.memory_space<hbm>>
        %dma_start3A_210 = tpu.memref_slice %arg5[%add3A_172] : memref<320000xf32, #tpu.memory_space<hbm>> -> memref<2000xf32, #tpu.memory_space<hbm>>
        tpu.enqueue_dma source(%dma_start3A_210 : memref<2000xf32, #tpu.memory_space<hbm>>) target(%arg15 : memref<2000xf32, #tpu.memory_space<vmem>>) target_semaphore(%run_scoped3A : memref<!tpu.dma_semaphore, #tpu.memory_space<semaphore_mem>>)
        %dma_wait3A_211 = tpu.memref_slice %arg5[%add3A_172] : memref<320000xf32, #tpu.memory_space<hbm>> -> memref<2000xf32, #tpu.memory_space<hbm>>
        %dma_wait3A_212 = tpu.memref_slice %arg5[%add3A_172] : memref<320000xf32, #tpu.memory_space<hbm>> -> memref<2000xf32, #tpu.memory_space<hbm>>
        tpu.wait_dma2 semaphore(%run_scoped3A : memref<!tpu.dma_semaphore, #tpu.memory_space<semaphore_mem>>) src(%dma_wait3A_212 : memref<2000xf32, #tpu.memory_space<hbm>>) dst(%arg15 : memref<2000xf32, #tpu.memory_space<vmem>>)
        tpu.yield
      }) : () -> ()
      %dma_start3A_173 = arith.constant 0 : i32
      %dma_start3A_174 = arith.constant 0 : i32
      %dma_start3A_175 = tpu.memref_slice %arg11[%dma_start3A_173, %dma_start3A_174] : memref<160x128xf32, #tpu.memory_space<vmem>> -> memref<80x128xf32, #tpu.memory_space<vmem>>
      %dma_start3A_176 = arith.constant 0 : i32
      %dma_start3A_177 = tpu.memref_slice %arg13[%dma_start3A_176] : memref<2000xi32, #tpu.memory_space<vmem>> -> memref<80xi32, #tpu.memory_space<vmem>>
      %dma_start3A_178 = arith.constant 0 : i32
      %dma_start3A_179 = arith.constant 0 : i32
      %dma_start3A_180 = tpu.memref_slice %arg2[%dma_start3A_178, %dma_start3A_179] : memref<10000x128xf32, #tpu.memory_space<hbm>> -> memref<10000x128xf32, #tpu.memory_space<hbm>>
      tpu.enqueue_indirect_dma source(%dma_start3A_180 : memref<10000x128xf32, #tpu.memory_space<hbm>>) target(%dma_start3A_175 : memref<80x128xf32, #tpu.memory_space<vmem>>) offsets(%dma_start3A_177 : memref<80xi32, #tpu.memory_space<vmem>>) semaphore(%arg21 : memref<!tpu.dma_semaphore, #tpu.memory_space<semaphore_mem>>)
      %dma_start3A_181 = arith.constant 0 : i32
      %dma_start3A_182 = tpu.memref_slice %arg16[%dma_start3A_181] : memref<160xf32, #tpu.memory_space<vmem>> -> memref<80xf32, #tpu.memory_space<vmem>>
      %dma_start3A_183 = arith.constant 0 : i32
      %dma_start3A_184 = tpu.memref_slice %arg13[%dma_start3A_183] : memref<2000xi32, #tpu.memory_space<vmem>> -> memref<80xi32, #tpu.memory_space<vmem>>
      %dma_start3A_185 = arith.constant 0 : i32
      %dma_start3A_186 = tpu.memref_slice %arg3[%dma_start3A_185] : memref<10000xf32, #tpu.memory_space<hbm>> -> memref<10000xf32, #tpu.memory_space<hbm>>
      tpu.enqueue_indirect_dma source(%dma_start3A_186 : memref<10000xf32, #tpu.memory_space<hbm>>) target(%dma_start3A_182 : memref<80xf32, #tpu.memory_space<vmem>>) offsets(%dma_start3A_184 : memref<80xi32, #tpu.memory_space<vmem>>) semaphore(%arg22 : memref<!tpu.dma_semaphore, #tpu.memory_space<semaphore_mem>>)
      %dma_start3A_187 = arith.constant 0 : i32
      %dma_start3A_188 = arith.constant 0 : i32
      %dma_start3A_189 = tpu.memref_slice %arg17[%dma_start3A_188] : memref<160xf32, #tpu.memory_space<vmem>> -> memref<80xf32, #tpu.memory_space<vmem>>
      %dma_start3A_190 = arith.constant 0 : i32
      %dma_start3A_191 = tpu.memref_slice %arg14[%dma_start3A_187, %dma_start3A_190] : memref<25x80xi32, #tpu.memory_space<vmem>> -> memref<1x80xi32, #tpu.memory_space<vmem>>
      %dma_start3A_192 = tpu.memref_squeeze %dma_start3A_191 : memref<1x80xi32, #tpu.memory_space<vmem>> -> memref<80xi32, #tpu.memory_space<vmem>>
      %dma_start3A_193 = arith.constant 0 : i32
      %dma_start3A_194 = tpu.memref_slice %arg4[%dma_start3A_193] : memref<10000xf32, #tpu.memory_space<hbm>> -> memref<10000xf32, #tpu.memory_space<hbm>>
      tpu.enqueue_indirect_dma source(%dma_start3A_194 : memref<10000xf32, #tpu.memory_space<hbm>>) target(%dma_start3A_189 : memref<80xf32, #tpu.memory_space<vmem>>) offsets(%dma_start3A_192 : memref<80xi32, #tpu.memory_space<vmem>>) semaphore(%arg23 : memref<!tpu.dma_semaphore, #tpu.memory_space<semaphore_mem>>)
      %scan3A_195 = arith.constant 0 : i32
      %scan3A_196 = arith.constant 25 : i32
      %scan3A_197 = arith.addi %scan3A_195, %scan3A_196 : i32
      %scan3A_198 = arith.constant 1 : i32
      scf.for %scan3A_209 = %scan3A_195 to %scan3A_197 step %scan3A_198  : i32 {
        %mul3A_210 = arith.constant 1 : i32
        %mul3A_211 = arith.muli %scan3A_209, %mul3A_210 : i32
        %add3A_212 = arith.constant 0 : i32
        %add3A_213 = arith.addi %add3A_212, %mul3A_211 : i32
        %rem3A = arith.constant 2 : i32
        %rem3A_214 = arith.remsi %add3A_213, %rem3A : i32
        %mul3A_215 = arith.constant 80 : i32
        %mul3A_216 = arith.muli %rem3A_214, %mul3A_215 : i32
        %mul3A_217 = arith.constant 80 : i32
        %mul3A_218 = arith.muli %add3A_213, %mul3A_217 : i32
        %dma_wait3A_219 = arith.constant 0 : i32
        %dma_wait3A_220 = tpu.memref_slice %arg11[%mul3A_216, %dma_wait3A_219] : memref<160x128xf32, #tpu.memory_space<vmem>> -> memref<80x128xf32, #tpu.memory_space<vmem>>
        %dma_wait3A_221 = tpu.memref_slice %arg13[%mul3A_218] : memref<2000xi32, #tpu.memory_space<vmem>> -> memref<80xi32, #tpu.memory_space<vmem>>
        %dma_wait3A_222 = arith.constant 0 : i32
        %dma_wait3A_223 = arith.constant 0 : i32
        %dma_wait3A_224 = tpu.memref_slice %arg2[%dma_wait3A_222, %dma_wait3A_223] : memref<10000x128xf32, #tpu.memory_space<hbm>> -> memref<10000x128xf32, #tpu.memory_space<hbm>>
        tpu.wait_indirect_dma semaphore(%arg21 : memref<!tpu.dma_semaphore, #tpu.memory_space<semaphore_mem>>) src(%dma_wait3A_224 : memref<10000x128xf32, #tpu.memory_space<hbm>>) dst(%dma_wait3A_220 : memref<80x128xf32, #tpu.memory_space<vmem>>)
        %dma_wait3A_225 = tpu.memref_slice %arg16[%mul3A_216] : memref<160xf32, #tpu.memory_space<vmem>> -> memref<80xf32, #tpu.memory_space<vmem>>
        %dma_wait3A_226 = tpu.memref_slice %arg13[%mul3A_218] : memref<2000xi32, #tpu.memory_space<vmem>> -> memref<80xi32, #tpu.memory_space<vmem>>
        %dma_wait3A_227 = arith.constant 0 : i32
        %dma_wait3A_228 = tpu.memref_slice %arg3[%dma_wait3A_227] : memref<10000xf32, #tpu.memory_space<hbm>> -> memref<10000xf32, #tpu.memory_space<hbm>>
        tpu.wait_indirect_dma semaphore(%arg22 : memref<!tpu.dma_semaphore, #tpu.memory_space<semaphore_mem>>) src(%dma_wait3A_228 : memref<10000xf32, #tpu.memory_space<hbm>>) dst(%dma_wait3A_225 : memref<80xf32, #tpu.memory_space<vmem>>)
        %dma_wait3A_229 = tpu.memref_slice %arg17[%mul3A_216] : memref<160xf32, #tpu.memory_space<vmem>> -> memref<80xf32, #tpu.memory_space<vmem>>
        %dma_wait3A_230 = arith.constant 0 : i32
        %dma_wait3A_231 = tpu.memref_slice %arg14[%add3A_213, %dma_wait3A_230] : memref<25x80xi32, #tpu.memory_space<vmem>> -> memref<1x80xi32, #tpu.memory_space<vmem>>
        %dma_wait3A_232 = tpu.memref_squeeze %dma_wait3A_231 : memref<1x80xi32, #tpu.memory_space<vmem>> -> memref<80xi32, #tpu.memory_space<vmem>>
        %dma_wait3A_233 = arith.constant 0 : i32
        %dma_wait3A_234 = tpu.memref_slice %arg4[%dma_wait3A_233] : memref<10000xf32, #tpu.memory_space<hbm>> -> memref<10000xf32, #tpu.memory_space<hbm>>
        tpu.wait_indirect_dma semaphore(%arg23 : memref<!tpu.dma_semaphore, #tpu.memory_space<semaphore_mem>>) src(%dma_wait3A_234 : memref<10000xf32, #tpu.memory_space<hbm>>) dst(%dma_wait3A_229 : memref<80xf32, #tpu.memory_space<vmem>>)
        %scan3A_235 = arith.constant 0 : i32
        %scan3A_236 = arith.constant 5 : i32
        %scan3A_237 = arith.addi %scan3A_235, %scan3A_236 : i32
        %scan3A_238 = arith.constant 1 : i32
        scf.for %scan3A_279 = %scan3A_235 to %scan3A_237 step %scan3A_238  : i32 {
          %mul3A_280 = arith.constant 1 : i32
          %mul3A_281 = arith.muli %scan3A_279, %mul3A_280 : i32
          %add3A_282 = arith.constant 0 : i32
          %add3A_283 = arith.addi %add3A_282, %mul3A_281 : i32
          %mul3A_284 = arith.constant 16 : i32
          %mul3A_285 = arith.muli %add3A_283, %mul3A_284 : i32
          %add3A_286 = arith.addi %mul3A_216, %mul3A_285 : i32
          %get3A = arith.index_cast %add3A_286 : i32 to index
          %get3A_287 = tpu.vector_load %arg16[%get3A] {strides = array<i32>} : memref<160xf32, #tpu.memory_space<vmem>>, vector<16xf32>,
          %add3A_288 = arith.addi %mul3A_216, %mul3A_285 : i32
          %get3A_289 = arith.index_cast %add3A_288 : i32 to index
          %get3A_290 = tpu.vector_load %arg17[%get3A_289] {strides = array<i32>} : memref<160xf32, #tpu.memory_space<vmem>>, vector<16xf32>,
          %add3A_291 = arith.addf %get3A_287, %get3A_290 : vector<16xf32>
          %mul3A_292 = arith.constant 80 : i32
          %mul3A_293 = arith.muli %add3A_213, %mul3A_292 : i32
          %add3A_294 = arith.addi %mul3A_293, %mul3A_285 : i32
          %get3A_295 = arith.index_cast %add3A_294 : i32 to index
          %get3A_296 = tpu.vector_load %arg15[%get3A_295] {strides = array<i32>} : memref<2000xf32, #tpu.memory_space<vmem>>, vector<16xf32>,
          %add3A_297 = arith.addf %add3A_291, %get3A_296 : vector<16xf32>
          %mul3A_298 = arith.constant 2.000000e-01 : f32
          %mul3A_299 = vector.broadcast %mul3A_298 : f32 to vector<16xf32>
          %mul3A_300 = arith.mulf %mul3A_299, %add3A_297 : vector<16xf32>
          %max3A = arith.maximumf %add3A_297, %mul3A_300 : vector<16xf32>
          %exp3A = math.exp %max3A : vector<16xf32>
          %swap3A = arith.index_cast %mul3A_285 : i32 to index
          %swap3A_301 = tpu.vector_load %arg18[%swap3A] {strides = array<i32>} : memref<80xf32, #tpu.memory_space<vmem>>, vector<16xf32>,
          tpu.vector_store %arg18[%swap3A], %exp3A {strides = array<i32>} : memref<80xf32, #tpu.memory_space<vmem>>, vector<16xf32>,
          %get3A_302 = arith.index_cast %add3A_213 : i32 to index
          %get3A_303 = arith.index_cast %mul3A_285 : i32 to index
          %get3A_304 = tpu.vector_load %arg14[%get3A_302, %get3A_303] {strides = array<i32>} : memref<25x80xi32, #tpu.memory_space<vmem>>, vector<16xi32>,
          tpu.vector_store_idx %arg19[%get3A_304], %exp3A {add = true} : memref<10000xf32, #tpu.memory_space<vmem>>[vector<16xi32>], vector<16xf32>,
        }
        %scan3A_239 = arith.constant 5 : i32
        %ge3A = arith.constant 1 : i32
        %ge3A_240 = arith.cmpi sge, %add3A_213, %ge3A : i32
        %convert_element_type3A_241 = arith.extui %ge3A_240 : i1 to i32
        %cond3A_242 = arith.constant 0 : i32
        %cond3A_243 = arith.cmpi ne, %convert_element_type3A_241, %cond3A_242 : i32
        scf.if %cond3A_243 {
          %sub3A = arith.constant 1 : i32
          %sub3A_279 = arith.subi %add3A_213, %sub3A : i32
          %sub3A_280 = arith.constant 1 : i32
          %sub3A_281 = arith.subi %sub3A_280, %rem3A_214 : i32
          %mul3A_282 = arith.constant 80 : i32
          %mul3A_283 = arith.muli %sub3A_281, %mul3A_282 : i32
          %dma_wait3A_284 = arith.constant 0 : i32
          %dma_wait3A_285 = tpu.memref_slice %arg11[%mul3A_283, %dma_wait3A_284] : memref<160x128xf32, #tpu.memory_space<vmem>> -> memref<80x128xf32, #tpu.memory_space<vmem>>
          %dma_wait3A_286 = arith.constant 0 : i32
          %dma_wait3A_287 = tpu.memref_slice %arg14[%sub3A_279, %dma_wait3A_286] : memref<25x80xi32, #tpu.memory_space<vmem>> -> memref<1x80xi32, #tpu.memory_space<vmem>>
          %dma_wait3A_288 = tpu.memref_squeeze %dma_wait3A_287 : memref<1x80xi32, #tpu.memory_space<vmem>> -> memref<80xi32, #tpu.memory_space<vmem>>
          %dma_wait3A_289 = arith.constant 0 : i32
          %dma_wait3A_290 = arith.constant 0 : i32
          %dma_wait3A_291 = tpu.memref_slice %arg20[%dma_wait3A_289, %dma_wait3A_290] : memref<10000x128xf32, #tpu.memory_space<vmem_shared>> -> memref<10000x128xf32, #tpu.memory_space<vmem_shared>>
          tpu.wait_indirect_dma semaphore(%arg25 : memref<!tpu.dma_semaphore, #tpu.memory_space<semaphore_mem>>) src(%dma_wait3A_285 : memref<80x128xf32, #tpu.memory_space<vmem>>) dst(%dma_wait3A_291 : memref<10000x128xf32, #tpu.memory_space<vmem_shared>>)
        } else {
        }
        %lt3A_244 = arith.constant 24 : i32
        %lt3A_245 = arith.cmpi slt, %add3A_213, %lt3A_244 : i32
        %convert_element_type3A_246 = arith.extui %lt3A_245 : i1 to i32
        %cond3A_247 = arith.constant 0 : i32
        %cond3A_248 = arith.cmpi ne, %convert_element_type3A_246, %cond3A_247 : i32
        scf.if %cond3A_248 {
          %add3A_279 = arith.constant 1 : i32
          %add3A_280 = arith.addi %add3A_213, %add3A_279 : i32
          %sub3A = arith.constant 1 : i32
          %sub3A_281 = arith.subi %sub3A, %rem3A_214 : i32
          %mul3A_282 = arith.constant 80 : i32
          %mul3A_283 = arith.muli %add3A_280, %mul3A_282 : i32
          %mul3A_284 = arith.constant 80 : i32
          %mul3A_285 = arith.muli %sub3A_281, %mul3A_284 : i32
          %dma_start3A_286 = arith.constant 0 : i32
          %dma_start3A_287 = tpu.memref_slice %arg11[%mul3A_285, %dma_start3A_286] : memref<160x128xf32, #tpu.memory_space<vmem>> -> memref<80x128xf32, #tpu.memory_space<vmem>>
          %dma_start3A_288 = tpu.memref_slice %arg13[%mul3A_283] : memref<2000xi32, #tpu.memory_space<vmem>> -> memref<80xi32, #tpu.memory_space<vmem>>
          %dma_start3A_289 = arith.constant 0 : i32
          %dma_start3A_290 = arith.constant 0 : i32
          %dma_start3A_291 = tpu.memref_slice %arg2[%dma_start3A_289, %dma_start3A_290] : memref<10000x128xf32, #tpu.memory_space<hbm>> -> memref<10000x128xf32, #tpu.memory_space<hbm>>
          tpu.enqueue_indirect_dma source(%dma_start3A_291 : memref<10000x128xf32, #tpu.memory_space<hbm>>) target(%dma_start3A_287 : memref<80x128xf32, #tpu.memory_space<vmem>>) offsets(%dma_start3A_288 : memref<80xi32, #tpu.memory_space<vmem>>) semaphore(%arg21 : memref<!tpu.dma_semaphore, #tpu.memory_space<semaphore_mem>>)
          %mul3A_292 = arith.constant 80 : i32
          %mul3A_293 = arith.muli %sub3A_281, %mul3A_292 : i32
          %dma_start3A_294 = tpu.memref_slice %arg16[%mul3A_293] : memref<160xf32, #tpu.memory_space<vmem>> -> memref<80xf32, #tpu.memory_space<vmem>>
          %dma_start3A_295 = tpu.memref_slice %arg13[%mul3A_283] : memref<2000xi32, #tpu.memory_space<vmem>> -> memref<80xi32, #tpu.memory_space<vmem>>
          %dma_start3A_296 = arith.constant 0 : i32
          %dma_start3A_297 = tpu.memref_slice %arg3[%dma_start3A_296] : memref<10000xf32, #tpu.memory_space<hbm>> -> memref<10000xf32, #tpu.memory_space<hbm>>
          tpu.enqueue_indirect_dma source(%dma_start3A_297 : memref<10000xf32, #tpu.memory_space<hbm>>) target(%dma_start3A_294 : memref<80xf32, #tpu.memory_space<vmem>>) offsets(%dma_start3A_295 : memref<80xi32, #tpu.memory_space<vmem>>) semaphore(%arg22 : memref<!tpu.dma_semaphore, #tpu.memory_space<semaphore_mem>>)
          %mul3A_298 = arith.constant 80 : i32
          %mul3A_299 = arith.muli %sub3A_281, %mul3A_298 : i32
          %dma_start3A_300 = tpu.memref_slice %arg17[%mul3A_299] : memref<160xf32, #tpu.memory_space<vmem>> -> memref<80xf32, #tpu.memory_space<vmem>>
          %dma_start3A_301 = arith.constant 0 : i32
          %dma_start3A_302 = tpu.memref_slice %arg14[%add3A_280, %dma_start3A_301] : memref<25x80xi32, #tpu.memory_space<vmem>> -> memref<1x80xi32, #tpu.memory_space<vmem>>
          %dma_start3A_303 = tpu.memref_squeeze %dma_start3A_302 : memref<1x80xi32, #tpu.memory_space<vmem>> -> memref<80xi32, #tpu.memory_space<vmem>>
          %dma_start3A_304 = arith.constant 0 : i32
          %dma_start3A_305 = tpu.memref_slice %arg4[%dma_start3A_304] : memref<10000xf32, #tpu.memory_space<hbm>> -> memref<10000xf32, #tpu.memory_space<hbm>>
          tpu.enqueue_indirect_dma source(%dma_start3A_305 : memref<10000xf32, #tpu.memory_space<hbm>>) target(%dma_start3A_300 : memref<80xf32, #tpu.memory_space<vmem>>) offsets(%dma_start3A_303 : memref<80xi32, #tpu.memory_space<vmem>>) semaphore(%arg23 : memref<!tpu.dma_semaphore, #tpu.memory_space<semaphore_mem>>)
        } else {
        }
        %mul3A_249 = arith.constant 80 : i32
        %mul3A_250 = arith.muli %add3A_213, %mul3A_249 : i32
        %add3A_251 = arith.addi %add3A_172, %mul3A_250 : i32
        %dma_wait3A_252 = arith.constant 0 : i32
        %dma_wait3A_253 = tpu.memref_slice %arg8[%add3A_251, %dma_wait3A_252] : memref<320000x128xf32, #tpu.memory_space<hbm>> -> memref<80x128xf32, #tpu.memory_space<hbm>>
        %dma_wait3A_254 = arith.constant 0 : i32
        %dma_wait3A_255 = tpu.memref_slice %arg8[%add3A_251, %dma_wait3A_254] : memref<320000x128xf32, #tpu.memory_space<hbm>> -> memref<80x128xf32, #tpu.memory_space<hbm>>
        tpu.wait_dma2 semaphore(%arg24 : memref<!tpu.dma_semaphore, #tpu.memory_space<semaphore_mem>>) src(%dma_wait3A_255 : memref<80x128xf32, #tpu.memory_space<hbm>>) dst(%arg12 : memref<80x128xf32, #tpu.memory_space<vmem>>)
        %scan3A_256 = arith.constant 0 : i32
        %scan3A_257 = arith.constant 80 : i32
        %scan3A_258 = arith.addi %scan3A_256, %scan3A_257 : i32
        %scan3A_259 = arith.constant 1 : i32
        scf.for %scan3A_279 = %scan3A_256 to %scan3A_258 step %scan3A_259  : i32 {
          %mul3A_280 = arith.constant 1 : i32
          %mul3A_281 = arith.muli %scan3A_279, %mul3A_280 : i32
          %add3A_282 = arith.constant 0 : i32
          %add3A_283 = arith.addi %add3A_282, %mul3A_281 : i32
          %broadcast_in_dim3A_284 = arith.constant 0 : i32
          %broadcast_in_dim3A_285 = vector.broadcast %broadcast_in_dim3A_284 : i32 to vector<16xi32>
          %add3A_286 = vector.broadcast %add3A_283 : i32 to vector<16xi32>
          %add3A_287 = arith.addi %broadcast_in_dim3A_285, %add3A_286 : vector<16xi32>
          %gather3A = tpu.vector_load_idx %arg18[%add3A_287] : memref<80xf32, #tpu.memory_space<vmem>>[vector<16xi32>], vector<16xf32>,
          %add3A_288 = arith.addi %mul3A_216, %add3A_283 : i32
          %get3A = arith.index_cast %add3A_288 : i32 to index
          %get3A_289 = arith.constant 0 : index
          %get3A_290 = tpu.vector_load %arg11[%get3A, %get3A_289] {strides = array<i32>} : memref<160x128xf32, #tpu.memory_space<vmem>>, vector<16xf32>,
          %get3A_291 = arith.index_cast %add3A_283 : i32 to index
          %get3A_292 = arith.constant 0 : index
          %get3A_293 = tpu.vector_load %arg12[%get3A_291, %get3A_292] {strides = array<i32>} : memref<80x128xf32, #tpu.memory_space<vmem>>, vector<16xf32>,
          %add3A_294 = arith.addf %get3A_290, %get3A_293 : vector<16xf32>
          %mul3A_295 = arith.mulf %add3A_294, %gather3A : vector<16xf32>
          %add3A_296 = arith.addi %mul3A_216, %add3A_283 : i32
          %swap3A = arith.index_cast %add3A_296 : i32 to index
          %swap3A_297 = arith.constant 0 : index
          %swap3A_298 = tpu.vector_load %arg11[%swap3A, %swap3A_297] {strides = array<i32>} : memref<160x128xf32, #tpu.memory_space<vmem>>, vector<16xf32>,
          tpu.vector_store %arg11[%swap3A, %swap3A_297], %mul3A_295 {strides = array<i32>} : memref<160x128xf32, #tpu.memory_space<vmem>>, vector<16xf32>,
          %add3A_299 = arith.addi %mul3A_216, %add3A_283 : i32
          %get3A_300 = arith.index_cast %add3A_299 : i32 to index
          %get3A_301 = arith.constant 16 : index
          %get3A_302 = tpu.vector_load %arg11[%get3A_300, %get3A_301] {strides = array<i32>} : memref<160x128xf32, #tpu.memory_space<vmem>>, vector<16xf32>,
          %get3A_303 = arith.index_cast %add3A_283 : i32 to index
          %get3A_304 = arith.constant 16 : index
          %get3A_305 = tpu.vector_load %arg12[%get3A_303, %get3A_304] {strides = array<i32>} : memref<80x128xf32, #tpu.memory_space<vmem>>, vector<16xf32>,
          %add3A_306 = arith.addf %get3A_302, %get3A_305 : vector<16xf32>
          %mul3A_307 = arith.mulf %add3A_306, %gather3A : vector<16xf32>
          %add3A_308 = arith.addi %mul3A_216, %add3A_283 : i32
          %swap3A_309 = arith.index_cast %add3A_308 : i32 to index
          %swap3A_310 = arith.constant 16 : index
          %swap3A_311 = tpu.vector_load %arg11[%swap3A_309, %swap3A_310] {strides = array<i32>} : memref<160x128xf32, #tpu.memory_space<vmem>>, vector<16xf32>,
          tpu.vector_store %arg11[%swap3A_309, %swap3A_310], %mul3A_307 {strides = array<i32>} : memref<160x128xf32, #tpu.memory_space<vmem>>, vector<16xf32>,
          %add3A_312 = arith.addi %mul3A_216, %add3A_283 : i32
          %get3A_313 = arith.index_cast %add3A_312 : i32 to index
          %get3A_314 = arith.constant 32 : index
          %get3A_315 = tpu.vector_load %arg11[%get3A_313, %get3A_314] {strides = array<i32>} : memref<160x128xf32, #tpu.memory_space<vmem>>, vector<16xf32>,
          %get3A_316 = arith.index_cast %add3A_283 : i32 to index
          %get3A_317 = arith.constant 32 : index
          %get3A_318 = tpu.vector_load %arg12[%get3A_316, %get3A_317] {strides = array<i32>} : memref<80x128xf32, #tpu.memory_space<vmem>>, vector<16xf32>,
          %add3A_319 = arith.addf %get3A_315, %get3A_318 : vector<16xf32>
          %mul3A_320 = arith.mulf %add3A_319, %gather3A : vector<16xf32>
          %add3A_321 = arith.addi %mul3A_216, %add3A_283 : i32
          %swap3A_322 = arith.index_cast %add3A_321 : i32 to index
          %swap3A_323 = arith.constant 32 : index
          %swap3A_324 = tpu.vector_load %arg11[%swap3A_322, %swap3A_323] {strides = array<i32>} : memref<160x128xf32, #tpu.memory_space<vmem>>, vector<16xf32>,
          tpu.vector_store %arg11[%swap3A_322, %swap3A_323], %mul3A_320 {strides = array<i32>} : memref<160x128xf32, #tpu.memory_space<vmem>>, vector<16xf32>,
          %add3A_325 = arith.addi %mul3A_216, %add3A_283 : i32
          %get3A_326 = arith.index_cast %add3A_325 : i32 to index
          %get3A_327 = arith.constant 48 : index
          %get3A_328 = tpu.vector_load %arg11[%get3A_326, %get3A_327] {strides = array<i32>} : memref<160x128xf32, #tpu.memory_space<vmem>>, vector<16xf32>,
          %get3A_329 = arith.index_cast %add3A_283 : i32 to index
          %get3A_330 = arith.constant 48 : index
          %get3A_331 = tpu.vector_load %arg12[%get3A_329, %get3A_330] {strides = array<i32>} : memref<80x128xf32, #tpu.memory_space<vmem>>, vector<16xf32>,
          %add3A_332 = arith.addf %get3A_328, %get3A_331 : vector<16xf32>
          %mul3A_333 = arith.mulf %add3A_332, %gather3A : vector<16xf32>
          %add3A_334 = arith.addi %mul3A_216, %add3A_283 : i32
          %swap3A_335 = arith.index_cast %add3A_334 : i32 to index
          %swap3A_336 = arith.constant 48 : index
          %swap3A_337 = tpu.vector_load %arg11[%swap3A_335, %swap3A_336] {strides = array<i32>} : memref<160x128xf32, #tpu.memory_space<vmem>>, vector<16xf32>,
          tpu.vector_store %arg11[%swap3A_335, %swap3A_336], %mul3A_333 {strides = array<i32>} : memref<160x128xf32, #tpu.memory_space<vmem>>, vector<16xf32>,
          %add3A_338 = arith.addi %mul3A_216, %add3A_283 : i32
          %get3A_339 = arith.index_cast %add3A_338 : i32 to index
          %get3A_340 = arith.constant 64 : index
          %get3A_341 = tpu.vector_load %arg11[%get3A_339, %get3A_340] {strides = array<i32>} : memref<160x128xf32, #tpu.memory_space<vmem>>, vector<16xf32>,
          %get3A_342 = arith.index_cast %add3A_283 : i32 to index
          %get3A_343 = arith.constant 64 : index
          %get3A_344 = tpu.vector_load %arg12[%get3A_342, %get3A_343] {strides = array<i32>} : memref<80x128xf32, #tpu.memory_space<vmem>>, vector<16xf32>,
          %add3A_345 = arith.addf %get3A_341, %get3A_344 : vector<16xf32>
          %mul3A_346 = arith.mulf %add3A_345, %gather3A : vector<16xf32>
          %add3A_347 = arith.addi %mul3A_216, %add3A_283 : i32
          %swap3A_348 = arith.index_cast %add3A_347 : i32 to index
          %swap3A_349 = arith.constant 64 : index
          %swap3A_350 = tpu.vector_load %arg11[%swap3A_348, %swap3A_349] {strides = array<i32>} : memref<160x128xf32, #tpu.memory_space<vmem>>, vector<16xf32>,
          tpu.vector_store %arg11[%swap3A_348, %swap3A_349], %mul3A_346 {strides = array<i32>} : memref<160x128xf32, #tpu.memory_space<vmem>>, vector<16xf32>,
          %add3A_351 = arith.addi %mul3A_216, %add3A_283 : i32
          %get3A_352 = arith.index_cast %add3A_351 : i32 to index
          %get3A_353 = arith.constant 80 : index
          %get3A_354 = tpu.vector_load %arg11[%get3A_352, %get3A_353] {strides = array<i32>} : memref<160x128xf32, #tpu.memory_space<vmem>>, vector<16xf32>,
          %get3A_355 = arith.index_cast %add3A_283 : i32 to index
          %get3A_356 = arith.constant 80 : index
          %get3A_357 = tpu.vector_load %arg12[%get3A_355, %get3A_356] {strides = array<i32>} : memref<80x128xf32, #tpu.memory_space<vmem>>, vector<16xf32>,
          %add3A_358 = arith.addf %get3A_354, %get3A_357 : vector<16xf32>
          %mul3A_359 = arith.mulf %add3A_358, %gather3A : vector<16xf32>
          %add3A_360 = arith.addi %mul3A_216, %add3A_283 : i32
          %swap3A_361 = arith.index_cast %add3A_360 : i32 to index
          %swap3A_362 = arith.constant 80 : index
          %swap3A_363 = tpu.vector_load %arg11[%swap3A_361, %swap3A_362] {strides = array<i32>} : memref<160x128xf32, #tpu.memory_space<vmem>>, vector<16xf32>,
          tpu.vector_store %arg11[%swap3A_361, %swap3A_362], %mul3A_359 {strides = array<i32>} : memref<160x128xf32, #tpu.memory_space<vmem>>, vector<16xf32>,
          %add3A_364 = arith.addi %mul3A_216, %add3A_283 : i32
          %get3A_365 = arith.index_cast %add3A_364 : i32 to index
          %get3A_366 = arith.constant 96 : index
          %get3A_367 = tpu.vector_load %arg11[%get3A_365, %get3A_366] {strides = array<i32>} : memref<160x128xf32, #tpu.memory_space<vmem>>, vector<16xf32>,
          %get3A_368 = arith.index_cast %add3A_283 : i32 to index
          %get3A_369 = arith.constant 96 : index
          %get3A_370 = tpu.vector_load %arg12[%get3A_368, %get3A_369] {strides = array<i32>} : memref<80x128xf32, #tpu.memory_space<vmem>>, vector<16xf32>,
          %add3A_371 = arith.addf %get3A_367, %get3A_370 : vector<16xf32>
          %mul3A_372 = arith.mulf %add3A_371, %gather3A : vector<16xf32>
          %add3A_373 = arith.addi %mul3A_216, %add3A_283 : i32
          %swap3A_374 = arith.index_cast %add3A_373 : i32 to index
          %swap3A_375 = arith.constant 96 : index
          %swap3A_376 = tpu.vector_load %arg11[%swap3A_374, %swap3A_375] {strides = array<i32>} : memref<160x128xf32, #tpu.memory_space<vmem>>, vector<16xf32>,
          tpu.vector_store %arg11[%swap3A_374, %swap3A_375], %mul3A_372 {strides = array<i32>} : memref<160x128xf32, #tpu.memory_space<vmem>>, vector<16xf32>,
          %add3A_377 = arith.addi %mul3A_216, %add3A_283 : i32
          %get3A_378 = arith.index_cast %add3A_377 : i32 to index
          %get3A_379 = arith.constant 112 : index
          %get3A_380 = tpu.vector_load %arg11[%get3A_378, %get3A_379] {strides = array<i32>} : memref<160x128xf32, #tpu.memory_space<vmem>>, vector<16xf32>,
          %get3A_381 = arith.index_cast %add3A_283 : i32 to index
          %get3A_382 = arith.constant 112 : index
          %get3A_383 = tpu.vector_load %arg12[%get3A_381, %get3A_382] {strides = array<i32>} : memref<80x128xf32, #tpu.memory_space<vmem>>, vector<16xf32>,
          %add3A_384 = arith.addf %get3A_380, %get3A_383 : vector<16xf32>
          %mul3A_385 = arith.mulf %add3A_384, %gather3A : vector<16xf32>
          %add3A_386 = arith.addi %mul3A_216, %add3A_283 : i32
          %swap3A_387 = arith.index_cast %add3A_386 : i32 to index
          %swap3A_388 = arith.constant 112 : index
          %swap3A_389 = tpu.vector_load %arg11[%swap3A_387, %swap3A_388] {strides = array<i32>} : memref<160x128xf32, #tpu.memory_space<vmem>>, vector<16xf32>,
          tpu.vector_store %arg11[%swap3A_387, %swap3A_388], %mul3A_385 {strides = array<i32>} : memref<160x128xf32, #tpu.memory_space<vmem>>, vector<16xf32>,
        }
        %scan3A_260 = arith.constant 80 : i32
        %mul3A_261 = arith.constant 25 : i32
        %mul3A_262 = arith.muli %add3A_169, %mul3A_261 : i32
        %add3A_263 = arith.addi %mul3A_262, %add3A_213 : i32
        %add3A_264 = arith.constant 1 : i32
        %add3A_265 = arith.addi %add3A_263, %add3A_264 : i32
        %lt3A_266 = arith.constant 125 : i32
        %lt3A_267 = arith.cmpi slt, %add3A_265, %lt3A_266 : i32
        %convert_element_type3A_268 = arith.extui %lt3A_267 : i1 to i32
        %cond3A_269 = arith.constant 0 : i32
        %cond3A_270 = arith.cmpi ne, %convert_element_type3A_268, %cond3A_269 : i32
        scf.if %cond3A_270 {
          %add3A_279 = arith.constant 1 : i32
          %add3A_280 = arith.addi %add3A_213, %add3A_279 : i32
          %mul3A_281 = arith.constant 80 : i32
          %mul3A_282 = arith.muli %add3A_280, %mul3A_281 : i32
          %add3A_283 = arith.addi %add3A_172, %mul3A_282 : i32
          %dma_start3A_284 = arith.constant 0 : i32
          %dma_start3A_285 = tpu.memref_slice %arg8[%add3A_283, %dma_start3A_284] : memref<320000x128xf32, #tpu.memory_space<hbm>> -> memref<80x128xf32, #tpu.memory_space<hbm>>
          %dma_start3A_286 = arith.constant 0 : i32
          %dma_start3A_287 = tpu.memref_slice %arg8[%add3A_283, %dma_start3A_286] : memref<320000x128xf32, #tpu.memory_space<hbm>> -> memref<80x128xf32, #tpu.memory_space<hbm>>
          tpu.enqueue_dma source(%dma_start3A_287 : memref<80x128xf32, #tpu.memory_space<hbm>>) target(%arg12 : memref<80x128xf32, #tpu.memory_space<vmem>>) target_semaphore(%arg24 : memref<!tpu.dma_semaphore, #tpu.memory_space<semaphore_mem>>)
        } else {
        }
        %dma_start3A_271 = arith.constant 0 : i32
        %dma_start3A_272 = tpu.memref_slice %arg11[%mul3A_216, %dma_start3A_271] : memref<160x128xf32, #tpu.memory_space<vmem>> -> memref<80x128xf32, #tpu.memory_space<vmem>>
        %dma_start3A_273 = arith.constant 0 : i32
        %dma_start3A_274 = tpu.memref_slice %arg14[%add3A_213, %dma_start3A_273] : memref<25x80xi32, #tpu.memory_space<vmem>> -> memref<1x80xi32, #tpu.memory_space<vmem>>
        %dma_start3A_275 = tpu.memref_squeeze %dma_start3A_274 : memref<1x80xi32, #tpu.memory_space<vmem>> -> memref<80xi32, #tpu.memory_space<vmem>>
        %dma_start3A_276 = arith.constant 0 : i32
        %dma_start3A_277 = arith.constant 0 : i32
        %dma_start3A_278 = tpu.memref_slice %arg20[%dma_start3A_276, %dma_start3A_277] : memref<10000x128xf32, #tpu.memory_space<vmem_shared>> -> memref<10000x128xf32, #tpu.memory_space<vmem_shared>>
        tpu.enqueue_indirect_dma source(%dma_start3A_272 : memref<80x128xf32, #tpu.memory_space<vmem>>) target(%dma_start3A_278 : memref<10000x128xf32, #tpu.memory_space<vmem_shared>>) offsets(%dma_start3A_275 : memref<80xi32, #tpu.memory_space<vmem>>) semaphore(%arg25 : memref<!tpu.dma_semaphore, #tpu.memory_space<semaphore_mem>>) {add = true}
      }
      %scan3A_199 = arith.constant 25 : i32
      %dma_wait3A = arith.constant 24 : i32
      %dma_wait3A_200 = arith.constant 0 : i32
      %dma_wait3A_201 = arith.constant 0 : i32
      %dma_wait3A_202 = tpu.memref_slice %arg11[%dma_wait3A_200, %dma_wait3A_201] : memref<160x128xf32, #tpu.memory_space<vmem>> -> memref<80x128xf32, #tpu.memory_space<vmem>>
      %dma_wait3A_203 = arith.constant 0 : i32
      %dma_wait3A_204 = tpu.memref_slice %arg14[%dma_wait3A, %dma_wait3A_203] : memref<25x80xi32, #tpu.memory_space<vmem>> -> memref<1x80xi32, #tpu.memory_space<vmem>>
      %dma_wait3A_205 = tpu.memref_squeeze %dma_wait3A_204 : memref<1x80xi32, #tpu.memory_space<vmem>> -> memref<80xi32, #tpu.memory_space<vmem>>
      %dma_wait3A_206 = arith.constant 0 : i32
      %dma_wait3A_207 = arith.constant 0 : i32
      %dma_wait3A_208 = tpu.memref_slice %arg20[%dma_wait3A_206, %dma_wait3A_207] : memref<10000x128xf32, #tpu.memory_space<vmem_shared>> -> memref<10000x128xf32, #tpu.memory_space<vmem_shared>>
      tpu.wait_indirect_dma semaphore(%arg25 : memref<!tpu.dma_semaphore, #tpu.memory_space<semaphore_mem>>) src(%dma_wait3A_202 : memref<80x128xf32, #tpu.memory_space<vmem>>) dst(%dma_wait3A_208 : memref<10000x128xf32, #tpu.memory_space<vmem_shared>>)
    }
    %scan3A_89 = arith.constant 5 : i32
    %barrier3A_90 = arith.constant 0 : index
    tpu.barrier barrier_id(%barrier3A_90)
    %mul3A_91 = arith.constant 640 : i32
    %mul3A_92 = arith.muli %arg1, %mul3A_91 : i32
    %add3A_93 = arith.constant 0 : i32
    %add3A_94 = arith.addi %mul3A_92, %add3A_93 : i32
    %lt3A_95 = arith.constant 10000 : i32
    %lt3A_96 = arith.cmpi slt, %add3A_94, %lt3A_95 : i32
    %convert_element_type3A_97 = arith.extui %lt3A_96 : i1 to i32
    %cond3A_98 = arith.constant 0 : i32
    %cond3A_99 = arith.cmpi ne, %convert_element_type3A_97, %cond3A_98 : i32
    scf.if %cond3A_99 {
      "tpu.region"() ({
        %run_scoped3A = tpu.sem_alloc : memref<!tpu.dma_semaphore, #tpu.memory_space<semaphore_mem>>
        %dma_start3A_165 = arith.constant 0 : i32
        %dma_start3A_166 = tpu.memref_slice %arg9[%arg0, %add3A_94, %dma_start3A_165] : memref<2x10000x128xf32, #tpu.memory_space<hbm>> -> memref<1x80x128xf32, #tpu.memory_space<hbm>>
        %dma_start3A_167 = tpu.memref_squeeze %dma_start3A_166 : memref<1x80x128xf32, #tpu.memory_space<hbm>> -> memref<80x128xf32, #tpu.memory_space<hbm>>
        %dma_start3A_168 = arith.constant 0 : i32
        %dma_start3A_169 = tpu.memref_slice %arg20[%add3A_94, %dma_start3A_168] : memref<10000x128xf32, #tpu.memory_space<vmem_shared>> -> memref<80x128xf32, #tpu.memory_space<vmem_shared>>
        tpu.enqueue_dma source(%dma_start3A_169 : memref<80x128xf32, #tpu.memory_space<vmem_shared>>) target(%dma_start3A_167 : memref<80x128xf32, #tpu.memory_space<hbm>>) target_semaphore(%run_scoped3A : memref<!tpu.dma_semaphore, #tpu.memory_space<semaphore_mem>>)
        %dma_wait3A = arith.constant 0 : i32
        %dma_wait3A_170 = tpu.memref_slice %arg9[%arg0, %add3A_94, %dma_wait3A] : memref<2x10000x128xf32, #tpu.memory_space<hbm>> -> memref<1x80x128xf32, #tpu.memory_space<hbm>>
        %dma_wait3A_171 = tpu.memref_squeeze %dma_wait3A_170 : memref<1x80x128xf32, #tpu.memory_space<hbm>> -> memref<80x128xf32, #tpu.memory_space<hbm>>
        %dma_wait3A_172 = arith.constant 0 : i32
        %dma_wait3A_173 = tpu.memref_slice %arg20[%add3A_94, %dma_wait3A_172] : memref<10000x128xf32, #tpu.memory_space<vmem_shared>> -> memref<80x128xf32, #tpu.memory_space<vmem_shared>>
        tpu.wait_dma2 semaphore(%run_scoped3A : memref<!tpu.dma_semaphore, #tpu.memory_space<semaphore_mem>>) src(%dma_wait3A_173 : memref<80x128xf32, #tpu.memory_space<vmem_shared>>) dst(%dma_wait3A_171 : memref<80x128xf32, #tpu.memory_space<hbm>>)
        tpu.yield
      }) : () -> ()
    } else {
    }
    %mul3A_100 = arith.constant 640 : i32
    %mul3A_101 = arith.muli %arg1, %mul3A_100 : i32
    %add3A_102 = arith.constant 80 : i32
    %add3A_103 = arith.addi %mul3A_101, %add3A_102 : i32
    %lt3A_104 = arith.constant 10000 : i32
    %lt3A_105 = arith.cmpi slt, %add3A_103, %lt3A_104 : i32
    %convert_element_type3A_106 = arith.extui %lt3A_105 : i1 to i32
    %cond3A_107 = arith.constant 0 : i32
    %cond3A_108 = arith.cmpi ne, %convert_element_type3A_106, %cond3A_107 : i32
    scf.if %cond3A_108 {
      "tpu.region"() ({
        %run_scoped3A = tpu.sem_alloc : memref<!tpu.dma_semaphore, #tpu.memory_space<semaphore_mem>>
        %dma_start3A_165 = arith.constant 0 : i32
        %dma_start3A_166 = tpu.memref_slice %arg9[%arg0, %add3A_103, %dma_start3A_165] : memref<2x10000x128xf32, #tpu.memory_space<hbm>> -> memref<1x80x128xf32, #tpu.memory_space<hbm>>
        %dma_start3A_167 = tpu.memref_squeeze %dma_start3A_166 : memref<1x80x128xf32, #tpu.memory_space<hbm>> -> memref<80x128xf32, #tpu.memory_space<hbm>>
        %dma_start3A_168 = arith.constant 0 : i32
        %dma_start3A_169 = tpu.memref_slice %arg20[%add3A_103, %dma_start3A_168] : memref<10000x128xf32, #tpu.memory_space<vmem_shared>> -> memref<80x128xf32, #tpu.memory_space<vmem_shared>>
        tpu.enqueue_dma source(%dma_start3A_169 : memref<80x128xf32, #tpu.memory_space<vmem_shared>>) target(%dma_start3A_167 : memref<80x128xf32, #tpu.memory_space<hbm>>) target_semaphore(%run_scoped3A : memref<!tpu.dma_semaphore, #tpu.memory_space<semaphore_mem>>)
        %dma_wait3A = arith.constant 0 : i32
        %dma_wait3A_170 = tpu.memref_slice %arg9[%arg0, %add3A_103, %dma_wait3A] : memref<2x10000x128xf32, #tpu.memory_space<hbm>> -> memref<1x80x128xf32, #tpu.memory_space<hbm>>
        %dma_wait3A_171 = tpu.memref_squeeze %dma_wait3A_170 : memref<1x80x128xf32, #tpu.memory_space<hbm>> -> memref<80x128xf32, #tpu.memory_space<hbm>>
        %dma_wait3A_172 = arith.constant 0 : i32
        %dma_wait3A_173 = tpu.memref_slice %arg20[%add3A_103, %dma_wait3A_172] : memref<10000x128xf32, #tpu.memory_space<vmem_shared>> -> memref<80x128xf32, #tpu.memory_space<vmem_shared>>
        tpu.wait_dma2 semaphore(%run_scoped3A : memref<!tpu.dma_semaphore, #tpu.memory_space<semaphore_mem>>) src(%dma_wait3A_173 : memref<80x128xf32, #tpu.memory_space<vmem_shared>>) dst(%dma_wait3A_171 : memref<80x128xf32, #tpu.memory_space<hbm>>)
        tpu.yield
      }) : () -> ()
    } else {
    }
    %mul3A_109 = arith.constant 640 : i32
    %mul3A_110 = arith.muli %arg1, %mul3A_109 : i32
    %add3A_111 = arith.constant 160 : i32
    %add3A_112 = arith.addi %mul3A_110, %add3A_111 : i32
    %lt3A_113 = arith.constant 10000 : i32
    %lt3A_114 = arith.cmpi slt, %add3A_112, %lt3A_113 : i32
    %convert_element_type3A_115 = arith.extui %lt3A_114 : i1 to i32
    %cond3A_116 = arith.constant 0 : i32
    %cond3A_117 = arith.cmpi ne, %convert_element_type3A_115, %cond3A_116 : i32
    scf.if %cond3A_117 {
      "tpu.region"() ({
        %run_scoped3A = tpu.sem_alloc : memref<!tpu.dma_semaphore, #tpu.memory_space<semaphore_mem>>
        %dma_start3A_165 = arith.constant 0 : i32
        %dma_start3A_166 = tpu.memref_slice %arg9[%arg0, %add3A_112, %dma_start3A_165] : memref<2x10000x128xf32, #tpu.memory_space<hbm>> -> memref<1x80x128xf32, #tpu.memory_space<hbm>>
        %dma_start3A_167 = tpu.memref_squeeze %dma_start3A_166 : memref<1x80x128xf32, #tpu.memory_space<hbm>> -> memref<80x128xf32, #tpu.memory_space<hbm>>
        %dma_start3A_168 = arith.constant 0 : i32
        %dma_start3A_169 = tpu.memref_slice %arg20[%add3A_112, %dma_start3A_168] : memref<10000x128xf32, #tpu.memory_space<vmem_shared>> -> memref<80x128xf32, #tpu.memory_space<vmem_shared>>
        tpu.enqueue_dma source(%dma_start3A_169 : memref<80x128xf32, #tpu.memory_space<vmem_shared>>) target(%dma_start3A_167 : memref<80x128xf32, #tpu.memory_space<hbm>>) target_semaphore(%run_scoped3A : memref<!tpu.dma_semaphore, #tpu.memory_space<semaphore_mem>>)
        %dma_wait3A = arith.constant 0 : i32
        %dma_wait3A_170 = tpu.memref_slice %arg9[%arg0, %add3A_112, %dma_wait3A] : memref<2x10000x128xf32, #tpu.memory_space<hbm>> -> memref<1x80x128xf32, #tpu.memory_space<hbm>>
        %dma_wait3A_171 = tpu.memref_squeeze %dma_wait3A_170 : memref<1x80x128xf32, #tpu.memory_space<hbm>> -> memref<80x128xf32, #tpu.memory_space<hbm>>
        %dma_wait3A_172 = arith.constant 0 : i32
        %dma_wait3A_173 = tpu.memref_slice %arg20[%add3A_112, %dma_wait3A_172] : memref<10000x128xf32, #tpu.memory_space<vmem_shared>> -> memref<80x128xf32, #tpu.memory_space<vmem_shared>>
        tpu.wait_dma2 semaphore(%run_scoped3A : memref<!tpu.dma_semaphore, #tpu.memory_space<semaphore_mem>>) src(%dma_wait3A_173 : memref<80x128xf32, #tpu.memory_space<vmem_shared>>) dst(%dma_wait3A_171 : memref<80x128xf32, #tpu.memory_space<hbm>>)
        tpu.yield
      }) : () -> ()
    } else {
    }
    %mul3A_118 = arith.constant 640 : i32
    %mul3A_119 = arith.muli %arg1, %mul3A_118 : i32
    %add3A_120 = arith.constant 240 : i32
    %add3A_121 = arith.addi %mul3A_119, %add3A_120 : i32
    %lt3A_122 = arith.constant 10000 : i32
    %lt3A_123 = arith.cmpi slt, %add3A_121, %lt3A_122 : i32
    %convert_element_type3A_124 = arith.extui %lt3A_123 : i1 to i32
    %cond3A_125 = arith.constant 0 : i32
    %cond3A_126 = arith.cmpi ne, %convert_element_type3A_124, %cond3A_125 : i32
    scf.if %cond3A_126 {
      "tpu.region"() ({
        %run_scoped3A = tpu.sem_alloc : memref<!tpu.dma_semaphore, #tpu.memory_space<semaphore_mem>>
        %dma_start3A_165 = arith.constant 0 : i32
        %dma_start3A_166 = tpu.memref_slice %arg9[%arg0, %add3A_121, %dma_start3A_165] : memref<2x10000x128xf32, #tpu.memory_space<hbm>> -> memref<1x80x128xf32, #tpu.memory_space<hbm>>
        %dma_start3A_167 = tpu.memref_squeeze %dma_start3A_166 : memref<1x80x128xf32, #tpu.memory_space<hbm>> -> memref<80x128xf32, #tpu.memory_space<hbm>>
        %dma_start3A_168 = arith.constant 0 : i32
        %dma_start3A_169 = tpu.memref_slice %arg20[%add3A_121, %dma_start3A_168] : memref<10000x128xf32, #tpu.memory_space<vmem_shared>> -> memref<80x128xf32, #tpu.memory_space<vmem_shared>>
        tpu.enqueue_dma source(%dma_start3A_169 : memref<80x128xf32, #tpu.memory_space<vmem_shared>>) target(%dma_start3A_167 : memref<80x128xf32, #tpu.memory_space<hbm>>) target_semaphore(%run_scoped3A : memref<!tpu.dma_semaphore, #tpu.memory_space<semaphore_mem>>)
        %dma_wait3A = arith.constant 0 : i32
        %dma_wait3A_170 = tpu.memref_slice %arg9[%arg0, %add3A_121, %dma_wait3A] : memref<2x10000x128xf32, #tpu.memory_space<hbm>> -> memref<1x80x128xf32, #tpu.memory_space<hbm>>
        %dma_wait3A_171 = tpu.memref_squeeze %dma_wait3A_170 : memref<1x80x128xf32, #tpu.memory_space<hbm>> -> memref<80x128xf32, #tpu.memory_space<hbm>>
        %dma_wait3A_172 = arith.constant 0 : i32
        %dma_wait3A_173 = tpu.memref_slice %arg20[%add3A_121, %dma_wait3A_172] : memref<10000x128xf32, #tpu.memory_space<vmem_shared>> -> memref<80x128xf32, #tpu.memory_space<vmem_shared>>
        tpu.wait_dma2 semaphore(%run_scoped3A : memref<!tpu.dma_semaphore, #tpu.memory_space<semaphore_mem>>) src(%dma_wait3A_173 : memref<80x128xf32, #tpu.memory_space<vmem_shared>>) dst(%dma_wait3A_171 : memref<80x128xf32, #tpu.memory_space<hbm>>)
        tpu.yield
      }) : () -> ()
    } else {
    }
    %mul3A_127 = arith.constant 640 : i32
    %mul3A_128 = arith.muli %arg1, %mul3A_127 : i32
    %add3A_129 = arith.constant 320 : i32
    %add3A_130 = arith.addi %mul3A_128, %add3A_129 : i32
    %lt3A_131 = arith.constant 10000 : i32
    %lt3A_132 = arith.cmpi slt, %add3A_130, %lt3A_131 : i32
    %convert_element_type3A_133 = arith.extui %lt3A_132 : i1 to i32
    %cond3A_134 = arith.constant 0 : i32
    %cond3A_135 = arith.cmpi ne, %convert_element_type3A_133, %cond3A_134 : i32
    scf.if %cond3A_135 {
      "tpu.region"() ({
        %run_scoped3A = tpu.sem_alloc : memref<!tpu.dma_semaphore, #tpu.memory_space<semaphore_mem>>
        %dma_start3A_165 = arith.constant 0 : i32
        %dma_start3A_166 = tpu.memref_slice %arg9[%arg0, %add3A_130, %dma_start3A_165] : memref<2x10000x128xf32, #tpu.memory_space<hbm>> -> memref<1x80x128xf32, #tpu.memory_space<hbm>>
        %dma_start3A_167 = tpu.memref_squeeze %dma_start3A_166 : memref<1x80x128xf32, #tpu.memory_space<hbm>> -> memref<80x128xf32, #tpu.memory_space<hbm>>
        %dma_start3A_168 = arith.constant 0 : i32
        %dma_start3A_169 = tpu.memref_slice %arg20[%add3A_130, %dma_start3A_168] : memref<10000x128xf32, #tpu.memory_space<vmem_shared>> -> memref<80x128xf32, #tpu.memory_space<vmem_shared>>
        tpu.enqueue_dma source(%dma_start3A_169 : memref<80x128xf32, #tpu.memory_space<vmem_shared>>) target(%dma_start3A_167 : memref<80x128xf32, #tpu.memory_space<hbm>>) target_semaphore(%run_scoped3A : memref<!tpu.dma_semaphore, #tpu.memory_space<semaphore_mem>>)
        %dma_wait3A = arith.constant 0 : i32
        %dma_wait3A_170 = tpu.memref_slice %arg9[%arg0, %add3A_130, %dma_wait3A] : memref<2x10000x128xf32, #tpu.memory_space<hbm>> -> memref<1x80x128xf32, #tpu.memory_space<hbm>>
        %dma_wait3A_171 = tpu.memref_squeeze %dma_wait3A_170 : memref<1x80x128xf32, #tpu.memory_space<hbm>> -> memref<80x128xf32, #tpu.memory_space<hbm>>
        %dma_wait3A_172 = arith.constant 0 : i32
        %dma_wait3A_173 = tpu.memref_slice %arg20[%add3A_130, %dma_wait3A_172] : memref<10000x128xf32, #tpu.memory_space<vmem_shared>> -> memref<80x128xf32, #tpu.memory_space<vmem_shared>>
        tpu.wait_dma2 semaphore(%run_scoped3A : memref<!tpu.dma_semaphore, #tpu.memory_space<semaphore_mem>>) src(%dma_wait3A_173 : memref<80x128xf32, #tpu.memory_space<vmem_shared>>) dst(%dma_wait3A_171 : memref<80x128xf32, #tpu.memory_space<hbm>>)
        tpu.yield
      }) : () -> ()
    } else {
    }
    %mul3A_136 = arith.constant 640 : i32
    %mul3A_137 = arith.muli %arg1, %mul3A_136 : i32
    %add3A_138 = arith.constant 400 : i32
    %add3A_139 = arith.addi %mul3A_137, %add3A_138 : i32
    %lt3A_140 = arith.constant 10000 : i32
    %lt3A_141 = arith.cmpi slt, %add3A_139, %lt3A_140 : i32
    %convert_element_type3A_142 = arith.extui %lt3A_141 : i1 to i32
    %cond3A_143 = arith.constant 0 : i32
    %cond3A_144 = arith.cmpi ne, %convert_element_type3A_142, %cond3A_143 : i32
    scf.if %cond3A_144 {
      "tpu.region"() ({
        %run_scoped3A = tpu.sem_alloc : memref<!tpu.dma_semaphore, #tpu.memory_space<semaphore_mem>>
        %dma_start3A_165 = arith.constant 0 : i32
        %dma_start3A_166 = tpu.memref_slice %arg9[%arg0, %add3A_139, %dma_start3A_165] : memref<2x10000x128xf32, #tpu.memory_space<hbm>> -> memref<1x80x128xf32, #tpu.memory_space<hbm>>
        %dma_start3A_167 = tpu.memref_squeeze %dma_start3A_166 : memref<1x80x128xf32, #tpu.memory_space<hbm>> -> memref<80x128xf32, #tpu.memory_space<hbm>>
        %dma_start3A_168 = arith.constant 0 : i32
        %dma_start3A_169 = tpu.memref_slice %arg20[%add3A_139, %dma_start3A_168] : memref<10000x128xf32, #tpu.memory_space<vmem_shared>> -> memref<80x128xf32, #tpu.memory_space<vmem_shared>>
        tpu.enqueue_dma source(%dma_start3A_169 : memref<80x128xf32, #tpu.memory_space<vmem_shared>>) target(%dma_start3A_167 : memref<80x128xf32, #tpu.memory_space<hbm>>) target_semaphore(%run_scoped3A : memref<!tpu.dma_semaphore, #tpu.memory_space<semaphore_mem>>)
        %dma_wait3A = arith.constant 0 : i32
        %dma_wait3A_170 = tpu.memref_slice %arg9[%arg0, %add3A_139, %dma_wait3A] : memref<2x10000x128xf32, #tpu.memory_space<hbm>> -> memref<1x80x128xf32, #tpu.memory_space<hbm>>
        %dma_wait3A_171 = tpu.memref_squeeze %dma_wait3A_170 : memref<1x80x128xf32, #tpu.memory_space<hbm>> -> memref<80x128xf32, #tpu.memory_space<hbm>>
        %dma_wait3A_172 = arith.constant 0 : i32
        %dma_wait3A_173 = tpu.memref_slice %arg20[%add3A_139, %dma_wait3A_172] : memref<10000x128xf32, #tpu.memory_space<vmem_shared>> -> memref<80x128xf32, #tpu.memory_space<vmem_shared>>
        tpu.wait_dma2 semaphore(%run_scoped3A : memref<!tpu.dma_semaphore, #tpu.memory_space<semaphore_mem>>) src(%dma_wait3A_173 : memref<80x128xf32, #tpu.memory_space<vmem_shared>>) dst(%dma_wait3A_171 : memref<80x128xf32, #tpu.memory_space<hbm>>)
        tpu.yield
      }) : () -> ()
    } else {
    }
    %mul3A_145 = arith.constant 640 : i32
    %mul3A_146 = arith.muli %arg1, %mul3A_145 : i32
    %add3A_147 = arith.constant 480 : i32
    %add3A_148 = arith.addi %mul3A_146, %add3A_147 : i32
    %lt3A_149 = arith.constant 10000 : i32
    %lt3A_150 = arith.cmpi slt, %add3A_148, %lt3A_149 : i32
    %convert_element_type3A_151 = arith.extui %lt3A_150 : i1 to i32
    %cond3A_152 = arith.constant 0 : i32
    %cond3A_153 = arith.cmpi ne, %convert_element_type3A_151, %cond3A_152 : i32
    scf.if %cond3A_153 {
      "tpu.region"() ({
        %run_scoped3A = tpu.sem_alloc : memref<!tpu.dma_semaphore, #tpu.memory_space<semaphore_mem>>
        %dma_start3A_165 = arith.constant 0 : i32
        %dma_start3A_166 = tpu.memref_slice %arg9[%arg0, %add3A_148, %dma_start3A_165] : memref<2x10000x128xf32, #tpu.memory_space<hbm>> -> memref<1x80x128xf32, #tpu.memory_space<hbm>>
        %dma_start3A_167 = tpu.memref_squeeze %dma_start3A_166 : memref<1x80x128xf32, #tpu.memory_space<hbm>> -> memref<80x128xf32, #tpu.memory_space<hbm>>
        %dma_start3A_168 = arith.constant 0 : i32
        %dma_start3A_169 = tpu.memref_slice %arg20[%add3A_148, %dma_start3A_168] : memref<10000x128xf32, #tpu.memory_space<vmem_shared>> -> memref<80x128xf32, #tpu.memory_space<vmem_shared>>
        tpu.enqueue_dma source(%dma_start3A_169 : memref<80x128xf32, #tpu.memory_space<vmem_shared>>) target(%dma_start3A_167 : memref<80x128xf32, #tpu.memory_space<hbm>>) target_semaphore(%run_scoped3A : memref<!tpu.dma_semaphore, #tpu.memory_space<semaphore_mem>>)
        %dma_wait3A = arith.constant 0 : i32
        %dma_wait3A_170 = tpu.memref_slice %arg9[%arg0, %add3A_148, %dma_wait3A] : memref<2x10000x128xf32, #tpu.memory_space<hbm>> -> memref<1x80x128xf32, #tpu.memory_space<hbm>>
        %dma_wait3A_171 = tpu.memref_squeeze %dma_wait3A_170 : memref<1x80x128xf32, #tpu.memory_space<hbm>> -> memref<80x128xf32, #tpu.memory_space<hbm>>
        %dma_wait3A_172 = arith.constant 0 : i32
        %dma_wait3A_173 = tpu.memref_slice %arg20[%add3A_148, %dma_wait3A_172] : memref<10000x128xf32, #tpu.memory_space<vmem_shared>> -> memref<80x128xf32, #tpu.memory_space<vmem_shared>>
        tpu.wait_dma2 semaphore(%run_scoped3A : memref<!tpu.dma_semaphore, #tpu.memory_space<semaphore_mem>>) src(%dma_wait3A_173 : memref<80x128xf32, #tpu.memory_space<vmem_shared>>) dst(%dma_wait3A_171 : memref<80x128xf32, #tpu.memory_space<hbm>>)
        tpu.yield
      }) : () -> ()
    } else {
    }
    %mul3A_154 = arith.constant 640 : i32
    %mul3A_155 = arith.muli %arg1, %mul3A_154 : i32
    %add3A_156 = arith.constant 560 : i32
    %add3A_157 = arith.addi %mul3A_155, %add3A_156 : i32
    %lt3A_158 = arith.constant 10000 : i32
    %lt3A_159 = arith.cmpi slt, %add3A_157, %lt3A_158 : i32
    %convert_element_type3A_160 = arith.extui %lt3A_159 : i1 to i32
    %cond3A_161 = arith.constant 0 : i32
    %cond3A_162 = arith.cmpi ne, %convert_element_type3A_160, %cond3A_161 : i32
    scf.if %cond3A_162 {
      "tpu.region"() ({
        %run_scoped3A = tpu.sem_alloc : memref<!tpu.dma_semaphore, #tpu.memory_space<semaphore_mem>>
        %dma_start3A_165 = arith.constant 0 : i32
        %dma_start3A_166 = tpu.memref_slice %arg9[%arg0, %add3A_157, %dma_start3A_165] : memref<2x10000x128xf32, #tpu.memory_space<hbm>> -> memref<1x80x128xf32, #tpu.memory_space<hbm>>
        %dma_start3A_167 = tpu.memref_squeeze %dma_start3A_166 : memref<1x80x128xf32, #tpu.memory_space<hbm>> -> memref<80x128xf32, #tpu.memory_space<hbm>>
        %dma_start3A_168 = arith.constant 0 : i32
        %dma_start3A_169 = tpu.memref_slice %arg20[%add3A_157, %dma_start3A_168] : memref<10000x128xf32, #tpu.memory_space<vmem_shared>> -> memref<80x128xf32, #tpu.memory_space<vmem_shared>>
        tpu.enqueue_dma source(%dma_start3A_169 : memref<80x128xf32, #tpu.memory_space<vmem_shared>>) target(%dma_start3A_167 : memref<80x128xf32, #tpu.memory_space<hbm>>) target_semaphore(%run_scoped3A : memref<!tpu.dma_semaphore, #tpu.memory_space<semaphore_mem>>)
        %dma_wait3A = arith.constant 0 : i32
        %dma_wait3A_170 = tpu.memref_slice %arg9[%arg0, %add3A_157, %dma_wait3A] : memref<2x10000x128xf32, #tpu.memory_space<hbm>> -> memref<1x80x128xf32, #tpu.memory_space<hbm>>
        %dma_wait3A_171 = tpu.memref_squeeze %dma_wait3A_170 : memref<1x80x128xf32, #tpu.memory_space<hbm>> -> memref<80x128xf32, #tpu.memory_space<hbm>>
        %dma_wait3A_172 = arith.constant 0 : i32
        %dma_wait3A_173 = tpu.memref_slice %arg20[%add3A_157, %dma_wait3A_172] : memref<10000x128xf32, #tpu.memory_space<vmem_shared>> -> memref<80x128xf32, #tpu.memory_space<vmem_shared>>
        tpu.wait_dma2 semaphore(%run_scoped3A : memref<!tpu.dma_semaphore, #tpu.memory_space<semaphore_mem>>) src(%dma_wait3A_173 : memref<80x128xf32, #tpu.memory_space<vmem_shared>>) dst(%dma_wait3A_171 : memref<80x128xf32, #tpu.memory_space<hbm>>)
        tpu.yield
      }) : () -> ()
    } else {
    }
    %mul3A_163 = arith.constant 10000 : i32
    %mul3A_164 = arith.muli %add3A, %mul3A_163 : i32
    "tpu.region"() ({
      %run_scoped3A = tpu.sem_alloc : memref<!tpu.dma_semaphore, #tpu.memory_space<semaphore_mem>>
      %dma_start3A_165 = tpu.memref_slice %arg10[%mul3A_164] : memref<320000xf32, #tpu.memory_space<hbm>> -> memref<10000xf32, #tpu.memory_space<hbm>>
      %dma_start3A_166 = tpu.memref_slice %arg10[%mul3A_164] : memref<320000xf32, #tpu.memory_space<hbm>> -> memref<10000xf32, #tpu.memory_space<hbm>>
      tpu.enqueue_dma source(%arg19 : memref<10000xf32, #tpu.memory_space<vmem>>) target(%dma_start3A_166 : memref<10000xf32, #tpu.memory_space<hbm>>) target_semaphore(%run_scoped3A : memref<!tpu.dma_semaphore, #tpu.memory_space<semaphore_mem>>)
      %dma_wait3A = tpu.memref_slice %arg10[%mul3A_164] : memref<320000xf32, #tpu.memory_space<hbm>> -> memref<10000xf32, #tpu.memory_space<hbm>>
      %dma_wait3A_167 = tpu.memref_slice %arg10[%mul3A_164] : memref<320000xf32, #tpu.memory_space<hbm>> -> memref<10000xf32, #tpu.memory_space<hbm>>
      tpu.wait_dma2 semaphore(%run_scoped3A : memref<!tpu.dma_semaphore, #tpu.memory_space<semaphore_mem>>) src(%arg19 : memref<10000xf32, #tpu.memory_space<vmem>>) dst(%dma_wait3A_167 : memref<10000xf32, #tpu.memory_space<hbm>>)
      tpu.yield
    }) : () -> ()
    return
  }
}

#map = affine_map<(d0, d1) -> (0, 0)>
#map1 = affine_map<(d0, d1) -> (0)>
#map2 = affine_map<(d0, d1) -> (0, 0, 0, 0)>
#map3 = affine_map<(d0, d1) -> (0, 0, 0)>
module attributes {stable_mosaic.version = 14 : i64} {
  func.func @_sc_edge_pass(%arg0: i32, %arg1: i32, %arg2: memref<10000x128xf32, #tpu.memory_space<hbm>>, %arg3: memref<10000xf32, #tpu.memory_space<hbm>>, %arg4: memref<10000xf32, #tpu.memory_space<hbm>>, %arg5: memref<320000xf32, #tpu.memory_space<hbm>>, %arg6: memref<320000xi32, #tpu.memory_space<hbm>>, %arg7: memref<32x5x25x80xi32, #tpu.memory_space<hbm>>, %arg8: memref<320000x128xf32, #tpu.memory_space<hbm>>, %arg9: memref<2x10000x128xf32, #tpu.memory_space<hbm>>, %arg10: memref<320000xf32, #tpu.memory_space<hbm>>, %arg11: memref<160x128xf32, #tpu.memory_space<vmem>>, %arg12: memref<80x128xf32, #tpu.memory_space<vmem>>, %arg13: memref<2000xi32, #tpu.memory_space<vmem>>, %arg14: memref<25x80xi32, #tpu.memory_space<vmem>>, %arg15: memref<2000xf32, #tpu.memory_space<vmem>>, %arg16: memref<160xf32, #tpu.memory_space<vmem>>, %arg17: memref<160xf32, #tpu.memory_space<vmem>>, %arg18: memref<80xf32, #tpu.memory_space<vmem>>, %arg19: memref<10000xf32, #tpu.memory_space<vmem>>, %arg20: memref<10000x128xf32, #tpu.memory_space<vmem_shared>>, %arg21: memref<!tpu.dma_semaphore, #tpu.memory_space<semaphore_mem>>, %arg22: memref<!tpu.dma_semaphore, #tpu.memory_space<semaphore_mem>>, %arg23: memref<!tpu.dma_semaphore, #tpu.memory_space<semaphore_mem>>, %arg24: memref<!tpu.dma_semaphore, #tpu.memory_space<semaphore_mem>>, %arg25: memref<!tpu.dma_semaphore, #tpu.memory_space<semaphore_mem>>) attributes {dimension_semantics = [#tpu.dimension_semantics<core_parallel>, #tpu.dimension_semantics<subcore_parallel>], iteration_bounds = array<i64: 2, 16>, scalar_prefetch = 0 : i64, scratch_operands = 15 : i64, tpu.core_type = #tpu.core_type<sc_vector_subcore>, window_params = [{transform_indices = #map}, {transform_indices = #map1}, {transform_indices = #map1}, {transform_indices = #map1}, {transform_indices = #map1}, {transform_indices = #map2}, {transform_indices = #map}, {transform_indices = #map3}, {transform_indices = #map1}]} {
    %mul3A = arith.constant 16 : i32
    %mul3A_0 = arith.muli %arg0, %mul3A : i32
    %add3A = arith.addi %mul3A_0, %arg1 : i32
    %mul3A_1 = arith.constant 10000 : i32
    %mul3A_2 = arith.muli %add3A, %mul3A_1 : i32
    %broadcast_in_dim3A = arith.constant 0.000000e+00 : f32
    %broadcast_in_dim3A_3 = vector.broadcast %broadcast_in_dim3A : f32 to vector<16xf32>
    %scan3A = arith.constant 0 : i32
    %scan3A_4 = arith.constant 625 : i32
    %scan3A_5 = arith.addi %scan3A, %scan3A_4 : i32
    %scan3A_6 = arith.constant 1 : i32
    scf.for %scan3A_165 = %scan3A to %scan3A_5 step %scan3A_6  : i32 {
      %mul3A_166 = arith.constant 1 : i32
      %mul3A_167 = arith.muli %scan3A_165, %mul3A_166 : i32
      %add3A_168 = arith.constant 0 : i32
      %add3A_169 = arith.addi %add3A_168, %mul3A_167 : i32
      %mul3A_170 = arith.constant 16 : i32
      %mul3A_171 = arith.muli %add3A_169, %mul3A_170 : i32
      %swap3A = arith.index_cast %mul3A_171 : i32 to index
      %swap3A_172 = tpu.vector_load %arg19[%swap3A] {strides = array<i32>} : memref<10000xf32, #tpu.memory_space<vmem>>, vector<16xf32>,
      tpu.vector_store %arg19[%swap3A], %broadcast_in_dim3A_3 {strides = array<i32>} : memref<10000xf32, #tpu.memory_space<vmem>>, vector<16xf32>,
    }
    %scan3A_7 = arith.constant 625 : i32
    %scan3A_8 = arith.constant 0 : i32
    %scan3A_9 = arith.constant 80 : i32
    %scan3A_10 = arith.addi %scan3A_8, %scan3A_9 : i32
    %scan3A_11 = arith.constant 1 : i32
    scf.for %scan3A_165 = %scan3A_8 to %scan3A_10 step %scan3A_11  : i32 {
      %mul3A_166 = arith.constant 1 : i32
      %mul3A_167 = arith.muli %scan3A_165, %mul3A_166 : i32
      %add3A_168 = arith.constant 0 : i32
      %add3A_169 = arith.addi %add3A_168, %mul3A_167 : i32
      %swap3A = arith.index_cast %add3A_169 : i32 to index
      %swap3A_170 = arith.constant 0 : index
      %swap3A_171 = tpu.vector_load %arg11[%swap3A, %swap3A_170] {strides = array<i32>} : memref<160x128xf32, #tpu.memory_space<vmem>>, vector<16xf32>,
      tpu.vector_store %arg11[%swap3A, %swap3A_170], %broadcast_in_dim3A_3 {strides = array<i32>} : memref<160x128xf32, #tpu.memory_space<vmem>>, vector<16xf32>,
      %swap3A_172 = arith.index_cast %add3A_169 : i32 to index
      %swap3A_173 = arith.constant 16 : index
      %swap3A_174 = tpu.vector_load %arg11[%swap3A_172, %swap3A_173] {strides = array<i32>} : memref<160x128xf32, #tpu.memory_space<vmem>>, vector<16xf32>,
      tpu.vector_store %arg11[%swap3A_172, %swap3A_173], %broadcast_in_dim3A_3 {strides = array<i32>} : memref<160x128xf32, #tpu.memory_space<vmem>>, vector<16xf32>,
      %swap3A_175 = arith.index_cast %add3A_169 : i32 to index
      %swap3A_176 = arith.constant 32 : index
      %swap3A_177 = tpu.vector_load %arg11[%swap3A_175, %swap3A_176] {strides = array<i32>} : memref<160x128xf32, #tpu.memory_space<vmem>>, vector<16xf32>,
      tpu.vector_store %arg11[%swap3A_175, %swap3A_176], %broadcast_in_dim3A_3 {strides = array<i32>} : memref<160x128xf32, #tpu.memory_space<vmem>>, vector<16xf32>,
      %swap3A_178 = arith.index_cast %add3A_169 : i32 to index
      %swap3A_179 = arith.constant 48 : index
      %swap3A_180 = tpu.vector_load %arg11[%swap3A_178, %swap3A_179] {strides = array<i32>} : memref<160x128xf32, #tpu.memory_space<vmem>>, vector<16xf32>,
      tpu.vector_store %arg11[%swap3A_178, %swap3A_179], %broadcast_in_dim3A_3 {strides = array<i32>} : memref<160x128xf32, #tpu.memory_space<vmem>>, vector<16xf32>,
      %swap3A_181 = arith.index_cast %add3A_169 : i32 to index
      %swap3A_182 = arith.constant 64 : index
      %swap3A_183 = tpu.vector_load %arg11[%swap3A_181, %swap3A_182] {strides = array<i32>} : memref<160x128xf32, #tpu.memory_space<vmem>>, vector<16xf32>,
      tpu.vector_store %arg11[%swap3A_181, %swap3A_182], %broadcast_in_dim3A_3 {strides = array<i32>} : memref<160x128xf32, #tpu.memory_space<vmem>>, vector<16xf32>,
      %swap3A_184 = arith.index_cast %add3A_169 : i32 to index
      %swap3A_185 = arith.constant 80 : index
      %swap3A_186 = tpu.vector_load %arg11[%swap3A_184, %swap3A_185] {strides = array<i32>} : memref<160x128xf32, #tpu.memory_space<vmem>>, vector<16xf32>,
      tpu.vector_store %arg11[%swap3A_184, %swap3A_185], %broadcast_in_dim3A_3 {strides = array<i32>} : memref<160x128xf32, #tpu.memory_space<vmem>>, vector<16xf32>,
      %swap3A_187 = arith.index_cast %add3A_169 : i32 to index
      %swap3A_188 = arith.constant 96 : index
      %swap3A_189 = tpu.vector_load %arg11[%swap3A_187, %swap3A_188] {strides = array<i32>} : memref<160x128xf32, #tpu.memory_space<vmem>>, vector<16xf32>,
      tpu.vector_store %arg11[%swap3A_187, %swap3A_188], %broadcast_in_dim3A_3 {strides = array<i32>} : memref<160x128xf32, #tpu.memory_space<vmem>>, vector<16xf32>,
      %swap3A_190 = arith.index_cast %add3A_169 : i32 to index
      %swap3A_191 = arith.constant 112 : index
      %swap3A_192 = tpu.vector_load %arg11[%swap3A_190, %swap3A_191] {strides = array<i32>} : memref<160x128xf32, #tpu.memory_space<vmem>>, vector<16xf32>,
      tpu.vector_store %arg11[%swap3A_190, %swap3A_191], %broadcast_in_dim3A_3 {strides = array<i32>} : memref<160x128xf32, #tpu.memory_space<vmem>>, vector<16xf32>,
    }
    %scan3A_12 = arith.constant 80 : i32
    %mul3A_13 = arith.constant 640 : i32
    %mul3A_14 = arith.muli %arg1, %mul3A_13 : i32
    %add3A_15 = arith.constant 0 : i32
    %add3A_16 = arith.addi %mul3A_14, %add3A_15 : i32
    %lt3A = arith.constant 10000 : i32
    %lt3A_17 = arith.cmpi slt, %add3A_16, %lt3A : i32
    %convert_element_type3A = arith.extui %lt3A_17 : i1 to i32
    %cond3A = arith.constant 0 : i32
    %cond3A_18 = arith.cmpi ne, %convert_element_type3A, %cond3A : i32
    scf.if %cond3A_18 {
      "tpu.region"() ({
        %run_scoped3A = tpu.sem_alloc : memref<!tpu.dma_semaphore, #tpu.memory_space<semaphore_mem>>
        %dma_start3A_165 = arith.constant 0 : i32
        %dma_start3A_166 = arith.constant 0 : i32
        %dma_start3A_167 = tpu.memref_slice %arg11[%dma_start3A_165, %dma_start3A_166] : memref<160x128xf32, #tpu.memory_space<vmem>> -> memref<80x128xf32, #tpu.memory_space<vmem>>
        %dma_start3A_168 = arith.constant 0 : i32
        %dma_start3A_169 = tpu.memref_slice %arg20[%add3A_16, %dma_start3A_168] : memref<10000x128xf32, #tpu.memory_space<vmem_shared>> -> memref<80x128xf32, #tpu.memory_space<vmem_shared>>
        %dma_start3A_170 = arith.constant 0 : i32
        %dma_start3A_171 = tpu.memref_slice %arg20[%add3A_16, %dma_start3A_170] : memref<10000x128xf32, #tpu.memory_space<vmem_shared>> -> memref<80x128xf32, #tpu.memory_space<vmem_shared>>
        %dma_start3A_172 = arith.constant 0 : i32
        %dma_start3A_173 = arith.constant 0 : i32
        %dma_start3A_174 = tpu.memref_slice %arg11[%dma_start3A_172, %dma_start3A_173] : memref<160x128xf32, #tpu.memory_space<vmem>> -> memref<80x128xf32, #tpu.memory_space<vmem>>
        tpu.enqueue_dma source(%dma_start3A_174 : memref<80x128xf32, #tpu.memory_space<vmem>>) target(%dma_start3A_171 : memref<80x128xf32, #tpu.memory_space<vmem_shared>>) target_semaphore(%run_scoped3A : memref<!tpu.dma_semaphore, #tpu.memory_space<semaphore_mem>>)
        %dma_wait3A = arith.constant 0 : i32
        %dma_wait3A_175 = arith.constant 0 : i32
        %dma_wait3A_176 = tpu.memref_slice %arg11[%dma_wait3A, %dma_wait3A_175] : memref<160x128xf32, #tpu.memory_space<vmem>> -> memref<80x128xf32, #tpu.memory_space<vmem>>
        %dma_wait3A_177 = arith.constant 0 : i32
        %dma_wait3A_178 = tpu.memref_slice %arg20[%add3A_16, %dma_wait3A_177] : memref<10000x128xf32, #tpu.memory_space<vmem_shared>> -> memref<80x128xf32, #tpu.memory_space<vmem_shared>>
        %dma_wait3A_179 = arith.constant 0 : i32
        %dma_wait3A_180 = tpu.memref_slice %arg20[%add3A_16, %dma_wait3A_179] : memref<10000x128xf32, #tpu.memory_space<vmem_shared>> -> memref<80x128xf32, #tpu.memory_space<vmem_shared>>
        %dma_wait3A_181 = arith.constant 0 : i32
        %dma_wait3A_182 = arith.constant 0 : i32
        %dma_wait3A_183 = tpu.memref_slice %arg11[%dma_wait3A_181, %dma_wait3A_182] : memref<160x128xf32, #tpu.memory_space<vmem>> -> memref<80x128xf32, #tpu.memory_space<vmem>>
        tpu.wait_dma2 semaphore(%run_scoped3A : memref<!tpu.dma_semaphore, #tpu.memory_space<semaphore_mem>>) src(%dma_wait3A_183 : memref<80x128xf32, #tpu.memory_space<vmem>>) dst(%dma_wait3A_180 : memref<80x128xf32, #tpu.memory_space<vmem_shared>>)
        tpu.yield
      }) : () -> ()
    } else {
    }
    %mul3A_19 = arith.constant 640 : i32
    %mul3A_20 = arith.muli %arg1, %mul3A_19 : i32
    %add3A_21 = arith.constant 80 : i32
    %add3A_22 = arith.addi %mul3A_20, %add3A_21 : i32
    %lt3A_23 = arith.constant 10000 : i32
    %lt3A_24 = arith.cmpi slt, %add3A_22, %lt3A_23 : i32
    %convert_element_type3A_25 = arith.extui %lt3A_24 : i1 to i32
    %cond3A_26 = arith.constant 0 : i32
    %cond3A_27 = arith.cmpi ne, %convert_element_type3A_25, %cond3A_26 : i32
    scf.if %cond3A_27 {
      "tpu.region"() ({
        %run_scoped3A = tpu.sem_alloc : memref<!tpu.dma_semaphore, #tpu.memory_space<semaphore_mem>>
        %dma_start3A_165 = arith.constant 0 : i32
        %dma_start3A_166 = arith.constant 0 : i32
        %dma_start3A_167 = tpu.memref_slice %arg11[%dma_start3A_165, %dma_start3A_166] : memref<160x128xf32, #tpu.memory_space<vmem>> -> memref<80x128xf32, #tpu.memory_space<vmem>>
        %dma_start3A_168 = arith.constant 0 : i32
        %dma_start3A_169 = tpu.memref_slice %arg20[%add3A_22, %dma_start3A_168] : memref<10000x128xf32, #tpu.memory_space<vmem_shared>> -> memref<80x128xf32, #tpu.memory_space<vmem_shared>>
        %dma_start3A_170 = arith.constant 0 : i32
        %dma_start3A_171 = tpu.memref_slice %arg20[%add3A_22, %dma_start3A_170] : memref<10000x128xf32, #tpu.memory_space<vmem_shared>> -> memref<80x128xf32, #tpu.memory_space<vmem_shared>>
        %dma_start3A_172 = arith.constant 0 : i32
        %dma_start3A_173 = arith.constant 0 : i32
        %dma_start3A_174 = tpu.memref_slice %arg11[%dma_start3A_172, %dma_start3A_173] : memref<160x128xf32, #tpu.memory_space<vmem>> -> memref<80x128xf32, #tpu.memory_space<vmem>>
        tpu.enqueue_dma source(%dma_start3A_174 : memref<80x128xf32, #tpu.memory_space<vmem>>) target(%dma_start3A_171 : memref<80x128xf32, #tpu.memory_space<vmem_shared>>) target_semaphore(%run_scoped3A : memref<!tpu.dma_semaphore, #tpu.memory_space<semaphore_mem>>)
        %dma_wait3A = arith.constant 0 : i32
        %dma_wait3A_175 = arith.constant 0 : i32
        %dma_wait3A_176 = tpu.memref_slice %arg11[%dma_wait3A, %dma_wait3A_175] : memref<160x128xf32, #tpu.memory_space<vmem>> -> memref<80x128xf32, #tpu.memory_space<vmem>>
        %dma_wait3A_177 = arith.constant 0 : i32
        %dma_wait3A_178 = tpu.memref_slice %arg20[%add3A_22, %dma_wait3A_177] : memref<10000x128xf32, #tpu.memory_space<vmem_shared>> -> memref<80x128xf32, #tpu.memory_space<vmem_shared>>
        %dma_wait3A_179 = arith.constant 0 : i32
        %dma_wait3A_180 = tpu.memref_slice %arg20[%add3A_22, %dma_wait3A_179] : memref<10000x128xf32, #tpu.memory_space<vmem_shared>> -> memref<80x128xf32, #tpu.memory_space<vmem_shared>>
        %dma_wait3A_181 = arith.constant 0 : i32
        %dma_wait3A_182 = arith.constant 0 : i32
        %dma_wait3A_183 = tpu.memref_slice %arg11[%dma_wait3A_181, %dma_wait3A_182] : memref<160x128xf32, #tpu.memory_space<vmem>> -> memref<80x128xf32, #tpu.memory_space<vmem>>
        tpu.wait_dma2 semaphore(%run_scoped3A : memref<!tpu.dma_semaphore, #tpu.memory_space<semaphore_mem>>) src(%dma_wait3A_183 : memref<80x128xf32, #tpu.memory_space<vmem>>) dst(%dma_wait3A_180 : memref<80x128xf32, #tpu.memory_space<vmem_shared>>)
        tpu.yield
      }) : () -> ()
    } else {
    }
    %mul3A_28 = arith.constant 640 : i32
    %mul3A_29 = arith.muli %arg1, %mul3A_28 : i32
    %add3A_30 = arith.constant 160 : i32
    %add3A_31 = arith.addi %mul3A_29, %add3A_30 : i32
    %lt3A_32 = arith.constant 10000 : i32
    %lt3A_33 = arith.cmpi slt, %add3A_31, %lt3A_32 : i32
    %convert_element_type3A_34 = arith.extui %lt3A_33 : i1 to i32
    %cond3A_35 = arith.constant 0 : i32
    %cond3A_36 = arith.cmpi ne, %convert_element_type3A_34, %cond3A_35 : i32
    scf.if %cond3A_36 {
      "tpu.region"() ({
        %run_scoped3A = tpu.sem_alloc : memref<!tpu.dma_semaphore, #tpu.memory_space<semaphore_mem>>
        %dma_start3A_165 = arith.constant 0 : i32
        %dma_start3A_166 = arith.constant 0 : i32
        %dma_start3A_167 = tpu.memref_slice %arg11[%dma_start3A_165, %dma_start3A_166] : memref<160x128xf32, #tpu.memory_space<vmem>> -> memref<80x128xf32, #tpu.memory_space<vmem>>
        %dma_start3A_168 = arith.constant 0 : i32
        %dma_start3A_169 = tpu.memref_slice %arg20[%add3A_31, %dma_start3A_168] : memref<10000x128xf32, #tpu.memory_space<vmem_shared>> -> memref<80x128xf32, #tpu.memory_space<vmem_shared>>
        %dma_start3A_170 = arith.constant 0 : i32
        %dma_start3A_171 = tpu.memref_slice %arg20[%add3A_31, %dma_start3A_170] : memref<10000x128xf32, #tpu.memory_space<vmem_shared>> -> memref<80x128xf32, #tpu.memory_space<vmem_shared>>
        %dma_start3A_172 = arith.constant 0 : i32
        %dma_start3A_173 = arith.constant 0 : i32
        %dma_start3A_174 = tpu.memref_slice %arg11[%dma_start3A_172, %dma_start3A_173] : memref<160x128xf32, #tpu.memory_space<vmem>> -> memref<80x128xf32, #tpu.memory_space<vmem>>
        tpu.enqueue_dma source(%dma_start3A_174 : memref<80x128xf32, #tpu.memory_space<vmem>>) target(%dma_start3A_171 : memref<80x128xf32, #tpu.memory_space<vmem_shared>>) target_semaphore(%run_scoped3A : memref<!tpu.dma_semaphore, #tpu.memory_space<semaphore_mem>>)
        %dma_wait3A = arith.constant 0 : i32
        %dma_wait3A_175 = arith.constant 0 : i32
        %dma_wait3A_176 = tpu.memref_slice %arg11[%dma_wait3A, %dma_wait3A_175] : memref<160x128xf32, #tpu.memory_space<vmem>> -> memref<80x128xf32, #tpu.memory_space<vmem>>
        %dma_wait3A_177 = arith.constant 0 : i32
        %dma_wait3A_178 = tpu.memref_slice %arg20[%add3A_31, %dma_wait3A_177] : memref<10000x128xf32, #tpu.memory_space<vmem_shared>> -> memref<80x128xf32, #tpu.memory_space<vmem_shared>>
        %dma_wait3A_179 = arith.constant 0 : i32
        %dma_wait3A_180 = tpu.memref_slice %arg20[%add3A_31, %dma_wait3A_179] : memref<10000x128xf32, #tpu.memory_space<vmem_shared>> -> memref<80x128xf32, #tpu.memory_space<vmem_shared>>
        %dma_wait3A_181 = arith.constant 0 : i32
        %dma_wait3A_182 = arith.constant 0 : i32
        %dma_wait3A_183 = tpu.memref_slice %arg11[%dma_wait3A_181, %dma_wait3A_182] : memref<160x128xf32, #tpu.memory_space<vmem>> -> memref<80x128xf32, #tpu.memory_space<vmem>>
        tpu.wait_dma2 semaphore(%run_scoped3A : memref<!tpu.dma_semaphore, #tpu.memory_space<semaphore_mem>>) src(%dma_wait3A_183 : memref<80x128xf32, #tpu.memory_space<vmem>>) dst(%dma_wait3A_180 : memref<80x128xf32, #tpu.memory_space<vmem_shared>>)
        tpu.yield
      }) : () -> ()
    } else {
    }
    %mul3A_37 = arith.constant 640 : i32
    %mul3A_38 = arith.muli %arg1, %mul3A_37 : i32
    %add3A_39 = arith.constant 240 : i32
    %add3A_40 = arith.addi %mul3A_38, %add3A_39 : i32
    %lt3A_41 = arith.constant 10000 : i32
    %lt3A_42 = arith.cmpi slt, %add3A_40, %lt3A_41 : i32
    %convert_element_type3A_43 = arith.extui %lt3A_42 : i1 to i32
    %cond3A_44 = arith.constant 0 : i32
    %cond3A_45 = arith.cmpi ne, %convert_element_type3A_43, %cond3A_44 : i32
    scf.if %cond3A_45 {
      "tpu.region"() ({
        %run_scoped3A = tpu.sem_alloc : memref<!tpu.dma_semaphore, #tpu.memory_space<semaphore_mem>>
        %dma_start3A_165 = arith.constant 0 : i32
        %dma_start3A_166 = arith.constant 0 : i32
        %dma_start3A_167 = tpu.memref_slice %arg11[%dma_start3A_165, %dma_start3A_166] : memref<160x128xf32, #tpu.memory_space<vmem>> -> memref<80x128xf32, #tpu.memory_space<vmem>>
        %dma_start3A_168 = arith.constant 0 : i32
        %dma_start3A_169 = tpu.memref_slice %arg20[%add3A_40, %dma_start3A_168] : memref<10000x128xf32, #tpu.memory_space<vmem_shared>> -> memref<80x128xf32, #tpu.memory_space<vmem_shared>>
        %dma_start3A_170 = arith.constant 0 : i32
        %dma_start3A_171 = tpu.memref_slice %arg20[%add3A_40, %dma_start3A_170] : memref<10000x128xf32, #tpu.memory_space<vmem_shared>> -> memref<80x128xf32, #tpu.memory_space<vmem_shared>>
        %dma_start3A_172 = arith.constant 0 : i32
        %dma_start3A_173 = arith.constant 0 : i32
        %dma_start3A_174 = tpu.memref_slice %arg11[%dma_start3A_172, %dma_start3A_173] : memref<160x128xf32, #tpu.memory_space<vmem>> -> memref<80x128xf32, #tpu.memory_space<vmem>>
        tpu.enqueue_dma source(%dma_start3A_174 : memref<80x128xf32, #tpu.memory_space<vmem>>) target(%dma_start3A_171 : memref<80x128xf32, #tpu.memory_space<vmem_shared>>) target_semaphore(%run_scoped3A : memref<!tpu.dma_semaphore, #tpu.memory_space<semaphore_mem>>)
        %dma_wait3A = arith.constant 0 : i32
        %dma_wait3A_175 = arith.constant 0 : i32
        %dma_wait3A_176 = tpu.memref_slice %arg11[%dma_wait3A, %dma_wait3A_175] : memref<160x128xf32, #tpu.memory_space<vmem>> -> memref<80x128xf32, #tpu.memory_space<vmem>>
        %dma_wait3A_177 = arith.constant 0 : i32
        %dma_wait3A_178 = tpu.memref_slice %arg20[%add3A_40, %dma_wait3A_177] : memref<10000x128xf32, #tpu.memory_space<vmem_shared>> -> memref<80x128xf32, #tpu.memory_space<vmem_shared>>
        %dma_wait3A_179 = arith.constant 0 : i32
        %dma_wait3A_180 = tpu.memref_slice %arg20[%add3A_40, %dma_wait3A_179] : memref<10000x128xf32, #tpu.memory_space<vmem_shared>> -> memref<80x128xf32, #tpu.memory_space<vmem_shared>>
        %dma_wait3A_181 = arith.constant 0 : i32
        %dma_wait3A_182 = arith.constant 0 : i32
        %dma_wait3A_183 = tpu.memref_slice %arg11[%dma_wait3A_181, %dma_wait3A_182] : memref<160x128xf32, #tpu.memory_space<vmem>> -> memref<80x128xf32, #tpu.memory_space<vmem>>
        tpu.wait_dma2 semaphore(%run_scoped3A : memref<!tpu.dma_semaphore, #tpu.memory_space<semaphore_mem>>) src(%dma_wait3A_183 : memref<80x128xf32, #tpu.memory_space<vmem>>) dst(%dma_wait3A_180 : memref<80x128xf32, #tpu.memory_space<vmem_shared>>)
        tpu.yield
      }) : () -> ()
    } else {
    }
    %mul3A_46 = arith.constant 640 : i32
    %mul3A_47 = arith.muli %arg1, %mul3A_46 : i32
    %add3A_48 = arith.constant 320 : i32
    %add3A_49 = arith.addi %mul3A_47, %add3A_48 : i32
    %lt3A_50 = arith.constant 10000 : i32
    %lt3A_51 = arith.cmpi slt, %add3A_49, %lt3A_50 : i32
    %convert_element_type3A_52 = arith.extui %lt3A_51 : i1 to i32
    %cond3A_53 = arith.constant 0 : i32
    %cond3A_54 = arith.cmpi ne, %convert_element_type3A_52, %cond3A_53 : i32
    scf.if %cond3A_54 {
      "tpu.region"() ({
        %run_scoped3A = tpu.sem_alloc : memref<!tpu.dma_semaphore, #tpu.memory_space<semaphore_mem>>
        %dma_start3A_165 = arith.constant 0 : i32
        %dma_start3A_166 = arith.constant 0 : i32
        %dma_start3A_167 = tpu.memref_slice %arg11[%dma_start3A_165, %dma_start3A_166] : memref<160x128xf32, #tpu.memory_space<vmem>> -> memref<80x128xf32, #tpu.memory_space<vmem>>
        %dma_start3A_168 = arith.constant 0 : i32
        %dma_start3A_169 = tpu.memref_slice %arg20[%add3A_49, %dma_start3A_168] : memref<10000x128xf32, #tpu.memory_space<vmem_shared>> -> memref<80x128xf32, #tpu.memory_space<vmem_shared>>
        %dma_start3A_170 = arith.constant 0 : i32
        %dma_start3A_171 = tpu.memref_slice %arg20[%add3A_49, %dma_start3A_170] : memref<10000x128xf32, #tpu.memory_space<vmem_shared>> -> memref<80x128xf32, #tpu.memory_space<vmem_shared>>
        %dma_start3A_172 = arith.constant 0 : i32
        %dma_start3A_173 = arith.constant 0 : i32
        %dma_start3A_174 = tpu.memref_slice %arg11[%dma_start3A_172, %dma_start3A_173] : memref<160x128xf32, #tpu.memory_space<vmem>> -> memref<80x128xf32, #tpu.memory_space<vmem>>
        tpu.enqueue_dma source(%dma_start3A_174 : memref<80x128xf32, #tpu.memory_space<vmem>>) target(%dma_start3A_171 : memref<80x128xf32, #tpu.memory_space<vmem_shared>>) target_semaphore(%run_scoped3A : memref<!tpu.dma_semaphore, #tpu.memory_space<semaphore_mem>>)
        %dma_wait3A = arith.constant 0 : i32
        %dma_wait3A_175 = arith.constant 0 : i32
        %dma_wait3A_176 = tpu.memref_slice %arg11[%dma_wait3A, %dma_wait3A_175] : memref<160x128xf32, #tpu.memory_space<vmem>> -> memref<80x128xf32, #tpu.memory_space<vmem>>
        %dma_wait3A_177 = arith.constant 0 : i32
        %dma_wait3A_178 = tpu.memref_slice %arg20[%add3A_49, %dma_wait3A_177] : memref<10000x128xf32, #tpu.memory_space<vmem_shared>> -> memref<80x128xf32, #tpu.memory_space<vmem_shared>>
        %dma_wait3A_179 = arith.constant 0 : i32
        %dma_wait3A_180 = tpu.memref_slice %arg20[%add3A_49, %dma_wait3A_179] : memref<10000x128xf32, #tpu.memory_space<vmem_shared>> -> memref<80x128xf32, #tpu.memory_space<vmem_shared>>
        %dma_wait3A_181 = arith.constant 0 : i32
        %dma_wait3A_182 = arith.constant 0 : i32
        %dma_wait3A_183 = tpu.memref_slice %arg11[%dma_wait3A_181, %dma_wait3A_182] : memref<160x128xf32, #tpu.memory_space<vmem>> -> memref<80x128xf32, #tpu.memory_space<vmem>>
        tpu.wait_dma2 semaphore(%run_scoped3A : memref<!tpu.dma_semaphore, #tpu.memory_space<semaphore_mem>>) src(%dma_wait3A_183 : memref<80x128xf32, #tpu.memory_space<vmem>>) dst(%dma_wait3A_180 : memref<80x128xf32, #tpu.memory_space<vmem_shared>>)
        tpu.yield
      }) : () -> ()
    } else {
    }
    %mul3A_55 = arith.constant 640 : i32
    %mul3A_56 = arith.muli %arg1, %mul3A_55 : i32
    %add3A_57 = arith.constant 400 : i32
    %add3A_58 = arith.addi %mul3A_56, %add3A_57 : i32
    %lt3A_59 = arith.constant 10000 : i32
    %lt3A_60 = arith.cmpi slt, %add3A_58, %lt3A_59 : i32
    %convert_element_type3A_61 = arith.extui %lt3A_60 : i1 to i32
    %cond3A_62 = arith.constant 0 : i32
    %cond3A_63 = arith.cmpi ne, %convert_element_type3A_61, %cond3A_62 : i32
    scf.if %cond3A_63 {
      "tpu.region"() ({
        %run_scoped3A = tpu.sem_alloc : memref<!tpu.dma_semaphore, #tpu.memory_space<semaphore_mem>>
        %dma_start3A_165 = arith.constant 0 : i32
        %dma_start3A_166 = arith.constant 0 : i32
        %dma_start3A_167 = tpu.memref_slice %arg11[%dma_start3A_165, %dma_start3A_166] : memref<160x128xf32, #tpu.memory_space<vmem>> -> memref<80x128xf32, #tpu.memory_space<vmem>>
        %dma_start3A_168 = arith.constant 0 : i32
        %dma_start3A_169 = tpu.memref_slice %arg20[%add3A_58, %dma_start3A_168] : memref<10000x128xf32, #tpu.memory_space<vmem_shared>> -> memref<80x128xf32, #tpu.memory_space<vmem_shared>>
        %dma_start3A_170 = arith.constant 0 : i32
        %dma_start3A_171 = tpu.memref_slice %arg20[%add3A_58, %dma_start3A_170] : memref<10000x128xf32, #tpu.memory_space<vmem_shared>> -> memref<80x128xf32, #tpu.memory_space<vmem_shared>>
        %dma_start3A_172 = arith.constant 0 : i32
        %dma_start3A_173 = arith.constant 0 : i32
        %dma_start3A_174 = tpu.memref_slice %arg11[%dma_start3A_172, %dma_start3A_173] : memref<160x128xf32, #tpu.memory_space<vmem>> -> memref<80x128xf32, #tpu.memory_space<vmem>>
        tpu.enqueue_dma source(%dma_start3A_174 : memref<80x128xf32, #tpu.memory_space<vmem>>) target(%dma_start3A_171 : memref<80x128xf32, #tpu.memory_space<vmem_shared>>) target_semaphore(%run_scoped3A : memref<!tpu.dma_semaphore, #tpu.memory_space<semaphore_mem>>)
        %dma_wait3A = arith.constant 0 : i32
        %dma_wait3A_175 = arith.constant 0 : i32
        %dma_wait3A_176 = tpu.memref_slice %arg11[%dma_wait3A, %dma_wait3A_175] : memref<160x128xf32, #tpu.memory_space<vmem>> -> memref<80x128xf32, #tpu.memory_space<vmem>>
        %dma_wait3A_177 = arith.constant 0 : i32
        %dma_wait3A_178 = tpu.memref_slice %arg20[%add3A_58, %dma_wait3A_177] : memref<10000x128xf32, #tpu.memory_space<vmem_shared>> -> memref<80x128xf32, #tpu.memory_space<vmem_shared>>
        %dma_wait3A_179 = arith.constant 0 : i32
        %dma_wait3A_180 = tpu.memref_slice %arg20[%add3A_58, %dma_wait3A_179] : memref<10000x128xf32, #tpu.memory_space<vmem_shared>> -> memref<80x128xf32, #tpu.memory_space<vmem_shared>>
        %dma_wait3A_181 = arith.constant 0 : i32
        %dma_wait3A_182 = arith.constant 0 : i32
        %dma_wait3A_183 = tpu.memref_slice %arg11[%dma_wait3A_181, %dma_wait3A_182] : memref<160x128xf32, #tpu.memory_space<vmem>> -> memref<80x128xf32, #tpu.memory_space<vmem>>
        tpu.wait_dma2 semaphore(%run_scoped3A : memref<!tpu.dma_semaphore, #tpu.memory_space<semaphore_mem>>) src(%dma_wait3A_183 : memref<80x128xf32, #tpu.memory_space<vmem>>) dst(%dma_wait3A_180 : memref<80x128xf32, #tpu.memory_space<vmem_shared>>)
        tpu.yield
      }) : () -> ()
    } else {
    }
    %mul3A_64 = arith.constant 640 : i32
    %mul3A_65 = arith.muli %arg1, %mul3A_64 : i32
    %add3A_66 = arith.constant 480 : i32
    %add3A_67 = arith.addi %mul3A_65, %add3A_66 : i32
    %lt3A_68 = arith.constant 10000 : i32
    %lt3A_69 = arith.cmpi slt, %add3A_67, %lt3A_68 : i32
    %convert_element_type3A_70 = arith.extui %lt3A_69 : i1 to i32
    %cond3A_71 = arith.constant 0 : i32
    %cond3A_72 = arith.cmpi ne, %convert_element_type3A_70, %cond3A_71 : i32
    scf.if %cond3A_72 {
      "tpu.region"() ({
        %run_scoped3A = tpu.sem_alloc : memref<!tpu.dma_semaphore, #tpu.memory_space<semaphore_mem>>
        %dma_start3A_165 = arith.constant 0 : i32
        %dma_start3A_166 = arith.constant 0 : i32
        %dma_start3A_167 = tpu.memref_slice %arg11[%dma_start3A_165, %dma_start3A_166] : memref<160x128xf32, #tpu.memory_space<vmem>> -> memref<80x128xf32, #tpu.memory_space<vmem>>
        %dma_start3A_168 = arith.constant 0 : i32
        %dma_start3A_169 = tpu.memref_slice %arg20[%add3A_67, %dma_start3A_168] : memref<10000x128xf32, #tpu.memory_space<vmem_shared>> -> memref<80x128xf32, #tpu.memory_space<vmem_shared>>
        %dma_start3A_170 = arith.constant 0 : i32
        %dma_start3A_171 = tpu.memref_slice %arg20[%add3A_67, %dma_start3A_170] : memref<10000x128xf32, #tpu.memory_space<vmem_shared>> -> memref<80x128xf32, #tpu.memory_space<vmem_shared>>
        %dma_start3A_172 = arith.constant 0 : i32
        %dma_start3A_173 = arith.constant 0 : i32
        %dma_start3A_174 = tpu.memref_slice %arg11[%dma_start3A_172, %dma_start3A_173] : memref<160x128xf32, #tpu.memory_space<vmem>> -> memref<80x128xf32, #tpu.memory_space<vmem>>
        tpu.enqueue_dma source(%dma_start3A_174 : memref<80x128xf32, #tpu.memory_space<vmem>>) target(%dma_start3A_171 : memref<80x128xf32, #tpu.memory_space<vmem_shared>>) target_semaphore(%run_scoped3A : memref<!tpu.dma_semaphore, #tpu.memory_space<semaphore_mem>>)
        %dma_wait3A = arith.constant 0 : i32
        %dma_wait3A_175 = arith.constant 0 : i32
        %dma_wait3A_176 = tpu.memref_slice %arg11[%dma_wait3A, %dma_wait3A_175] : memref<160x128xf32, #tpu.memory_space<vmem>> -> memref<80x128xf32, #tpu.memory_space<vmem>>
        %dma_wait3A_177 = arith.constant 0 : i32
        %dma_wait3A_178 = tpu.memref_slice %arg20[%add3A_67, %dma_wait3A_177] : memref<10000x128xf32, #tpu.memory_space<vmem_shared>> -> memref<80x128xf32, #tpu.memory_space<vmem_shared>>
        %dma_wait3A_179 = arith.constant 0 : i32
        %dma_wait3A_180 = tpu.memref_slice %arg20[%add3A_67, %dma_wait3A_179] : memref<10000x128xf32, #tpu.memory_space<vmem_shared>> -> memref<80x128xf32, #tpu.memory_space<vmem_shared>>
        %dma_wait3A_181 = arith.constant 0 : i32
        %dma_wait3A_182 = arith.constant 0 : i32
        %dma_wait3A_183 = tpu.memref_slice %arg11[%dma_wait3A_181, %dma_wait3A_182] : memref<160x128xf32, #tpu.memory_space<vmem>> -> memref<80x128xf32, #tpu.memory_space<vmem>>
        tpu.wait_dma2 semaphore(%run_scoped3A : memref<!tpu.dma_semaphore, #tpu.memory_space<semaphore_mem>>) src(%dma_wait3A_183 : memref<80x128xf32, #tpu.memory_space<vmem>>) dst(%dma_wait3A_180 : memref<80x128xf32, #tpu.memory_space<vmem_shared>>)
        tpu.yield
      }) : () -> ()
    } else {
    }
    %mul3A_73 = arith.constant 640 : i32
    %mul3A_74 = arith.muli %arg1, %mul3A_73 : i32
    %add3A_75 = arith.constant 560 : i32
    %add3A_76 = arith.addi %mul3A_74, %add3A_75 : i32
    %lt3A_77 = arith.constant 10000 : i32
    %lt3A_78 = arith.cmpi slt, %add3A_76, %lt3A_77 : i32
    %convert_element_type3A_79 = arith.extui %lt3A_78 : i1 to i32
    %cond3A_80 = arith.constant 0 : i32
    %cond3A_81 = arith.cmpi ne, %convert_element_type3A_79, %cond3A_80 : i32
    scf.if %cond3A_81 {
      "tpu.region"() ({
        %run_scoped3A = tpu.sem_alloc : memref<!tpu.dma_semaphore, #tpu.memory_space<semaphore_mem>>
        %dma_start3A_165 = arith.constant 0 : i32
        %dma_start3A_166 = arith.constant 0 : i32
        %dma_start3A_167 = tpu.memref_slice %arg11[%dma_start3A_165, %dma_start3A_166] : memref<160x128xf32, #tpu.memory_space<vmem>> -> memref<80x128xf32, #tpu.memory_space<vmem>>
        %dma_start3A_168 = arith.constant 0 : i32
        %dma_start3A_169 = tpu.memref_slice %arg20[%add3A_76, %dma_start3A_168] : memref<10000x128xf32, #tpu.memory_space<vmem_shared>> -> memref<80x128xf32, #tpu.memory_space<vmem_shared>>
        %dma_start3A_170 = arith.constant 0 : i32
        %dma_start3A_171 = tpu.memref_slice %arg20[%add3A_76, %dma_start3A_170] : memref<10000x128xf32, #tpu.memory_space<vmem_shared>> -> memref<80x128xf32, #tpu.memory_space<vmem_shared>>
        %dma_start3A_172 = arith.constant 0 : i32
        %dma_start3A_173 = arith.constant 0 : i32
        %dma_start3A_174 = tpu.memref_slice %arg11[%dma_start3A_172, %dma_start3A_173] : memref<160x128xf32, #tpu.memory_space<vmem>> -> memref<80x128xf32, #tpu.memory_space<vmem>>
        tpu.enqueue_dma source(%dma_start3A_174 : memref<80x128xf32, #tpu.memory_space<vmem>>) target(%dma_start3A_171 : memref<80x128xf32, #tpu.memory_space<vmem_shared>>) target_semaphore(%run_scoped3A : memref<!tpu.dma_semaphore, #tpu.memory_space<semaphore_mem>>)
        %dma_wait3A = arith.constant 0 : i32
        %dma_wait3A_175 = arith.constant 0 : i32
        %dma_wait3A_176 = tpu.memref_slice %arg11[%dma_wait3A, %dma_wait3A_175] : memref<160x128xf32, #tpu.memory_space<vmem>> -> memref<80x128xf32, #tpu.memory_space<vmem>>
        %dma_wait3A_177 = arith.constant 0 : i32
        %dma_wait3A_178 = tpu.memref_slice %arg20[%add3A_76, %dma_wait3A_177] : memref<10000x128xf32, #tpu.memory_space<vmem_shared>> -> memref<80x128xf32, #tpu.memory_space<vmem_shared>>
        %dma_wait3A_179 = arith.constant 0 : i32
        %dma_wait3A_180 = tpu.memref_slice %arg20[%add3A_76, %dma_wait3A_179] : memref<10000x128xf32, #tpu.memory_space<vmem_shared>> -> memref<80x128xf32, #tpu.memory_space<vmem_shared>>
        %dma_wait3A_181 = arith.constant 0 : i32
        %dma_wait3A_182 = arith.constant 0 : i32
        %dma_wait3A_183 = tpu.memref_slice %arg11[%dma_wait3A_181, %dma_wait3A_182] : memref<160x128xf32, #tpu.memory_space<vmem>> -> memref<80x128xf32, #tpu.memory_space<vmem>>
        tpu.wait_dma2 semaphore(%run_scoped3A : memref<!tpu.dma_semaphore, #tpu.memory_space<semaphore_mem>>) src(%dma_wait3A_183 : memref<80x128xf32, #tpu.memory_space<vmem>>) dst(%dma_wait3A_180 : memref<80x128xf32, #tpu.memory_space<vmem_shared>>)
        tpu.yield
      }) : () -> ()
    } else {
    }
    %barrier3A = arith.constant 0 : index
    tpu.barrier barrier_id(%barrier3A)
    %dma_start3A = arith.constant 0 : i32
    %dma_start3A_82 = tpu.memref_slice %arg8[%mul3A_2, %dma_start3A] : memref<320000x128xf32, #tpu.memory_space<hbm>> -> memref<80x128xf32, #tpu.memory_space<hbm>>
    %dma_start3A_83 = arith.constant 0 : i32
    %dma_start3A_84 = tpu.memref_slice %arg8[%mul3A_2, %dma_start3A_83] : memref<320000x128xf32, #tpu.memory_space<hbm>> -> memref<80x128xf32, #tpu.memory_space<hbm>>
    tpu.enqueue_dma source(%dma_start3A_84 : memref<80x128xf32, #tpu.memory_space<hbm>>) target(%arg12 : memref<80x128xf32, #tpu.memory_space<vmem>>) target_semaphore(%arg24 : memref<!tpu.dma_semaphore, #tpu.memory_space<semaphore_mem>>)
    %scan3A_85 = arith.constant 0 : i32
    %scan3A_86 = arith.constant 5 : i32
    %scan3A_87 = arith.addi %scan3A_85, %scan3A_86 : i32
    %scan3A_88 = arith.constant 1 : i32
    scf.for %scan3A_165 = %scan3A_85 to %scan3A_87 step %scan3A_88  : i32 {
      %mul3A_166 = arith.constant 1 : i32
      %mul3A_167 = arith.muli %scan3A_165, %mul3A_166 : i32
      %add3A_168 = arith.constant 0 : i32
      %add3A_169 = arith.addi %add3A_168, %mul3A_167 : i32
      %mul3A_170 = arith.constant 2000 : i32
      %mul3A_171 = arith.muli %add3A_169, %mul3A_170 : i32
      %add3A_172 = arith.addi %mul3A_2, %mul3A_171 : i32
      "tpu.region"() ({
        %run_scoped3A = tpu.sem_alloc : memref<!tpu.dma_semaphore, #tpu.memory_space<semaphore_mem>>
        %dma_start3A_209 = tpu.memref_slice %arg6[%add3A_172] : memref<320000xi32, #tpu.memory_space<hbm>> -> memref<2000xi32, #tpu.memory_space<hbm>>
        %dma_start3A_210 = tpu.memref_slice %arg6[%add3A_172] : memref<320000xi32, #tpu.memory_space<hbm>> -> memref<2000xi32, #tpu.memory_space<hbm>>
        tpu.enqueue_dma source(%dma_start3A_210 : memref<2000xi32, #tpu.memory_space<hbm>>) target(%arg13 : memref<2000xi32, #tpu.memory_space<vmem>>) target_semaphore(%run_scoped3A : memref<!tpu.dma_semaphore, #tpu.memory_space<semaphore_mem>>)
        %dma_wait3A_211 = tpu.memref_slice %arg6[%add3A_172] : memref<320000xi32, #tpu.memory_space<hbm>> -> memref<2000xi32, #tpu.memory_space<hbm>>
        %dma_wait3A_212 = tpu.memref_slice %arg6[%add3A_172] : memref<320000xi32, #tpu.memory_space<hbm>> -> memref<2000xi32, #tpu.memory_space<hbm>>
        tpu.wait_dma2 semaphore(%run_scoped3A : memref<!tpu.dma_semaphore, #tpu.memory_space<semaphore_mem>>) src(%dma_wait3A_212 : memref<2000xi32, #tpu.memory_space<hbm>>) dst(%arg13 : memref<2000xi32, #tpu.memory_space<vmem>>)
        tpu.yield
      }) : () -> ()
      "tpu.region"() ({
        %run_scoped3A = tpu.sem_alloc : memref<!tpu.dma_semaphore, #tpu.memory_space<semaphore_mem>>
        %dma_start3A_209 = arith.constant 0 : i32
        %dma_start3A_210 = arith.constant 0 : i32
        %dma_start3A_211 = tpu.memref_slice %arg7[%add3A, %add3A_169, %dma_start3A_209, %dma_start3A_210] : memref<32x5x25x80xi32, #tpu.memory_space<hbm>> -> memref<1x1x25x80xi32, #tpu.memory_space<hbm>>
        %dma_start3A_212 = tpu.memref_squeeze %dma_start3A_211 : memref<1x1x25x80xi32, #tpu.memory_space<hbm>> -> memref<25x80xi32, #tpu.memory_space<hbm>>
        %dma_start3A_213 = arith.constant 0 : i32
        %dma_start3A_214 = arith.constant 0 : i32
        %dma_start3A_215 = tpu.memref_slice %arg7[%add3A, %add3A_169, %dma_start3A_213, %dma_start3A_214] : memref<32x5x25x80xi32, #tpu.memory_space<hbm>> -> memref<1x1x25x80xi32, #tpu.memory_space<hbm>>
        %dma_start3A_216 = tpu.memref_squeeze %dma_start3A_215 : memref<1x1x25x80xi32, #tpu.memory_space<hbm>> -> memref<25x80xi32, #tpu.memory_space<hbm>>
        tpu.enqueue_dma source(%dma_start3A_216 : memref<25x80xi32, #tpu.memory_space<hbm>>) target(%arg14 : memref<25x80xi32, #tpu.memory_space<vmem>>) target_semaphore(%run_scoped3A : memref<!tpu.dma_semaphore, #tpu.memory_space<semaphore_mem>>)
        %dma_wait3A_217 = arith.constant 0 : i32
        %dma_wait3A_218 = arith.constant 0 : i32
        %dma_wait3A_219 = tpu.memref_slice %arg7[%add3A, %add3A_169, %dma_wait3A_217, %dma_wait3A_218] : memref<32x5x25x80xi32, #tpu.memory_space<hbm>> -> memref<1x1x25x80xi32, #tpu.memory_space<hbm>>
        %dma_wait3A_220 = tpu.memref_squeeze %dma_wait3A_219 : memref<1x1x25x80xi32, #tpu.memory_space<hbm>> -> memref<25x80xi32, #tpu.memory_space<hbm>>
        %dma_wait3A_221 = arith.constant 0 : i32
        %dma_wait3A_222 = arith.constant 0 : i32
        %dma_wait3A_223 = tpu.memref_slice %arg7[%add3A, %add3A_169, %dma_wait3A_221, %dma_wait3A_222] : memref<32x5x25x80xi32, #tpu.memory_space<hbm>> -> memref<1x1x25x80xi32, #tpu.memory_space<hbm>>
        %dma_wait3A_224 = tpu.memref_squeeze %dma_wait3A_223 : memref<1x1x25x80xi32, #tpu.memory_space<hbm>> -> memref<25x80xi32, #tpu.memory_space<hbm>>
        tpu.wait_dma2 semaphore(%run_scoped3A : memref<!tpu.dma_semaphore, #tpu.memory_space<semaphore_mem>>) src(%dma_wait3A_224 : memref<25x80xi32, #tpu.memory_space<hbm>>) dst(%arg14 : memref<25x80xi32, #tpu.memory_space<vmem>>)
        tpu.yield
      }) : () -> ()
      "tpu.region"() ({
        %run_scoped3A = tpu.sem_alloc : memref<!tpu.dma_semaphore, #tpu.memory_space<semaphore_mem>>
        %dma_start3A_209 = tpu.memref_slice %arg5[%add3A_172] : memref<320000xf32, #tpu.memory_space<hbm>> -> memref<2000xf32, #tpu.memory_space<hbm>>
        %dma_start3A_210 = tpu.memref_slice %arg5[%add3A_172] : memref<320000xf32, #tpu.memory_space<hbm>> -> memref<2000xf32, #tpu.memory_space<hbm>>
        tpu.enqueue_dma source(%dma_start3A_210 : memref<2000xf32, #tpu.memory_space<hbm>>) target(%arg15 : memref<2000xf32, #tpu.memory_space<vmem>>) target_semaphore(%run_scoped3A : memref<!tpu.dma_semaphore, #tpu.memory_space<semaphore_mem>>)
        %dma_wait3A_211 = tpu.memref_slice %arg5[%add3A_172] : memref<320000xf32, #tpu.memory_space<hbm>> -> memref<2000xf32, #tpu.memory_space<hbm>>
        %dma_wait3A_212 = tpu.memref_slice %arg5[%add3A_172] : memref<320000xf32, #tpu.memory_space<hbm>> -> memref<2000xf32, #tpu.memory_space<hbm>>
        tpu.wait_dma2 semaphore(%run_scoped3A : memref<!tpu.dma_semaphore, #tpu.memory_space<semaphore_mem>>) src(%dma_wait3A_212 : memref<2000xf32, #tpu.memory_space<hbm>>) dst(%arg15 : memref<2000xf32, #tpu.memory_space<vmem>>)
        tpu.yield
      }) : () -> ()
      %dma_start3A_173 = arith.constant 0 : i32
      %dma_start3A_174 = arith.constant 0 : i32
      %dma_start3A_175 = tpu.memref_slice %arg11[%dma_start3A_173, %dma_start3A_174] : memref<160x128xf32, #tpu.memory_space<vmem>> -> memref<80x128xf32, #tpu.memory_space<vmem>>
      %dma_start3A_176 = arith.constant 0 : i32
      %dma_start3A_177 = tpu.memref_slice %arg13[%dma_start3A_176] : memref<2000xi32, #tpu.memory_space<vmem>> -> memref<80xi32, #tpu.memory_space<vmem>>
      %dma_start3A_178 = arith.constant 0 : i32
      %dma_start3A_179 = arith.constant 0 : i32
      %dma_start3A_180 = tpu.memref_slice %arg2[%dma_start3A_178, %dma_start3A_179] : memref<10000x128xf32, #tpu.memory_space<hbm>> -> memref<10000x128xf32, #tpu.memory_space<hbm>>
      tpu.enqueue_indirect_dma source(%dma_start3A_180 : memref<10000x128xf32, #tpu.memory_space<hbm>>) target(%dma_start3A_175 : memref<80x128xf32, #tpu.memory_space<vmem>>) offsets(%dma_start3A_177 : memref<80xi32, #tpu.memory_space<vmem>>) semaphore(%arg21 : memref<!tpu.dma_semaphore, #tpu.memory_space<semaphore_mem>>)
      %dma_start3A_181 = arith.constant 0 : i32
      %dma_start3A_182 = tpu.memref_slice %arg16[%dma_start3A_181] : memref<160xf32, #tpu.memory_space<vmem>> -> memref<80xf32, #tpu.memory_space<vmem>>
      %dma_start3A_183 = arith.constant 0 : i32
      %dma_start3A_184 = tpu.memref_slice %arg13[%dma_start3A_183] : memref<2000xi32, #tpu.memory_space<vmem>> -> memref<80xi32, #tpu.memory_space<vmem>>
      %dma_start3A_185 = arith.constant 0 : i32
      %dma_start3A_186 = tpu.memref_slice %arg3[%dma_start3A_185] : memref<10000xf32, #tpu.memory_space<hbm>> -> memref<10000xf32, #tpu.memory_space<hbm>>
      tpu.enqueue_indirect_dma source(%dma_start3A_186 : memref<10000xf32, #tpu.memory_space<hbm>>) target(%dma_start3A_182 : memref<80xf32, #tpu.memory_space<vmem>>) offsets(%dma_start3A_184 : memref<80xi32, #tpu.memory_space<vmem>>) semaphore(%arg22 : memref<!tpu.dma_semaphore, #tpu.memory_space<semaphore_mem>>)
      %dma_start3A_187 = arith.constant 0 : i32
      %dma_start3A_188 = arith.constant 0 : i32
      %dma_start3A_189 = tpu.memref_slice %arg17[%dma_start3A_188] : memref<160xf32, #tpu.memory_space<vmem>> -> memref<80xf32, #tpu.memory_space<vmem>>
      %dma_start3A_190 = arith.constant 0 : i32
      %dma_start3A_191 = tpu.memref_slice %arg14[%dma_start3A_187, %dma_start3A_190] : memref<25x80xi32, #tpu.memory_space<vmem>> -> memref<1x80xi32, #tpu.memory_space<vmem>>
      %dma_start3A_192 = tpu.memref_squeeze %dma_start3A_191 : memref<1x80xi32, #tpu.memory_space<vmem>> -> memref<80xi32, #tpu.memory_space<vmem>>
      %dma_start3A_193 = arith.constant 0 : i32
      %dma_start3A_194 = tpu.memref_slice %arg4[%dma_start3A_193] : memref<10000xf32, #tpu.memory_space<hbm>> -> memref<10000xf32, #tpu.memory_space<hbm>>
      tpu.enqueue_indirect_dma source(%dma_start3A_194 : memref<10000xf32, #tpu.memory_space<hbm>>) target(%dma_start3A_189 : memref<80xf32, #tpu.memory_space<vmem>>) offsets(%dma_start3A_192 : memref<80xi32, #tpu.memory_space<vmem>>) semaphore(%arg23 : memref<!tpu.dma_semaphore, #tpu.memory_space<semaphore_mem>>)
      %scan3A_195 = arith.constant 0 : i32
      %scan3A_196 = arith.constant 25 : i32
      %scan3A_197 = arith.addi %scan3A_195, %scan3A_196 : i32
      %scan3A_198 = arith.constant 1 : i32
      scf.for %scan3A_209 = %scan3A_195 to %scan3A_197 step %scan3A_198  : i32 {
        %mul3A_210 = arith.constant 1 : i32
        %mul3A_211 = arith.muli %scan3A_209, %mul3A_210 : i32
        %add3A_212 = arith.constant 0 : i32
        %add3A_213 = arith.addi %add3A_212, %mul3A_211 : i32
        %rem3A = arith.constant 2 : i32
        %rem3A_214 = arith.remsi %add3A_213, %rem3A : i32
        %mul3A_215 = arith.constant 80 : i32
        %mul3A_216 = arith.muli %rem3A_214, %mul3A_215 : i32
        %mul3A_217 = arith.constant 80 : i32
        %mul3A_218 = arith.muli %add3A_213, %mul3A_217 : i32
        %dma_wait3A_219 = arith.constant 0 : i32
        %dma_wait3A_220 = tpu.memref_slice %arg11[%mul3A_216, %dma_wait3A_219] : memref<160x128xf32, #tpu.memory_space<vmem>> -> memref<80x128xf32, #tpu.memory_space<vmem>>
        %dma_wait3A_221 = tpu.memref_slice %arg13[%mul3A_218] : memref<2000xi32, #tpu.memory_space<vmem>> -> memref<80xi32, #tpu.memory_space<vmem>>
        %dma_wait3A_222 = arith.constant 0 : i32
        %dma_wait3A_223 = arith.constant 0 : i32
        %dma_wait3A_224 = tpu.memref_slice %arg2[%dma_wait3A_222, %dma_wait3A_223] : memref<10000x128xf32, #tpu.memory_space<hbm>> -> memref<10000x128xf32, #tpu.memory_space<hbm>>
        tpu.wait_indirect_dma semaphore(%arg21 : memref<!tpu.dma_semaphore, #tpu.memory_space<semaphore_mem>>) src(%dma_wait3A_224 : memref<10000x128xf32, #tpu.memory_space<hbm>>) dst(%dma_wait3A_220 : memref<80x128xf32, #tpu.memory_space<vmem>>)
        %dma_wait3A_225 = tpu.memref_slice %arg16[%mul3A_216] : memref<160xf32, #tpu.memory_space<vmem>> -> memref<80xf32, #tpu.memory_space<vmem>>
        %dma_wait3A_226 = tpu.memref_slice %arg13[%mul3A_218] : memref<2000xi32, #tpu.memory_space<vmem>> -> memref<80xi32, #tpu.memory_space<vmem>>
        %dma_wait3A_227 = arith.constant 0 : i32
        %dma_wait3A_228 = tpu.memref_slice %arg3[%dma_wait3A_227] : memref<10000xf32, #tpu.memory_space<hbm>> -> memref<10000xf32, #tpu.memory_space<hbm>>
        tpu.wait_indirect_dma semaphore(%arg22 : memref<!tpu.dma_semaphore, #tpu.memory_space<semaphore_mem>>) src(%dma_wait3A_228 : memref<10000xf32, #tpu.memory_space<hbm>>) dst(%dma_wait3A_225 : memref<80xf32, #tpu.memory_space<vmem>>)
        %dma_wait3A_229 = tpu.memref_slice %arg17[%mul3A_216] : memref<160xf32, #tpu.memory_space<vmem>> -> memref<80xf32, #tpu.memory_space<vmem>>
        %dma_wait3A_230 = arith.constant 0 : i32
        %dma_wait3A_231 = tpu.memref_slice %arg14[%add3A_213, %dma_wait3A_230] : memref<25x80xi32, #tpu.memory_space<vmem>> -> memref<1x80xi32, #tpu.memory_space<vmem>>
        %dma_wait3A_232 = tpu.memref_squeeze %dma_wait3A_231 : memref<1x80xi32, #tpu.memory_space<vmem>> -> memref<80xi32, #tpu.memory_space<vmem>>
        %dma_wait3A_233 = arith.constant 0 : i32
        %dma_wait3A_234 = tpu.memref_slice %arg4[%dma_wait3A_233] : memref<10000xf32, #tpu.memory_space<hbm>> -> memref<10000xf32, #tpu.memory_space<hbm>>
        tpu.wait_indirect_dma semaphore(%arg23 : memref<!tpu.dma_semaphore, #tpu.memory_space<semaphore_mem>>) src(%dma_wait3A_234 : memref<10000xf32, #tpu.memory_space<hbm>>) dst(%dma_wait3A_229 : memref<80xf32, #tpu.memory_space<vmem>>)
        %scan3A_235 = arith.constant 0 : i32
        %scan3A_236 = arith.constant 5 : i32
        %scan3A_237 = arith.addi %scan3A_235, %scan3A_236 : i32
        %scan3A_238 = arith.constant 1 : i32
        scf.for %scan3A_279 = %scan3A_235 to %scan3A_237 step %scan3A_238  : i32 {
          %mul3A_280 = arith.constant 1 : i32
          %mul3A_281 = arith.muli %scan3A_279, %mul3A_280 : i32
          %add3A_282 = arith.constant 0 : i32
          %add3A_283 = arith.addi %add3A_282, %mul3A_281 : i32
          %mul3A_284 = arith.constant 16 : i32
          %mul3A_285 = arith.muli %add3A_283, %mul3A_284 : i32
          %add3A_286 = arith.addi %mul3A_216, %mul3A_285 : i32
          %get3A = arith.index_cast %add3A_286 : i32 to index
          %get3A_287 = tpu.vector_load %arg16[%get3A] {strides = array<i32>} : memref<160xf32, #tpu.memory_space<vmem>>, vector<16xf32>,
          %add3A_288 = arith.addi %mul3A_216, %mul3A_285 : i32
          %get3A_289 = arith.index_cast %add3A_288 : i32 to index
          %get3A_290 = tpu.vector_load %arg17[%get3A_289] {strides = array<i32>} : memref<160xf32, #tpu.memory_space<vmem>>, vector<16xf32>,
          %add3A_291 = arith.addf %get3A_287, %get3A_290 : vector<16xf32>
          %mul3A_292 = arith.constant 80 : i32
          %mul3A_293 = arith.muli %add3A_213, %mul3A_292 : i32
          %add3A_294 = arith.addi %mul3A_293, %mul3A_285 : i32
          %get3A_295 = arith.index_cast %add3A_294 : i32 to index
          %get3A_296 = tpu.vector_load %arg15[%get3A_295] {strides = array<i32>} : memref<2000xf32, #tpu.memory_space<vmem>>, vector<16xf32>,
          %add3A_297 = arith.addf %add3A_291, %get3A_296 : vector<16xf32>
          %mul3A_298 = arith.constant 2.000000e-01 : f32
          %mul3A_299 = vector.broadcast %mul3A_298 : f32 to vector<16xf32>
          %mul3A_300 = arith.mulf %mul3A_299, %add3A_297 : vector<16xf32>
          %max3A = arith.maximumf %add3A_297, %mul3A_300 : vector<16xf32>
          %exp3A = math.exp %max3A : vector<16xf32>
          %swap3A = arith.index_cast %mul3A_285 : i32 to index
          %swap3A_301 = tpu.vector_load %arg18[%swap3A] {strides = array<i32>} : memref<80xf32, #tpu.memory_space<vmem>>, vector<16xf32>,
          tpu.vector_store %arg18[%swap3A], %exp3A {strides = array<i32>} : memref<80xf32, #tpu.memory_space<vmem>>, vector<16xf32>,
          %get3A_302 = arith.index_cast %add3A_213 : i32 to index
          %get3A_303 = arith.index_cast %mul3A_285 : i32 to index
          %get3A_304 = tpu.vector_load %arg14[%get3A_302, %get3A_303] {strides = array<i32>} : memref<25x80xi32, #tpu.memory_space<vmem>>, vector<16xi32>,
          tpu.vector_store_idx %arg19[%get3A_304], %exp3A {add = true} : memref<10000xf32, #tpu.memory_space<vmem>>[vector<16xi32>], vector<16xf32>,
        }
        %scan3A_239 = arith.constant 5 : i32
        %ge3A = arith.constant 1 : i32
        %ge3A_240 = arith.cmpi sge, %add3A_213, %ge3A : i32
        %convert_element_type3A_241 = arith.extui %ge3A_240 : i1 to i32
        %cond3A_242 = arith.constant 0 : i32
        %cond3A_243 = arith.cmpi ne, %convert_element_type3A_241, %cond3A_242 : i32
        scf.if %cond3A_243 {
          %sub3A = arith.constant 1 : i32
          %sub3A_279 = arith.subi %add3A_213, %sub3A : i32
          %sub3A_280 = arith.constant 1 : i32
          %sub3A_281 = arith.subi %sub3A_280, %rem3A_214 : i32
          %mul3A_282 = arith.constant 80 : i32
          %mul3A_283 = arith.muli %sub3A_281, %mul3A_282 : i32
          %dma_wait3A_284 = arith.constant 0 : i32
          %dma_wait3A_285 = tpu.memref_slice %arg11[%mul3A_283, %dma_wait3A_284] : memref<160x128xf32, #tpu.memory_space<vmem>> -> memref<80x128xf32, #tpu.memory_space<vmem>>
          %dma_wait3A_286 = arith.constant 0 : i32
          %dma_wait3A_287 = tpu.memref_slice %arg14[%sub3A_279, %dma_wait3A_286] : memref<25x80xi32, #tpu.memory_space<vmem>> -> memref<1x80xi32, #tpu.memory_space<vmem>>
          %dma_wait3A_288 = tpu.memref_squeeze %dma_wait3A_287 : memref<1x80xi32, #tpu.memory_space<vmem>> -> memref<80xi32, #tpu.memory_space<vmem>>
          %dma_wait3A_289 = arith.constant 0 : i32
          %dma_wait3A_290 = arith.constant 0 : i32
          %dma_wait3A_291 = tpu.memref_slice %arg20[%dma_wait3A_289, %dma_wait3A_290] : memref<10000x128xf32, #tpu.memory_space<vmem_shared>> -> memref<10000x128xf32, #tpu.memory_space<vmem_shared>>
          tpu.wait_indirect_dma semaphore(%arg25 : memref<!tpu.dma_semaphore, #tpu.memory_space<semaphore_mem>>) src(%dma_wait3A_285 : memref<80x128xf32, #tpu.memory_space<vmem>>) dst(%dma_wait3A_291 : memref<10000x128xf32, #tpu.memory_space<vmem_shared>>)
        } else {
        }
        %lt3A_244 = arith.constant 24 : i32
        %lt3A_245 = arith.cmpi slt, %add3A_213, %lt3A_244 : i32
        %convert_element_type3A_246 = arith.extui %lt3A_245 : i1 to i32
        %cond3A_247 = arith.constant 0 : i32
        %cond3A_248 = arith.cmpi ne, %convert_element_type3A_246, %cond3A_247 : i32
        scf.if %cond3A_248 {
          %add3A_279 = arith.constant 1 : i32
          %add3A_280 = arith.addi %add3A_213, %add3A_279 : i32
          %sub3A = arith.constant 1 : i32
          %sub3A_281 = arith.subi %sub3A, %rem3A_214 : i32
          %mul3A_282 = arith.constant 80 : i32
          %mul3A_283 = arith.muli %add3A_280, %mul3A_282 : i32
          %mul3A_284 = arith.constant 80 : i32
          %mul3A_285 = arith.muli %sub3A_281, %mul3A_284 : i32
          %dma_start3A_286 = arith.constant 0 : i32
          %dma_start3A_287 = tpu.memref_slice %arg11[%mul3A_285, %dma_start3A_286] : memref<160x128xf32, #tpu.memory_space<vmem>> -> memref<80x128xf32, #tpu.memory_space<vmem>>
          %dma_start3A_288 = tpu.memref_slice %arg13[%mul3A_283] : memref<2000xi32, #tpu.memory_space<vmem>> -> memref<80xi32, #tpu.memory_space<vmem>>
          %dma_start3A_289 = arith.constant 0 : i32
          %dma_start3A_290 = arith.constant 0 : i32
          %dma_start3A_291 = tpu.memref_slice %arg2[%dma_start3A_289, %dma_start3A_290] : memref<10000x128xf32, #tpu.memory_space<hbm>> -> memref<10000x128xf32, #tpu.memory_space<hbm>>
          tpu.enqueue_indirect_dma source(%dma_start3A_291 : memref<10000x128xf32, #tpu.memory_space<hbm>>) target(%dma_start3A_287 : memref<80x128xf32, #tpu.memory_space<vmem>>) offsets(%dma_start3A_288 : memref<80xi32, #tpu.memory_space<vmem>>) semaphore(%arg21 : memref<!tpu.dma_semaphore, #tpu.memory_space<semaphore_mem>>)
          %mul3A_292 = arith.constant 80 : i32
          %mul3A_293 = arith.muli %sub3A_281, %mul3A_292 : i32
          %dma_start3A_294 = tpu.memref_slice %arg16[%mul3A_293] : memref<160xf32, #tpu.memory_space<vmem>> -> memref<80xf32, #tpu.memory_space<vmem>>
          %dma_start3A_295 = tpu.memref_slice %arg13[%mul3A_283] : memref<2000xi32, #tpu.memory_space<vmem>> -> memref<80xi32, #tpu.memory_space<vmem>>
          %dma_start3A_296 = arith.constant 0 : i32
          %dma_start3A_297 = tpu.memref_slice %arg3[%dma_start3A_296] : memref<10000xf32, #tpu.memory_space<hbm>> -> memref<10000xf32, #tpu.memory_space<hbm>>
          tpu.enqueue_indirect_dma source(%dma_start3A_297 : memref<10000xf32, #tpu.memory_space<hbm>>) target(%dma_start3A_294 : memref<80xf32, #tpu.memory_space<vmem>>) offsets(%dma_start3A_295 : memref<80xi32, #tpu.memory_space<vmem>>) semaphore(%arg22 : memref<!tpu.dma_semaphore, #tpu.memory_space<semaphore_mem>>)
          %mul3A_298 = arith.constant 80 : i32
          %mul3A_299 = arith.muli %sub3A_281, %mul3A_298 : i32
          %dma_start3A_300 = tpu.memref_slice %arg17[%mul3A_299] : memref<160xf32, #tpu.memory_space<vmem>> -> memref<80xf32, #tpu.memory_space<vmem>>
          %dma_start3A_301 = arith.constant 0 : i32
          %dma_start3A_302 = tpu.memref_slice %arg14[%add3A_280, %dma_start3A_301] : memref<25x80xi32, #tpu.memory_space<vmem>> -> memref<1x80xi32, #tpu.memory_space<vmem>>
          %dma_start3A_303 = tpu.memref_squeeze %dma_start3A_302 : memref<1x80xi32, #tpu.memory_space<vmem>> -> memref<80xi32, #tpu.memory_space<vmem>>
          %dma_start3A_304 = arith.constant 0 : i32
          %dma_start3A_305 = tpu.memref_slice %arg4[%dma_start3A_304] : memref<10000xf32, #tpu.memory_space<hbm>> -> memref<10000xf32, #tpu.memory_space<hbm>>
          tpu.enqueue_indirect_dma source(%dma_start3A_305 : memref<10000xf32, #tpu.memory_space<hbm>>) target(%dma_start3A_300 : memref<80xf32, #tpu.memory_space<vmem>>) offsets(%dma_start3A_303 : memref<80xi32, #tpu.memory_space<vmem>>) semaphore(%arg23 : memref<!tpu.dma_semaphore, #tpu.memory_space<semaphore_mem>>)
        } else {
        }
        %mul3A_249 = arith.constant 80 : i32
        %mul3A_250 = arith.muli %add3A_213, %mul3A_249 : i32
        %add3A_251 = arith.addi %add3A_172, %mul3A_250 : i32
        %dma_wait3A_252 = arith.constant 0 : i32
        %dma_wait3A_253 = tpu.memref_slice %arg8[%add3A_251, %dma_wait3A_252] : memref<320000x128xf32, #tpu.memory_space<hbm>> -> memref<80x128xf32, #tpu.memory_space<hbm>>
        %dma_wait3A_254 = arith.constant 0 : i32
        %dma_wait3A_255 = tpu.memref_slice %arg8[%add3A_251, %dma_wait3A_254] : memref<320000x128xf32, #tpu.memory_space<hbm>> -> memref<80x128xf32, #tpu.memory_space<hbm>>
        tpu.wait_dma2 semaphore(%arg24 : memref<!tpu.dma_semaphore, #tpu.memory_space<semaphore_mem>>) src(%dma_wait3A_255 : memref<80x128xf32, #tpu.memory_space<hbm>>) dst(%arg12 : memref<80x128xf32, #tpu.memory_space<vmem>>)
        %scan3A_256 = arith.constant 0 : i32
        %scan3A_257 = arith.constant 80 : i32
        %scan3A_258 = arith.addi %scan3A_256, %scan3A_257 : i32
        %scan3A_259 = arith.constant 1 : i32
        scf.for %scan3A_279 = %scan3A_256 to %scan3A_258 step %scan3A_259  : i32 {
          %mul3A_280 = arith.constant 1 : i32
          %mul3A_281 = arith.muli %scan3A_279, %mul3A_280 : i32
          %add3A_282 = arith.constant 0 : i32
          %add3A_283 = arith.addi %add3A_282, %mul3A_281 : i32
          %broadcast_in_dim3A_284 = arith.constant 0 : i32
          %broadcast_in_dim3A_285 = vector.broadcast %broadcast_in_dim3A_284 : i32 to vector<16xi32>
          %add3A_286 = vector.broadcast %add3A_283 : i32 to vector<16xi32>
          %add3A_287 = arith.addi %broadcast_in_dim3A_285, %add3A_286 : vector<16xi32>
          %gather3A = tpu.vector_load_idx %arg18[%add3A_287] : memref<80xf32, #tpu.memory_space<vmem>>[vector<16xi32>], vector<16xf32>,
          %add3A_288 = arith.addi %mul3A_216, %add3A_283 : i32
          %get3A = arith.index_cast %add3A_288 : i32 to index
          %get3A_289 = arith.constant 0 : index
          %get3A_290 = tpu.vector_load %arg11[%get3A, %get3A_289] {strides = array<i32>} : memref<160x128xf32, #tpu.memory_space<vmem>>, vector<16xf32>,
          %get3A_291 = arith.index_cast %add3A_283 : i32 to index
          %get3A_292 = arith.constant 0 : index
          %get3A_293 = tpu.vector_load %arg12[%get3A_291, %get3A_292] {strides = array<i32>} : memref<80x128xf32, #tpu.memory_space<vmem>>, vector<16xf32>,
          %add3A_294 = arith.addf %get3A_290, %get3A_293 : vector<16xf32>
          %mul3A_295 = arith.mulf %add3A_294, %gather3A : vector<16xf32>
          %add3A_296 = arith.addi %mul3A_216, %add3A_283 : i32
          %swap3A = arith.index_cast %add3A_296 : i32 to index
          %swap3A_297 = arith.constant 0 : index
          %swap3A_298 = tpu.vector_load %arg11[%swap3A, %swap3A_297] {strides = array<i32>} : memref<160x128xf32, #tpu.memory_space<vmem>>, vector<16xf32>,
          tpu.vector_store %arg11[%swap3A, %swap3A_297], %mul3A_295 {strides = array<i32>} : memref<160x128xf32, #tpu.memory_space<vmem>>, vector<16xf32>,
          %add3A_299 = arith.addi %mul3A_216, %add3A_283 : i32
          %get3A_300 = arith.index_cast %add3A_299 : i32 to index
          %get3A_301 = arith.constant 16 : index
          %get3A_302 = tpu.vector_load %arg11[%get3A_300, %get3A_301] {strides = array<i32>} : memref<160x128xf32, #tpu.memory_space<vmem>>, vector<16xf32>,
          %get3A_303 = arith.index_cast %add3A_283 : i32 to index
          %get3A_304 = arith.constant 16 : index
          %get3A_305 = tpu.vector_load %arg12[%get3A_303, %get3A_304] {strides = array<i32>} : memref<80x128xf32, #tpu.memory_space<vmem>>, vector<16xf32>,
          %add3A_306 = arith.addf %get3A_302, %get3A_305 : vector<16xf32>
          %mul3A_307 = arith.mulf %add3A_306, %gather3A : vector<16xf32>
          %add3A_308 = arith.addi %mul3A_216, %add3A_283 : i32
          %swap3A_309 = arith.index_cast %add3A_308 : i32 to index
          %swap3A_310 = arith.constant 16 : index
          %swap3A_311 = tpu.vector_load %arg11[%swap3A_309, %swap3A_310] {strides = array<i32>} : memref<160x128xf32, #tpu.memory_space<vmem>>, vector<16xf32>,
          tpu.vector_store %arg11[%swap3A_309, %swap3A_310], %mul3A_307 {strides = array<i32>} : memref<160x128xf32, #tpu.memory_space<vmem>>, vector<16xf32>,
          %add3A_312 = arith.addi %mul3A_216, %add3A_283 : i32
          %get3A_313 = arith.index_cast %add3A_312 : i32 to index
          %get3A_314 = arith.constant 32 : index
          %get3A_315 = tpu.vector_load %arg11[%get3A_313, %get3A_314] {strides = array<i32>} : memref<160x128xf32, #tpu.memory_space<vmem>>, vector<16xf32>,
          %get3A_316 = arith.index_cast %add3A_283 : i32 to index
          %get3A_317 = arith.constant 32 : index
          %get3A_318 = tpu.vector_load %arg12[%get3A_316, %get3A_317] {strides = array<i32>} : memref<80x128xf32, #tpu.memory_space<vmem>>, vector<16xf32>,
          %add3A_319 = arith.addf %get3A_315, %get3A_318 : vector<16xf32>
          %mul3A_320 = arith.mulf %add3A_319, %gather3A : vector<16xf32>
          %add3A_321 = arith.addi %mul3A_216, %add3A_283 : i32
          %swap3A_322 = arith.index_cast %add3A_321 : i32 to index
          %swap3A_323 = arith.constant 32 : index
          %swap3A_324 = tpu.vector_load %arg11[%swap3A_322, %swap3A_323] {strides = array<i32>} : memref<160x128xf32, #tpu.memory_space<vmem>>, vector<16xf32>,
          tpu.vector_store %arg11[%swap3A_322, %swap3A_323], %mul3A_320 {strides = array<i32>} : memref<160x128xf32, #tpu.memory_space<vmem>>, vector<16xf32>,
          %add3A_325 = arith.addi %mul3A_216, %add3A_283 : i32
          %get3A_326 = arith.index_cast %add3A_325 : i32 to index
          %get3A_327 = arith.constant 48 : index
          %get3A_328 = tpu.vector_load %arg11[%get3A_326, %get3A_327] {strides = array<i32>} : memref<160x128xf32, #tpu.memory_space<vmem>>, vector<16xf32>,
          %get3A_329 = arith.index_cast %add3A_283 : i32 to index
          %get3A_330 = arith.constant 48 : index
          %get3A_331 = tpu.vector_load %arg12[%get3A_329, %get3A_330] {strides = array<i32>} : memref<80x128xf32, #tpu.memory_space<vmem>>, vector<16xf32>,
          %add3A_332 = arith.addf %get3A_328, %get3A_331 : vector<16xf32>
          %mul3A_333 = arith.mulf %add3A_332, %gather3A : vector<16xf32>
          %add3A_334 = arith.addi %mul3A_216, %add3A_283 : i32
          %swap3A_335 = arith.index_cast %add3A_334 : i32 to index
          %swap3A_336 = arith.constant 48 : index
          %swap3A_337 = tpu.vector_load %arg11[%swap3A_335, %swap3A_336] {strides = array<i32>} : memref<160x128xf32, #tpu.memory_space<vmem>>, vector<16xf32>,
          tpu.vector_store %arg11[%swap3A_335, %swap3A_336], %mul3A_333 {strides = array<i32>} : memref<160x128xf32, #tpu.memory_space<vmem>>, vector<16xf32>,
          %add3A_338 = arith.addi %mul3A_216, %add3A_283 : i32
          %get3A_339 = arith.index_cast %add3A_338 : i32 to index
          %get3A_340 = arith.constant 64 : index
          %get3A_341 = tpu.vector_load %arg11[%get3A_339, %get3A_340] {strides = array<i32>} : memref<160x128xf32, #tpu.memory_space<vmem>>, vector<16xf32>,
          %get3A_342 = arith.index_cast %add3A_283 : i32 to index
          %get3A_343 = arith.constant 64 : index
          %get3A_344 = tpu.vector_load %arg12[%get3A_342, %get3A_343] {strides = array<i32>} : memref<80x128xf32, #tpu.memory_space<vmem>>, vector<16xf32>,
          %add3A_345 = arith.addf %get3A_341, %get3A_344 : vector<16xf32>
          %mul3A_346 = arith.mulf %add3A_345, %gather3A : vector<16xf32>
          %add3A_347 = arith.addi %mul3A_216, %add3A_283 : i32
          %swap3A_348 = arith.index_cast %add3A_347 : i32 to index
          %swap3A_349 = arith.constant 64 : index
          %swap3A_350 = tpu.vector_load %arg11[%swap3A_348, %swap3A_349] {strides = array<i32>} : memref<160x128xf32, #tpu.memory_space<vmem>>, vector<16xf32>,
          tpu.vector_store %arg11[%swap3A_348, %swap3A_349], %mul3A_346 {strides = array<i32>} : memref<160x128xf32, #tpu.memory_space<vmem>>, vector<16xf32>,
          %add3A_351 = arith.addi %mul3A_216, %add3A_283 : i32
          %get3A_352 = arith.index_cast %add3A_351 : i32 to index
          %get3A_353 = arith.constant 80 : index
          %get3A_354 = tpu.vector_load %arg11[%get3A_352, %get3A_353] {strides = array<i32>} : memref<160x128xf32, #tpu.memory_space<vmem>>, vector<16xf32>,
          %get3A_355 = arith.index_cast %add3A_283 : i32 to index
          %get3A_356 = arith.constant 80 : index
          %get3A_357 = tpu.vector_load %arg12[%get3A_355, %get3A_356] {strides = array<i32>} : memref<80x128xf32, #tpu.memory_space<vmem>>, vector<16xf32>,
          %add3A_358 = arith.addf %get3A_354, %get3A_357 : vector<16xf32>
          %mul3A_359 = arith.mulf %add3A_358, %gather3A : vector<16xf32>
          %add3A_360 = arith.addi %mul3A_216, %add3A_283 : i32
          %swap3A_361 = arith.index_cast %add3A_360 : i32 to index
          %swap3A_362 = arith.constant 80 : index
          %swap3A_363 = tpu.vector_load %arg11[%swap3A_361, %swap3A_362] {strides = array<i32>} : memref<160x128xf32, #tpu.memory_space<vmem>>, vector<16xf32>,
          tpu.vector_store %arg11[%swap3A_361, %swap3A_362], %mul3A_359 {strides = array<i32>} : memref<160x128xf32, #tpu.memory_space<vmem>>, vector<16xf32>,
          %add3A_364 = arith.addi %mul3A_216, %add3A_283 : i32
          %get3A_365 = arith.index_cast %add3A_364 : i32 to index
          %get3A_366 = arith.constant 96 : index
          %get3A_367 = tpu.vector_load %arg11[%get3A_365, %get3A_366] {strides = array<i32>} : memref<160x128xf32, #tpu.memory_space<vmem>>, vector<16xf32>,
          %get3A_368 = arith.index_cast %add3A_283 : i32 to index
          %get3A_369 = arith.constant 96 : index
          %get3A_370 = tpu.vector_load %arg12[%get3A_368, %get3A_369] {strides = array<i32>} : memref<80x128xf32, #tpu.memory_space<vmem>>, vector<16xf32>,
          %add3A_371 = arith.addf %get3A_367, %get3A_370 : vector<16xf32>
          %mul3A_372 = arith.mulf %add3A_371, %gather3A : vector<16xf32>
          %add3A_373 = arith.addi %mul3A_216, %add3A_283 : i32
          %swap3A_374 = arith.index_cast %add3A_373 : i32 to index
          %swap3A_375 = arith.constant 96 : index
          %swap3A_376 = tpu.vector_load %arg11[%swap3A_374, %swap3A_375] {strides = array<i32>} : memref<160x128xf32, #tpu.memory_space<vmem>>, vector<16xf32>,
          tpu.vector_store %arg11[%swap3A_374, %swap3A_375], %mul3A_372 {strides = array<i32>} : memref<160x128xf32, #tpu.memory_space<vmem>>, vector<16xf32>,
          %add3A_377 = arith.addi %mul3A_216, %add3A_283 : i32
          %get3A_378 = arith.index_cast %add3A_377 : i32 to index
          %get3A_379 = arith.constant 112 : index
          %get3A_380 = tpu.vector_load %arg11[%get3A_378, %get3A_379] {strides = array<i32>} : memref<160x128xf32, #tpu.memory_space<vmem>>, vector<16xf32>,
          %get3A_381 = arith.index_cast %add3A_283 : i32 to index
          %get3A_382 = arith.constant 112 : index
          %get3A_383 = tpu.vector_load %arg12[%get3A_381, %get3A_382] {strides = array<i32>} : memref<80x128xf32, #tpu.memory_space<vmem>>, vector<16xf32>,
          %add3A_384 = arith.addf %get3A_380, %get3A_383 : vector<16xf32>
          %mul3A_385 = arith.mulf %add3A_384, %gather3A : vector<16xf32>
          %add3A_386 = arith.addi %mul3A_216, %add3A_283 : i32
          %swap3A_387 = arith.index_cast %add3A_386 : i32 to index
          %swap3A_388 = arith.constant 112 : index
          %swap3A_389 = tpu.vector_load %arg11[%swap3A_387, %swap3A_388] {strides = array<i32>} : memref<160x128xf32, #tpu.memory_space<vmem>>, vector<16xf32>,
          tpu.vector_store %arg11[%swap3A_387, %swap3A_388], %mul3A_385 {strides = array<i32>} : memref<160x128xf32, #tpu.memory_space<vmem>>, vector<16xf32>,
        }
        %scan3A_260 = arith.constant 80 : i32
        %mul3A_261 = arith.constant 25 : i32
        %mul3A_262 = arith.muli %add3A_169, %mul3A_261 : i32
        %add3A_263 = arith.addi %mul3A_262, %add3A_213 : i32
        %add3A_264 = arith.constant 1 : i32
        %add3A_265 = arith.addi %add3A_263, %add3A_264 : i32
        %lt3A_266 = arith.constant 125 : i32
        %lt3A_267 = arith.cmpi slt, %add3A_265, %lt3A_266 : i32
        %convert_element_type3A_268 = arith.extui %lt3A_267 : i1 to i32
        %cond3A_269 = arith.constant 0 : i32
        %cond3A_270 = arith.cmpi ne, %convert_element_type3A_268, %cond3A_269 : i32
        scf.if %cond3A_270 {
          %add3A_279 = arith.constant 1 : i32
          %add3A_280 = arith.addi %add3A_213, %add3A_279 : i32
          %mul3A_281 = arith.constant 80 : i32
          %mul3A_282 = arith.muli %add3A_280, %mul3A_281 : i32
          %add3A_283 = arith.addi %add3A_172, %mul3A_282 : i32
          %dma_start3A_284 = arith.constant 0 : i32
          %dma_start3A_285 = tpu.memref_slice %arg8[%add3A_283, %dma_start3A_284] : memref<320000x128xf32, #tpu.memory_space<hbm>> -> memref<80x128xf32, #tpu.memory_space<hbm>>
          %dma_start3A_286 = arith.constant 0 : i32
          %dma_start3A_287 = tpu.memref_slice %arg8[%add3A_283, %dma_start3A_286] : memref<320000x128xf32, #tpu.memory_space<hbm>> -> memref<80x128xf32, #tpu.memory_space<hbm>>
          tpu.enqueue_dma source(%dma_start3A_287 : memref<80x128xf32, #tpu.memory_space<hbm>>) target(%arg12 : memref<80x128xf32, #tpu.memory_space<vmem>>) target_semaphore(%arg24 : memref<!tpu.dma_semaphore, #tpu.memory_space<semaphore_mem>>)
        } else {
        }
        %dma_start3A_271 = arith.constant 0 : i32
        %dma_start3A_272 = tpu.memref_slice %arg11[%mul3A_216, %dma_start3A_271] : memref<160x128xf32, #tpu.memory_space<vmem>> -> memref<80x128xf32, #tpu.memory_space<vmem>>
        %dma_start3A_273 = arith.constant 0 : i32
        %dma_start3A_274 = tpu.memref_slice %arg14[%add3A_213, %dma_start3A_273] : memref<25x80xi32, #tpu.memory_space<vmem>> -> memref<1x80xi32, #tpu.memory_space<vmem>>
        %dma_start3A_275 = tpu.memref_squeeze %dma_start3A_274 : memref<1x80xi32, #tpu.memory_space<vmem>> -> memref<80xi32, #tpu.memory_space<vmem>>
        %dma_start3A_276 = arith.constant 0 : i32
        %dma_start3A_277 = arith.constant 0 : i32
        %dma_start3A_278 = tpu.memref_slice %arg20[%dma_start3A_276, %dma_start3A_277] : memref<10000x128xf32, #tpu.memory_space<vmem_shared>> -> memref<10000x128xf32, #tpu.memory_space<vmem_shared>>
        tpu.enqueue_indirect_dma source(%dma_start3A_272 : memref<80x128xf32, #tpu.memory_space<vmem>>) target(%dma_start3A_278 : memref<10000x128xf32, #tpu.memory_space<vmem_shared>>) offsets(%dma_start3A_275 : memref<80xi32, #tpu.memory_space<vmem>>) semaphore(%arg25 : memref<!tpu.dma_semaphore, #tpu.memory_space<semaphore_mem>>) {add = true}
      }
      %scan3A_199 = arith.constant 25 : i32
      %dma_wait3A = arith.constant 24 : i32
      %dma_wait3A_200 = arith.constant 0 : i32
      %dma_wait3A_201 = arith.constant 0 : i32
      %dma_wait3A_202 = tpu.memref_slice %arg11[%dma_wait3A_200, %dma_wait3A_201] : memref<160x128xf32, #tpu.memory_space<vmem>> -> memref<80x128xf32, #tpu.memory_space<vmem>>
      %dma_wait3A_203 = arith.constant 0 : i32
      %dma_wait3A_204 = tpu.memref_slice %arg14[%dma_wait3A, %dma_wait3A_203] : memref<25x80xi32, #tpu.memory_space<vmem>> -> memref<1x80xi32, #tpu.memory_space<vmem>>
      %dma_wait3A_205 = tpu.memref_squeeze %dma_wait3A_204 : memref<1x80xi32, #tpu.memory_space<vmem>> -> memref<80xi32, #tpu.memory_space<vmem>>
      %dma_wait3A_206 = arith.constant 0 : i32
      %dma_wait3A_207 = arith.constant 0 : i32
      %dma_wait3A_208 = tpu.memref_slice %arg20[%dma_wait3A_206, %dma_wait3A_207] : memref<10000x128xf32, #tpu.memory_space<vmem_shared>> -> memref<10000x128xf32, #tpu.memory_space<vmem_shared>>
      tpu.wait_indirect_dma semaphore(%arg25 : memref<!tpu.dma_semaphore, #tpu.memory_space<semaphore_mem>>) src(%dma_wait3A_202 : memref<80x128xf32, #tpu.memory_space<vmem>>) dst(%dma_wait3A_208 : memref<10000x128xf32, #tpu.memory_space<vmem_shared>>)
    }
    %scan3A_89 = arith.constant 5 : i32
    %barrier3A_90 = arith.constant 0 : index
    tpu.barrier barrier_id(%barrier3A_90)
    %mul3A_91 = arith.constant 640 : i32
    %mul3A_92 = arith.muli %arg1, %mul3A_91 : i32
    %add3A_93 = arith.constant 0 : i32
    %add3A_94 = arith.addi %mul3A_92, %add3A_93 : i32
    %lt3A_95 = arith.constant 10000 : i32
    %lt3A_96 = arith.cmpi slt, %add3A_94, %lt3A_95 : i32
    %convert_element_type3A_97 = arith.extui %lt3A_96 : i1 to i32
    %cond3A_98 = arith.constant 0 : i32
    %cond3A_99 = arith.cmpi ne, %convert_element_type3A_97, %cond3A_98 : i32
    scf.if %cond3A_99 {
      "tpu.region"() ({
        %run_scoped3A = tpu.sem_alloc : memref<!tpu.dma_semaphore, #tpu.memory_space<semaphore_mem>>
        %dma_start3A_165 = arith.constant 0 : i32
        %dma_start3A_166 = tpu.memref_slice %arg9[%arg0, %add3A_94, %dma_start3A_165] : memref<2x10000x128xf32, #tpu.memory_space<hbm>> -> memref<1x80x128xf32, #tpu.memory_space<hbm>>
        %dma_start3A_167 = tpu.memref_squeeze %dma_start3A_166 : memref<1x80x128xf32, #tpu.memory_space<hbm>> -> memref<80x128xf32, #tpu.memory_space<hbm>>
        %dma_start3A_168 = arith.constant 0 : i32
        %dma_start3A_169 = tpu.memref_slice %arg20[%add3A_94, %dma_start3A_168] : memref<10000x128xf32, #tpu.memory_space<vmem_shared>> -> memref<80x128xf32, #tpu.memory_space<vmem_shared>>
        tpu.enqueue_dma source(%dma_start3A_169 : memref<80x128xf32, #tpu.memory_space<vmem_shared>>) target(%dma_start3A_167 : memref<80x128xf32, #tpu.memory_space<hbm>>) target_semaphore(%run_scoped3A : memref<!tpu.dma_semaphore, #tpu.memory_space<semaphore_mem>>)
        %dma_wait3A = arith.constant 0 : i32
        %dma_wait3A_170 = tpu.memref_slice %arg9[%arg0, %add3A_94, %dma_wait3A] : memref<2x10000x128xf32, #tpu.memory_space<hbm>> -> memref<1x80x128xf32, #tpu.memory_space<hbm>>
        %dma_wait3A_171 = tpu.memref_squeeze %dma_wait3A_170 : memref<1x80x128xf32, #tpu.memory_space<hbm>> -> memref<80x128xf32, #tpu.memory_space<hbm>>
        %dma_wait3A_172 = arith.constant 0 : i32
        %dma_wait3A_173 = tpu.memref_slice %arg20[%add3A_94, %dma_wait3A_172] : memref<10000x128xf32, #tpu.memory_space<vmem_shared>> -> memref<80x128xf32, #tpu.memory_space<vmem_shared>>
        tpu.wait_dma2 semaphore(%run_scoped3A : memref<!tpu.dma_semaphore, #tpu.memory_space<semaphore_mem>>) src(%dma_wait3A_173 : memref<80x128xf32, #tpu.memory_space<vmem_shared>>) dst(%dma_wait3A_171 : memref<80x128xf32, #tpu.memory_space<hbm>>)
        tpu.yield
      }) : () -> ()
    } else {
    }
    %mul3A_100 = arith.constant 640 : i32
    %mul3A_101 = arith.muli %arg1, %mul3A_100 : i32
    %add3A_102 = arith.constant 80 : i32
    %add3A_103 = arith.addi %mul3A_101, %add3A_102 : i32
    %lt3A_104 = arith.constant 10000 : i32
    %lt3A_105 = arith.cmpi slt, %add3A_103, %lt3A_104 : i32
    %convert_element_type3A_106 = arith.extui %lt3A_105 : i1 to i32
    %cond3A_107 = arith.constant 0 : i32
    %cond3A_108 = arith.cmpi ne, %convert_element_type3A_106, %cond3A_107 : i32
    scf.if %cond3A_108 {
      "tpu.region"() ({
        %run_scoped3A = tpu.sem_alloc : memref<!tpu.dma_semaphore, #tpu.memory_space<semaphore_mem>>
        %dma_start3A_165 = arith.constant 0 : i32
        %dma_start3A_166 = tpu.memref_slice %arg9[%arg0, %add3A_103, %dma_start3A_165] : memref<2x10000x128xf32, #tpu.memory_space<hbm>> -> memref<1x80x128xf32, #tpu.memory_space<hbm>>
        %dma_start3A_167 = tpu.memref_squeeze %dma_start3A_166 : memref<1x80x128xf32, #tpu.memory_space<hbm>> -> memref<80x128xf32, #tpu.memory_space<hbm>>
        %dma_start3A_168 = arith.constant 0 : i32
        %dma_start3A_169 = tpu.memref_slice %arg20[%add3A_103, %dma_start3A_168] : memref<10000x128xf32, #tpu.memory_space<vmem_shared>> -> memref<80x128xf32, #tpu.memory_space<vmem_shared>>
        tpu.enqueue_dma source(%dma_start3A_169 : memref<80x128xf32, #tpu.memory_space<vmem_shared>>) target(%dma_start3A_167 : memref<80x128xf32, #tpu.memory_space<hbm>>) target_semaphore(%run_scoped3A : memref<!tpu.dma_semaphore, #tpu.memory_space<semaphore_mem>>)
        %dma_wait3A = arith.constant 0 : i32
        %dma_wait3A_170 = tpu.memref_slice %arg9[%arg0, %add3A_103, %dma_wait3A] : memref<2x10000x128xf32, #tpu.memory_space<hbm>> -> memref<1x80x128xf32, #tpu.memory_space<hbm>>
        %dma_wait3A_171 = tpu.memref_squeeze %dma_wait3A_170 : memref<1x80x128xf32, #tpu.memory_space<hbm>> -> memref<80x128xf32, #tpu.memory_space<hbm>>
        %dma_wait3A_172 = arith.constant 0 : i32
        %dma_wait3A_173 = tpu.memref_slice %arg20[%add3A_103, %dma_wait3A_172] : memref<10000x128xf32, #tpu.memory_space<vmem_shared>> -> memref<80x128xf32, #tpu.memory_space<vmem_shared>>
        tpu.wait_dma2 semaphore(%run_scoped3A : memref<!tpu.dma_semaphore, #tpu.memory_space<semaphore_mem>>) src(%dma_wait3A_173 : memref<80x128xf32, #tpu.memory_space<vmem_shared>>) dst(%dma_wait3A_171 : memref<80x128xf32, #tpu.memory_space<hbm>>)
        tpu.yield
      }) : () -> ()
    } else {
    }
    %mul3A_109 = arith.constant 640 : i32
    %mul3A_110 = arith.muli %arg1, %mul3A_109 : i32
    %add3A_111 = arith.constant 160 : i32
    %add3A_112 = arith.addi %mul3A_110, %add3A_111 : i32
    %lt3A_113 = arith.constant 10000 : i32
    %lt3A_114 = arith.cmpi slt, %add3A_112, %lt3A_113 : i32
    %convert_element_type3A_115 = arith.extui %lt3A_114 : i1 to i32
    %cond3A_116 = arith.constant 0 : i32
    %cond3A_117 = arith.cmpi ne, %convert_element_type3A_115, %cond3A_116 : i32
    scf.if %cond3A_117 {
      "tpu.region"() ({
        %run_scoped3A = tpu.sem_alloc : memref<!tpu.dma_semaphore, #tpu.memory_space<semaphore_mem>>
        %dma_start3A_165 = arith.constant 0 : i32
        %dma_start3A_166 = tpu.memref_slice %arg9[%arg0, %add3A_112, %dma_start3A_165] : memref<2x10000x128xf32, #tpu.memory_space<hbm>> -> memref<1x80x128xf32, #tpu.memory_space<hbm>>
        %dma_start3A_167 = tpu.memref_squeeze %dma_start3A_166 : memref<1x80x128xf32, #tpu.memory_space<hbm>> -> memref<80x128xf32, #tpu.memory_space<hbm>>
        %dma_start3A_168 = arith.constant 0 : i32
        %dma_start3A_169 = tpu.memref_slice %arg20[%add3A_112, %dma_start3A_168] : memref<10000x128xf32, #tpu.memory_space<vmem_shared>> -> memref<80x128xf32, #tpu.memory_space<vmem_shared>>
        tpu.enqueue_dma source(%dma_start3A_169 : memref<80x128xf32, #tpu.memory_space<vmem_shared>>) target(%dma_start3A_167 : memref<80x128xf32, #tpu.memory_space<hbm>>) target_semaphore(%run_scoped3A : memref<!tpu.dma_semaphore, #tpu.memory_space<semaphore_mem>>)
        %dma_wait3A = arith.constant 0 : i32
        %dma_wait3A_170 = tpu.memref_slice %arg9[%arg0, %add3A_112, %dma_wait3A] : memref<2x10000x128xf32, #tpu.memory_space<hbm>> -> memref<1x80x128xf32, #tpu.memory_space<hbm>>
        %dma_wait3A_171 = tpu.memref_squeeze %dma_wait3A_170 : memref<1x80x128xf32, #tpu.memory_space<hbm>> -> memref<80x128xf32, #tpu.memory_space<hbm>>
        %dma_wait3A_172 = arith.constant 0 : i32
        %dma_wait3A_173 = tpu.memref_slice %arg20[%add3A_112, %dma_wait3A_172] : memref<10000x128xf32, #tpu.memory_space<vmem_shared>> -> memref<80x128xf32, #tpu.memory_space<vmem_shared>>
        tpu.wait_dma2 semaphore(%run_scoped3A : memref<!tpu.dma_semaphore, #tpu.memory_space<semaphore_mem>>) src(%dma_wait3A_173 : memref<80x128xf32, #tpu.memory_space<vmem_shared>>) dst(%dma_wait3A_171 : memref<80x128xf32, #tpu.memory_space<hbm>>)
        tpu.yield
      }) : () -> ()
    } else {
    }
    %mul3A_118 = arith.constant 640 : i32
    %mul3A_119 = arith.muli %arg1, %mul3A_118 : i32
    %add3A_120 = arith.constant 240 : i32
    %add3A_121 = arith.addi %mul3A_119, %add3A_120 : i32
    %lt3A_122 = arith.constant 10000 : i32
    %lt3A_123 = arith.cmpi slt, %add3A_121, %lt3A_122 : i32
    %convert_element_type3A_124 = arith.extui %lt3A_123 : i1 to i32
    %cond3A_125 = arith.constant 0 : i32
    %cond3A_126 = arith.cmpi ne, %convert_element_type3A_124, %cond3A_125 : i32
    scf.if %cond3A_126 {
      "tpu.region"() ({
        %run_scoped3A = tpu.sem_alloc : memref<!tpu.dma_semaphore, #tpu.memory_space<semaphore_mem>>
        %dma_start3A_165 = arith.constant 0 : i32
        %dma_start3A_166 = tpu.memref_slice %arg9[%arg0, %add3A_121, %dma_start3A_165] : memref<2x10000x128xf32, #tpu.memory_space<hbm>> -> memref<1x80x128xf32, #tpu.memory_space<hbm>>
        %dma_start3A_167 = tpu.memref_squeeze %dma_start3A_166 : memref<1x80x128xf32, #tpu.memory_space<hbm>> -> memref<80x128xf32, #tpu.memory_space<hbm>>
        %dma_start3A_168 = arith.constant 0 : i32
        %dma_start3A_169 = tpu.memref_slice %arg20[%add3A_121, %dma_start3A_168] : memref<10000x128xf32, #tpu.memory_space<vmem_shared>> -> memref<80x128xf32, #tpu.memory_space<vmem_shared>>
        tpu.enqueue_dma source(%dma_start3A_169 : memref<80x128xf32, #tpu.memory_space<vmem_shared>>) target(%dma_start3A_167 : memref<80x128xf32, #tpu.memory_space<hbm>>) target_semaphore(%run_scoped3A : memref<!tpu.dma_semaphore, #tpu.memory_space<semaphore_mem>>)
        %dma_wait3A = arith.constant 0 : i32
        %dma_wait3A_170 = tpu.memref_slice %arg9[%arg0, %add3A_121, %dma_wait3A] : memref<2x10000x128xf32, #tpu.memory_space<hbm>> -> memref<1x80x128xf32, #tpu.memory_space<hbm>>
        %dma_wait3A_171 = tpu.memref_squeeze %dma_wait3A_170 : memref<1x80x128xf32, #tpu.memory_space<hbm>> -> memref<80x128xf32, #tpu.memory_space<hbm>>
        %dma_wait3A_172 = arith.constant 0 : i32
        %dma_wait3A_173 = tpu.memref_slice %arg20[%add3A_121, %dma_wait3A_172] : memref<10000x128xf32, #tpu.memory_space<vmem_shared>> -> memref<80x128xf32, #tpu.memory_space<vmem_shared>>
        tpu.wait_dma2 semaphore(%run_scoped3A : memref<!tpu.dma_semaphore, #tpu.memory_space<semaphore_mem>>) src(%dma_wait3A_173 : memref<80x128xf32, #tpu.memory_space<vmem_shared>>) dst(%dma_wait3A_171 : memref<80x128xf32, #tpu.memory_space<hbm>>)
        tpu.yield
      }) : () -> ()
    } else {
    }
    %mul3A_127 = arith.constant 640 : i32
    %mul3A_128 = arith.muli %arg1, %mul3A_127 : i32
    %add3A_129 = arith.constant 320 : i32
    %add3A_130 = arith.addi %mul3A_128, %add3A_129 : i32
    %lt3A_131 = arith.constant 10000 : i32
    %lt3A_132 = arith.cmpi slt, %add3A_130, %lt3A_131 : i32
    %convert_element_type3A_133 = arith.extui %lt3A_132 : i1 to i32
    %cond3A_134 = arith.constant 0 : i32
    %cond3A_135 = arith.cmpi ne, %convert_element_type3A_133, %cond3A_134 : i32
    scf.if %cond3A_135 {
      "tpu.region"() ({
        %run_scoped3A = tpu.sem_alloc : memref<!tpu.dma_semaphore, #tpu.memory_space<semaphore_mem>>
        %dma_start3A_165 = arith.constant 0 : i32
        %dma_start3A_166 = tpu.memref_slice %arg9[%arg0, %add3A_130, %dma_start3A_165] : memref<2x10000x128xf32, #tpu.memory_space<hbm>> -> memref<1x80x128xf32, #tpu.memory_space<hbm>>
        %dma_start3A_167 = tpu.memref_squeeze %dma_start3A_166 : memref<1x80x128xf32, #tpu.memory_space<hbm>> -> memref<80x128xf32, #tpu.memory_space<hbm>>
        %dma_start3A_168 = arith.constant 0 : i32
        %dma_start3A_169 = tpu.memref_slice %arg20[%add3A_130, %dma_start3A_168] : memref<10000x128xf32, #tpu.memory_space<vmem_shared>> -> memref<80x128xf32, #tpu.memory_space<vmem_shared>>
        tpu.enqueue_dma source(%dma_start3A_169 : memref<80x128xf32, #tpu.memory_space<vmem_shared>>) target(%dma_start3A_167 : memref<80x128xf32, #tpu.memory_space<hbm>>) target_semaphore(%run_scoped3A : memref<!tpu.dma_semaphore, #tpu.memory_space<semaphore_mem>>)
        %dma_wait3A = arith.constant 0 : i32
        %dma_wait3A_170 = tpu.memref_slice %arg9[%arg0, %add3A_130, %dma_wait3A] : memref<2x10000x128xf32, #tpu.memory_space<hbm>> -> memref<1x80x128xf32, #tpu.memory_space<hbm>>
        %dma_wait3A_171 = tpu.memref_squeeze %dma_wait3A_170 : memref<1x80x128xf32, #tpu.memory_space<hbm>> -> memref<80x128xf32, #tpu.memory_space<hbm>>
        %dma_wait3A_172 = arith.constant 0 : i32
        %dma_wait3A_173 = tpu.memref_slice %arg20[%add3A_130, %dma_wait3A_172] : memref<10000x128xf32, #tpu.memory_space<vmem_shared>> -> memref<80x128xf32, #tpu.memory_space<vmem_shared>>
        tpu.wait_dma2 semaphore(%run_scoped3A : memref<!tpu.dma_semaphore, #tpu.memory_space<semaphore_mem>>) src(%dma_wait3A_173 : memref<80x128xf32, #tpu.memory_space<vmem_shared>>) dst(%dma_wait3A_171 : memref<80x128xf32, #tpu.memory_space<hbm>>)
        tpu.yield
      }) : () -> ()
    } else {
    }
    %mul3A_136 = arith.constant 640 : i32
    %mul3A_137 = arith.muli %arg1, %mul3A_136 : i32
    %add3A_138 = arith.constant 400 : i32
    %add3A_139 = arith.addi %mul3A_137, %add3A_138 : i32
    %lt3A_140 = arith.constant 10000 : i32
    %lt3A_141 = arith.cmpi slt, %add3A_139, %lt3A_140 : i32
    %convert_element_type3A_142 = arith.extui %lt3A_141 : i1 to i32
    %cond3A_143 = arith.constant 0 : i32
    %cond3A_144 = arith.cmpi ne, %convert_element_type3A_142, %cond3A_143 : i32
    scf.if %cond3A_144 {
      "tpu.region"() ({
        %run_scoped3A = tpu.sem_alloc : memref<!tpu.dma_semaphore, #tpu.memory_space<semaphore_mem>>
        %dma_start3A_165 = arith.constant 0 : i32
        %dma_start3A_166 = tpu.memref_slice %arg9[%arg0, %add3A_139, %dma_start3A_165] : memref<2x10000x128xf32, #tpu.memory_space<hbm>> -> memref<1x80x128xf32, #tpu.memory_space<hbm>>
        %dma_start3A_167 = tpu.memref_squeeze %dma_start3A_166 : memref<1x80x128xf32, #tpu.memory_space<hbm>> -> memref<80x128xf32, #tpu.memory_space<hbm>>
        %dma_start3A_168 = arith.constant 0 : i32
        %dma_start3A_169 = tpu.memref_slice %arg20[%add3A_139, %dma_start3A_168] : memref<10000x128xf32, #tpu.memory_space<vmem_shared>> -> memref<80x128xf32, #tpu.memory_space<vmem_shared>>
        tpu.enqueue_dma source(%dma_start3A_169 : memref<80x128xf32, #tpu.memory_space<vmem_shared>>) target(%dma_start3A_167 : memref<80x128xf32, #tpu.memory_space<hbm>>) target_semaphore(%run_scoped3A : memref<!tpu.dma_semaphore, #tpu.memory_space<semaphore_mem>>)
        %dma_wait3A = arith.constant 0 : i32
        %dma_wait3A_170 = tpu.memref_slice %arg9[%arg0, %add3A_139, %dma_wait3A] : memref<2x10000x128xf32, #tpu.memory_space<hbm>> -> memref<1x80x128xf32, #tpu.memory_space<hbm>>
        %dma_wait3A_171 = tpu.memref_squeeze %dma_wait3A_170 : memref<1x80x128xf32, #tpu.memory_space<hbm>> -> memref<80x128xf32, #tpu.memory_space<hbm>>
        %dma_wait3A_172 = arith.constant 0 : i32
        %dma_wait3A_173 = tpu.memref_slice %arg20[%add3A_139, %dma_wait3A_172] : memref<10000x128xf32, #tpu.memory_space<vmem_shared>> -> memref<80x128xf32, #tpu.memory_space<vmem_shared>>
        tpu.wait_dma2 semaphore(%run_scoped3A : memref<!tpu.dma_semaphore, #tpu.memory_space<semaphore_mem>>) src(%dma_wait3A_173 : memref<80x128xf32, #tpu.memory_space<vmem_shared>>) dst(%dma_wait3A_171 : memref<80x128xf32, #tpu.memory_space<hbm>>)
        tpu.yield
      }) : () -> ()
    } else {
    }
    %mul3A_145 = arith.constant 640 : i32
    %mul3A_146 = arith.muli %arg1, %mul3A_145 : i32
    %add3A_147 = arith.constant 480 : i32
    %add3A_148 = arith.addi %mul3A_146, %add3A_147 : i32
    %lt3A_149 = arith.constant 10000 : i32
    %lt3A_150 = arith.cmpi slt, %add3A_148, %lt3A_149 : i32
    %convert_element_type3A_151 = arith.extui %lt3A_150 : i1 to i32
    %cond3A_152 = arith.constant 0 : i32
    %cond3A_153 = arith.cmpi ne, %convert_element_type3A_151, %cond3A_152 : i32
    scf.if %cond3A_153 {
      "tpu.region"() ({
        %run_scoped3A = tpu.sem_alloc : memref<!tpu.dma_semaphore, #tpu.memory_space<semaphore_mem>>
        %dma_start3A_165 = arith.constant 0 : i32
        %dma_start3A_166 = tpu.memref_slice %arg9[%arg0, %add3A_148, %dma_start3A_165] : memref<2x10000x128xf32, #tpu.memory_space<hbm>> -> memref<1x80x128xf32, #tpu.memory_space<hbm>>
        %dma_start3A_167 = tpu.memref_squeeze %dma_start3A_166 : memref<1x80x128xf32, #tpu.memory_space<hbm>> -> memref<80x128xf32, #tpu.memory_space<hbm>>
        %dma_start3A_168 = arith.constant 0 : i32
        %dma_start3A_169 = tpu.memref_slice %arg20[%add3A_148, %dma_start3A_168] : memref<10000x128xf32, #tpu.memory_space<vmem_shared>> -> memref<80x128xf32, #tpu.memory_space<vmem_shared>>
        tpu.enqueue_dma source(%dma_start3A_169 : memref<80x128xf32, #tpu.memory_space<vmem_shared>>) target(%dma_start3A_167 : memref<80x128xf32, #tpu.memory_space<hbm>>) target_semaphore(%run_scoped3A : memref<!tpu.dma_semaphore, #tpu.memory_space<semaphore_mem>>)
        %dma_wait3A = arith.constant 0 : i32
        %dma_wait3A_170 = tpu.memref_slice %arg9[%arg0, %add3A_148, %dma_wait3A] : memref<2x10000x128xf32, #tpu.memory_space<hbm>> -> memref<1x80x128xf32, #tpu.memory_space<hbm>>
        %dma_wait3A_171 = tpu.memref_squeeze %dma_wait3A_170 : memref<1x80x128xf32, #tpu.memory_space<hbm>> -> memref<80x128xf32, #tpu.memory_space<hbm>>
        %dma_wait3A_172 = arith.constant 0 : i32
        %dma_wait3A_173 = tpu.memref_slice %arg20[%add3A_148, %dma_wait3A_172] : memref<10000x128xf32, #tpu.memory_space<vmem_shared>> -> memref<80x128xf32, #tpu.memory_space<vmem_shared>>
        tpu.wait_dma2 semaphore(%run_scoped3A : memref<!tpu.dma_semaphore, #tpu.memory_space<semaphore_mem>>) src(%dma_wait3A_173 : memref<80x128xf32, #tpu.memory_space<vmem_shared>>) dst(%dma_wait3A_171 : memref<80x128xf32, #tpu.memory_space<hbm>>)
        tpu.yield
      }) : () -> ()
    } else {
    }
    %mul3A_154 = arith.constant 640 : i32
    %mul3A_155 = arith.muli %arg1, %mul3A_154 : i32
    %add3A_156 = arith.constant 560 : i32
    %add3A_157 = arith.addi %mul3A_155, %add3A_156 : i32
    %lt3A_158 = arith.constant 10000 : i32
    %lt3A_159 = arith.cmpi slt, %add3A_157, %lt3A_158 : i32
    %convert_element_type3A_160 = arith.extui %lt3A_159 : i1 to i32
    %cond3A_161 = arith.constant 0 : i32
    %cond3A_162 = arith.cmpi ne, %convert_element_type3A_160, %cond3A_161 : i32
    scf.if %cond3A_162 {
      "tpu.region"() ({
        %run_scoped3A = tpu.sem_alloc : memref<!tpu.dma_semaphore, #tpu.memory_space<semaphore_mem>>
        %dma_start3A_165 = arith.constant 0 : i32
        %dma_start3A_166 = tpu.memref_slice %arg9[%arg0, %add3A_157, %dma_start3A_165] : memref<2x10000x128xf32, #tpu.memory_space<hbm>> -> memref<1x80x128xf32, #tpu.memory_space<hbm>>
        %dma_start3A_167 = tpu.memref_squeeze %dma_start3A_166 : memref<1x80x128xf32, #tpu.memory_space<hbm>> -> memref<80x128xf32, #tpu.memory_space<hbm>>
        %dma_start3A_168 = arith.constant 0 : i32
        %dma_start3A_169 = tpu.memref_slice %arg20[%add3A_157, %dma_start3A_168] : memref<10000x128xf32, #tpu.memory_space<vmem_shared>> -> memref<80x128xf32, #tpu.memory_space<vmem_shared>>
        tpu.enqueue_dma source(%dma_start3A_169 : memref<80x128xf32, #tpu.memory_space<vmem_shared>>) target(%dma_start3A_167 : memref<80x128xf32, #tpu.memory_space<hbm>>) target_semaphore(%run_scoped3A : memref<!tpu.dma_semaphore, #tpu.memory_space<semaphore_mem>>)
        %dma_wait3A = arith.constant 0 : i32
        %dma_wait3A_170 = tpu.memref_slice %arg9[%arg0, %add3A_157, %dma_wait3A] : memref<2x10000x128xf32, #tpu.memory_space<hbm>> -> memref<1x80x128xf32, #tpu.memory_space<hbm>>
        %dma_wait3A_171 = tpu.memref_squeeze %dma_wait3A_170 : memref<1x80x128xf32, #tpu.memory_space<hbm>> -> memref<80x128xf32, #tpu.memory_space<hbm>>
        %dma_wait3A_172 = arith.constant 0 : i32
        %dma_wait3A_173 = tpu.memref_slice %arg20[%add3A_157, %dma_wait3A_172] : memref<10000x128xf32, #tpu.memory_space<vmem_shared>> -> memref<80x128xf32, #tpu.memory_space<vmem_shared>>
        tpu.wait_dma2 semaphore(%run_scoped3A : memref<!tpu.dma_semaphore, #tpu.memory_space<semaphore_mem>>) src(%dma_wait3A_173 : memref<80x128xf32, #tpu.memory_space<vmem_shared>>) dst(%dma_wait3A_171 : memref<80x128xf32, #tpu.memory_space<hbm>>)
        tpu.yield
      }) : () -> ()
    } else {
    }
    %mul3A_163 = arith.constant 10000 : i32
    %mul3A_164 = arith.muli %add3A, %mul3A_163 : i32
    "tpu.region"() ({
      %run_scoped3A = tpu.sem_alloc : memref<!tpu.dma_semaphore, #tpu.memory_space<semaphore_mem>>
      %dma_start3A_165 = tpu.memref_slice %arg10[%mul3A_164] : memref<320000xf32, #tpu.memory_space<hbm>> -> memref<10000xf32, #tpu.memory_space<hbm>>
      %dma_start3A_166 = tpu.memref_slice %arg10[%mul3A_164] : memref<320000xf32, #tpu.memory_space<hbm>> -> memref<10000xf32, #tpu.memory_space<hbm>>
      tpu.enqueue_dma source(%arg19 : memref<10000xf32, #tpu.memory_space<vmem>>) target(%dma_start3A_166 : memref<10000xf32, #tpu.memory_space<hbm>>) target_semaphore(%run_scoped3A : memref<!tpu.dma_semaphore, #tpu.memory_space<semaphore_mem>>)
      %dma_wait3A = tpu.memref_slice %arg10[%mul3A_164] : memref<320000xf32, #tpu.memory_space<hbm>> -> memref<10000xf32, #tpu.memory_space<hbm>>
      %dma_wait3A_167 = tpu.memref_slice %arg10[%mul3A_164] : memref<320000xf32, #tpu.memory_space<hbm>> -> memref<10000xf32, #tpu.memory_space<hbm>>
      tpu.wait_dma2 semaphore(%run_scoped3A : memref<!tpu.dma_semaphore, #tpu.memory_space<semaphore_mem>>) src(%arg19 : memref<10000xf32, #tpu.memory_space<vmem>>) dst(%dma_wait3A_167 : memref<10000xf32, #tpu.memory_space<hbm>>)
      tpu.yield
    }) : () -> ()
    return
  }
}

module attributes {stable_mosaic.version = 14 : i64} {
  func.func @_tc_head_body(%arg0: memref<10000x128xf32, #tpu.memory_space<vmem>>, %arg1: memref<128x128xf32, #tpu.memory_space<vmem>>, %arg2: memref<1x128xf32, #tpu.memory_space<vmem>>, %arg3: memref<128x128xf32, #tpu.memory_space<vmem>>, %arg4: memref<128x128xf32, #tpu.memory_space<vmem>>, %arg5: memref<10000x128xf32, #tpu.memory_space<vmem>>, %arg6: memref<10000x128xf32, #tpu.memory_space<vmem>>) attributes {dimension_semantics = [], scalar_prefetch = 0 : i64, scratch_operands = 0 : i64, tpu.core_type = #tpu.core_type<tc>} {
    %get3A = arith.constant 0 : index
    %get3A_0 = arith.constant 0 : index
    %get3A_1 = vector.load %arg0[%get3A, %get3A_0] : memref<10000x128xf32, #tpu.memory_space<vmem>>, vector<10000x128xf32>
    %get3A_2 = arith.constant 0 : index
    %get3A_3 = arith.constant 0 : index
    %get3A_4 = vector.load %arg1[%get3A_2, %get3A_3] : memref<128x128xf32, #tpu.memory_space<vmem>>, vector<128x128xf32>
    %dot_general3A = arith.constant dense<0.000000e+00> : vector<10000x128xf32>
    %dot_general3A_5 = tpu.matmul %get3A_1, %get3A_4, %dot_general3A {dimension_numbers = #tpu.dot_dimension_numbers<[1], [0], [0], [1], [0, 0, 1, 1], [], []>, transpose_lhs_hint = false} : vector<10000x128xf32>, vector<128x128xf32>, vector<10000x128xf32> -> vector<10000x128xf32>
    %get3A_6 = arith.constant 0 : index
    %get3A_7 = arith.constant 0 : index
    %get3A_8 = vector.load %arg2[%get3A_6, %get3A_7] : memref<1x128xf32, #tpu.memory_space<vmem>>, vector<1x128xf32>
    %add3A = vector.broadcast %get3A_8 : vector<1x128xf32> to vector<10000x128xf32>
    %add3A_9 = arith.addf %dot_general3A_5, %add3A : vector<10000x128xf32>
    %get3A_10 = arith.constant 0 : index
    %get3A_11 = arith.constant 0 : index
    %get3A_12 = vector.load %arg3[%get3A_10, %get3A_11] : memref<128x128xf32, #tpu.memory_space<vmem>>, vector<128x128xf32>
    %dot_general3A_13 = arith.constant dense<0.000000e+00> : vector<10000x128xf32>
    %dot_general3A_14 = tpu.matmul %add3A_9, %get3A_12, %dot_general3A_13 {dimension_numbers = #tpu.dot_dimension_numbers<[1], [0], [0], [1], [0, 0, 1, 1], [], []>, transpose_lhs_hint = false} : vector<10000x128xf32>, vector<128x128xf32>, vector<10000x128xf32> -> vector<10000x128xf32>
    %swap3A = arith.constant 0 : index
    %swap3A_15 = arith.constant 0 : index
    %swap3A_16 = vector.load %arg5[%swap3A, %swap3A_15] : memref<10000x128xf32, #tpu.memory_space<vmem>>, vector<10000x128xf32>
    tpu.vector_store %arg5[%swap3A, %swap3A_15], %dot_general3A_14 {strides = array<i32>} : memref<10000x128xf32, #tpu.memory_space<vmem>>, vector<10000x128xf32>,
    %get3A_17 = arith.constant 0 : index
    %get3A_18 = arith.constant 0 : index
    %get3A_19 = vector.load %arg4[%get3A_17, %get3A_18] : memref<128x128xf32, #tpu.memory_space<vmem>>, vector<128x128xf32>
    %dot_general3A_20 = arith.constant dense<0.000000e+00> : vector<10000x128xf32>
    %dot_general3A_21 = tpu.matmul %dot_general3A_14, %get3A_19, %dot_general3A_20 {dimension_numbers = #tpu.dot_dimension_numbers<[1], [0], [0], [1], [0, 0, 1, 1], [], []>, transpose_lhs_hint = false} : vector<10000x128xf32>, vector<128x128xf32>, vector<10000x128xf32> -> vector<10000x128xf32>
    %swap3A_22 = arith.constant 0 : index
    %swap3A_23 = arith.constant 0 : index
    %swap3A_24 = vector.load %arg6[%swap3A_22, %swap3A_23] : memref<10000x128xf32, #tpu.memory_space<vmem>>, vector<10000x128xf32>
    tpu.vector_store %arg6[%swap3A_22, %swap3A_23], %dot_general3A_21 {strides = array<i32>} : memref<10000x128xf32, #tpu.memory_space<vmem>>, vector<10000x128xf32>,
    return
  }
}

module attributes {stable_mosaic.version = 14 : i64} {
  func.func @_tc_se_body(%arg0: i32, %arg1: memref<16000x16xf32, #tpu.memory_space<vmem>>, %arg2: memref<16x8xf32, #tpu.memory_space<vmem>>, %arg3: memref<16000x8xf32, #tpu.memory_space<vmem>>) attributes {dimension_semantics = [#tpu.dimension_semantics<arbitrary>], iteration_bounds = array<i64: 20>, scalar_prefetch = 0 : i64, scratch_operands = 0 : i64, tpu.core_type = #tpu.core_type<tc>, window_params = [{transform_indices = @transform_0, window_bounds = array<i64: 16000, 16>}, {pipeline_mode = #tpu.pipeline_mode<synchronous>, transform_indices = @transform_1, window_bounds = array<i64: 16, 8>}, {transform_indices = @transform_2, window_bounds = array<i64: 16000, 8>}]} {
    %get3A = arith.constant 0 : index
    %get3A_0 = arith.constant 0 : index
    %get3A_1 = vector.load %arg1[%get3A, %get3A_0] : memref<16000x16xf32, #tpu.memory_space<vmem>>, vector<16000x16xf32>
    %get3A_2 = arith.constant 0 : index
    %get3A_3 = arith.constant 0 : index
    %get3A_4 = vector.load %arg2[%get3A_2, %get3A_3] : memref<16x8xf32, #tpu.memory_space<vmem>>, vector<16x8xf32>
    %dot_general3A = arith.constant dense<0.000000e+00> : vector<16000x8xf32>
    %dot_general3A_5 = tpu.matmul %get3A_1, %get3A_4, %dot_general3A {dimension_numbers = #tpu.dot_dimension_numbers<[1], [0], [0], [1], [0, 0, 1, 1], [], []>, transpose_lhs_hint = false} : vector<16000x16xf32>, vector<16x8xf32>, vector<16000x8xf32> -> vector<16000x8xf32>
    %swap3A = arith.constant 0 : index
    %swap3A_6 = arith.constant 0 : index
    %swap3A_7 = vector.load %arg3[%swap3A, %swap3A_6] : memref<16000x8xf32, #tpu.memory_space<vmem>>, vector<16000x8xf32>
    tpu.vector_store %arg3[%swap3A, %swap3A_6], %dot_general3A_5 {strides = array<i32>} : memref<16000x8xf32, #tpu.memory_space<vmem>>, vector<16000x8xf32>,
    return
  }
  func.func @transform_0(%arg0: i32) -> (i32, i32) {
    %c0_i32 = arith.constant 0 : i32
    %c0_i32_0 = arith.constant 0 : i32
    return %arg0, %c0_i32 : i32, i32
  }
  func.func @transform_1(%arg0: i32) -> (i32, i32) {
    %c0_i32 = arith.constant 0 : i32
    %c0_i32_0 = arith.constant 0 : i32
    %c0_i32_1 = arith.constant 0 : i32
    return %c0_i32, %c0_i32_0 : i32, i32
  }
  func.func @transform_2(%arg0: i32) -> (i32, i32) {
    %c0_i32 = arith.constant 0 : i32
    %c0_i32_0 = arith.constant 0 : i32
    return %arg0, %c0_i32 : i32, i32
  }
}

module attributes {stable_mosaic.version = 14 : i64} {
  func.func @_tc_eemb_body(%arg0: i32, %arg1: memref<16000x16xf32, #tpu.memory_space<vmem>>, %arg2: memref<16x128xf32, #tpu.memory_space<vmem>>, %arg3: memref<16000x128xf32, #tpu.memory_space<vmem>>) attributes {dimension_semantics = [#tpu.dimension_semantics<arbitrary>], iteration_bounds = array<i64: 20>, scalar_prefetch = 0 : i64, scratch_operands = 0 : i64, tpu.core_type = #tpu.core_type<tc>, window_params = [{transform_indices = @transform_0, window_bounds = array<i64: 16000, 16>}, {pipeline_mode = #tpu.pipeline_mode<synchronous>, transform_indices = @transform_1, window_bounds = array<i64: 16, 128>}, {transform_indices = @transform_2, window_bounds = array<i64: 16000, 128>}]} {
    %get3A = arith.constant 0 : index
    %get3A_0 = arith.constant 0 : index
    %get3A_1 = vector.load %arg1[%get3A, %get3A_0] : memref<16000x16xf32, #tpu.memory_space<vmem>>, vector<16000x16xf32>
    %get3A_2 = arith.constant 0 : index
    %get3A_3 = arith.constant 0 : index
    %get3A_4 = vector.load %arg2[%get3A_2, %get3A_3] : memref<16x128xf32, #tpu.memory_space<vmem>>, vector<16x128xf32>
    %dot_general3A = arith.constant dense<0.000000e+00> : vector<16000x128xf32>
    %dot_general3A_5 = tpu.matmul %get3A_1, %get3A_4, %dot_general3A {dimension_numbers = #tpu.dot_dimension_numbers<[1], [0], [0], [1], [0, 0, 1, 1], [], []>, transpose_lhs_hint = false} : vector<16000x16xf32>, vector<16x128xf32>, vector<16000x128xf32> -> vector<16000x128xf32>
    %swap3A = arith.constant 0 : index
    %swap3A_6 = arith.constant 0 : index
    %swap3A_7 = vector.load %arg3[%swap3A, %swap3A_6] : memref<16000x128xf32, #tpu.memory_space<vmem>>, vector<16000x128xf32>
    tpu.vector_store %arg3[%swap3A, %swap3A_6], %dot_general3A_5 {strides = array<i32>} : memref<16000x128xf32, #tpu.memory_space<vmem>>, vector<16000x128xf32>,
    return
  }
  func.func @transform_0(%arg0: i32) -> (i32, i32) {
    %c0_i32 = arith.constant 0 : i32
    %c0_i32_0 = arith.constant 0 : i32
    return %arg0, %c0_i32 : i32, i32
  }
  func.func @transform_1(%arg0: i32) -> (i32, i32) {
    %c0_i32 = arith.constant 0 : i32
    %c0_i32_0 = arith.constant 0 : i32
    %c0_i32_1 = arith.constant 0 : i32
    return %c0_i32, %c0_i32_0 : i32, i32
  }
  func.func @transform_2(%arg0: i32) -> (i32, i32) {
    %c0_i32 = arith.constant 0 : i32
    %c0_i32_0 = arith.constant 0 : i32
    return %arg0, %c0_i32 : i32, i32
  }
}

module attributes {stable_mosaic.version = 14 : i64} {
  func.func @_tc_mid_body(%arg0: memref<2x10000x128xf32, #tpu.memory_space<vmem>>, %arg1: memref<32x10000xf32, #tpu.memory_space<vmem>>, %arg2: memref<1x128xf32, #tpu.memory_space<vmem>>, %arg3: memref<1x128xf32, #tpu.memory_space<vmem>>, %arg4: memref<128x128xf32, #tpu.memory_space<vmem>>, %arg5: memref<128x128xf32, #tpu.memory_space<vmem>>, %arg6: memref<10000x128xf32, #tpu.memory_space<vmem>>, %arg7: memref<10000x128xf32, #tpu.memory_space<vmem>>) attributes {dimension_semantics = [], scalar_prefetch = 0 : i64, scratch_operands = 0 : i64, tpu.core_type = #tpu.core_type<tc>} {
    %get3A = arith.constant 0 : index
    %get3A_0 = arith.constant 0 : index
    %get3A_1 = arith.constant 0 : index
    %get3A_2 = vector.load %arg0[%get3A, %get3A_0, %get3A_1] : memref<2x10000x128xf32, #tpu.memory_space<vmem>>, vector<1x10000x128xf32>
    %get3A_3 = vector.shape_cast %get3A_2 : vector<1x10000x128xf32> to vector<10000x128xf32>
    %get3A_4 = arith.constant 1 : index
    %get3A_5 = arith.constant 0 : index
    %get3A_6 = arith.constant 0 : index
    %get3A_7 = vector.load %arg0[%get3A_4, %get3A_5, %get3A_6] : memref<2x10000x128xf32, #tpu.memory_space<vmem>>, vector<1x10000x128xf32>
    %get3A_8 = vector.shape_cast %get3A_7 : vector<1x10000x128xf32> to vector<10000x128xf32>
    %add3A = arith.addf %get3A_3, %get3A_8 : vector<10000x128xf32>
    %broadcast_in_dim3A = arith.constant 1.000000e+00 : f32
    %broadcast_in_dim3A_9 = vector.broadcast %broadcast_in_dim3A : f32 to vector<32x128xf32>
    %get3A_10 = arith.constant 0 : index
    %get3A_11 = arith.constant 0 : index
    %get3A_12 = vector.load %arg1[%get3A_10, %get3A_11] : memref<32x10000xf32, #tpu.memory_space<vmem>>, vector<32x10000xf32>
    %dot_general3A = arith.constant dense<0.000000e+00> : vector<10000x128xf32>
    %dot_general3A_13 = tpu.matmul %get3A_12, %broadcast_in_dim3A_9, %dot_general3A {dimension_numbers = #tpu.dot_dimension_numbers<[0], [0], [1], [1], [0, 1, 1, 1], [], []>, transpose_lhs_hint = false} : vector<32x10000xf32>, vector<32x128xf32>, vector<10000x128xf32> -> vector<10000x128xf32>
    %add3A_14 = arith.constant 1.000000e-16 : f32
    %add3A_15 = vector.broadcast %add3A_14 : f32 to vector<10000x128xf32>
    %add3A_16 = arith.addf %dot_general3A_13, %add3A_15 : vector<10000x128xf32>
    %div3A = arith.divf %add3A, %add3A_16 : vector<10000x128xf32>
    %reduce_sum3A = arith.constant dense<0.000000e+00> : vector<128xf32>
    %reduce_sum3A_17 = vector.multi_reduction <add>, %div3A, %reduce_sum3A [0] : vector<10000x128xf32> to vector<128xf32>
    %broadcast_in_dim3A_18 = vector.shape_cast %reduce_sum3A_17 : vector<128xf32> to vector<1x128xf32>
    %div3A_19 = arith.constant 1.000000e+04 : f32
    %div3A_20 = vector.broadcast %div3A_19 : f32 to vector<1x128xf32>
    %div3A_21 = arith.divf %broadcast_in_dim3A_18, %div3A_20 : vector<1x128xf32>
    %sub3A = vector.broadcast %div3A_21 : vector<1x128xf32> to vector<10000x128xf32>
    %sub3A_22 = arith.subf %div3A, %sub3A : vector<10000x128xf32>
    %integer_pow3A = arith.mulf %sub3A_22, %sub3A_22 : vector<10000x128xf32>
    %reduce_sum3A_23 = arith.constant dense<0.000000e+00> : vector<128xf32>
    %reduce_sum3A_24 = vector.multi_reduction <add>, %integer_pow3A, %reduce_sum3A_23 [0] : vector<10000x128xf32> to vector<128xf32>
    %broadcast_in_dim3A_25 = vector.shape_cast %reduce_sum3A_24 : vector<128xf32> to vector<1x128xf32>
    %div3A_26 = arith.constant 1.000000e+04 : f32
    %div3A_27 = vector.broadcast %div3A_26 : f32 to vector<1x128xf32>
    %div3A_28 = arith.divf %broadcast_in_dim3A_25, %div3A_27 : vector<1x128xf32>
    %get3A_29 = arith.constant 0 : index
    %get3A_30 = arith.constant 0 : index
    %get3A_31 = vector.load %arg2[%get3A_29, %get3A_30] : memref<1x128xf32, #tpu.memory_space<vmem>>, vector<1x128xf32>
    %sub3A_32 = vector.broadcast %div3A_21 : vector<1x128xf32> to vector<10000x128xf32>
    %sub3A_33 = arith.subf %div3A, %sub3A_32 : vector<10000x128xf32>
    %mul3A = vector.broadcast %get3A_31 : vector<1x128xf32> to vector<10000x128xf32>
    %mul3A_34 = arith.mulf %mul3A, %sub3A_33 : vector<10000x128xf32>
    %add3A_35 = arith.constant 9.99999974E-6 : f32
    %add3A_36 = vector.broadcast %add3A_35 : f32 to vector<1x128xf32>
    %add3A_37 = arith.addf %div3A_28, %add3A_36 : vector<1x128xf32>
    %sqrt3A = math.sqrt %add3A_37 : vector<1x128xf32>
    %div3A_38 = vector.broadcast %sqrt3A : vector<1x128xf32> to vector<10000x128xf32>
    %div3A_39 = arith.divf %mul3A_34, %div3A_38 : vector<10000x128xf32>
    %get3A_40 = arith.constant 0 : index
    %get3A_41 = arith.constant 0 : index
    %get3A_42 = vector.load %arg3[%get3A_40, %get3A_41] : memref<1x128xf32, #tpu.memory_space<vmem>>, vector<1x128xf32>
    %add3A_43 = vector.broadcast %get3A_42 : vector<1x128xf32> to vector<10000x128xf32>
    %add3A_44 = arith.addf %div3A_39, %add3A_43 : vector<10000x128xf32>
    %max3A = arith.constant 0.000000e+00 : f32
    %max3A_45 = vector.broadcast %max3A : f32 to vector<10000x128xf32>
    %max3A_46 = arith.maximumf %add3A_44, %max3A_45 : vector<10000x128xf32>
    %get3A_47 = arith.constant 0 : index
    %get3A_48 = arith.constant 0 : index
    %get3A_49 = vector.load %arg4[%get3A_47, %get3A_48] : memref<128x128xf32, #tpu.memory_space<vmem>>, vector<128x128xf32>
    %dot_general3A_50 = arith.constant dense<0.000000e+00> : vector<10000x128xf32>
    %dot_general3A_51 = tpu.matmul %max3A_46, %get3A_49, %dot_general3A_50 {dimension_numbers = #tpu.dot_dimension_numbers<[1], [0], [0], [1], [0, 0, 1, 1], [], []>, transpose_lhs_hint = false} : vector<10000x128xf32>, vector<128x128xf32>, vector<10000x128xf32> -> vector<10000x128xf32>
    %swap3A = arith.constant 0 : index
    %swap3A_52 = arith.constant 0 : index
    %swap3A_53 = vector.load %arg6[%swap3A, %swap3A_52] : memref<10000x128xf32, #tpu.memory_space<vmem>>, vector<10000x128xf32>
    tpu.vector_store %arg6[%swap3A, %swap3A_52], %dot_general3A_51 {strides = array<i32>} : memref<10000x128xf32, #tpu.memory_space<vmem>>, vector<10000x128xf32>,
    %get3A_54 = arith.constant 0 : index
    %get3A_55 = arith.constant 0 : index
    %get3A_56 = vector.load %arg5[%get3A_54, %get3A_55] : memref<128x128xf32, #tpu.memory_space<vmem>>, vector<128x128xf32>
    %dot_general3A_57 = arith.constant dense<0.000000e+00> : vector<10000x128xf32>
    %dot_general3A_58 = tpu.matmul %dot_general3A_51, %get3A_56, %dot_general3A_57 {dimension_numbers = #tpu.dot_dimension_numbers<[1], [0], [0], [1], [0, 0, 1, 1], [], []>, transpose_lhs_hint = false} : vector<10000x128xf32>, vector<128x128xf32>, vector<10000x128xf32> -> vector<10000x128xf32>
    %swap3A_59 = arith.constant 0 : index
    %swap3A_60 = arith.constant 0 : index
    %swap3A_61 = vector.load %arg7[%swap3A_59, %swap3A_60] : memref<10000x128xf32, #tpu.memory_space<vmem>>, vector<10000x128xf32>
    tpu.vector_store %arg7[%swap3A_59, %swap3A_60], %dot_general3A_58 {strides = array<i32>} : memref<10000x128xf32, #tpu.memory_space<vmem>>, vector<10000x128xf32>,
    return
  }
}

module attributes {stable_mosaic.version = 14 : i64} {
  func.func @_tc_tail_body(%arg0: memref<2x10000x128xf32, #tpu.memory_space<vmem>>, %arg1: memref<32x10000xf32, #tpu.memory_space<vmem>>, %arg2: memref<1x128xf32, #tpu.memory_space<vmem>>, %arg3: memref<1x128xf32, #tpu.memory_space<vmem>>, %arg4: memref<10000x128xf32, #tpu.memory_space<vmem>>) attributes {dimension_semantics = [], scalar_prefetch = 0 : i64, scratch_operands = 0 : i64, tpu.core_type = #tpu.core_type<tc>} {
    %get3A = arith.constant 0 : index
    %get3A_0 = arith.constant 0 : index
    %get3A_1 = arith.constant 0 : index
    %get3A_2 = vector.load %arg0[%get3A, %get3A_0, %get3A_1] : memref<2x10000x128xf32, #tpu.memory_space<vmem>>, vector<1x10000x128xf32>
    %get3A_3 = vector.shape_cast %get3A_2 : vector<1x10000x128xf32> to vector<10000x128xf32>
    %get3A_4 = arith.constant 1 : index
    %get3A_5 = arith.constant 0 : index
    %get3A_6 = arith.constant 0 : index
    %get3A_7 = vector.load %arg0[%get3A_4, %get3A_5, %get3A_6] : memref<2x10000x128xf32, #tpu.memory_space<vmem>>, vector<1x10000x128xf32>
    %get3A_8 = vector.shape_cast %get3A_7 : vector<1x10000x128xf32> to vector<10000x128xf32>
    %add3A = arith.addf %get3A_3, %get3A_8 : vector<10000x128xf32>
    %broadcast_in_dim3A = arith.constant 1.000000e+00 : f32
    %broadcast_in_dim3A_9 = vector.broadcast %broadcast_in_dim3A : f32 to vector<32x128xf32>
    %get3A_10 = arith.constant 0 : index
    %get3A_11 = arith.constant 0 : index
    %get3A_12 = vector.load %arg1[%get3A_10, %get3A_11] : memref<32x10000xf32, #tpu.memory_space<vmem>>, vector<32x10000xf32>
    %dot_general3A = arith.constant dense<0.000000e+00> : vector<10000x128xf32>
    %dot_general3A_13 = tpu.matmul %get3A_12, %broadcast_in_dim3A_9, %dot_general3A {dimension_numbers = #tpu.dot_dimension_numbers<[0], [0], [1], [1], [0, 1, 1, 1], [], []>, transpose_lhs_hint = false} : vector<32x10000xf32>, vector<32x128xf32>, vector<10000x128xf32> -> vector<10000x128xf32>
    %add3A_14 = arith.constant 1.000000e-16 : f32
    %add3A_15 = vector.broadcast %add3A_14 : f32 to vector<10000x128xf32>
    %add3A_16 = arith.addf %dot_general3A_13, %add3A_15 : vector<10000x128xf32>
    %div3A = arith.divf %add3A, %add3A_16 : vector<10000x128xf32>
    %reduce_sum3A = arith.constant dense<0.000000e+00> : vector<128xf32>
    %reduce_sum3A_17 = vector.multi_reduction <add>, %div3A, %reduce_sum3A [0] : vector<10000x128xf32> to vector<128xf32>
    %broadcast_in_dim3A_18 = vector.shape_cast %reduce_sum3A_17 : vector<128xf32> to vector<1x128xf32>
    %div3A_19 = arith.constant 1.000000e+04 : f32
    %div3A_20 = vector.broadcast %div3A_19 : f32 to vector<1x128xf32>
    %div3A_21 = arith.divf %broadcast_in_dim3A_18, %div3A_20 : vector<1x128xf32>
    %sub3A = vector.broadcast %div3A_21 : vector<1x128xf32> to vector<10000x128xf32>
    %sub3A_22 = arith.subf %div3A, %sub3A : vector<10000x128xf32>
    %integer_pow3A = arith.mulf %sub3A_22, %sub3A_22 : vector<10000x128xf32>
    %reduce_sum3A_23 = arith.constant dense<0.000000e+00> : vector<128xf32>
    %reduce_sum3A_24 = vector.multi_reduction <add>, %integer_pow3A, %reduce_sum3A_23 [0] : vector<10000x128xf32> to vector<128xf32>
    %broadcast_in_dim3A_25 = vector.shape_cast %reduce_sum3A_24 : vector<128xf32> to vector<1x128xf32>
    %div3A_26 = arith.constant 1.000000e+04 : f32
    %div3A_27 = vector.broadcast %div3A_26 : f32 to vector<1x128xf32>
    %div3A_28 = arith.divf %broadcast_in_dim3A_25, %div3A_27 : vector<1x128xf32>
    %get3A_29 = arith.constant 0 : index
    %get3A_30 = arith.constant 0 : index
    %get3A_31 = vector.load %arg2[%get3A_29, %get3A_30] : memref<1x128xf32, #tpu.memory_space<vmem>>, vector<1x128xf32>
    %sub3A_32 = vector.broadcast %div3A_21 : vector<1x128xf32> to vector<10000x128xf32>
    %sub3A_33 = arith.subf %div3A, %sub3A_32 : vector<10000x128xf32>
    %mul3A = vector.broadcast %get3A_31 : vector<1x128xf32> to vector<10000x128xf32>
    %mul3A_34 = arith.mulf %mul3A, %sub3A_33 : vector<10000x128xf32>
    %add3A_35 = arith.constant 9.99999974E-6 : f32
    %add3A_36 = vector.broadcast %add3A_35 : f32 to vector<1x128xf32>
    %add3A_37 = arith.addf %div3A_28, %add3A_36 : vector<1x128xf32>
    %sqrt3A = math.sqrt %add3A_37 : vector<1x128xf32>
    %div3A_38 = vector.broadcast %sqrt3A : vector<1x128xf32> to vector<10000x128xf32>
    %div3A_39 = arith.divf %mul3A_34, %div3A_38 : vector<10000x128xf32>
    %get3A_40 = arith.constant 0 : index
    %get3A_41 = arith.constant 0 : index
    %get3A_42 = vector.load %arg3[%get3A_40, %get3A_41] : memref<1x128xf32, #tpu.memory_space<vmem>>, vector<1x128xf32>
    %add3A_43 = vector.broadcast %get3A_42 : vector<1x128xf32> to vector<10000x128xf32>
    %add3A_44 = arith.addf %div3A_39, %add3A_43 : vector<10000x128xf32>
    %swap3A = arith.constant 0 : index
    %swap3A_45 = arith.constant 0 : index
    %swap3A_46 = vector.load %arg4[%swap3A, %swap3A_45] : memref<10000x128xf32, #tpu.memory_space<vmem>>, vector<10000x128xf32>
    tpu.vector_store %arg4[%swap3A, %swap3A_45], %add3A_44 {strides = array<i32>} : memref<10000x128xf32, #tpu.memory_space<vmem>>, vector<10000x128xf32>,
    return
  }
}

</mosaic_0001>

<sc_bundles>
// kernel: kernel.13.cloned.1.call-start
scs
__scs_entry_jumppad:
0x0: {  	(pc) =	sbr.rel $0x88, $3  }
0x1: {  	(tag) =	ssettag $0x0;
	lr =	simm.s32 $0x1  }
0x2: {  	[smem:$0x3F96] =	sst lr;
	_ =	strace $0xD0000000  }
0x3: {  	_ = 	snop  }
0x4: {  	_ = 	snop  }
0x5: {  	_ = 	snop  }
0x6: {  	_ = 	snop  }
0x7: {  	_ = 	snop  }
__scs_overlays_trampoline_lowered:
0x8: {  	[smem:$0x3FA5] =	sst s0  }
0x9: {  	[smem:$0x3FA6] =	sst s1  }
0xa: {  	[smem:$0x3FA7] =	sst s2  }
0xb: {  	[smem:$0x3FA8] =	sst s3  }
0xc: {  	[smem:$0x3FA9] =	sst s4  }
0xd: {  	[smem:$0x3FAA] =	sst s5  }
0xe: {  	[smem:$0x3FAB] =	sst s6  }
0xf: {  	[smem:$0x3FAC] =	sst s7  }
0x10: {  	[smem:$0x3FAD] =	sst s8  }
0x11: {  	[smem:$0x3FAE] =	sst s9;
	s0 =	simm.s32 @!p0 $0x0  }
0x12: {  	s1 =	sld [smem:$0x3F94];
	s0 =	simm.s32 @p0 $0x1  }
0x13: {  	[smem:$0x3FAF] =	sst s0;
	s0 =	simm.s32 @!p1 $0x0  }
0x14: {  	s2 =	sld [smem:$0x3F93];
	s0 =	simm.s32 @p1 $0x1  }
0x15: {  	[smem:$0x3FB0] =	sst s0;
	s0 =	simm.s32 @!p2 $0x0  }
0x16: {  	s3 =	sld [smem:$0x3FDB];
	s0 =	simm.s32 @p2 $0x1  }
0x17: {  	s4 =	simm.s32 $0x1BF5;
	[smem:$0x3FB2] =	sst s0  }
0x18: {  	s0 =	sld [smem:$0x3F95];
	_ =	swait.ge [sflag:s4], $0x0  }
0x19: {  	s7 =	sld [smem:$0x3F96]  }
0x1a: {  	s8 =	sadd.s32 $0xFFFFE003, lr  }
0x1b: {  	s9 =	sadd.s32 $0xFFFFFEF7, lr;
	s5 =	simm.s32 $0xFFFFFFFF;
	p2 =	slt.u32 s8, $0xFFFFF086  }
0x1c: {  	p1 =	slt.u32 s9, $0xF7A;
	s5 =	simm.s32 @!p2 $0x0  }
0x1d: {  	s5 =	simm.s32 @p1 $0x1;
	p0 =	seq.s32 s7, s2  }
0x1e: {  	s7 =	smul.u32 @!p0 $0xF7A, s2;
	p2 =	seq.s32 @!p0 s5, $0x0  }
0x1f: {  	s9 =	smul.u32 $0xF7A, s1;
	s8 =	simm.s32 @!p0 $0x1BF5;
	p2 =	por !p2, p0  }
0x20: {  	[sflag:s8] =	ssyncset.s32 @!p0 $0xFFFFF086;
	s6 =	sadd.s32 @!p0 s3, s7;
	s7 =	simm.s32 @!p0 $0x108  }
0x21: {  	s3 =	sadd.s32 s3, s9;
	s6 =	sadd.s32 @!p0 $0x88, s6;
	s7 =	simm.s32 @p2 $0x1082  }
0x22: {  	[simem:s7], [sflag:s8] =	dma.local @!p0 [hbm:s6], $0xF7A  }
0x23: {  	s9 =	sor.u32 $0xD0000000, s2;
	s6 =	simm.s32 $0x108;
	_ =	swait.ge @!p0 [sflag:s8], $0x0  }
0x24: {  	s3 =	sadd.s32 $0x88, s3;
	s6 =	simm.s32 @!p1 $0x1082;
	[sflag:s4] =	ssyncset.s32 $0xFFFFF086  }
0x25: {  	[simem:s6], [sflag:s4] =	dma.local [hbm:s3], $0xF7A  }
0x26: {  	[smem:$0x3F96] =	sst s1;
	(tag) =	ssettag s2;
	_ =	strace s9  }
0x27: {  	s1 =	sld [smem:$0x3FA6]  }
0x28: {  	s2 =	sld [smem:$0x3FA7]  }
0x29: {  	s4 =	sld [smem:$0x3FA9]  }
0x2a: {  	p0 =	seq.s32 s5, $0x0;
	s5 =	sld [smem:$0x3FAA]  }
0x2b: {  	s6 =	sld [smem:$0x3FAB]  }
0x2c: {  	s7 =	sld [smem:$0x3FAC]  }
0x2d: {  	s3 =	simm.s32 $0x108;
	s8 =	sld [smem:$0x3FAD]  }
0x2e: {  	s3 =	simm.s32 @!p0 $0x1082;
	s9 =	sld [smem:$0x3FAE]  }
0x2f: {  	lr =	sadd.s32 s0, s3;
	s0 =	sld [smem:$0x3FA5]  }
0x30: {  	s3 =	sld [smem:$0x3FA8]  }
0x31: {  	[smem:$0x3FB1] =	sst s10  }
0x32: {  	s10 =	sld [smem:$0x3FAF];
	_ =	sdelay $0x3  }
0x33: {  	p0 =	seq.s32 s10, $0x1;
	s10 =	sld [smem:$0x3FB1];
	_ =	sdelay $0x3  }
0x34: {  	[smem:$0x3FB1] =	sst s10  }
0x35: {  	s10 =	sld [smem:$0x3FB0];
	_ =	sdelay $0x3  }
0x36: {  	p1 =	seq.s32 s10, $0x1;
	s10 =	sld [smem:$0x3FB1];
	_ =	sdelay $0x3  }
0x37: {  	[smem:$0x3FB1] =	sst s10  }
0x38: {  	s10 =	sld [smem:$0x3FB2]  }
0x39: {  	_ = 	snop;
	(pc) =	sbr.ind lr, $3  }
0x3a: {  	_ = 	snop  }
0x3b: {  	_ = 	snop  }
0x3c: {  	p2 =	seq.s32 s10, $0x1;
	s10 =	sld [smem:$0x3FB1]  }
0x3d: {  	_ =	shalt  }
0x3e: {  	_ =	shalt  }
0x3f: {  	_ =	shalt  }
0x40: {  	_ =	shalt  }
0x41: {  	_ =	shalt  }
0x42: {  	_ =	shalt  }
0x43: {  	_ =	shalt  }
0x44: {  	_ =	shalt  }
0x45: {  	_ =	shalt  }
0x46: {  	_ =	shalt  }
0x47: {  	_ =	shalt  }
0x48: {  	_ =	shalt  }
0x49: {  	_ =	shalt  }
0x4a: {  	_ =	shalt  }
0x4b: {  	_ =	shalt  }
0x4c: {  	_ =	shalt  }
0x4d: {  	_ =	shalt  }
0x4e: {  	_ =	shalt  }
0x4f: {  	_ =	shalt  }
0x50: {  	_ =	shalt  }
0x51: {  	_ =	shalt  }
0x52: {  	_ =	shalt  }
0x53: {  	_ =	shalt  }
0x54: {  	_ =	shalt  }
0x55: {  	_ =	shalt  }
0x56: {  	_ =	shalt  }
0x57: {  	_ =	shalt  }
0x58: {  	_ =	shalt  }
0x59: {  	_ =	shalt  }
0x5a: {  	_ =	shalt  }
0x5b: {  	_ =	shalt  }
0x5c: {  	_ =	shalt  }
0x5d: {  	_ =	shalt  }
0x5e: {  	_ =	shalt  }
0x5f: {  	_ =	shalt  }
0x60: {  	_ =	shalt  }
0x61: {  	_ =	shalt  }
0x62: {  	_ =	shalt  }
0x63: {  	_ =	shalt  }
0x64: {  	_ =	shalt  }
0x65: {  	_ =	shalt  }
0x66: {  	_ =	shalt  }
0x67: {  	_ =	shalt  }
0x68: {  	_ =	shalt  }
0x69: {  	_ =	shalt  }
0x6a: {  	_ =	shalt  }
0x6b: {  	_ =	shalt  }
0x6c: {  	_ =	shalt  }
0x6d: {  	_ =	shalt  }
0x6e: {  	_ =	shalt  }
0x6f: {  	_ =	shalt  }
0x70: {  	_ =	shalt  }
0x71: {  	_ =	shalt  }
0x72: {  	_ =	shalt  }
0x73: {  	_ =	shalt  }
0x74: {  	_ =	shalt  }
0x75: {  	_ =	shalt  }
0x76: {  	_ =	shalt  }
0x77: {  	_ =	shalt  }
0x78: {  	_ =	shalt  }
0x79: {  	_ =	shalt  }
0x7a: {  	_ =	shalt  }
0x7b: {  	_ =	shalt  }
0x7c: {  	_ =	shalt  }
0x7d: {  	_ =	shalt  }
0x7e: {  	_ =	shalt  }
0x7f: {  	_ =	shalt  }
0x80: {  	_ =	shalt  }
0x81: {  	_ =	shalt  }
0x82: {  	_ =	shalt  }
0x83: {  	_ =	shalt  }
0x84: {  	_ =	shalt  }
0x85: {  	_ =	shalt  }
0x86: {  	_ =	shalt  }
0x87: {  	_ =	shalt  }
.Lfunc_end0:
.L_simem_size_0:
called_computation_lowered:
.L_overlay_start_0:
0x88: {  	s2 =	sld [smem:$0x3FD9]  }
0x89: {  	s3 =	sld [smem:$0x3FFE];
	_ =	sdelay $0x1  }
0x8a: {  	s1 =	srdreg.scid  }
0x8b: {  	s0 =	sand.u32 $0x1, s1  }
0x8c: {  	s17 =	sshll.u32 s0, $0xA;
	s2 =	sadd.s32 s3, s2  }
0x8d: {  	s2 =	sadd.s32 s2, s17  }
0x8e: {  	[smem:$0x3FBD] =	sst s2  }
0x8f: {  	_ = 	snop  }
0x90: {  	s2 =	sld [smem:$0x3FD0];
	(tm) =	ssettm $0x1  }
0x91: {  	s18 =	sld [smem:$0x3FFB];
	_ =	sdelay $0x3  }
0x92: {  	_ =	strace s18  }
0x93: {  	s3 =	sld [smem:$0x3FFC];
	_ =	sdelay $0x3  }
0x94: {  	_ =	strace s3  }
0x95: {  	s3 =	sld [smem:$0x3FFD];
	_ =	sdelay $0x3  }
0x96: {  	_ =	strace s3  }
0x97: {  	_ =	strace $0x8FFFFFFF  }
0x98: {  	s19 =	sld [smem:$0x3FDB];
	_ =	sdelay $0x1  }
0x99: {  	s4 =	simm.s32 $_scs_section_size  }
0x9a: {  	s5 =	simm.s32 $_size__tile_overlayer_lowered;
	s6 =	simm.s32 $_tile_overlayer_lowered  }
0x9b: {  	s22 =	simm.s32 $0x1BFF;
	s21 =	sshll.u32 s6, $0x1;
	s3 =	sadd.s32 s4, s19  }
0x9c: {  	s7 =	simm.s32 $0x0;
	s20 =	sshll.u32 s5, $0x1;
	s5 =	sadd.s32 s21, s3  }
0x9d: {  	[timem:s7], [sflag:s22] =	dma.local [hbm:s5], s20  }
0x9e: {  	_ =	swait.ge [sflag:s22], s20  }
0x9f: {  	s4 =	ssub.s32 $0x0, s20;
	[sflag:s22] =	ssyncset.done $0x0  }
0xa0: {  	[sflag:s22] =	ssyncadd.s32 s4;
	_ =	sdelay $0x1  }
0xa1: {  	s23 =	simm.s32 $0x1B8B  }
0xa2: {  	_ =	swait.ge [sflag:s23], $0x1  }
0xa3: {  	[sflag:s23] =	ssyncset.done $0x0  }
0xa4: {  	s25 =	simm.s32 $0x1B8E;
	s24 =	sld [smem:$0x3FFE];
	[sflag:s23] =	ssyncadd.s32 $0xFFFFFFFF  }
0xa5: {  	s26 =	simm.s32 $execute0_lowered;
	[smem:$0x3FD2] =	sst s25  }
0xa6: {  	s5 =	sshll.u32 s26, $0x1;
	_ =	strace $0x80000046;
	[dreg:$0x1] =	wrdreg $0xFFFFFFFF  }
0xa7: {  	s28 =	simm.s32 $_size_execute0_lowered;
	s3 =	sadd.s32 s3, s5;
	[dreg:$0x0] =	wrdreg $0x0  }
0xa8: {  	s5 =	sshll.u32 s28, $0x1;
	[dreg:$0x2] =	wrdreg s3  }
0xa9: {  	[dreg:$0x3] =	wrdreg s5  }
0xaa: {  	[dreg:$0x4] =	wrdreg $0xC0  }
0xab: {  	_ =	task [dreg:s7], $0x5FFFF  }
0xac: {  	[dreg:$0x1] =	wrdreg $0xFFFFFFFF  }
0xad: {  	[dreg:$0x0] =	wrdreg $0x60  }
0xae: {  	[dreg:$0x2] =	wrdreg s2  }
0xaf: {  	[dreg:$0x3] =	wrdreg s24  }
0xb0: {  	[dreg:$0x4] =	wrdreg $0xC2000  }
0xb1: {  	[dreg:$0x5] =	wrdreg $0x9  }
0xb2: {  	_ =	task.clear_ibuf [dreg:s7], $0x6FFFF;
	_ =	strace $0x90000046  }
0xb3: {  	s29 =	simm.s32 $0x9;
	_ =	strace $0x80000048  }
0xb4: {  	_ =	swait.ge [sflag:s29], $0x1  }
0xb5: {  	[sflag:s29] =	ssyncadd.s32 $0xFFFFFFFF  }
0xb6: {  	_ =	strace $0x90000048  }
0xb7: {  	_ =	sfence  }
0xb8: {  	s30 =	sld [smem:$0x0];
	_ =	sdelay $0x2  }
0xb9: {  	s31 =	sshll.u32 s1, $0xD;
	s1 =	sshrl.u32 s1, $0x2  }
0xba: {  	s3 =	sand.u32 $0x4000, s31;
	s1 =	sadd.s32 s1, s30  }
0xbb: {  	s0 =	sor.u32 s3, s0;
	s1 =	sshll.u32 s1, $0x11  }
0xbc: {  	s0 =	sor.u32 s1, s0  }
0xbd: {  	s0 =	sadd.s32 $0x8F2B, s0  }
0xbe: {  	[sflag:s0] =	ssyncadd.remote.s32 $0x1  }
0xbf: {  	_ =	sfence.sel $0xFFFF  }
0xc0: {  	[dreg:$0x0] =	wrdreg $0xFFFFFFFF;
	(pc) =	sbr.abs _section_cstart, $3  }
0xc1: {  	[dreg:$0x1] =	wrdreg $0xFFFFFFFF  }
0xc2: {  	_ =	task.clear_ibuf [dreg:s7], $0x2FFFF;
	_ =	strace $0x9FFFFFFF  }
0xc3: {  	(tm) =	ssettm $0x7FFFFFFF  }
tec
execute0_lowered:
.L_overlay_start_1:
0x0: {  	(tag) =	ssettag $0x1  }
0x1: {  	s1 =	rddreg [dreg:$0x0]  }
0x2: {  	s0 =	rddreg [dreg:$0x1]  }
0x3: {  	s2 =	rddreg [dreg:$0x2];
	s22 =	simm.s32 $0x0;
	s3 =	srdreg.scid  }
0x4: {  	s23 =	stileid.u32;
	s30 =	simm.s32 $0x1;
	[smem:$0x7FF] =	sst s22  }
0x5: {  	s31 =	simm.s32 $0x2;
	s5 =	sadd.s32 $0x9C8400, s0;
	s6 =	sadd.s32 $0x9E5E00, s0  }
0x6: {  	s3 =	sand.u32 $0x1, s3;
	s8 =	sadd.s32 $0x9EFC00, s0;
	s26 =	smul.u32 $0x280, s23  }
0x7: {  	s7 =	sadd.s32 $0x3800, s0;
	s11 =	sadd.s32 $0x4E6400, s0;
	s14 =	smul.u32 $0x50000, s23  }
0x8: {  	s10 =	sadd.s32 $0x3200, s0;
	s24 =	sadd.s32 $0xA0DA00, s0;
	s21 =	smul.u32 $0x14000, s23  }
0x9: {  	p0 =	seq.s32 s23, $0xF;
	_ =	strace $0x80000047;
	[dreg:$0x4] =	wrdreg s5  }
0xa: {  	s4 =	sshll.u32 s3, $0x4;
	s13 =	ssub.s32 $0x2, s3;
	[dreg:$0x5] =	wrdreg s24  }
0xb: {  	s4 =	sor.u32 s23, s4;
	s18 =	sshrl.u32 s13, $0x1;
	s19 =	sshrl.u32 s14, $0x2  }
0xc: {  	s14 =	sshll.u32 s26, $0x7;
	s5 =	sadd.s32 $0x230, s26;
	s23 =	simm.s32 $0x50  }
0xd: {  	s9 =	smul.u32 $0x2710, s4;
	s25 =	sadd.s32 s19, s2;
	s15 =	sadd.s32 $0x5000, s14  }
0xe: {  	s16 =	sadd.s32 $0x7800, s14;
	s17 =	sadd.s32 $0xA000, s14;
	s19 =	sadd.s32 $0x1E0, s26  }
0xf: {  	s26 =	smul.u32 $0x138800, s3;
	s20 =	sshll.u32 s5, $0x7;
	s5 =	simm.s32 @p0 $0x27B0  }
0x10: {  	s3 =	sshll.u32 s19, $0x7;
	s20 =	sadd.s32 s20, s2;
	[dreg:$0x6] =	wrdreg s25  }
0x11: {  	s29 =	sadd.s32 s15, s2;
	s19 =	simm.s32 @p0 $0x2760;
	[dreg:$0x9] =	wrdreg s20  }
0x12: {  	s12 =	sshrl.u32 s9, $0x3;
	s3 =	sadd.s32 s3, s2;
	[dreg:$0x7] =	wrdreg s26  }
0x13: {  	[dreg:$0xc] =	wrdreg s29;
	s0 =	sadd.s32 s12, s0;
	s12 =	ssub.s32 s13, s18  }
0x14: {  	s13 =	sor.u32 $0x2800, s14;
	s18 =	smul.u32 $0x27100, s4;
	s14 =	sadd.s32 $0xC800, s14  }
0x15: {  	[dreg:$0x8] =	wrdreg s3;
	s28 =	sadd.s32 s13, s2;
	s0 =	sadd.s32 $0xA03C00, s0  }
0x16: {  	s20 =	sadd.s32 s11, s18;
	s18 =	smul.u32 $0x5000, s4;
	[dreg:$0x16] =	wrdreg s0  }
0x17: {  	s4 =	sadd.s32 s21, s26;
	s21 =	sadd.s32 s26, s15;
	[dreg:$0xb] =	wrdreg s28  }
0x18: {  	s0 =	sshll.u32 @!p0 s19, $0x7;
	s19 =	simm.s32 $0x4;
	[dreg:$0xa] =	wrdreg s20  }
0x19: {  	s20 =	sadd.s32 s26, s13;
	s13 =	sadd.s32 s17, s2;
	[dreg:$0x18] =	wrdreg s0  }
0x1a: {  	s3 =	sshrl.u32 s4, $0x3;
	s0 =	sshll.u32 @!p0 s5, $0x7;
	[dreg:$0x11] =	wrdreg s13  }
0x1b: {  	s4 =	sshrl.u32 s20, $0x3;
	s3 =	sadd.s32 s24, s3;
	[dreg:$0x19] =	wrdreg s0  }
0x1c: {  	s20 =	sshrl.u32 s21, $0x3;
	s21 =	sadd.s32 s16, s2;
	[dreg:$0xd] =	wrdreg s3  }
0x1d: {  	s0 =	simm.s32 $0x3;
	s15 =	sadd.s32 s24, s4;
	[dreg:$0x10] =	wrdreg s21  }
0x1e: {  	s13 =	simm.s32 $0x9A80;
	s3 =	sadd.s32 s24, s20;
	[dreg:$0xe] =	wrdreg s15  }
0x1f: {  	s4 =	sadd.s32 s26, s16;
	s16 =	sadd.s32 s14, s2;
	[dreg:$0xf] =	wrdreg s3  }
0x20: {  	s3 =	sshrl.u32 s4, $0x3;
	s15 =	sadd.s32 s26, s17;
	[dreg:$0x12] =	wrdreg s16  }
0x21: {  	s17 =	sadd.s32 s26, s14;
	s26 =	smax.u32 s12, $0x1;
	s16 =	simm.s32 $0x6  }
0x22: {  	s4 =	sshrl.u32 s15, $0x3;
	s3 =	sadd.s32 s24, s3;
	s21 =	sshrl.u32 s17, $0x3  }
0x23: {  	[dreg:$0x17] =	wrdreg s26;
	s17 =	simm.s32 $0x7800;
	s26 =	simm.s32 $0x0  }
0x24: {  	[dreg:$0x13] =	wrdreg s3;
	s20 =	sadd.s32 s24, s4;
	s3 =	sadd.s32 s24, s21  }
0x25: {  	s21 =	simm.s32 $0x8000;
	s24 =	simm.s32 $0x5;
	[dreg:$0x14] =	wrdreg s20  }
0x26: {  	v0 =	vimm.f32 $0.0e+00;
	s4 =	simm.s32 $0x0;
	[dreg:$0x15] =	wrdreg s3;
	s20 =	simm.s32 $0x9A00  }
.LBB2_1:
0x27: {  	[dreg:$0x1a] =	wrdreg s4;
	s3 =	simm.s32 $0x0  }
.LBB2_2:
0x28: {  	p1 =	sne.s32 s3, $0x9C00  }
.Ltmp0:
0x29: {  	_ = 	snop;
	(pc) =	sbr.rel @p1 .LBB2_2-.Ltmp0, $3  }
0x2a: {  	_ =	sdelay $0x1  }
0x2b: {  	s4 =	sshra.s32 s3, $0x2  }
0x2c: {  	s3 =	sadd.s32 $0x40, s3;
	[tilespmem:s4+$0x9A80] =	vst v0  }
0x2d: {  	s3 =	simm.s32 $0x0;
	s4 =	simm.s32 $0x200  }
.LBB2_4:
0x2e: {  	p1 =	sne.s32 s4, $0x9E00;
	[tilespmem:s3+$0x70] =	vst v0  }
0x2f: {  	[tilespmem:s3+$0x0] =	vst v0  }
0x30: {  	[tilespmem:s3+$0x10] =	vst v0  }
.Ltmp1:
0x31: {  	[tilespmem:s3+$0x20] =	vst v0;
	(pc) =	sbr.rel @p1 .LBB2_4-.Ltmp1, $4  }
0x32: {  	[tilespmem:s3+$0x30] =	vst v0  }
0x33: {  	[tilespmem:s3+$0x40] =	vst v0  }
0x34: {  	[tilespmem:s3+$0x50] =	vst v0  }
0x35: {  	[tilespmem:s3+$0x60] =	vst v0;
	s3 =	sshra.s32 s4, $0x2;
	s4 =	sadd.s32 $0x200, s4  }
0x36: {  	[tilespmem:s3+$0x70] =	vst v0  }
0x37: {  	[tilespmem:s3+$0x0] =	vst v0  }
0x38: {  	[tilespmem:s3+$0x10] =	vst v0  }
0x39: {  	[tilespmem:s3+$0x20] =	vst v0  }
0x3a: {  	[tilespmem:s3+$0x30] =	vst v0  }
0x3b: {  	[tilespmem:s3+$0x40] =	vst v0  }
0x3c: {  	[tilespmem:s3+$0x50] =	vst v0  }
0x3d: {  	[tilespmem:s3+$0x60] =	vst v0  }
0x3e: {  	[spmem:s25] =	stream.linear.scatter [tilespmem:s22], [sflag:$0x6], $0x2800, $0x38;
	[tilespmem:$0x1FA80] =	vst v63  }
0x3f: {  	_ =	swait.ge [sflag:s16], $0x2800  }
0x40: {  	[sflag:s16] =	ssyncset.done $0x0  }
0x41: {  	[sflag:s16] =	ssyncadd.s32 $0xFFFFD800  }
0x42: {  	[spmem:s28] =	stream.linear.scatter [tilespmem:s22], [sflag:$0x6], $0x2800, $0x38;
	[tilespmem:$0x1FA80] =	vst v63  }
0x43: {  	_ =	swait.ge [sflag:s16], $0x2800  }
0x44: {  	[sflag:s16] =	ssyncset.done $0x0  }
0x45: {  	[sflag:s16] =	ssyncadd.s32 $0xFFFFD800  }
0x46: {  	[spmem:s29] =	stream.linear.scatter [tilespmem:s22], [sflag:$0x6], $0x2800, $0x38;
	[tilespmem:$0x1FA80] =	vst v63  }
0x47: {  	_ =	swait.ge [sflag:s16], $0x2800  }
0x48: {  	[sflag:s16] =	ssyncset.done $0x0  }
0x49: {  	s15 =	rddreg [dreg:$0x10];
	[sflag:s16] =	ssyncadd.s32 $0xFFFFD800  }
0x4a: {  	[spmem:s15] =	stream.linear.scatter [tilespmem:s22], [sflag:$0x6], $0x2800, $0x38;
	[tilespmem:$0x1FA80] =	vst v63  }
0x4b: {  	_ =	swait.ge [sflag:s16], $0x2800  }
0x4c: {  	[sflag:s16] =	ssyncset.done $0x0  }
0x4d: {  	s25 =	rddreg [dreg:$0x11];
	[sflag:s16] =	ssyncadd.s32 $0xFFFFD800  }
0x4e: {  	[spmem:s25] =	stream.linear.scatter [tilespmem:s22], [sflag:$0x6], $0x2800, $0x38;
	[tilespmem:$0x1FA80] =	vst v63  }
0x4f: {  	_ =	swait.ge [sflag:s16], $0x2800  }
0x50: {  	[sflag:s16] =	ssyncset.done $0x0  }
0x51: {  	s3 =	simm.s32 @!p0 $0x0;
	s4 =	rddreg [dreg:$0x12];
	[sflag:s16] =	ssyncadd.s32 $0xFFFFD800  }
0x52: {  	[spmem:s4] =	stream.linear.scatter @!p0 [tilespmem:s3], [sflag:$0x6], $0x2800, $0x38;
	[tilespmem:$0x1FA80] =	vst v63  }
0x53: {  	s4 =	simm.s32 @!p0 $0x6  }
0x54: {  	_ =	swait.ge @!p0 [sflag:s4], $0x2800  }
0x55: {  	[sflag:s4] =	ssyncset.done @!p0 $0x0  }
0x56: {  	s5 =	rddreg [dreg:$0x8];
	[sflag:s4] =	ssyncadd.s32 @!p0 $0xFFFFD800  }
0x57: {  	[spmem:s5] =	stream.linear.scatter @!p0 [tilespmem:s3], [sflag:$0x6], $0x2800, $0x38;
	[tilespmem:$0x1FA80] =	vst v63  }
0x58: {  	_ =	swait.ge @!p0 [sflag:s4], $0x2800  }
0x59: {  	[sflag:s4] =	ssyncset.done @!p0 $0x0  }
0x5a: {  	s5 =	rddreg [dreg:$0x9];
	[sflag:s4] =	ssyncadd.s32 @!p0 $0xFFFFD800  }
0x5b: {  	[spmem:s5] =	stream.linear.scatter @!p0 [tilespmem:s3], [sflag:$0x6], $0x2800, $0x38;
	[tilespmem:$0x1FA80] =	vst v63  }
0x5c: {  	_ =	swait.ge @!p0 [sflag:s4], $0x2800  }
0x5d: {  	[sflag:s4] =	ssyncset.done @!p0 $0x0  }
0x5e: {  	[sflag:s4] =	ssyncadd.s32 @!p0 $0xFFFFD800  }
0x5f: {  	[bflag:$0x0] =	sbarrier.arrive $0xFFFF  }
0x60: {  	s29 =	simm.s32 $0x5000;
	s4 =	simm.s32 $0x0;
	s28 =	rddreg [dreg:$0xa]  }
0x61: {  	[tilespmem:s29], [sflag:$0x4] =	stream.linear.gather [hbm4b:s28+s26], $0x2800, $0x38;
	[tilespmem:$0x1FA80] =	vst v63  }
.LBB2_6:
0x62: {  	s3 =	smul.u32 $0x7D0, s4;
	_ =	sdelay $0x1  }
0x63: {  	s3 =	sadd.s32 s9, s3  }
0x64: {  	s5 =	sshrl.u32 s3, $0x3  }
0x65: {  	s15 =	sshll.u32 s4, $0xC;
	s12 =	sadd.s32 s6, s5  }
0x66: {  	[tilespmem:s17], [sflag:$0x6] =	stream.linear.gather [hbm4b:s12+s26], $0x7D0, $0x38;
	[tilespmem:$0x1FA80] =	vst v63  }
0x67: {  	s12 =	sadd.s32 s18, s15;
	_ =	swait.ge [sflag:s16], $0x7D0  }
0x68: {  	s12 =	sshrl.u32 s12, $0x3;
	[sflag:s16] =	ssyncset.done $0x0  }
0x69: {  	s12 =	sadd.s32 s8, s12;
	[sflag:s16] =	ssyncadd.s32 $0xFFFFF830  }
0x6a: {  	[tilespmem:s21], [sflag:$0x6] =	stream.linear.gather [hbm4b:s12+s26], $0xC80, $0x38;
	[tilespmem:$0x1FA80] =	vst v63  }
0x6b: {  	_ =	swait.ge [sflag:s16], $0xC80  }
0x6c: {  	[sflag:s16] =	ssyncset.done $0x0;
	s22 =	rddreg [dreg:$0x4]  }
0x6d: {  	s25 =	simm.s32 $0x9000;
	[sflag:s16] =	ssyncadd.s32 $0xFFFFF380;
	s5 =	sadd.s32 s22, s5  }
0x6e: {  	[tilespmem:s25], [sflag:$0x6] =	stream.linear.gather [hbm4b:s5+s26], $0x7D0, $0x38;
	[tilespmem:$0x1FA80] =	vst v63  }
0x6f: {  	_ =	swait.ge [sflag:s16], $0x7D0  }
0x70: {  	[sflag:s16] =	ssyncset.done $0x0  }
0x71: {  	[sflag:s16] =	ssyncadd.s32 $0xFFFFF830  }
0x72: {  	[tilespmem:s26], [sflag:$0x1] =	stream.indirect.gather [hbm4b:s1+s23], $0x80, s17, s23, $0xb8;
	[tilespmem:$0x1FA80] =	vst v63  }
0x73: {  	s28 =	simm.s32 $0x9800;
	s29 =	simm.s32 $0x9900;
	p1 =	por $0x0, $0x0  }
0x74: {  	[tilespmem:s28], [sflag:$0x2] =	stream.indirect.gather [hbm4b:s7+s23], $0x1, s17, s23, $0xb8;
	[tilespmem:$0x1FA80] =	vst v63  }
0x75: {  	s14 =	simm.s32 $0x0;
	s15 =	smul.u32 $0x19, s4;
	s12 =	sadd.s32 $0x50, s3  }
0x76: {  	[tilespmem:s29], [sflag:$0x3] =	stream.indirect.gather [hbm4b:s10+s23], $0x1, s21, s23, $0xb8;
	[tilespmem:$0x1FA80] =	vst v63  }
.LBB2_7:
0x77: {  	_ =	swait.ge [sflag:s30], $0x2800  }
0x78: {  	[sflag:s30] =	ssyncset.done $0x0  }
0x79: {  	[sflag:s30] =	ssyncadd.s32 $0xFFFFD800  }
0x7a: {  	_ =	swait.ge [sflag:s31], $0x50  }
0x7b: {  	[sflag:s31] =	ssyncset.done $0x0  }
0x7c: {  	[sflag:s31] =	ssyncadd.s32 $0xFFFFFFB0  }
0x7d: {  	s3 =	sand.u32 $0x1, s14;
	_ =	swait.ge [sflag:s0], $0x50  }
0x7e: {  	s5 =	smul.u32 $0x50, s3;
	[sflag:s0] =	ssyncset.done $0x0  }
0x7f: {  	[sflag:s0] =	ssyncadd.s32 $0xFFFFFFB0  }
0x80: {  	s22 =	smul.u32 $0x140, s14;
	v1 =	vld [tilespmem:s5+$0x9800]  }
0x81: {  	v2 =	vld [tilespmem:s5+$0x9900]  }
0x82: {  	s22 =	sshra.s32 s22, $0x2  }
0x83: {  	v3 =	vld [tilespmem:s22+$0x9000];
	_ =	sdelay $0x2  }
0x84: {  	v1 =	vadd.f32 v2, v1;
	_ =	sdelay $0x1  }
0x85: {  	v1 =	vadd.f32 v3, v1;
	_ =	sdelay $0x1  }
0x86: {  	v2 =	vmul.f32 $2.000000030e-01, v1;
	_ =	sdelay $0x1  }
0x87: {  	v1 =	vmax.f32 v1, v2  }
0x88: {  	v1 =	vmul.f32 $1.442695020e+00, v1;
	_ =	sdelay $0x1  }
0x89: {  	(erf) = vpow2.f32 v1;
	_ =	sdelay $0x8  }
0x8a: {  	s25 =	sshll.u32 s14, $0x7;
	v1 =	vpop (erf)  }
0x8b: {  	s25 =	sand.u32 $0x3FFFFF80, s25;
	[tilespmem:$0x9A00] =	vst v1  }
0x8c: {  	v2 =	vld [tilespmem:s25+$0x8000];
	_ =	sdelay $0x7  }
0x8d: {  	[tilespmem:v2+s13+$0x0] =	vst.idx.add.f32.msk $0xffff, v1  }
0x8e: {  	v1 =	vld [tilespmem:s5+$0x9810]  }
0x8f: {  	v2 =	vld [tilespmem:s5+$0x9910];
	_ =	sdelay $0x1  }
0x90: {  	v3 =	vld [tilespmem:s22+$0x9010];
	_ =	sdelay $0x2  }
0x91: {  	v1 =	vadd.f32 v2, v1;
	_ =	sdelay $0x1  }
0x92: {  	v1 =	vadd.f32 v3, v1;
	_ =	sdelay $0x1  }
0x93: {  	v2 =	vmul.f32 $2.000000030e-01, v1;
	_ =	sdelay $0x1  }
0x94: {  	v1 =	vmax.f32 v1, v2  }
0x95: {  	v1 =	vmul.f32 $1.442695020e+00, v1;
	_ =	sdelay $0x1  }
0x96: {  	(erf) = vpow2.f32 v1;
	_ =	sdelay $0x8  }
0x97: {  	v1 =	vpop (erf)  }
0x98: {  	[tilespmem:$0x9A10] =	vst v1  }
0x99: {  	v2 =	vld [tilespmem:s25+$0x8010];
	_ =	sdelay $0x7  }
0x9a: {  	[tilespmem:v2+s13+$0x0] =	vst.idx.add.f32.msk $0xffff, v1  }
0x9b: {  	v1 =	vld [tilespmem:s5+$0x9820]  }
0x9c: {  	v2 =	vld [tilespmem:s5+$0x9920];
	_ =	sdelay $0x1  }
0x9d: {  	v3 =	vld [tilespmem:s22+$0x9020];
	_ =	sdelay $0x2  }
0x9e: {  	v1 =	vadd.f32 v2, v1;
	_ =	sdelay $0x1  }
0x9f: {  	v1 =	vadd.f32 v3, v1;
	_ =	sdelay $0x1  }
0xa0: {  	v2 =	vmul.f32 $2.000000030e-01, v1;
	_ =	sdelay $0x1  }
0xa1: {  	v1 =	vmax.f32 v1, v2  }
0xa2: {  	v1 =	vmul.f32 $1.442695020e+00, v1;
	_ =	sdelay $0x1  }
0xa3: {  	(erf) = vpow2.f32 v1;
	_ =	sdelay $0x8  }
0xa4: {  	v1 =	vpop (erf)  }
0xa5: {  	[tilespmem:$0x9A20] =	vst v1  }
0xa6: {  	v2 =	vld [tilespmem:s25+$0x8020];
	_ =	sdelay $0x7  }
0xa7: {  	[tilespmem:v2+s13+$0x0] =	vst.idx.add.f32.msk $0xffff, v1  }
0xa8: {  	v1 =	vld [tilespmem:s5+$0x9830]  }
0xa9: {  	v2 =	vld [tilespmem:s5+$0x9930];
	_ =	sdelay $0x1  }
0xaa: {  	v3 =	vld [tilespmem:s22+$0x9030];
	_ =	sdelay $0x2  }
0xab: {  	v1 =	vadd.f32 v2, v1;
	_ =	sdelay $0x1  }
0xac: {  	v1 =	vadd.f32 v3, v1;
	_ =	sdelay $0x1  }
0xad: {  	v2 =	vmul.f32 $2.000000030e-01, v1;
	_ =	sdelay $0x1  }
0xae: {  	v1 =	vmax.f32 v1, v2  }
0xaf: {  	v1 =	vmul.f32 $1.442695020e+00, v1;
	_ =	sdelay $0x1  }
0xb0: {  	(erf) = vpow2.f32 v1;
	_ =	sdelay $0x8  }
0xb1: {  	v1 =	vpop (erf)  }
0xb2: {  	[tilespmem:$0x9A30] =	vst v1  }
0xb3: {  	v2 =	vld [tilespmem:s25+$0x8030];
	_ =	sdelay $0x7  }
0xb4: {  	[tilespmem:v2+s13+$0x0] =	vst.idx.add.f32.msk $0xffff, v1  }
0xb5: {  	v1 =	vld [tilespmem:s5+$0x9840]  }
0xb6: {  	v2 =	vld [tilespmem:s5+$0x9940];
	_ =	sdelay $0x1  }
0xb7: {  	v3 =	vld [tilespmem:s22+$0x9040];
	_ =	sdelay $0x2  }
0xb8: {  	v1 =	vadd.f32 v2, v1;
	_ =	sdelay $0x1  }
0xb9: {  	v1 =	vadd.f32 v3, v1;
	_ =	sdelay $0x1  }
0xba: {  	v2 =	vmul.f32 $2.000000030e-01, v1;
	_ =	sdelay $0x1  }
0xbb: {  	v1 =	vmax.f32 v1, v2  }
0xbc: {  	v1 =	vmul.f32 $1.442695020e+00, v1;
	_ =	sdelay $0x1  }
0xbd: {  	(erf) = vpow2.f32 v1;
	_ =	sdelay $0x8  }
0xbe: {  	v1 =	vpop (erf)  }
0xbf: {  	[tilespmem:$0x9A40] =	vst v1  }
0xc0: {  	v2 =	vld [tilespmem:s25+$0x8040];
	_ =	sdelay $0x6  }
0xc1: {  	p2 =	seq.s32 s14, $0x0  }
0xc2: {  	s5 =	simm.s32 @!p2 $0x5;
	[tilespmem:v2+s13+$0x0] =	vst.idx.add.f32.msk $0xffff, v1  }
0xc3: {  	p3 =	seq.s32 @!p2 s14, $0x18;
	_ =	swait.ge @!p2 [sflag:s5], $0x2800  }
0xc4: {  	p3 =	por p2, !p3;
	[sflag:s5] =	ssyncset.done @!p2 $0x0  }
0xc5: {  	[sflag:s5] =	ssyncadd.s32 @!p2 $0xFFFFD800;
	s5 =	sadd.s32 @p3 $0x1, s14  }
0xc6: {  	s22 =	sxor.u32 @p3 $0x1, s3;
	s28 =	smul.u32 @p3 $0x140, s5  }
0xc7: {  	s29 =	smul.u32 @p3 $0xA000, s22  }
0xc8: {  	s22 =	smul.u32 @p3 $0x50, s22;
	s28 =	sshra.s32 @p3 s28, $0x2  }
0xc9: {  	s29 =	sshrl.u32 @p3 s29, $0x2;
	s5 =	sshll.u32 @p3 s5, $0x7;
	s28 =	sadd.s32 @p3 $0x7800, s28  }
0xca: {  	[tilespmem:s29], [sflag:$0x1] =	stream.indirect.gather @p3 [hbm4b:s1+s23], $0x80, s28, s23, $0xb8;
	[tilespmem:$0x1FA80] =	vst v63  }
0xcb: {  	s5 =	sand.u32 @p3 $0x3FFFFF80, s5;
	s29 =	sor.u32 @p3 $0x9800, s22  }
0xcc: {  	[tilespmem:s29], [sflag:$0x2] =	stream.indirect.gather @p3 [hbm4b:s7+s23], $0x1, s28, s23, $0xb8;
	[tilespmem:$0x1FA80] =	vst v63  }
0xcd: {  	s5 =	sadd.s32 @p3 $0x8000, s5;
	s22 =	sor.u32 @p3 $0x9900, s22  }
0xce: {  	[tilespmem:s22], [sflag:$0x3] =	stream.indirect.gather @p3 [hbm4b:s10+s23], $0x1, s5, s23, $0xb8;
	[tilespmem:$0x1FA80] =	vst v63  }
0xcf: {  	s5 =	simm.s32 $0x1  }
0xd0: {  	s5 =	simm.s32 @!p1 $0x0  }
0xd1: {  	s22 =	simm.s32 $0x0;
	_ =	swait.ge [sflag:s19], $0x2800;
	s5 =	smul.u32 $0xA000, s5  }
0xd2: {  	v1 =	vmov s22;
	[sflag:s19] =	ssyncset.done $0x0  }
0xd3: {  	s22 =	simm.s32 $0x5040;
	[sflag:s19] =	ssyncadd.s32 $0xFFFFD800;
	s5 =	sshrl.u32 s5, $0x2  }
0xd4: {  	v3 =	vld [tilespmem:s22+$0xFFFFFFC0];
	s28 =	sor.u32 $0x40, s5  }
0xd5: {  	v2 =	vld [tilespmem:s28+$0xFFFFFFC0];
	_ =	sdelay $0x1  }
0xd6: {  	v1 =	vld.idx.msk [tilespmem:v1+s20+$0x0], $0xffff;
	_ =	sdelay $0x2  }
0xd7: {  	v2 =	vadd.f32 v3, v2;
	_ =	sdelay $0x1  }
0xd8: {  	v2 =	vmul.f32 v2, v1;
	_ =	sdelay $0x1  }
0xd9: {  	[tilespmem:s28+$0xFFFFFFC0] =	vst v2;
	v2 =	vld [tilespmem:s28+$0xFFFFFFD0]  }
0xda: {  	v3 =	vld [tilespmem:s22+$0xFFFFFFD0];
	_ =	sdelay $0x4  }
0xdb: {  	v2 =	vadd.f32 v3, v2;
	_ =	sdelay $0x1  }
0xdc: {  	v2 =	vmul.f32 v2, v1;
	_ =	sdelay $0x1  }
0xdd: {  	[tilespmem:s28+$0xFFFFFFD0] =	vst v2;
	v2 =	vld [tilespmem:s28+$0xFFFFFFE0]  }
0xde: {  	v3 =	vld [tilespmem:s22+$0xFFFFFFE0];
	_ =	sdelay $0x4  }
0xdf: {  	v2 =	vadd.f32 v3, v2;
	_ =	sdelay $0x1  }
0xe0: {  	v2 =	vmul.f32 v2, v1;
	_ =	sdelay $0x1  }
0xe1: {  	[tilespmem:s28+$0xFFFFFFE0] =	vst v2;
	v2 =	vld [tilespmem:s28+$0xFFFFFFF0]  }
0xe2: {  	v3 =	vld [tilespmem:s22+$0xFFFFFFF0];
	_ =	sdelay $0x4  }
0xe3: {  	v2 =	vadd.f32 v3, v2;
	_ =	sdelay $0x1  }
0xe4: {  	v2 =	vmul.f32 v2, v1;
	_ =	sdelay $0x1  }
0xe5: {  	[tilespmem:s28+$0xFFFFFFF0] =	vst v2;
	v2 =	vld [tilespmem:s28+$0x0]  }
0xe6: {  	v3 =	vld [tilespmem:s22+$0x0];
	_ =	sdelay $0x4  }
0xe7: {  	v2 =	vadd.f32 v3, v2;
	_ =	sdelay $0x1  }
0xe8: {  	v2 =	vmul.f32 v2, v1;
	_ =	sdelay $0x1  }
0xe9: {  	[tilespmem:s28+$0x0] =	vst v2;
	v2 =	vld [tilespmem:s28+$0x10]  }
0xea: {  	v3 =	vld [tilespmem:s22+$0x10];
	_ =	sdelay $0x4  }
0xeb: {  	v2 =	vadd.f32 v3, v2;
	_ =	sdelay $0x1  }
0xec: {  	v2 =	vmul.f32 v2, v1;
	_ =	sdelay $0x1  }
0xed: {  	[tilespmem:s28+$0x10] =	vst v2;
	v2 =	vld [tilespmem:s28+$0x20]  }
0xee: {  	v3 =	vld [tilespmem:s22+$0x20];
	_ =	sdelay $0x4  }
0xef: {  	v2 =	vadd.f32 v3, v2;
	_ =	sdelay $0x1  }
0xf0: {  	v2 =	vmul.f32 v2, v1;
	_ =	sdelay $0x1  }
0xf1: {  	[tilespmem:s28+$0x20] =	vst v2;
	v2 =	vld [tilespmem:s28+$0x30]  }
0xf2: {  	v3 =	vld [tilespmem:s22+$0x30];
	_ =	sdelay $0x4  }
0xf3: {  	s5 =	simm.s32 $0x1;
	v3 =	vadd.f32 v3, v2  }
0xf4: {  	s25 =	sadd.s32 $0x8000, s25;
	s29 =	smov.u32 s28;
	v2 =	vmov s5;
	s5 =	simm.s32 $0x2  }
.LBB2_8:
0xf5: {  	p2 =	sne.s32 s5, $0x4F;
	v1 =	vmul.f32 v3, v1  }
0xf6: {  	s28 =	sadd.s32 $0x80, s28  }
0xf7: {  	s22 =	sadd.s32 $0x80, s22;
	v3 =	vld [tilespmem:s28+$0xFFFFFFC0];
	[tilespmem:s29+$0x30] =	vst v1;
	s29 =	smov.u32 s28  }
0xf8: {  	v4 =	vld [tilespmem:s22+$0xFFFFFFC0]  }
0xf9: {  	v1 =	vld.idx.msk [tilespmem:v2+s20+$0x0], $0xffff;
	_ =	sdelay $0x3  }
0xfa: {  	v2 =	vadd.f32 v4, v3;
	_ =	sdelay $0x1  }
0xfb: {  	v2 =	vmul.f32 v2, v1;
	_ =	sdelay $0x1  }
0xfc: {  	[tilespmem:s28+$0xFFFFFFC0] =	vst v2;
	v2 =	vld [tilespmem:s28+$0xFFFFFFD0]  }
0xfd: {  	v3 =	vld [tilespmem:s22+$0xFFFFFFD0];
	_ =	sdelay $0x4  }
0xfe: {  	v2 =	vadd.f32 v3, v2;
	_ =	sdelay $0x1  }
0xff: {  	v2 =	vmul.f32 v2, v1;
	_ =	sdelay $0x1  }
0x100: {  	[tilespmem:s28+$0xFFFFFFD0] =	vst v2;
	v2 =	vld [tilespmem:s28+$0xFFFFFFE0]  }
0x101: {  	v3 =	vld [tilespmem:s22+$0xFFFFFFE0];
	_ =	sdelay $0x4  }
0x102: {  	v2 =	vadd.f32 v3, v2;
	_ =	sdelay $0x1  }
0x103: {  	v2 =	vmul.f32 v2, v1;
	_ =	sdelay $0x1  }
0x104: {  	[tilespmem:s28+$0xFFFFFFE0] =	vst v2;
	v2 =	vld [tilespmem:s28+$0xFFFFFFF0]  }
0x105: {  	v3 =	vld [tilespmem:s22+$0xFFFFFFF0];
	_ =	sdelay $0x4  }
0x106: {  	v2 =	vadd.f32 v3, v2;
	_ =	sdelay $0x1  }
0x107: {  	v2 =	vmul.f32 v2, v1;
	_ =	sdelay $0x1  }
0x108: {  	[tilespmem:s28+$0xFFFFFFF0] =	vst v2;
	v2 =	vld [tilespmem:s28+$0x0]  }
0x109: {  	v3 =	vld [tilespmem:s22+$0x0];
	_ =	sdelay $0x4  }
0x10a: {  	v2 =	vadd.f32 v3, v2;
	_ =	sdelay $0x1  }
0x10b: {  	v2 =	vmul.f32 v2, v1;
	_ =	sdelay $0x1  }
0x10c: {  	[tilespmem:s28+$0x0] =	vst v2;
	v2 =	vld [tilespmem:s28+$0x10]  }
0x10d: {  	v3 =	vld [tilespmem:s22+$0x10];
	_ =	sdelay $0x4  }
0x10e: {  	v2 =	vadd.f32 v3, v2;
	_ =	sdelay $0x1  }
0x10f: {  	v2 =	vmul.f32 v2, v1;
	_ =	sdelay $0x1  }
0x110: {  	[tilespmem:s28+$0x10] =	vst v2;
	v2 =	vld [tilespmem:s28+$0x20]  }
0x111: {  	v3 =	vld [tilespmem:s22+$0x20];
	_ =	sdelay $0x4  }
0x112: {  	v2 =	vadd.f32 v3, v2;
	_ =	sdelay $0x1  }
0x113: {  	v2 =	vmul.f32 v2, v1;
	_ =	sdelay $0x1  }
0x114: {  	[tilespmem:s28+$0x20] =	vst v2;
	v2 =	vld [tilespmem:s28+$0x30]  }
0x115: {  	v3 =	vld [tilespmem:s22+$0x30];
	_ =	sdelay $0x1  }
.Ltmp2:
0x116: {  	(pc) =	sbr.rel @p2 .LBB2_8-.Ltmp2, $3  }
0x117: {  	_ =	sdelay $0x1  }
0x118: {  	v3 =	vadd.f32 v3, v2  }
0x119: {  	v2 =	vmov s5;
	s5 =	sadd.s32 $0x1, s5  }
0x11a: {  	v1 =	vmul.f32 v3, v1  }
0x11b: {  	s5 =	sadd.s32 $0x80, s28  }
0x11c: {  	s22 =	sadd.s32 $0x80, s22;
	v3 =	vld [tilespmem:s5+$0xFFFFFFC0];
	[tilespmem:s29+$0x30] =	vst v1  }
0x11d: {  	v1 =	vld [tilespmem:s22+$0xFFFFFFC0];
	_ =	sdelay $0x1  }
0x11e: {  	v2 =	vld.idx.msk [tilespmem:v2+s20+$0x0], $0xffff;
	_ =	sdelay $0x2  }
0x11f: {  	v1 =	vadd.f32 v1, v3;
	_ =	sdelay $0x1  }
0x120: {  	v1 =	vmul.f32 v1, v2;
	_ =	sdelay $0x1  }
0x121: {  	[tilespmem:s5+$0xFFFFFFC0] =	vst v1;
	v1 =	vld [tilespmem:s5+$0xFFFFFFD0]  }
0x122: {  	v3 =	vld [tilespmem:s22+$0xFFFFFFD0];
	_ =	sdelay $0x4  }
0x123: {  	v1 =	vadd.f32 v3, v1;
	_ =	sdelay $0x1  }
0x124: {  	v1 =	vmul.f32 v1, v2;
	_ =	sdelay $0x1  }
0x125: {  	[tilespmem:s5+$0xFFFFFFD0] =	vst v1;
	v1 =	vld [tilespmem:s5+$0xFFFFFFE0]  }
0x126: {  	v3 =	vld [tilespmem:s22+$0xFFFFFFE0];
	_ =	sdelay $0x4  }
0x127: {  	v1 =	vadd.f32 v3, v1;
	_ =	sdelay $0x1  }
0x128: {  	v1 =	vmul.f32 v1, v2;
	_ =	sdelay $0x1  }
0x129: {  	[tilespmem:s5+$0xFFFFFFE0] =	vst v1;
	v1 =	vld [tilespmem:s5+$0xFFFFFFF0]  }
0x12a: {  	v3 =	vld [tilespmem:s22+$0xFFFFFFF0];
	_ =	sdelay $0x4  }
0x12b: {  	v1 =	vadd.f32 v3, v1;
	_ =	sdelay $0x1  }
0x12c: {  	v1 =	vmul.f32 v1, v2;
	_ =	sdelay $0x1  }
0x12d: {  	[tilespmem:s5+$0xFFFFFFF0] =	vst v1;
	v1 =	vld [tilespmem:s5+$0x0]  }
0x12e: {  	v3 =	vld [tilespmem:s22+$0x0];
	_ =	sdelay $0x4  }
0x12f: {  	v1 =	vadd.f32 v3, v1;
	_ =	sdelay $0x1  }
0x130: {  	v1 =	vmul.f32 v1, v2;
	_ =	sdelay $0x1  }
0x131: {  	[tilespmem:s5+$0x0] =	vst v1;
	v1 =	vld [tilespmem:s5+$0x10]  }
0x132: {  	v3 =	vld [tilespmem:s22+$0x10];
	_ =	sdelay $0x4  }
0x133: {  	v1 =	vadd.f32 v3, v1;
	_ =	sdelay $0x1  }
0x134: {  	v1 =	vmul.f32 v1, v2;
	_ =	sdelay $0x1  }
0x135: {  	[tilespmem:s5+$0x10] =	vst v1;
	v1 =	vld [tilespmem:s5+$0x20]  }
0x136: {  	v3 =	vld [tilespmem:s22+$0x20];
	_ =	sdelay $0x4  }
0x137: {  	v1 =	vadd.f32 v3, v1;
	_ =	sdelay $0x1  }
0x138: {  	v1 =	vmul.f32 v1, v2;
	_ =	sdelay $0x1  }
0x139: {  	[tilespmem:s5+$0x20] =	vst v1;
	v1 =	vld [tilespmem:s5+$0x30]  }
0x13a: {  	v3 =	vld [tilespmem:s22+$0x30];
	_ =	sdelay $0x2  }
0x13b: {  	s29 =	sadd.s32 s15, s14  }
0x13c: {  	p2 =	sgt.u32 s29, $0x7B  }
0x13d: {  	s22 =	smul.u32 @!p2 $0x50, s14;
	v1 =	vadd.f32 v3, v1;
	_ =	sdelay $0x1  }
0x13e: {  	s22 =	sadd.s32 @!p2 s22, s12;
	v1 =	vmul.f32 v1, v2  }
0x13f: {  	s28 =	simm.s32 @!p2 $0x5000;
	s22 =	sshll.u32 @!p2 s22, $0x4  }
0x140: {  	s14 =	sadd.s32 $0x1, s14;
	s22 =	sadd.s32 @!p2 s11, s22;
	[tilespmem:s5+$0x30] =	vst v1;
	s5 =	simm.s32 @!p2 $0x0  }
0x141: {  	[tilespmem:s28], [sflag:$0x4] =	stream.linear.gather @!p2 [hbm4b:s22+s5], $0x2800, $0x38;
	[tilespmem:$0x1FA80] =	vst v63  }
0x142: {  	p2 =	sne.s32 s14, $0x19  }
.Ltmp3:
0x143: {  	_ = 	snop;
	(pc) =	sbr.rel @p2 .LBB2_7-.Ltmp3, $3  }
0x144: {  	s3 =	smul.u32 $0xA000, s3;
	_ =	sdelay $0x1  }
0x145: {  	p1 =	por !p1, !p1;
	s3 =	sshrl.u32 s3, $0x2  }
0x146: {  	[spmem:s2] =	stream.indirect.scatter.add.f32 [tilespmem:s3], [sflag:$0x5], $0x80, s25, s23, $0xb8;
	[tilespmem:$0x1FA80] =	vst v63  }
0x147: {  	s4 =	sadd.s32 $0x1, s4  }
0x148: {  	p1 =	sne.s32 s4, $0x5  }
.Ltmp4:
0x149: {  	_ = 	snop;
	(pc) =	sbr.rel @p1 .LBB2_6-.Ltmp4, $4  }
0x14a: {  	_ = 	snop  }
0x14b: {  	_ =	swait.ge [sflag:s24], $0x2800  }
0x14c: {  	[sflag:s24] =	ssyncset.done $0x0  }
0x14d: {  	[sflag:s24] =	ssyncadd.s32 $0xFFFFD800  }
0x14e: {  	s3 =	stileid.u32;
	[bflag:$0x0] =	sbarrier.arrive $0xFFFF  }
0x14f: {  	s3 =	sshll.u32 s3, $0x6;
	s25 =	rddreg [dreg:$0x6]  }
0x150: {  	s5 =	rddreg [dreg:$0xd];
	s3 =	sor.u32 $0x1C06, s3;
	s4 =	sshrl.u32 s25, $0x3  }
0x151: {  	[hbm:s5], [sflag:s3] =	dma.local [spmem:s4], $0x500  }
0x152: {  	_ =	swait.ge [sflag:s16], $0x500  }
0x153: {  	[sflag:s16] =	ssyncset.done $0x0;
	s28 =	rddreg [dreg:$0xb]  }
0x154: {  	s14 =	rddreg [dreg:$0xe];
	[sflag:s16] =	ssyncadd.s32 $0xFFFFFB00;
	s12 =	sshrl.u32 s28, $0x3  }
0x155: {  	[hbm:s14], [sflag:s3] =	dma.local [spmem:s12], $0x500  }
0x156: {  	_ =	swait.ge [sflag:s16], $0x500  }
0x157: {  	[sflag:s16] =	ssyncset.done $0x0;
	s29 =	rddreg [dreg:$0xc]  }
0x158: {  	s22 =	rddreg [dreg:$0xf];
	[sflag:s16] =	ssyncadd.s32 $0xFFFFFB00;
	s15 =	sshrl.u32 s29, $0x3  }
0x159: {  	[hbm:s22], [sflag:s3] =	dma.local [spmem:s15], $0x500  }
0x15a: {  	_ =	swait.ge [sflag:s16], $0x500  }
0x15b: {  	[sflag:s16] =	ssyncset.done $0x0;
	s12 =	rddreg [dreg:$0x10]  }
0x15c: {  	s14 =	rddreg [dreg:$0x13];
	[sflag:s16] =	ssyncadd.s32 $0xFFFFFB00;
	s4 =	sshrl.u32 s12, $0x3  }
0x15d: {  	[hbm:s14], [sflag:s3] =	dma.local [spmem:s4], $0x500  }
0x15e: {  	_ =	swait.ge [sflag:s16], $0x500  }
0x15f: {  	[sflag:s16] =	ssyncset.done $0x0;
	s15 =	rddreg [dreg:$0x11]  }
0x160: {  	s22 =	rddreg [dreg:$0x14];
	[sflag:s16] =	ssyncadd.s32 $0xFFFFFB00;
	s4 =	sshrl.u32 s15, $0x3  }
0x161: {  	[hbm:s22], [sflag:s3] =	dma.local [spmem:s4], $0x500  }
0x162: {  	_ =	swait.ge [sflag:s16], $0x500  }
0x163: {  	[sflag:s16] =	ssyncset.done $0x0;
	s4 =	rddreg [dreg:$0x12]  }
0x164: {  	s5 =	rddreg [dreg:$0x15];
	[sflag:s16] =	ssyncadd.s32 $0xFFFFFB00;
	s4 =	sshrl.u32 @!p0 s4, $0x3  }
0x165: {  	[hbm:s5], [sflag:s3] =	dma.local @!p0 [spmem:s4], $0x500  }
0x166: {  	s4 =	simm.s32 @!p0 $0x6  }
0x167: {  	_ =	swait.ge @!p0 [sflag:s4], $0x500  }
0x168: {  	s15 =	rddreg [dreg:$0x7]  }
0x169: {  	s12 =	rddreg [dreg:$0x18]  }
0x16a: {  	[sflag:s4] =	ssyncset.done @!p0 $0x0;
	s5 =	sadd.s32 @!p0 s15, s12  }
0x16b: {  	s14 =	rddreg [dreg:$0x5];
	s12 =	sadd.s32 @!p0 s12, s2;
	s5 =	sshrl.u32 @!p0 s5, $0x3  }
0x16c: {  	[sflag:s4] =	ssyncadd.s32 @!p0 $0xFFFFFB00;
	s12 =	sshrl.u32 @!p0 s12, $0x3;
	s5 =	sadd.s32 @!p0 s14, s5  }
0x16d: {  	[hbm:s5], [sflag:s3] =	dma.local @!p0 [spmem:s12], $0x500  }
0x16e: {  	_ =	swait.ge @!p0 [sflag:s4], $0x500  }
0x16f: {  	s12 =	rddreg [dreg:$0x19]  }
0x170: {  	s5 =	sadd.s32 @!p0 s15, s12  }
0x171: {  	[sflag:s4] =	ssyncset.done @!p0 $0x0;
	s12 =	sadd.s32 @!p0 s12, s2;
	s5 =	sshrl.u32 @!p0 s5, $0x3  }
0x172: {  	[sflag:s4] =	ssyncadd.s32 @!p0 $0xFFFFFB00;
	s12 =	sshrl.u32 @!p0 s12, $0x3;
	s5 =	sadd.s32 @!p0 s14, s5  }
0x173: {  	[hbm:s5], [sflag:s3] =	dma.local @!p0 [spmem:s12], $0x500  }
0x174: {  	_ =	swait.ge @!p0 [sflag:s4], $0x500  }
0x175: {  	[sflag:s4] =	ssyncset.done @!p0 $0x0  }
0x176: {  	s22 =	simm.s32 $0x0;
	s12 =	rddreg [dreg:$0x16];
	[sflag:s4] =	ssyncadd.s32 @!p0 $0xFFFFFB00  }
0x177: {  	[hbm4b:s12+s22] =	stream.linear.scatter [tilespmem:s13], [sflag:$0x6], $0x2710, $0x38;
	[tilespmem:$0x1FA80] =	vst v63  }
0x178: {  	_ =	swait.ge [sflag:s16], $0x2710  }
0x179: {  	s14 =	rddreg [dreg:$0x1a]  }
0x17a: {  	s15 =	rddreg [dreg:$0x17];
	s4 =	sadd.s32 $0x1, s14  }
0x17b: {  	p1 =	sne.s32 s4, s15  }
.Ltmp5:
0x17c: {  	_ = 	snop;
	(pc) =	sbr.rel @p1 .LBB2_1-.Ltmp5, $3  }
0x17d: {  	_ =	sdelay $0x1  }
0x17e: {  	[sflag:s16] =	ssyncset.done $0x0  }
0x17f: {  	[sflag:s16] =	ssyncadd.s32 $0xFFFFD8F0  }
0x180: {  	_ =	sfence.sel $0x180000  }
0x181: {  	[bflag:$0x0] =	sbarrier.arrive $0xFFFF  }
0x182: {  	_ =	strace $0x90000047  }
0x183: {  	s0 =	stileid.u32;
	[bflag:$0x2] =	sbarrier.arrive $0xFFFF  }
0x184: {  	p0 =	sne.s32 s0, $0x0;
	s0 =	rddreg [dreg:$0x3]  }
0x185: {  	s0 =	sadd.s32 @!p0 $0x100000, s0  }
0x186: {  	[sflag:s0] =	ssyncadd.tile.s32 @!p0 $0x1;
	_ =	shalt  }
.Lfunc_end2:
_tile_overlayer_lowered:
.L_overlay_start_2:
0x187: {  	(tag) =	ssettag $0x2  }
0x188: {  	s0 =	rddreg [dreg:$0x0];
	s2 =	stileid.u32  }
0x189: {  	s1 =	rddreg [dreg:$0x1];
	p0 =	sne.s32 s2, $0x0  }
0x18a: {  	s3 =	rddreg [dreg:$0x2];
	[bflag:$0x3] =	sbarrier.arrive $0xFFFF;
	s2 =	simm.s32 @!p0 $0x1C06  }
0x18b: {  	[timem:s3], [sflag:s2] =	dma.local @!p0 [hbm:s0], s1  }
0x18c: {  	s0 =	simm.s32 @!p0 $0x6  }
0x18d: {  	_ =	swait.ge @!p0 [sflag:s0], s1  }
0x18e: {  	s1 =	ssub.s32 @!p0 $0x0, s1;
	[sflag:s0] =	ssyncset.done @!p0 $0x0  }
0x18f: {  	[sflag:s0] =	ssyncadd.s32 @!p0 s1  }
0x190: {  	[bflag:$0x3] =	sbarrier.arrive $0xFFFF  }
0x191: {  	_ =	shalt  }

// kernel: kernel.16.cloned.1.call-start
scs
__scs_entry_jumppad:
0x0: {  	(pc) =	sbr.rel $0x88, $3  }
0x1: {  	(tag) =	ssettag $0x0;
	lr =	simm.s32 $0x1  }
0x2: {  	[smem:$0x3F96] =	sst lr;
	_ =	strace $0xD0000000  }
0x3: {  	_ = 	snop  }
0x4: {  	_ = 	snop  }
0x5: {  	_ = 	snop  }
0x6: {  	_ = 	snop  }
0x7: {  	_ = 	snop  }
__scs_overlays_trampoline_lowered:
0x8: {  	[smem:$0x3FA5] =	sst s0  }
0x9: {  	[smem:$0x3FA6] =	sst s1  }
0xa: {  	[smem:$0x3FA7] =	sst s2  }
0xb: {  	[smem:$0x3FA8] =	sst s3  }
0xc: {  	[smem:$0x3FA9] =	sst s4  }
0xd: {  	[smem:$0x3FAA] =	sst s5  }
0xe: {  	[smem:$0x3FAB] =	sst s6  }
0xf: {  	[smem:$0x3FAC] =	sst s7  }
0x10: {  	[smem:$0x3FAD] =	sst s8  }
0x11: {  	[smem:$0x3FAE] =	sst s9;
	s0 =	simm.s32 @!p0 $0x0  }
0x12: {  	s1 =	sld [smem:$0x3F94];
	s0 =	simm.s32 @p0 $0x1  }
0x13: {  	[smem:$0x3FAF] =	sst s0;
	s0 =	simm.s32 @!p1 $0x0  }
0x14: {  	s2 =	sld [smem:$0x3F93];
	s0 =	simm.s32 @p1 $0x1  }
0x15: {  	[smem:$0x3FB0] =	sst s0;
	s0 =	simm.s32 @!p2 $0x0  }
0x16: {  	s3 =	sld [smem:$0x3FDB];
	s0 =	simm.s32 @p2 $0x1  }
0x17: {  	s4 =	simm.s32 $0x1BF5;
	[smem:$0x3FB2] =	sst s0  }
0x18: {  	s0 =	sld [smem:$0x3F95];
	_ =	swait.ge [sflag:s4], $0x0  }
0x19: {  	s7 =	sld [smem:$0x3F96]  }
0x1a: {  	s8 =	sadd.s32 $0xFFFFE003, lr  }
0x1b: {  	s9 =	sadd.s32 $0xFFFFFEF7, lr;
	s5 =	simm.s32 $0xFFFFFFFF;
	p2 =	slt.u32 s8, $0xFFFFF086  }
0x1c: {  	p1 =	slt.u32 s9, $0xF7A;
	s5 =	simm.s32 @!p2 $0x0  }
0x1d: {  	s5 =	simm.s32 @p1 $0x1;
	p0 =	seq.s32 s7, s2  }
0x1e: {  	s7 =	smul.u32 @!p0 $0xF7A, s2;
	p2 =	seq.s32 @!p0 s5, $0x0  }
0x1f: {  	s9 =	smul.u32 $0xF7A, s1;
	s8 =	simm.s32 @!p0 $0x1BF5;
	p2 =	por !p2, p0  }
0x20: {  	[sflag:s8] =	ssyncset.s32 @!p0 $0xFFFFF086;
	s6 =	sadd.s32 @!p0 s3, s7;
	s7 =	simm.s32 @!p0 $0x108  }
0x21: {  	s3 =	sadd.s32 s3, s9;
	s6 =	sadd.s32 @!p0 $0x88, s6;
	s7 =	simm.s32 @p2 $0x1082  }
0x22: {  	[simem:s7], [sflag:s8] =	dma.local @!p0 [hbm:s6], $0xF7A  }
0x23: {  	s9 =	sor.u32 $0xD0000000, s2;
	s6 =	simm.s32 $0x108;
	_ =	swait.ge @!p0 [sflag:s8], $0x0  }
0x24: {  	s3 =	sadd.s32 $0x88, s3;
	s6 =	simm.s32 @!p1 $0x1082;
	[sflag:s4] =	ssyncset.s32 $0xFFFFF086  }
0x25: {  	[simem:s6], [sflag:s4] =	dma.local [hbm:s3], $0xF7A  }
0x26: {  	[smem:$0x3F96] =	sst s1;
	(tag) =	ssettag s2;
	_ =	strace s9  }
0x27: {  	s1 =	sld [smem:$0x3FA6]  }
0x28: {  	s2 =	sld [smem:$0x3FA7]  }
0x29: {  	s4 =	sld [smem:$0x3FA9]  }
0x2a: {  	p0 =	seq.s32 s5, $0x0;
	s5 =	sld [smem:$0x3FAA]  }
0x2b: {  	s6 =	sld [smem:$0x3FAB]  }
0x2c: {  	s7 =	sld [smem:$0x3FAC]  }
0x2d: {  	s3 =	simm.s32 $0x108;
	s8 =	sld [smem:$0x3FAD]  }
0x2e: {  	s3 =	simm.s32 @!p0 $0x1082;
	s9 =	sld [smem:$0x3FAE]  }
0x2f: {  	lr =	sadd.s32 s0, s3;
	s0 =	sld [smem:$0x3FA5]  }
0x30: {  	s3 =	sld [smem:$0x3FA8]  }
0x31: {  	[smem:$0x3FB1] =	sst s10  }
0x32: {  	s10 =	sld [smem:$0x3FAF];
	_ =	sdelay $0x3  }
0x33: {  	p0 =	seq.s32 s10, $0x1;
	s10 =	sld [smem:$0x3FB1];
	_ =	sdelay $0x3  }
0x34: {  	[smem:$0x3FB1] =	sst s10  }
0x35: {  	s10 =	sld [smem:$0x3FB0];
	_ =	sdelay $0x3  }
0x36: {  	p1 =	seq.s32 s10, $0x1;
	s10 =	sld [smem:$0x3FB1];
	_ =	sdelay $0x3  }
0x37: {  	[smem:$0x3FB1] =	sst s10  }
0x38: {  	s10 =	sld [smem:$0x3FB2]  }
0x39: {  	_ = 	snop;
	(pc) =	sbr.ind lr, $3  }
0x3a: {  	_ = 	snop  }
0x3b: {  	_ = 	snop  }
0x3c: {  	p2 =	seq.s32 s10, $0x1;
	s10 =	sld [smem:$0x3FB1]  }
0x3d: {  	_ =	shalt  }
0x3e: {  	_ =	shalt  }
0x3f: {  	_ =	shalt  }
0x40: {  	_ =	shalt  }
0x41: {  	_ =	shalt  }
0x42: {  	_ =	shalt  }
0x43: {  	_ =	shalt  }
0x44: {  	_ =	shalt  }
0x45: {  	_ =	shalt  }
0x46: {  	_ =	shalt  }
0x47: {  	_ =	shalt  }
0x48: {  	_ =	shalt  }
0x49: {  	_ =	shalt  }
0x4a: {  	_ =	shalt  }
0x4b: {  	_ =	shalt  }
0x4c: {  	_ =	shalt  }
0x4d: {  	_ =	shalt  }
0x4e: {  	_ =	shalt  }
0x4f: {  	_ =	shalt  }
0x50: {  	_ =	shalt  }
0x51: {  	_ =	shalt  }
0x52: {  	_ =	shalt  }
0x53: {  	_ =	shalt  }
0x54: {  	_ =	shalt  }
0x55: {  	_ =	shalt  }
0x56: {  	_ =	shalt  }
0x57: {  	_ =	shalt  }
0x58: {  	_ =	shalt  }
0x59: {  	_ =	shalt  }
0x5a: {  	_ =	shalt  }
0x5b: {  	_ =	shalt  }
0x5c: {  	_ =	shalt  }
0x5d: {  	_ =	shalt  }
0x5e: {  	_ =	shalt  }
0x5f: {  	_ =	shalt  }
0x60: {  	_ =	shalt  }
0x61: {  	_ =	shalt  }
0x62: {  	_ =	shalt  }
0x63: {  	_ =	shalt  }
0x64: {  	_ =	shalt  }
0x65: {  	_ =	shalt  }
0x66: {  	_ =	shalt  }
0x67: {  	_ =	shalt  }
0x68: {  	_ =	shalt  }
0x69: {  	_ =	shalt  }
0x6a: {  	_ =	shalt  }
0x6b: {  	_ =	shalt  }
0x6c: {  	_ =	shalt  }
0x6d: {  	_ =	shalt  }
0x6e: {  	_ =	shalt  }
0x6f: {  	_ =	shalt  }
0x70: {  	_ =	shalt  }
0x71: {  	_ =	shalt  }
0x72: {  	_ =	shalt  }
0x73: {  	_ =	shalt  }
0x74: {  	_ =	shalt  }
0x75: {  	_ =	shalt  }
0x76: {  	_ =	shalt  }
0x77: {  	_ =	shalt  }
0x78: {  	_ =	shalt  }
0x79: {  	_ =	shalt  }
0x7a: {  	_ =	shalt  }
0x7b: {  	_ =	shalt  }
0x7c: {  	_ =	shalt  }
0x7d: {  	_ =	shalt  }
0x7e: {  	_ =	shalt  }
0x7f: {  	_ =	shalt  }
0x80: {  	_ =	shalt  }
0x81: {  	_ =	shalt  }
0x82: {  	_ =	shalt  }
0x83: {  	_ =	shalt  }
0x84: {  	_ =	shalt  }
0x85: {  	_ =	shalt  }
0x86: {  	_ =	shalt  }
0x87: {  	_ =	shalt  }
.Lfunc_end0:
.L_simem_size_0:
called_computation.1_lowered:
.L_overlay_start_0:
0x88: {  	s2 =	sld [smem:$0x3FD9]  }
0x89: {  	s3 =	sld [smem:$0x3FFE];
	_ =	sdelay $0x1  }
0x8a: {  	s1 =	srdreg.scid  }
0x8b: {  	s0 =	sand.u32 $0x1, s1  }
0x8c: {  	s17 =	sshll.u32 s0, $0xA;
	s2 =	sadd.s32 s3, s2  }
0x8d: {  	s2 =	sadd.s32 s2, s17  }
0x8e: {  	[smem:$0x3FBD] =	sst s2  }
0x8f: {  	_ = 	snop  }
0x90: {  	s2 =	sld [smem:$0x3FD0];
	(tm) =	ssettm $0x1  }
0x91: {  	s18 =	sld [smem:$0x3FFB];
	_ =	sdelay $0x3  }
0x92: {  	_ =	strace s18  }
0x93: {  	s3 =	sld [smem:$0x3FFC];
	_ =	sdelay $0x3  }
0x94: {  	_ =	strace s3  }
0x95: {  	s3 =	sld [smem:$0x3FFD];
	_ =	sdelay $0x3  }
0x96: {  	_ =	strace s3  }
0x97: {  	_ =	strace $0x8FFFFFFF  }
0x98: {  	s19 =	sld [smem:$0x3FDB];
	_ =	sdelay $0x1  }
0x99: {  	s4 =	simm.s32 $_scs_section_size  }
0x9a: {  	s5 =	simm.s32 $_size__tile_overlayer_lowered;
	s6 =	simm.s32 $_tile_overlayer_lowered  }
0x9b: {  	s22 =	simm.s32 $0x1BFF;
	s21 =	sshll.u32 s6, $0x1;
	s3 =	sadd.s32 s4, s19  }
0x9c: {  	s7 =	simm.s32 $0x0;
	s20 =	sshll.u32 s5, $0x1;
	s5 =	sadd.s32 s21, s3  }
0x9d: {  	[timem:s7], [sflag:s22] =	dma.local [hbm:s5], s20  }
0x9e: {  	_ =	swait.ge [sflag:s22], s20  }
0x9f: {  	s4 =	ssub.s32 $0x0, s20;
	[sflag:s22] =	ssyncset.done $0x0  }
0xa0: {  	[sflag:s22] =	ssyncadd.s32 s4;
	_ =	sdelay $0x1  }
0xa1: {  	s23 =	simm.s32 $0x1B8B  }
0xa2: {  	_ =	swait.ge [sflag:s23], $0x1  }
0xa3: {  	[sflag:s23] =	ssyncset.done $0x0  }
0xa4: {  	s25 =	simm.s32 $0x1B8E;
	s24 =	sld [smem:$0x3FFE];
	[sflag:s23] =	ssyncadd.s32 $0xFFFFFFFF  }
0xa5: {  	s26 =	simm.s32 $execute0_lowered;
	[smem:$0x3FD2] =	sst s25  }
0xa6: {  	s5 =	sshll.u32 s26, $0x1;
	_ =	strace $0x80000049;
	[dreg:$0x1] =	wrdreg $0xFFFFFFFF  }
0xa7: {  	s28 =	simm.s32 $_size_execute0_lowered;
	s3 =	sadd.s32 s3, s5;
	[dreg:$0x0] =	wrdreg $0x0  }
0xa8: {  	s5 =	sshll.u32 s28, $0x1;
	[dreg:$0x2] =	wrdreg s3  }
0xa9: {  	[dreg:$0x3] =	wrdreg s5  }
0xaa: {  	[dreg:$0x4] =	wrdreg $0xC0  }
0xab: {  	_ =	task [dreg:s7], $0x5FFFF  }
0xac: {  	[dreg:$0x1] =	wrdreg $0xFFFFFFFF  }
0xad: {  	[dreg:$0x0] =	wrdreg $0x60  }
0xae: {  	[dreg:$0x2] =	wrdreg s2  }
0xaf: {  	[dreg:$0x3] =	wrdreg s24  }
0xb0: {  	[dreg:$0x4] =	wrdreg $0xC2000  }
0xb1: {  	[dreg:$0x5] =	wrdreg $0x9  }
0xb2: {  	_ =	task.clear_ibuf [dreg:s7], $0x6FFFF;
	_ =	strace $0x90000049  }
0xb3: {  	s29 =	simm.s32 $0x9;
	_ =	strace $0x8000004B  }
0xb4: {  	_ =	swait.ge [sflag:s29], $0x1  }
0xb5: {  	[sflag:s29] =	ssyncadd.s32 $0xFFFFFFFF  }
0xb6: {  	_ =	strace $0x9000004B  }
0xb7: {  	_ =	sfence  }
0xb8: {  	s30 =	sld [smem:$0x0];
	_ =	sdelay $0x2  }
0xb9: {  	s31 =	sshll.u32 s1, $0xD;
	s1 =	sshrl.u32 s1, $0x2  }
0xba: {  	s3 =	sand.u32 $0x4000, s31;
	s1 =	sadd.s32 s1, s30  }
0xbb: {  	s0 =	sor.u32 s3, s0;
	s1 =	sshll.u32 s1, $0x11  }
0xbc: {  	s0 =	sor.u32 s1, s0  }
0xbd: {  	s0 =	sadd.s32 $0x8F2B, s0  }
0xbe: {  	[sflag:s0] =	ssyncadd.remote.s32 $0x1  }
0xbf: {  	_ =	sfence.sel $0xFFFF  }
0xc0: {  	[dreg:$0x0] =	wrdreg $0xFFFFFFFF;
	(pc) =	sbr.abs _section_cstart, $3  }
0xc1: {  	[dreg:$0x1] =	wrdreg $0xFFFFFFFF  }
0xc2: {  	_ =	task.clear_ibuf [dreg:s7], $0x2FFFF;
	_ =	strace $0x9FFFFFFF  }
0xc3: {  	(tm) =	ssettm $0x7FFFFFFF  }
tec
execute0_lowered:
.L_overlay_start_1:
0x0: {  	(tag) =	ssettag $0x1  }
0x1: {  	s1 =	rddreg [dreg:$0x0]  }
0x2: {  	s0 =	rddreg [dreg:$0x1]  }
0x3: {  	s2 =	rddreg [dreg:$0x2];
	s22 =	simm.s32 $0x0;
	s3 =	srdreg.scid  }
0x4: {  	s23 =	stileid.u32;
	s30 =	simm.s32 $0x1;
	[smem:$0x7FF] =	sst s22  }
0x5: {  	s31 =	simm.s32 $0x2;
	s5 =	sadd.s32 $0x9D2200, s0;
	s6 =	sadd.s32 $0x9E5E00, s0  }
0x6: {  	s3 =	sand.u32 $0x1, s3;
	s8 =	sadd.s32 $0x9EFC00, s0;
	s26 =	smul.u32 $0x280, s23  }
0x7: {  	s7 =	sadd.s32 $0x3200, s0;
	s11 =	sadd.s32 $0xA5BC00, s0;
	s14 =	smul.u32 $0x50000, s23  }
0x8: {  	s10 =	sadd.s32 $0x2200, s0;
	s24 =	sadd.s32 $0xA0DA00, s0;
	s21 =	smul.u32 $0x14000, s23  }
0x9: {  	p0 =	seq.s32 s23, $0xF;
	_ =	strace $0x8000004A;
	[dreg:$0x4] =	wrdreg s5  }
0xa: {  	s4 =	sshll.u32 s3, $0x4;
	s13 =	ssub.s32 $0x2, s3;
	[dreg:$0x5] =	wrdreg s24  }
0xb: {  	s4 =	sor.u32 s23, s4;
	s18 =	sshrl.u32 s13, $0x1;
	s19 =	sshrl.u32 s14, $0x2  }
0xc: {  	s14 =	sshll.u32 s26, $0x7;
	s5 =	sadd.s32 $0x230, s26;
	s23 =	simm.s32 $0x50  }
0xd: {  	s9 =	smul.u32 $0x2710, s4;
	s25 =	sadd.s32 s19, s2;
	s15 =	sadd.s32 $0x5000, s14  }
0xe: {  	s16 =	sadd.s32 $0x7800, s14;
	s17 =	sadd.s32 $0xA000, s14;
	s19 =	sadd.s32 $0x1E0, s26  }
0xf: {  	s26 =	smul.u32 $0x138800, s3;
	s20 =	sshll.u32 s5, $0x7;
	s5 =	simm.s32 @p0 $0x27B0  }
0x10: {  	s3 =	sshll.u32 s19, $0x7;
	s20 =	sadd.s32 s20, s2;
	[dreg:$0x6] =	wrdreg s25  }
0x11: {  	s29 =	sadd.s32 s15, s2;
	s19 =	simm.s32 @p0 $0x2760;
	[dreg:$0x9] =	wrdreg s20  }
0x12: {  	s12 =	sshrl.u32 s9, $0x3;
	s3 =	sadd.s32 s3, s2;
	[dreg:$0x7] =	wrdreg s26  }
0x13: {  	[dreg:$0xc] =	wrdreg s29;
	s0 =	sadd.s32 s12, s0;
	s12 =	ssub.s32 s13, s18  }
0x14: {  	s13 =	sor.u32 $0x2800, s14;
	s18 =	smul.u32 $0x27100, s4;
	s14 =	sadd.s32 $0xC800, s14  }
0x15: {  	[dreg:$0x8] =	wrdreg s3;
	s28 =	sadd.s32 s13, s2;
	s0 =	sadd.s32 $0xA03C00, s0  }
0x16: {  	s20 =	sadd.s32 s11, s18;
	s18 =	smul.u32 $0x5000, s4;
	[dreg:$0x16] =	wrdreg s0  }
0x17: {  	s4 =	sadd.s32 s21, s26;
	s21 =	sadd.s32 s26, s15;
	[dreg:$0xb] =	wrdreg s28  }
0x18: {  	s0 =	sshll.u32 @!p0 s19, $0x7;
	s19 =	simm.s32 $0x4;
	[dreg:$0xa] =	wrdreg s20  }
0x19: {  	s20 =	sadd.s32 s26, s13;
	s13 =	sadd.s32 s17, s2;
	[dreg:$0x18] =	wrdreg s0  }
0x1a: {  	s3 =	sshrl.u32 s4, $0x3;
	s0 =	sshll.u32 @!p0 s5, $0x7;
	[dreg:$0x11] =	wrdreg s13  }
0x1b: {  	s4 =	sshrl.u32 s20, $0x3;
	s3 =	sadd.s32 s24, s3;
	[dreg:$0x19] =	wrdreg s0  }
0x1c: {  	s20 =	sshrl.u32 s21, $0x3;
	s21 =	sadd.s32 s16, s2;
	[dreg:$0xd] =	wrdreg s3  }
0x1d: {  	s0 =	simm.s32 $0x3;
	s15 =	sadd.s32 s24, s4;
	[dreg:$0x10] =	wrdreg s21  }
0x1e: {  	s13 =	simm.s32 $0x9A80;
	s3 =	sadd.s32 s24, s20;
	[dreg:$0xe] =	wrdreg s15  }
0x1f: {  	s4 =	sadd.s32 s26, s16;
	s16 =	sadd.s32 s14, s2;
	[dreg:$0xf] =	wrdreg s3  }
0x20: {  	s3 =	sshrl.u32 s4, $0x3;
	s15 =	sadd.s32 s26, s17;
	[dreg:$0x12] =	wrdreg s16  }
0x21: {  	s17 =	sadd.s32 s26, s14;
	s26 =	smax.u32 s12, $0x1;
	s16 =	simm.s32 $0x6  }
0x22: {  	s4 =	sshrl.u32 s15, $0x3;
	s3 =	sadd.s32 s24, s3;
	s21 =	sshrl.u32 s17, $0x3  }
0x23: {  	[dreg:$0x17] =	wrdreg s26;
	s17 =	simm.s32 $0x7800;
	s26 =	simm.s32 $0x0  }
0x24: {  	[dreg:$0x13] =	wrdreg s3;
	s20 =	sadd.s32 s24, s4;
	s3 =	sadd.s32 s24, s21  }
0x25: {  	s21 =	simm.s32 $0x8000;
	s24 =	simm.s32 $0x5;
	[dreg:$0x14] =	wrdreg s20  }
0x26: {  	v0 =	vimm.f32 $0.0e+00;
	s4 =	simm.s32 $0x0;
	[dreg:$0x15] =	wrdreg s3;
	s20 =	simm.s32 $0x9A00  }
.LBB2_1:
0x27: {  	[dreg:$0x1a] =	wrdreg s4;
	s3 =	simm.s32 $0x0  }
.LBB2_2:
0x28: {  	p1 =	sne.s32 s3, $0x9C00  }
.Ltmp0:
0x29: {  	_ = 	snop;
	(pc) =	sbr.rel @p1 .LBB2_2-.Ltmp0, $3  }
0x2a: {  	_ =	sdelay $0x1  }
0x2b: {  	s4 =	sshra.s32 s3, $0x2  }
0x2c: {  	s3 =	sadd.s32 $0x40, s3;
	[tilespmem:s4+$0x9A80] =	vst v0  }
0x2d: {  	s3 =	simm.s32 $0x0;
	s4 =	simm.s32 $0x200  }
.LBB2_4:
0x2e: {  	p1 =	sne.s32 s4, $0x9E00;
	[tilespmem:s3+$0x70] =	vst v0  }
0x2f: {  	[tilespmem:s3+$0x0] =	vst v0  }
0x30: {  	[tilespmem:s3+$0x10] =	vst v0  }
.Ltmp1:
0x31: {  	[tilespmem:s3+$0x20] =	vst v0;
	(pc) =	sbr.rel @p1 .LBB2_4-.Ltmp1, $4  }
0x32: {  	[tilespmem:s3+$0x30] =	vst v0  }
0x33: {  	[tilespmem:s3+$0x40] =	vst v0  }
0x34: {  	[tilespmem:s3+$0x50] =	vst v0  }
0x35: {  	[tilespmem:s3+$0x60] =	vst v0;
	s3 =	sshra.s32 s4, $0x2;
	s4 =	sadd.s32 $0x200, s4  }
0x36: {  	[tilespmem:s3+$0x70] =	vst v0  }
0x37: {  	[tilespmem:s3+$0x0] =	vst v0  }
0x38: {  	[tilespmem:s3+$0x10] =	vst v0  }
0x39: {  	[tilespmem:s3+$0x20] =	vst v0  }
0x3a: {  	[tilespmem:s3+$0x30] =	vst v0  }
0x3b: {  	[tilespmem:s3+$0x40] =	vst v0  }
0x3c: {  	[tilespmem:s3+$0x50] =	vst v0  }
0x3d: {  	[tilespmem:s3+$0x60] =	vst v0  }
0x3e: {  	[spmem:s25] =	stream.linear.scatter [tilespmem:s22], [sflag:$0x6], $0x2800, $0x38;
	[tilespmem:$0x1FA80] =	vst v63  }
0x3f: {  	_ =	swait.ge [sflag:s16], $0x2800  }
0x40: {  	[sflag:s16] =	ssyncset.done $0x0  }
0x41: {  	[sflag:s16] =	ssyncadd.s32 $0xFFFFD800  }
0x42: {  	[spmem:s28] =	stream.linear.scatter [tilespmem:s22], [sflag:$0x6], $0x2800, $0x38;
	[tilespmem:$0x1FA80] =	vst v63  }
0x43: {  	_ =	swait.ge [sflag:s16], $0x2800  }
0x44: {  	[sflag:s16] =	ssyncset.done $0x0  }
0x45: {  	[sflag:s16] =	ssyncadd.s32 $0xFFFFD800  }
0x46: {  	[spmem:s29] =	stream.linear.scatter [tilespmem:s22], [sflag:$0x6], $0x2800, $0x38;
	[tilespmem:$0x1FA80] =	vst v63  }
0x47: {  	_ =	swait.ge [sflag:s16], $0x2800  }
0x48: {  	[sflag:s16] =	ssyncset.done $0x0  }
0x49: {  	s15 =	rddreg [dreg:$0x10];
	[sflag:s16] =	ssyncadd.s32 $0xFFFFD800  }
0x4a: {  	[spmem:s15] =	stream.linear.scatter [tilespmem:s22], [sflag:$0x6], $0x2800, $0x38;
	[tilespmem:$0x1FA80] =	vst v63  }
0x4b: {  	_ =	swait.ge [sflag:s16], $0x2800  }
0x4c: {  	[sflag:s16] =	ssyncset.done $0x0  }
0x4d: {  	s25 =	rddreg [dreg:$0x11];
	[sflag:s16] =	ssyncadd.s32 $0xFFFFD800  }
0x4e: {  	[spmem:s25] =	stream.linear.scatter [tilespmem:s22], [sflag:$0x6], $0x2800, $0x38;
	[tilespmem:$0x1FA80] =	vst v63  }
0x4f: {  	_ =	swait.ge [sflag:s16], $0x2800  }
0x50: {  	[sflag:s16] =	ssyncset.done $0x0  }
0x51: {  	s3 =	simm.s32 @!p0 $0x0;
	s4 =	rddreg [dreg:$0x12];
	[sflag:s16] =	ssyncadd.s32 $0xFFFFD800  }
0x52: {  	[spmem:s4] =	stream.linear.scatter @!p0 [tilespmem:s3], [sflag:$0x6], $0x2800, $0x38;
	[tilespmem:$0x1FA80] =	vst v63  }
0x53: {  	s4 =	simm.s32 @!p0 $0x6  }
0x54: {  	_ =	swait.ge @!p0 [sflag:s4], $0x2800  }
0x55: {  	[sflag:s4] =	ssyncset.done @!p0 $0x0  }
0x56: {  	s5 =	rddreg [dreg:$0x8];
	[sflag:s4] =	ssyncadd.s32 @!p0 $0xFFFFD800  }
0x57: {  	[spmem:s5] =	stream.linear.scatter @!p0 [tilespmem:s3], [sflag:$0x6], $0x2800, $0x38;
	[tilespmem:$0x1FA80] =	vst v63  }
0x58: {  	_ =	swait.ge @!p0 [sflag:s4], $0x2800  }
0x59: {  	[sflag:s4] =	ssyncset.done @!p0 $0x0  }
0x5a: {  	s5 =	rddreg [dreg:$0x9];
	[sflag:s4] =	ssyncadd.s32 @!p0 $0xFFFFD800  }
0x5b: {  	[spmem:s5] =	stream.linear.scatter @!p0 [tilespmem:s3], [sflag:$0x6], $0x2800, $0x38;
	[tilespmem:$0x1FA80] =	vst v63  }
0x5c: {  	_ =	swait.ge @!p0 [sflag:s4], $0x2800  }
0x5d: {  	[sflag:s4] =	ssyncset.done @!p0 $0x0  }
0x5e: {  	[sflag:s4] =	ssyncadd.s32 @!p0 $0xFFFFD800  }
0x5f: {  	[bflag:$0x0] =	sbarrier.arrive $0xFFFF  }
0x60: {  	s29 =	simm.s32 $0x5000;
	s4 =	simm.s32 $0x0;
	s28 =	rddreg [dreg:$0xa]  }
0x61: {  	[tilespmem:s29], [sflag:$0x4] =	stream.linear.gather [hbm4b:s28+s26], $0x2800, $0x38;
	[tilespmem:$0x1FA80] =	vst v63  }
.LBB2_6:
0x62: {  	s3 =	smul.u32 $0x7D0, s4;
	_ =	sdelay $0x1  }
0x63: {  	s3 =	sadd.s32 s9, s3  }
0x64: {  	s5 =	sshrl.u32 s3, $0x3  }
0x65: {  	s15 =	sshll.u32 s4, $0xC;
	s12 =	sadd.s32 s6, s5  }
0x66: {  	[tilespmem:s17], [sflag:$0x6] =	stream.linear.gather [hbm4b:s12+s26], $0x7D0, $0x38;
	[tilespmem:$0x1FA80] =	vst v63  }
0x67: {  	s12 =	sadd.s32 s18, s15;
	_ =	swait.ge [sflag:s16], $0x7D0  }
0x68: {  	s12 =	sshrl.u32 s12, $0x3;
	[sflag:s16] =	ssyncset.done $0x0  }
0x69: {  	s12 =	sadd.s32 s8, s12;
	[sflag:s16] =	ssyncadd.s32 $0xFFFFF830  }
0x6a: {  	[tilespmem:s21], [sflag:$0x6] =	stream.linear.gather [hbm4b:s12+s26], $0xC80, $0x38;
	[tilespmem:$0x1FA80] =	vst v63  }
0x6b: {  	_ =	swait.ge [sflag:s16], $0xC80  }
0x6c: {  	[sflag:s16] =	ssyncset.done $0x0;
	s22 =	rddreg [dreg:$0x4]  }
0x6d: {  	s25 =	simm.s32 $0x9000;
	[sflag:s16] =	ssyncadd.s32 $0xFFFFF380;
	s5 =	sadd.s32 s22, s5  }
0x6e: {  	[tilespmem:s25], [sflag:$0x6] =	stream.linear.gather [hbm4b:s5+s26], $0x7D0, $0x38;
	[tilespmem:$0x1FA80] =	vst v63  }
0x6f: {  	_ =	swait.ge [sflag:s16], $0x7D0  }
0x70: {  	[sflag:s16] =	ssyncset.done $0x0  }
0x71: {  	[sflag:s16] =	ssyncadd.s32 $0xFFFFF830  }
0x72: {  	[tilespmem:s26], [sflag:$0x1] =	stream.indirect.gather [hbm4b:s1+s23], $0x80, s17, s23, $0xb8;
	[tilespmem:$0x1FA80] =	vst v63  }
0x73: {  	s28 =	simm.s32 $0x9800;
	s29 =	simm.s32 $0x9900;
	p1 =	por $0x0, $0x0  }
0x74: {  	[tilespmem:s28], [sflag:$0x2] =	stream.indirect.gather [hbm4b:s7+s23], $0x1, s17, s23, $0xb8;
	[tilespmem:$0x1FA80] =	vst v63  }
0x75: {  	s14 =	simm.s32 $0x0;
	s15 =	smul.u32 $0x19, s4;
	s12 =	sadd.s32 $0x50, s3  }
0x76: {  	[tilespmem:s29], [sflag:$0x3] =	stream.indirect.gather [hbm4b:s10+s23], $0x1, s21, s23, $0xb8;
	[tilespmem:$0x1FA80] =	vst v63  }
.LBB2_7:
0x77: {  	_ =	swait.ge [sflag:s30], $0x2800  }
0x78: {  	[sflag:s30] =	ssyncset.done $0x0  }
0x79: {  	[sflag:s30] =	ssyncadd.s32 $0xFFFFD800  }
0x7a: {  	_ =	swait.ge [sflag:s31], $0x50  }
0x7b: {  	[sflag:s31] =	ssyncset.done $0x0  }
0x7c: {  	[sflag:s31] =	ssyncadd.s32 $0xFFFFFFB0  }
0x7d: {  	s3 =	sand.u32 $0x1, s14;
	_ =	swait.ge [sflag:s0], $0x50  }
0x7e: {  	s5 =	smul.u32 $0x50, s3;
	[sflag:s0] =	ssyncset.done $0x0  }
0x7f: {  	[sflag:s0] =	ssyncadd.s32 $0xFFFFFFB0  }
0x80: {  	s22 =	smul.u32 $0x140, s14;
	v1 =	vld [tilespmem:s5+$0x9800]  }
0x81: {  	v2 =	vld [tilespmem:s5+$0x9900]  }
0x82: {  	s22 =	sshra.s32 s22, $0x2  }
0x83: {  	v3 =	vld [tilespmem:s22+$0x9000];
	_ =	sdelay $0x2  }
0x84: {  	v1 =	vadd.f32 v2, v1;
	_ =	sdelay $0x1  }
0x85: {  	v1 =	vadd.f32 v3, v1;
	_ =	sdelay $0x1  }
0x86: {  	v2 =	vmul.f32 $2.000000030e-01, v1;
	_ =	sdelay $0x1  }
0x87: {  	v1 =	vmax.f32 v1, v2  }
0x88: {  	v1 =	vmul.f32 $1.442695020e+00, v1;
	_ =	sdelay $0x1  }
0x89: {  	(erf) = vpow2.f32 v1;
	_ =	sdelay $0x8  }
0x8a: {  	s25 =	sshll.u32 s14, $0x7;
	v1 =	vpop (erf)  }
0x8b: {  	s25 =	sand.u32 $0x3FFFFF80, s25;
	[tilespmem:$0x9A00] =	vst v1  }
0x8c: {  	v2 =	vld [tilespmem:s25+$0x8000];
	_ =	sdelay $0x7  }
0x8d: {  	[tilespmem:v2+s13+$0x0] =	vst.idx.add.f32.msk $0xffff, v1  }
0x8e: {  	v1 =	vld [tilespmem:s5+$0x9810]  }
0x8f: {  	v2 =	vld [tilespmem:s5+$0x9910];
	_ =	sdelay $0x1  }
0x90: {  	v3 =	vld [tilespmem:s22+$0x9010];
	_ =	sdelay $0x2  }
0x91: {  	v1 =	vadd.f32 v2, v1;
	_ =	sdelay $0x1  }
0x92: {  	v1 =	vadd.f32 v3, v1;
	_ =	sdelay $0x1  }
0x93: {  	v2 =	vmul.f32 $2.000000030e-01, v1;
	_ =	sdelay $0x1  }
0x94: {  	v1 =	vmax.f32 v1, v2  }
0x95: {  	v1 =	vmul.f32 $1.442695020e+00, v1;
	_ =	sdelay $0x1  }
0x96: {  	(erf) = vpow2.f32 v1;
	_ =	sdelay $0x8  }
0x97: {  	v1 =	vpop (erf)  }
0x98: {  	[tilespmem:$0x9A10] =	vst v1  }
0x99: {  	v2 =	vld [tilespmem:s25+$0x8010];
	_ =	sdelay $0x7  }
0x9a: {  	[tilespmem:v2+s13+$0x0] =	vst.idx.add.f32.msk $0xffff, v1  }
0x9b: {  	v1 =	vld [tilespmem:s5+$0x9820]  }
0x9c: {  	v2 =	vld [tilespmem:s5+$0x9920];
	_ =	sdelay $0x1  }
0x9d: {  	v3 =	vld [tilespmem:s22+$0x9020];
	_ =	sdelay $0x2  }
0x9e: {  	v1 =	vadd.f32 v2, v1;
	_ =	sdelay $0x1  }
0x9f: {  	v1 =	vadd.f32 v3, v1;
	_ =	sdelay $0x1  }
0xa0: {  	v2 =	vmul.f32 $2.000000030e-01, v1;
	_ =	sdelay $0x1  }
0xa1: {  	v1 =	vmax.f32 v1, v2  }
0xa2: {  	v1 =	vmul.f32 $1.442695020e+00, v1;
	_ =	sdelay $0x1  }
0xa3: {  	(erf) = vpow2.f32 v1;
	_ =	sdelay $0x8  }
0xa4: {  	v1 =	vpop (erf)  }
0xa5: {  	[tilespmem:$0x9A20] =	vst v1  }
0xa6: {  	v2 =	vld [tilespmem:s25+$0x8020];
	_ =	sdelay $0x7  }
0xa7: {  	[tilespmem:v2+s13+$0x0] =	vst.idx.add.f32.msk $0xffff, v1  }
0xa8: {  	v1 =	vld [tilespmem:s5+$0x9830]  }
0xa9: {  	v2 =	vld [tilespmem:s5+$0x9930];
	_ =	sdelay $0x1  }
0xaa: {  	v3 =	vld [tilespmem:s22+$0x9030];
	_ =	sdelay $0x2  }
0xab: {  	v1 =	vadd.f32 v2, v1;
	_ =	sdelay $0x1  }
0xac: {  	v1 =	vadd.f32 v3, v1;
	_ =	sdelay $0x1  }
0xad: {  	v2 =	vmul.f32 $2.000000030e-01, v1;
	_ =	sdelay $0x1  }
0xae: {  	v1 =	vmax.f32 v1, v2  }
0xaf: {  	v1 =	vmul.f32 $1.442695020e+00, v1;
	_ =	sdelay $0x1  }
0xb0: {  	(erf) = vpow2.f32 v1;
	_ =	sdelay $0x8  }
0xb1: {  	v1 =	vpop (erf)  }
0xb2: {  	[tilespmem:$0x9A30] =	vst v1  }
0xb3: {  	v2 =	vld [tilespmem:s25+$0x8030];
	_ =	sdelay $0x7  }
0xb4: {  	[tilespmem:v2+s13+$0x0] =	vst.idx.add.f32.msk $0xffff, v1  }
0xb5: {  	v1 =	vld [tilespmem:s5+$0x9840]  }
0xb6: {  	v2 =	vld [tilespmem:s5+$0x9940];
	_ =	sdelay $0x1  }
0xb7: {  	v3 =	vld [tilespmem:s22+$0x9040];
	_ =	sdelay $0x2  }
0xb8: {  	v1 =	vadd.f32 v2, v1;
	_ =	sdelay $0x1  }
0xb9: {  	v1 =	vadd.f32 v3, v1;
	_ =	sdelay $0x1  }
0xba: {  	v2 =	vmul.f32 $2.000000030e-01, v1;
	_ =	sdelay $0x1  }
0xbb: {  	v1 =	vmax.f32 v1, v2  }
0xbc: {  	v1 =	vmul.f32 $1.442695020e+00, v1;
	_ =	sdelay $0x1  }
0xbd: {  	(erf) = vpow2.f32 v1;
	_ =	sdelay $0x8  }
0xbe: {  	v1 =	vpop (erf)  }
0xbf: {  	[tilespmem:$0x9A40] =	vst v1  }
0xc0: {  	v2 =	vld [tilespmem:s25+$0x8040];
	_ =	sdelay $0x6  }
0xc1: {  	p2 =	seq.s32 s14, $0x0  }
0xc2: {  	s5 =	simm.s32 @!p2 $0x5;
	[tilespmem:v2+s13+$0x0] =	vst.idx.add.f32.msk $0xffff, v1  }
0xc3: {  	p3 =	seq.s32 @!p2 s14, $0x18;
	_ =	swait.ge @!p2 [sflag:s5], $0x2800  }
0xc4: {  	p3 =	por p2, !p3;
	[sflag:s5] =	ssyncset.done @!p2 $0x0  }
0xc5: {  	[sflag:s5] =	ssyncadd.s32 @!p2 $0xFFFFD800;
	s5 =	sadd.s32 @p3 $0x1, s14  }
0xc6: {  	s22 =	sxor.u32 @p3 $0x1, s3;
	s28 =	smul.u32 @p3 $0x140, s5  }
0xc7: {  	s29 =	smul.u32 @p3 $0xA000, s22  }
0xc8: {  	s22 =	smul.u32 @p3 $0x50, s22;
	s28 =	sshra.s32 @p3 s28, $0x2  }
0xc9: {  	s29 =	sshrl.u32 @p3 s29, $0x2;
	s5 =	sshll.u32 @p3 s5, $0x7;
	s28 =	sadd.s32 @p3 $0x7800, s28  }
0xca: {  	[tilespmem:s29], [sflag:$0x1] =	stream.indirect.gather @p3 [hbm4b:s1+s23], $0x80, s28, s23, $0xb8;
	[tilespmem:$0x1FA80] =	vst v63  }
0xcb: {  	s5 =	sand.u32 @p3 $0x3FFFFF80, s5;
	s29 =	sor.u32 @p3 $0x9800, s22  }
0xcc: {  	[tilespmem:s29], [sflag:$0x2] =	stream.indirect.gather @p3 [hbm4b:s7+s23], $0x1, s28, s23, $0xb8;
	[tilespmem:$0x1FA80] =	vst v63  }
0xcd: {  	s5 =	sadd.s32 @p3 $0x8000, s5;
	s22 =	sor.u32 @p3 $0x9900, s22  }
0xce: {  	[tilespmem:s22], [sflag:$0x3] =	stream.indirect.gather @p3 [hbm4b:s10+s23], $0x1, s5, s23, $0xb8;
	[tilespmem:$0x1FA80] =	vst v63  }
0xcf: {  	s5 =	simm.s32 $0x1  }
0xd0: {  	s5 =	simm.s32 @!p1 $0x0  }
0xd1: {  	s22 =	simm.s32 $0x0;
	_ =	swait.ge [sflag:s19], $0x2800;
	s5 =	smul.u32 $0xA000, s5  }
0xd2: {  	v1 =	vmov s22;
	[sflag:s19] =	ssyncset.done $0x0  }
0xd3: {  	s22 =	simm.s32 $0x5040;
	[sflag:s19] =	ssyncadd.s32 $0xFFFFD800;
	s5 =	sshrl.u32 s5, $0x2  }
0xd4: {  	v3 =	vld [tilespmem:s22+$0xFFFFFFC0];
	s28 =	sor.u32 $0x40, s5  }
0xd5: {  	v2 =	vld [tilespmem:s28+$0xFFFFFFC0];
	_ =	sdelay $0x1  }
0xd6: {  	v1 =	vld.idx.msk [tilespmem:v1+s20+$0x0], $0xffff;
	_ =	sdelay $0x2  }
0xd7: {  	v2 =	vadd.f32 v3, v2;
	_ =	sdelay $0x1  }
0xd8: {  	v2 =	vmul.f32 v2, v1;
	_ =	sdelay $0x1  }
0xd9: {  	[tilespmem:s28+$0xFFFFFFC0] =	vst v2;
	v2 =	vld [tilespmem:s28+$0xFFFFFFD0]  }
0xda: {  	v3 =	vld [tilespmem:s22+$0xFFFFFFD0];
	_ =	sdelay $0x4  }
0xdb: {  	v2 =	vadd.f32 v3, v2;
	_ =	sdelay $0x1  }
0xdc: {  	v2 =	vmul.f32 v2, v1;
	_ =	sdelay $0x1  }
0xdd: {  	[tilespmem:s28+$0xFFFFFFD0] =	vst v2;
	v2 =	vld [tilespmem:s28+$0xFFFFFFE0]  }
0xde: {  	v3 =	vld [tilespmem:s22+$0xFFFFFFE0];
	_ =	sdelay $0x4  }
0xdf: {  	v2 =	vadd.f32 v3, v2;
	_ =	sdelay $0x1  }
0xe0: {  	v2 =	vmul.f32 v2, v1;
	_ =	sdelay $0x1  }
0xe1: {  	[tilespmem:s28+$0xFFFFFFE0] =	vst v2;
	v2 =	vld [tilespmem:s28+$0xFFFFFFF0]  }
0xe2: {  	v3 =	vld [tilespmem:s22+$0xFFFFFFF0];
	_ =	sdelay $0x4  }
0xe3: {  	v2 =	vadd.f32 v3, v2;
	_ =	sdelay $0x1  }
0xe4: {  	v2 =	vmul.f32 v2, v1;
	_ =	sdelay $0x1  }
0xe5: {  	[tilespmem:s28+$0xFFFFFFF0] =	vst v2;
	v2 =	vld [tilespmem:s28+$0x0]  }
0xe6: {  	v3 =	vld [tilespmem:s22+$0x0];
	_ =	sdelay $0x4  }
0xe7: {  	v2 =	vadd.f32 v3, v2;
	_ =	sdelay $0x1  }
0xe8: {  	v2 =	vmul.f32 v2, v1;
	_ =	sdelay $0x1  }
0xe9: {  	[tilespmem:s28+$0x0] =	vst v2;
	v2 =	vld [tilespmem:s28+$0x10]  }
0xea: {  	v3 =	vld [tilespmem:s22+$0x10];
	_ =	sdelay $0x4  }
0xeb: {  	v2 =	vadd.f32 v3, v2;
	_ =	sdelay $0x1  }
0xec: {  	v2 =	vmul.f32 v2, v1;
	_ =	sdelay $0x1  }
0xed: {  	[tilespmem:s28+$0x10] =	vst v2;
	v2 =	vld [tilespmem:s28+$0x20]  }
0xee: {  	v3 =	vld [tilespmem:s22+$0x20];
	_ =	sdelay $0x4  }
0xef: {  	v2 =	vadd.f32 v3, v2;
	_ =	sdelay $0x1  }
0xf0: {  	v2 =	vmul.f32 v2, v1;
	_ =	sdelay $0x1  }
0xf1: {  	[tilespmem:s28+$0x20] =	vst v2;
	v2 =	vld [tilespmem:s28+$0x30]  }
0xf2: {  	v3 =	vld [tilespmem:s22+$0x30];
	_ =	sdelay $0x4  }
0xf3: {  	s5 =	simm.s32 $0x1;
	v3 =	vadd.f32 v3, v2  }
0xf4: {  	s25 =	sadd.s32 $0x8000, s25;
	s29 =	smov.u32 s28;
	v2 =	vmov s5;
	s5 =	simm.s32 $0x2  }
.LBB2_8:
0xf5: {  	p2 =	sne.s32 s5, $0x4F;
	v1 =	vmul.f32 v3, v1  }
0xf6: {  	s28 =	sadd.s32 $0x80, s28  }
0xf7: {  	s22 =	sadd.s32 $0x80, s22;
	v3 =	vld [tilespmem:s28+$0xFFFFFFC0];
	[tilespmem:s29+$0x30] =	vst v1;
	s29 =	smov.u32 s28  }
0xf8: {  	v4 =	vld [tilespmem:s22+$0xFFFFFFC0]  }
0xf9: {  	v1 =	vld.idx.msk [tilespmem:v2+s20+$0x0], $0xffff;
	_ =	sdelay $0x3  }
0xfa: {  	v2 =	vadd.f32 v4, v3;
	_ =	sdelay $0x1  }
0xfb: {  	v2 =	vmul.f32 v2, v1;
	_ =	sdelay $0x1  }
0xfc: {  	[tilespmem:s28+$0xFFFFFFC0] =	vst v2;
	v2 =	vld [tilespmem:s28+$0xFFFFFFD0]  }
0xfd: {  	v3 =	vld [tilespmem:s22+$0xFFFFFFD0];
	_ =	sdelay $0x4  }
0xfe: {  	v2 =	vadd.f32 v3, v2;
	_ =	sdelay $0x1  }
0xff: {  	v2 =	vmul.f32 v2, v1;
	_ =	sdelay $0x1  }
0x100: {  	[tilespmem:s28+$0xFFFFFFD0] =	vst v2;
	v2 =	vld [tilespmem:s28+$0xFFFFFFE0]  }
0x101: {  	v3 =	vld [tilespmem:s22+$0xFFFFFFE0];
	_ =	sdelay $0x4  }
0x102: {  	v2 =	vadd.f32 v3, v2;
	_ =	sdelay $0x1  }
0x103: {  	v2 =	vmul.f32 v2, v1;
	_ =	sdelay $0x1  }
0x104: {  	[tilespmem:s28+$0xFFFFFFE0] =	vst v2;
	v2 =	vld [tilespmem:s28+$0xFFFFFFF0]  }
0x105: {  	v3 =	vld [tilespmem:s22+$0xFFFFFFF0];
	_ =	sdelay $0x4  }
0x106: {  	v2 =	vadd.f32 v3, v2;
	_ =	sdelay $0x1  }
0x107: {  	v2 =	vmul.f32 v2, v1;
	_ =	sdelay $0x1  }
0x108: {  	[tilespmem:s28+$0xFFFFFFF0] =	vst v2;
	v2 =	vld [tilespmem:s28+$0x0]  }
0x109: {  	v3 =	vld [tilespmem:s22+$0x0];
	_ =	sdelay $0x4  }
0x10a: {  	v2 =	vadd.f32 v3, v2;
	_ =	sdelay $0x1  }
0x10b: {  	v2 =	vmul.f32 v2, v1;
	_ =	sdelay $0x1  }
0x10c: {  	[tilespmem:s28+$0x0] =	vst v2;
	v2 =	vld [tilespmem:s28+$0x10]  }
0x10d: {  	v3 =	vld [tilespmem:s22+$0x10];
	_ =	sdelay $0x4  }
0x10e: {  	v2 =	vadd.f32 v3, v2;
	_ =	sdelay $0x1  }
0x10f: {  	v2 =	vmul.f32 v2, v1;
	_ =	sdelay $0x1  }
0x110: {  	[tilespmem:s28+$0x10] =	vst v2;
	v2 =	vld [tilespmem:s28+$0x20]  }
0x111: {  	v3 =	vld [tilespmem:s22+$0x20];
	_ =	sdelay $0x4  }
0x112: {  	v2 =	vadd.f32 v3, v2;
	_ =	sdelay $0x1  }
0x113: {  	v2 =	vmul.f32 v2, v1;
	_ =	sdelay $0x1  }
0x114: {  	[tilespmem:s28+$0x20] =	vst v2;
	v2 =	vld [tilespmem:s28+$0x30]  }
0x115: {  	v3 =	vld [tilespmem:s22+$0x30];
	_ =	sdelay $0x1  }
.Ltmp2:
0x116: {  	(pc) =	sbr.rel @p2 .LBB2_8-.Ltmp2, $3  }
0x117: {  	_ =	sdelay $0x1  }
0x118: {  	v3 =	vadd.f32 v3, v2  }
0x119: {  	v2 =	vmov s5;
	s5 =	sadd.s32 $0x1, s5  }
0x11a: {  	v1 =	vmul.f32 v3, v1  }
0x11b: {  	s5 =	sadd.s32 $0x80, s28  }
0x11c: {  	s22 =	sadd.s32 $0x80, s22;
	v3 =	vld [tilespmem:s5+$0xFFFFFFC0];
	[tilespmem:s29+$0x30] =	vst v1  }
0x11d: {  	v1 =	vld [tilespmem:s22+$0xFFFFFFC0];
	_ =	sdelay $0x1  }
0x11e: {  	v2 =	vld.idx.msk [tilespmem:v2+s20+$0x0], $0xffff;
	_ =	sdelay $0x2  }
0x11f: {  	v1 =	vadd.f32 v1, v3;
	_ =	sdelay $0x1  }
0x120: {  	v1 =	vmul.f32 v1, v2;
	_ =	sdelay $0x1  }
0x121: {  	[tilespmem:s5+$0xFFFFFFC0] =	vst v1;
	v1 =	vld [tilespmem:s5+$0xFFFFFFD0]  }
0x122: {  	v3 =	vld [tilespmem:s22+$0xFFFFFFD0];
	_ =	sdelay $0x4  }
0x123: {  	v1 =	vadd.f32 v3, v1;
	_ =	sdelay $0x1  }
0x124: {  	v1 =	vmul.f32 v1, v2;
	_ =	sdelay $0x1  }
0x125: {  	[tilespmem:s5+$0xFFFFFFD0] =	vst v1;
	v1 =	vld [tilespmem:s5+$0xFFFFFFE0]  }
0x126: {  	v3 =	vld [tilespmem:s22+$0xFFFFFFE0];
	_ =	sdelay $0x4  }
0x127: {  	v1 =	vadd.f32 v3, v1;
	_ =	sdelay $0x1  }
0x128: {  	v1 =	vmul.f32 v1, v2;
	_ =	sdelay $0x1  }
0x129: {  	[tilespmem:s5+$0xFFFFFFE0] =	vst v1;
	v1 =	vld [tilespmem:s5+$0xFFFFFFF0]  }
0x12a: {  	v3 =	vld [tilespmem:s22+$0xFFFFFFF0];
	_ =	sdelay $0x4  }
0x12b: {  	v1 =	vadd.f32 v3, v1;
	_ =	sdelay $0x1  }
0x12c: {  	v1 =	vmul.f32 v1, v2;
	_ =	sdelay $0x1  }
0x12d: {  	[tilespmem:s5+$0xFFFFFFF0] =	vst v1;
	v1 =	vld [tilespmem:s5+$0x0]  }
0x12e: {  	v3 =	vld [tilespmem:s22+$0x0];
	_ =	sdelay $0x4  }
0x12f: {  	v1 =	vadd.f32 v3, v1;
	_ =	sdelay $0x1  }
0x130: {  	v1 =	vmul.f32 v1, v2;
	_ =	sdelay $0x1  }
0x131: {  	[tilespmem:s5+$0x0] =	vst v1;
	v1 =	vld [tilespmem:s5+$0x10]  }
0x132: {  	v3 =	vld [tilespmem:s22+$0x10];
	_ =	sdelay $0x4  }
0x133: {  	v1 =	vadd.f32 v3, v1;
	_ =	sdelay $0x1  }
0x134: {  	v1 =	vmul.f32 v1, v2;
	_ =	sdelay $0x1  }
0x135: {  	[tilespmem:s5+$0x10] =	vst v1;
	v1 =	vld [tilespmem:s5+$0x20]  }
0x136: {  	v3 =	vld [tilespmem:s22+$0x20];
	_ =	sdelay $0x4  }
0x137: {  	v1 =	vadd.f32 v3, v1;
	_ =	sdelay $0x1  }
0x138: {  	v1 =	vmul.f32 v1, v2;
	_ =	sdelay $0x1  }
0x139: {  	[tilespmem:s5+$0x20] =	vst v1;
	v1 =	vld [tilespmem:s5+$0x30]  }
0x13a: {  	v3 =	vld [tilespmem:s22+$0x30];
	_ =	sdelay $0x2  }
0x13b: {  	s29 =	sadd.s32 s15, s14  }
0x13c: {  	p2 =	sgt.u32 s29, $0x7B  }
0x13d: {  	s22 =	smul.u32 @!p2 $0x50, s14;
	v1 =	vadd.f32 v3, v1;
	_ =	sdelay $0x1  }
0x13e: {  	s22 =	sadd.s32 @!p2 s22, s12;
	v1 =	vmul.f32 v1, v2  }
0x13f: {  	s28 =	simm.s32 @!p2 $0x5000;
	s22 =	sshll.u32 @!p2 s22, $0x4  }
0x140: {  	s14 =	sadd.s32 $0x1, s14;
	s22 =	sadd.s32 @!p2 s11, s22;
	[tilespmem:s5+$0x30] =	vst v1;
	s5 =	simm.s32 @!p2 $0x0  }
0x141: {  	[tilespmem:s28], [sflag:$0x4] =	stream.linear.gather @!p2 [hbm4b:s22+s5], $0x2800, $0x38;
	[tilespmem:$0x1FA80] =	vst v63  }
0x142: {  	p2 =	sne.s32 s14, $0x19  }
.Ltmp3:
0x143: {  	_ = 	snop;
	(pc) =	sbr.rel @p2 .LBB2_7-.Ltmp3, $3  }
0x144: {  	s3 =	smul.u32 $0xA000, s3;
	_ =	sdelay $0x1  }
0x145: {  	p1 =	por !p1, !p1;
	s3 =	sshrl.u32 s3, $0x2  }
0x146: {  	[spmem:s2] =	stream.indirect.scatter.add.f32 [tilespmem:s3], [sflag:$0x5], $0x80, s25, s23, $0xb8;
	[tilespmem:$0x1FA80] =	vst v63  }
0x147: {  	s4 =	sadd.s32 $0x1, s4  }
0x148: {  	p1 =	sne.s32 s4, $0x5  }
.Ltmp4:
0x149: {  	_ = 	snop;
	(pc) =	sbr.rel @p1 .LBB2_6-.Ltmp4, $4  }
0x14a: {  	_ = 	snop  }
0x14b: {  	_ =	swait.ge [sflag:s24], $0x2800  }
0x14c: {  	[sflag:s24] =	ssyncset.done $0x0  }
0x14d: {  	[sflag:s24] =	ssyncadd.s32 $0xFFFFD800  }
0x14e: {  	s3 =	stileid.u32;
	[bflag:$0x0] =	sbarrier.arrive $0xFFFF  }
0x14f: {  	s3 =	sshll.u32 s3, $0x6;
	s25 =	rddreg [dreg:$0x6]  }
0x150: {  	s5 =	rddreg [dreg:$0xd];
	s3 =	sor.u32 $0x1C06, s3;
	s4 =	sshrl.u32 s25, $0x3  }
0x151: {  	[hbm:s5], [sflag:s3] =	dma.local [spmem:s4], $0x500  }
0x152: {  	_ =	swait.ge [sflag:s16], $0x500  }
0x153: {  	[sflag:s16] =	ssyncset.done $0x0;
	s28 =	rddreg [dreg:$0xb]  }
0x154: {  	s14 =	rddreg [dreg:$0xe];
	[sflag:s16] =	ssyncadd.s32 $0xFFFFFB00;
	s12 =	sshrl.u32 s28, $0x3  }
0x155: {  	[hbm:s14], [sflag:s3] =	dma.local [spmem:s12], $0x500  }
0x156: {  	_ =	swait.ge [sflag:s16], $0x500  }
0x157: {  	[sflag:s16] =	ssyncset.done $0x0;
	s29 =	rddreg [dreg:$0xc]  }
0x158: {  	s22 =	rddreg [dreg:$0xf];
	[sflag:s16] =	ssyncadd.s32 $0xFFFFFB00;
	s15 =	sshrl.u32 s29, $0x3  }
0x159: {  	[hbm:s22], [sflag:s3] =	dma.local [spmem:s15], $0x500  }
0x15a: {  	_ =	swait.ge [sflag:s16], $0x500  }
0x15b: {  	[sflag:s16] =	ssyncset.done $0x0;
	s12 =	rddreg [dreg:$0x10]  }
0x15c: {  	s14 =	rddreg [dreg:$0x13];
	[sflag:s16] =	ssyncadd.s32 $0xFFFFFB00;
	s4 =	sshrl.u32 s12, $0x3  }
0x15d: {  	[hbm:s14], [sflag:s3] =	dma.local [spmem:s4], $0x500  }
0x15e: {  	_ =	swait.ge [sflag:s16], $0x500  }
0x15f: {  	[sflag:s16] =	ssyncset.done $0x0;
	s15 =	rddreg [dreg:$0x11]  }
0x160: {  	s22 =	rddreg [dreg:$0x14];
	[sflag:s16] =	ssyncadd.s32 $0xFFFFFB00;
	s4 =	sshrl.u32 s15, $0x3  }
0x161: {  	[hbm:s22], [sflag:s3] =	dma.local [spmem:s4], $0x500  }
0x162: {  	_ =	swait.ge [sflag:s16], $0x500  }
0x163: {  	[sflag:s16] =	ssyncset.done $0x0;
	s4 =	rddreg [dreg:$0x12]  }
0x164: {  	s5 =	rddreg [dreg:$0x15];
	[sflag:s16] =	ssyncadd.s32 $0xFFFFFB00;
	s4 =	sshrl.u32 @!p0 s4, $0x3  }
0x165: {  	[hbm:s5], [sflag:s3] =	dma.local @!p0 [spmem:s4], $0x500  }
0x166: {  	s4 =	simm.s32 @!p0 $0x6  }
0x167: {  	_ =	swait.ge @!p0 [sflag:s4], $0x500  }
0x168: {  	s15 =	rddreg [dreg:$0x7]  }
0x169: {  	s12 =	rddreg [dreg:$0x18]  }
0x16a: {  	[sflag:s4] =	ssyncset.done @!p0 $0x0;
	s5 =	sadd.s32 @!p0 s15, s12  }
0x16b: {  	s14 =	rddreg [dreg:$0x5];
	s12 =	sadd.s32 @!p0 s12, s2;
	s5 =	sshrl.u32 @!p0 s5, $0x3  }
0x16c: {  	[sflag:s4] =	ssyncadd.s32 @!p0 $0xFFFFFB00;
	s12 =	sshrl.u32 @!p0 s12, $0x3;
	s5 =	sadd.s32 @!p0 s14, s5  }
0x16d: {  	[hbm:s5], [sflag:s3] =	dma.local @!p0 [spmem:s12], $0x500  }
0x16e: {  	_ =	swait.ge @!p0 [sflag:s4], $0x500  }
0x16f: {  	s12 =	rddreg [dreg:$0x19]  }
0x170: {  	s5 =	sadd.s32 @!p0 s15, s12  }
0x171: {  	[sflag:s4] =	ssyncset.done @!p0 $0x0;
	s12 =	sadd.s32 @!p0 s12, s2;
	s5 =	sshrl.u32 @!p0 s5, $0x3  }
0x172: {  	[sflag:s4] =	ssyncadd.s32 @!p0 $0xFFFFFB00;
	s12 =	sshrl.u32 @!p0 s12, $0x3;
	s5 =	sadd.s32 @!p0 s14, s5  }
0x173: {  	[hbm:s5], [sflag:s3] =	dma.local @!p0 [spmem:s12], $0x500  }
0x174: {  	_ =	swait.ge @!p0 [sflag:s4], $0x500  }
0x175: {  	[sflag:s4] =	ssyncset.done @!p0 $0x0  }
0x176: {  	s22 =	simm.s32 $0x0;
	s12 =	rddreg [dreg:$0x16];
	[sflag:s4] =	ssyncadd.s32 @!p0 $0xFFFFFB00  }
0x177: {  	[hbm4b:s12+s22] =	stream.linear.scatter [tilespmem:s13], [sflag:$0x6], $0x2710, $0x38;
	[tilespmem:$0x1FA80] =	vst v63  }
0x178: {  	_ =	swait.ge [sflag:s16], $0x2710  }
0x179: {  	s14 =	rddreg [dreg:$0x1a]  }
0x17a: {  	s15 =	rddreg [dreg:$0x17];
	s4 =	sadd.s32 $0x1, s14  }
0x17b: {  	p1 =	sne.s32 s4, s15  }
.Ltmp5:
0x17c: {  	_ = 	snop;
	(pc) =	sbr.rel @p1 .LBB2_1-.Ltmp5, $3  }
0x17d: {  	_ =	sdelay $0x1  }
0x17e: {  	[sflag:s16] =	ssyncset.done $0x0  }
0x17f: {  	[sflag:s16] =	ssyncadd.s32 $0xFFFFD8F0  }
0x180: {  	_ =	sfence.sel $0x180000  }
0x181: {  	[bflag:$0x0] =	sbarrier.arrive $0xFFFF  }
0x182: {  	_ =	strace $0x9000004A  }
0x183: {  	s0 =	stileid.u32;
	[bflag:$0x2] =	sbarrier.arrive $0xFFFF  }
0x184: {  	p0 =	sne.s32 s0, $0x0;
	s0 =	rddreg [dreg:$0x3]  }
0x185: {  	s0 =	sadd.s32 @!p0 $0x100000, s0  }
0x186: {  	[sflag:s0] =	ssyncadd.tile.s32 @!p0 $0x1;
	_ =	shalt  }
.Lfunc_end2:
_tile_overlayer_lowered:
.L_overlay_start_2:
0x187: {  	(tag) =	ssettag $0x2  }
0x188: {  	s0 =	rddreg [dreg:$0x0];
	s2 =	stileid.u32  }
0x189: {  	s1 =	rddreg [dreg:$0x1];
	p0 =	sne.s32 s2, $0x0  }
0x18a: {  	s3 =	rddreg [dreg:$0x2];
	[bflag:$0x3] =	sbarrier.arrive $0xFFFF;
	s2 =	simm.s32 @!p0 $0x1C06  }
0x18b: {  	[timem:s3], [sflag:s2] =	dma.local @!p0 [hbm:s0], s1  }
0x18c: {  	s0 =	simm.s32 @!p0 $0x6  }
0x18d: {  	_ =	swait.ge @!p0 [sflag:s0], s1  }
0x18e: {  	s1 =	ssub.s32 @!p0 $0x0, s1;
	[sflag:s0] =	ssyncset.done @!p0 $0x0  }
0x18f: {  	[sflag:s0] =	ssyncadd.s32 @!p0 s1  }
0x190: {  	[bflag:$0x3] =	sbarrier.arrive $0xFFFF  }
0x191: {  	_ =	shalt  }

// kernel: kernel.19.cloned.1.call-start
scs
__scs_entry_jumppad:
0x0: {  	(pc) =	sbr.rel $0x88, $3  }
0x1: {  	(tag) =	ssettag $0x0;
	lr =	simm.s32 $0x1  }
0x2: {  	[smem:$0x3F96] =	sst lr;
	_ =	strace $0xD0000000  }
0x3: {  	_ = 	snop  }
0x4: {  	_ = 	snop  }
0x5: {  	_ = 	snop  }
0x6: {  	_ = 	snop  }
0x7: {  	_ = 	snop  }
__scs_overlays_trampoline_lowered:
0x8: {  	[smem:$0x3FA5] =	sst s0  }
0x9: {  	[smem:$0x3FA6] =	sst s1  }
0xa: {  	[smem:$0x3FA7] =	sst s2  }
0xb: {  	[smem:$0x3FA8] =	sst s3  }
0xc: {  	[smem:$0x3FA9] =	sst s4  }
0xd: {  	[smem:$0x3FAA] =	sst s5  }
0xe: {  	[smem:$0x3FAB] =	sst s6  }
0xf: {  	[smem:$0x3FAC] =	sst s7  }
0x10: {  	[smem:$0x3FAD] =	sst s8  }
0x11: {  	[smem:$0x3FAE] =	sst s9;
	s0 =	simm.s32 @!p0 $0x0  }
0x12: {  	s1 =	sld [smem:$0x3F94];
	s0 =	simm.s32 @p0 $0x1  }
0x13: {  	[smem:$0x3FAF] =	sst s0;
	s0 =	simm.s32 @!p1 $0x0  }
0x14: {  	s2 =	sld [smem:$0x3F93];
	s0 =	simm.s32 @p1 $0x1  }
0x15: {  	[smem:$0x3FB0] =	sst s0;
	s0 =	simm.s32 @!p2 $0x0  }
0x16: {  	s3 =	sld [smem:$0x3FDB];
	s0 =	simm.s32 @p2 $0x1  }
0x17: {  	s4 =	simm.s32 $0x1BF5;
	[smem:$0x3FB2] =	sst s0  }
0x18: {  	s0 =	sld [smem:$0x3F95];
	_ =	swait.ge [sflag:s4], $0x0  }
0x19: {  	s7 =	sld [smem:$0x3F96]  }
0x1a: {  	s8 =	sadd.s32 $0xFFFFE003, lr  }
0x1b: {  	s9 =	sadd.s32 $0xFFFFFEF7, lr;
	s5 =	simm.s32 $0xFFFFFFFF;
	p2 =	slt.u32 s8, $0xFFFFF086  }
0x1c: {  	p1 =	slt.u32 s9, $0xF7A;
	s5 =	simm.s32 @!p2 $0x0  }
0x1d: {  	s5 =	simm.s32 @p1 $0x1;
	p0 =	seq.s32 s7, s2  }
0x1e: {  	s7 =	smul.u32 @!p0 $0xF7A, s2;
	p2 =	seq.s32 @!p0 s5, $0x0  }
0x1f: {  	s9 =	smul.u32 $0xF7A, s1;
	s8 =	simm.s32 @!p0 $0x1BF5;
	p2 =	por !p2, p0  }
0x20: {  	[sflag:s8] =	ssyncset.s32 @!p0 $0xFFFFF086;
	s6 =	sadd.s32 @!p0 s3, s7;
	s7 =	simm.s32 @!p0 $0x108  }
0x21: {  	s3 =	sadd.s32 s3, s9;
	s6 =	sadd.s32 @!p0 $0x88, s6;
	s7 =	simm.s32 @p2 $0x1082  }
0x22: {  	[simem:s7], [sflag:s8] =	dma.local @!p0 [hbm:s6], $0xF7A  }
0x23: {  	s9 =	sor.u32 $0xD0000000, s2;
	s6 =	simm.s32 $0x108;
	_ =	swait.ge @!p0 [sflag:s8], $0x0  }
0x24: {  	s3 =	sadd.s32 $0x88, s3;
	s6 =	simm.s32 @!p1 $0x1082;
	[sflag:s4] =	ssyncset.s32 $0xFFFFF086  }
0x25: {  	[simem:s6], [sflag:s4] =	dma.local [hbm:s3], $0xF7A  }
0x26: {  	[smem:$0x3F96] =	sst s1;
	(tag) =	ssettag s2;
	_ =	strace s9  }
0x27: {  	s1 =	sld [smem:$0x3FA6]  }
0x28: {  	s2 =	sld [smem:$0x3FA7]  }
0x29: {  	s4 =	sld [smem:$0x3FA9]  }
0x2a: {  	p0 =	seq.s32 s5, $0x0;
	s5 =	sld [smem:$0x3FAA]  }
0x2b: {  	s6 =	sld [smem:$0x3FAB]  }
0x2c: {  	s7 =	sld [smem:$0x3FAC]  }
0x2d: {  	s3 =	simm.s32 $0x108;
	s8 =	sld [smem:$0x3FAD]  }
0x2e: {  	s3 =	simm.s32 @!p0 $0x1082;
	s9 =	sld [smem:$0x3FAE]  }
0x2f: {  	lr =	sadd.s32 s0, s3;
	s0 =	sld [smem:$0x3FA5]  }
0x30: {  	s3 =	sld [smem:$0x3FA8]  }
0x31: {  	[smem:$0x3FB1] =	sst s10  }
0x32: {  	s10 =	sld [smem:$0x3FAF];
	_ =	sdelay $0x3  }
0x33: {  	p0 =	seq.s32 s10, $0x1;
	s10 =	sld [smem:$0x3FB1];
	_ =	sdelay $0x3  }
0x34: {  	[smem:$0x3FB1] =	sst s10  }
0x35: {  	s10 =	sld [smem:$0x3FB0];
	_ =	sdelay $0x3  }
0x36: {  	p1 =	seq.s32 s10, $0x1;
	s10 =	sld [smem:$0x3FB1];
	_ =	sdelay $0x3  }
0x37: {  	[smem:$0x3FB1] =	sst s10  }
0x38: {  	s10 =	sld [smem:$0x3FB2]  }
0x39: {  	_ = 	snop;
	(pc) =	sbr.ind lr, $3  }
0x3a: {  	_ = 	snop  }
0x3b: {  	_ = 	snop  }
0x3c: {  	p2 =	seq.s32 s10, $0x1;
	s10 =	sld [smem:$0x3FB1]  }
0x3d: {  	_ =	shalt  }
0x3e: {  	_ =	shalt  }
0x3f: {  	_ =	shalt  }
0x40: {  	_ =	shalt  }
0x41: {  	_ =	shalt  }
0x42: {  	_ =	shalt  }
0x43: {  	_ =	shalt  }
0x44: {  	_ =	shalt  }
0x45: {  	_ =	shalt  }
0x46: {  	_ =	shalt  }
0x47: {  	_ =	shalt  }
0x48: {  	_ =	shalt  }
0x49: {  	_ =	shalt  }
0x4a: {  	_ =	shalt  }
0x4b: {  	_ =	shalt  }
0x4c: {  	_ =	shalt  }
0x4d: {  	_ =	shalt  }
0x4e: {  	_ =	shalt  }
0x4f: {  	_ =	shalt  }
0x50: {  	_ =	shalt  }
0x51: {  	_ =	shalt  }
0x52: {  	_ =	shalt  }
0x53: {  	_ =	shalt  }
0x54: {  	_ =	shalt  }
0x55: {  	_ =	shalt  }
0x56: {  	_ =	shalt  }
0x57: {  	_ =	shalt  }
0x58: {  	_ =	shalt  }
0x59: {  	_ =	shalt  }
0x5a: {  	_ =	shalt  }
0x5b: {  	_ =	shalt  }
0x5c: {  	_ =	shalt  }
0x5d: {  	_ =	shalt  }
0x5e: {  	_ =	shalt  }
0x5f: {  	_ =	shalt  }
0x60: {  	_ =	shalt  }
0x61: {  	_ =	shalt  }
0x62: {  	_ =	shalt  }
0x63: {  	_ =	shalt  }
0x64: {  	_ =	shalt  }
0x65: {  	_ =	shalt  }
0x66: {  	_ =	shalt  }
0x67: {  	_ =	shalt  }
0x68: {  	_ =	shalt  }
0x69: {  	_ =	shalt  }
0x6a: {  	_ =	shalt  }
0x6b: {  	_ =	shalt  }
0x6c: {  	_ =	shalt  }
0x6d: {  	_ =	shalt  }
0x6e: {  	_ =	shalt  }
0x6f: {  	_ =	shalt  }
0x70: {  	_ =	shalt  }
0x71: {  	_ =	shalt  }
0x72: {  	_ =	shalt  }
0x73: {  	_ =	shalt  }
0x74: {  	_ =	shalt  }
0x75: {  	_ =	shalt  }
0x76: {  	_ =	shalt  }
0x77: {  	_ =	shalt  }
0x78: {  	_ =	shalt  }
0x79: {  	_ =	shalt  }
0x7a: {  	_ =	shalt  }
0x7b: {  	_ =	shalt  }
0x7c: {  	_ =	shalt  }
0x7d: {  	_ =	shalt  }
0x7e: {  	_ =	shalt  }
0x7f: {  	_ =	shalt  }
0x80: {  	_ =	shalt  }
0x81: {  	_ =	shalt  }
0x82: {  	_ =	shalt  }
0x83: {  	_ =	shalt  }
0x84: {  	_ =	shalt  }
0x85: {  	_ =	shalt  }
0x86: {  	_ =	shalt  }
0x87: {  	_ =	shalt  }
.Lfunc_end0:
.L_simem_size_0:
called_computation.2_lowered:
.L_overlay_start_0:
0x88: {  	s2 =	sld [smem:$0x3FD9]  }
0x89: {  	s3 =	sld [smem:$0x3FFE];
	_ =	sdelay $0x1  }
0x8a: {  	s1 =	srdreg.scid  }
0x8b: {  	s0 =	sand.u32 $0x1, s1  }
0x8c: {  	s17 =	sshll.u32 s0, $0xA;
	s2 =	sadd.s32 s3, s2  }
0x8d: {  	s2 =	sadd.s32 s2, s17  }
0x8e: {  	[smem:$0x3FBD] =	sst s2  }
0x8f: {  	_ = 	snop  }
0x90: {  	s2 =	sld [smem:$0x3FD0];
	(tm) =	ssettm $0x1  }
0x91: {  	s18 =	sld [smem:$0x3FFB];
	_ =	sdelay $0x3  }
0x92: {  	_ =	strace s18  }
0x93: {  	s3 =	sld [smem:$0x3FFC];
	_ =	sdelay $0x3  }
0x94: {  	_ =	strace s3  }
0x95: {  	s3 =	sld [smem:$0x3FFD];
	_ =	sdelay $0x3  }
0x96: {  	_ =	strace s3  }
0x97: {  	_ =	strace $0x8FFFFFFF  }
0x98: {  	s19 =	sld [smem:$0x3FDB];
	_ =	sdelay $0x1  }
0x99: {  	s4 =	simm.s32 $_scs_section_size  }
0x9a: {  	s5 =	simm.s32 $_size__tile_overlayer_lowered;
	s6 =	simm.s32 $_tile_overlayer_lowered  }
0x9b: {  	s22 =	simm.s32 $0x1BFF;
	s21 =	sshll.u32 s6, $0x1;
	s3 =	sadd.s32 s4, s19  }
0x9c: {  	s7 =	simm.s32 $0x0;
	s20 =	sshll.u32 s5, $0x1;
	s5 =	sadd.s32 s21, s3  }
0x9d: {  	[timem:s7], [sflag:s22] =	dma.local [hbm:s5], s20  }
0x9e: {  	_ =	swait.ge [sflag:s22], s20  }
0x9f: {  	s4 =	ssub.s32 $0x0, s20;
	[sflag:s22] =	ssyncset.done $0x0  }
0xa0: {  	[sflag:s22] =	ssyncadd.s32 s4;
	_ =	sdelay $0x1  }
0xa1: {  	s23 =	simm.s32 $0x1B8B  }
0xa2: {  	_ =	swait.ge [sflag:s23], $0x1  }
0xa3: {  	[sflag:s23] =	ssyncset.done $0x0  }
0xa4: {  	s25 =	simm.s32 $0x1B8E;
	s24 =	sld [smem:$0x3FFE];
	[sflag:s23] =	ssyncadd.s32 $0xFFFFFFFF  }
0xa5: {  	s26 =	simm.s32 $execute0_lowered;
	[smem:$0x3FD2] =	sst s25  }
0xa6: {  	s5 =	sshll.u32 s26, $0x1;
	_ =	strace $0x8000004C;
	[dreg:$0x1] =	wrdreg $0xFFFFFFFF  }
0xa7: {  	s28 =	simm.s32 $_size_execute0_lowered;
	s3 =	sadd.s32 s3, s5;
	[dreg:$0x0] =	wrdreg $0x0  }
0xa8: {  	s5 =	sshll.u32 s28, $0x1;
	[dreg:$0x2] =	wrdreg s3  }
0xa9: {  	[dreg:$0x3] =	wrdreg s5  }
0xaa: {  	[dreg:$0x4] =	wrdreg $0xC0  }
0xab: {  	_ =	task [dreg:s7], $0x5FFFF  }
0xac: {  	[dreg:$0x1] =	wrdreg $0xFFFFFFFF  }
0xad: {  	[dreg:$0x0] =	wrdreg $0x60  }
0xae: {  	[dreg:$0x2] =	wrdreg s2  }
0xaf: {  	[dreg:$0x3] =	wrdreg s24  }
0xb0: {  	[dreg:$0x4] =	wrdreg $0xC2000  }
0xb1: {  	[dreg:$0x5] =	wrdreg $0x9  }
0xb2: {  	_ =	task.clear_ibuf [dreg:s7], $0x6FFFF;
	_ =	strace $0x9000004C  }
0xb3: {  	s29 =	simm.s32 $0x9;
	_ =	strace $0x8000004E  }
0xb4: {  	_ =	swait.ge [sflag:s29], $0x1  }
0xb5: {  	[sflag:s29] =	ssyncadd.s32 $0xFFFFFFFF  }
0xb6: {  	_ =	strace $0x9000004E  }
0xb7: {  	_ =	sfence  }
0xb8: {  	s30 =	sld [smem:$0x0];
	_ =	sdelay $0x2  }
0xb9: {  	s31 =	sshll.u32 s1, $0xD;
	s1 =	sshrl.u32 s1, $0x2  }
0xba: {  	s3 =	sand.u32 $0x4000, s31;
	s1 =	sadd.s32 s1, s30  }
0xbb: {  	s0 =	sor.u32 s3, s0;
	s1 =	sshll.u32 s1, $0x11  }
0xbc: {  	s0 =	sor.u32 s1, s0  }
0xbd: {  	s0 =	sadd.s32 $0x8F2B, s0  }
0xbe: {  	[sflag:s0] =	ssyncadd.remote.s32 $0x1  }
0xbf: {  	_ =	sfence.sel $0xFFFF  }
0xc0: {  	[dreg:$0x0] =	wrdreg $0xFFFFFFFF;
	(pc) =	sbr.abs _section_cstart, $3  }
0xc1: {  	[dreg:$0x1] =	wrdreg $0xFFFFFFFF  }
0xc2: {  	_ =	task.clear_ibuf [dreg:s7], $0x2FFFF;
	_ =	strace $0x9FFFFFFF  }
0xc3: {  	(tm) =	ssettm $0x7FFFFFFF  }
tec
execute0_lowered:
.L_overlay_start_1:
0x0: {  	(tag) =	ssettag $0x1  }
0x1: {  	s1 =	rddreg [dreg:$0x0]  }
0x2: {  	s0 =	rddreg [dreg:$0x1]  }
0x3: {  	s2 =	rddreg [dreg:$0x2];
	s22 =	simm.s32 $0x0;
	s3 =	srdreg.scid  }
0x4: {  	s23 =	stileid.u32;
	s30 =	simm.s32 $0x1;
	[smem:$0x7FF] =	sst s22  }
0x5: {  	s31 =	simm.s32 $0x2;
	s5 =	sadd.s32 $0x9C8800, s0;
	s6 =	sadd.s32 $0x9C8200, s0  }
0x6: {  	s3 =	sand.u32 $0x1, s3;
	s7 =	sadd.s32 $0x9E5E00, s0;
	s26 =	smul.u32 $0x280, s23  }
0x7: {  	s8 =	sadd.s32 $0x9EFC00, s0;
	s10 =	sadd.s32 $0x9DC000, s0;
	s14 =	smul.u32 $0x50000, s23  }
0x8: {  	s11 =	sadd.s32 $0x4E6200, s0;
	s24 =	sadd.s32 $0x1800, s0;
	s21 =	smul.u32 $0x14000, s23  }
0x9: {  	p0 =	seq.s32 s23, $0xF;
	_ =	strace $0x8000004D;
	[dreg:$0x4] =	wrdreg s7  }
0xa: {  	s4 =	sshll.u32 s3, $0x4;
	s13 =	ssub.s32 $0x2, s3;
	[dreg:$0x5] =	wrdreg s24  }
0xb: {  	s4 =	sor.u32 s23, s4;
	s18 =	sshrl.u32 s13, $0x1;
	s19 =	sshrl.u32 s14, $0x2  }
0xc: {  	s14 =	sshll.u32 s26, $0x7;
	s7 =	sadd.s32 $0x230, s26;
	s23 =	simm.s32 $0x50  }
0xd: {  	s9 =	smul.u32 $0x2710, s4;
	s25 =	sadd.s32 s19, s2;
	s15 =	sadd.s32 $0x5000, s14  }
0xe: {  	s16 =	sadd.s32 $0x7800, s14;
	s17 =	sadd.s32 $0xA000, s14;
	s19 =	sadd.s32 $0x1E0, s26  }
0xf: {  	s26 =	smul.u32 $0x138800, s3;
	s20 =	sshll.u32 s7, $0x7;
	s7 =	simm.s32 @p0 $0x27B0  }
0x10: {  	s3 =	sshll.u32 s19, $0x7;
	s20 =	sadd.s32 s20, s2;
	[dreg:$0x6] =	wrdreg s25  }
0x11: {  	s29 =	sadd.s32 s15, s2;
	s19 =	simm.s32 @p0 $0x2760;
	[dreg:$0x9] =	wrdreg s20  }
0x12: {  	s12 =	sshrl.u32 s9, $0x3;
	s3 =	sadd.s32 s3, s2;
	[dreg:$0x7] =	wrdreg s26  }
0x13: {  	[dreg:$0xc] =	wrdreg s29;
	s0 =	sadd.s32 s12, s0;
	s12 =	ssub.s32 s13, s18  }
0x14: {  	s13 =	sor.u32 $0x2800, s14;
	s18 =	smul.u32 $0x27100, s4;
	s14 =	sadd.s32 $0xC800, s14  }
0x15: {  	[dreg:$0x8] =	wrdreg s3;
	s28 =	sadd.s32 s13, s2;
	s0 =	sadd.s32 $0x9C8E00, s0  }
0x16: {  	s20 =	sadd.s32 s11, s18;
	s18 =	smul.u32 $0x5000, s4;
	[dreg:$0x16] =	wrdreg s0  }
0x17: {  	s4 =	sadd.s32 s21, s26;
	s21 =	sadd.s32 s26, s15;
	[dreg:$0xb] =	wrdreg s28  }
0x18: {  	s0 =	sshll.u32 @!p0 s19, $0x7;
	s19 =	simm.s32 $0x4;
	[dreg:$0xa] =	wrdreg s20  }
0x19: {  	s20 =	sadd.s32 s26, s13;
	s13 =	sadd.s32 s17, s2;
	[dreg:$0x18] =	wrdreg s0  }
0x1a: {  	s3 =	sshrl.u32 s4, $0x3;
	s0 =	sshll.u32 @!p0 s7, $0x7;
	[dreg:$0x11] =	wrdreg s13  }
0x1b: {  	s4 =	sshrl.u32 s20, $0x3;
	s3 =	sadd.s32 s24, s3;
	[dreg:$0x19] =	wrdreg s0  }
0x1c: {  	s20 =	sshrl.u32 s21, $0x3;
	s21 =	sadd.s32 s16, s2;
	[dreg:$0xd] =	wrdreg s3  }
0x1d: {  	s0 =	simm.s32 $0x3;
	s15 =	sadd.s32 s24, s4;
	[dreg:$0x10] =	wrdreg s21  }
0x1e: {  	s13 =	simm.s32 $0x9A80;
	s3 =	sadd.s32 s24, s20;
	[dreg:$0xe] =	wrdreg s15  }
0x1f: {  	s4 =	sadd.s32 s26, s16;
	s16 =	sadd.s32 s14, s2;
	[dreg:$0xf] =	wrdreg s3  }
0x20: {  	s3 =	sshrl.u32 s4, $0x3;
	s15 =	sadd.s32 s26, s17;
	[dreg:$0x12] =	wrdreg s16  }
0x21: {  	s17 =	sadd.s32 s26, s14;
	s26 =	smax.u32 s12, $0x1;
	s16 =	simm.s32 $0x6  }
0x22: {  	s4 =	sshrl.u32 s15, $0x3;
	s3 =	sadd.s32 s24, s3;
	s21 =	sshrl.u32 s17, $0x3  }
0x23: {  	[dreg:$0x17] =	wrdreg s26;
	s17 =	simm.s32 $0x7800;
	s26 =	simm.s32 $0x0  }
0x24: {  	[dreg:$0x13] =	wrdreg s3;
	s20 =	sadd.s32 s24, s4;
	s3 =	sadd.s32 s24, s21  }
0x25: {  	s21 =	simm.s32 $0x8000;
	s24 =	simm.s32 $0x5;
	[dreg:$0x14] =	wrdreg s20  }
0x26: {  	v0 =	vimm.f32 $0.0e+00;
	s4 =	simm.s32 $0x0;
	[dreg:$0x15] =	wrdreg s3;
	s20 =	simm.s32 $0x9A00  }
.LBB2_1:
0x27: {  	[dreg:$0x1a] =	wrdreg s4;
	s3 =	simm.s32 $0x0  }
.LBB2_2:
0x28: {  	p1 =	sne.s32 s3, $0x9C00  }
.Ltmp0:
0x29: {  	_ = 	snop;
	(pc) =	sbr.rel @p1 .LBB2_2-.Ltmp0, $3  }
0x2a: {  	_ =	sdelay $0x1  }
0x2b: {  	s4 =	sshra.s32 s3, $0x2  }
0x2c: {  	s3 =	sadd.s32 $0x40, s3;
	[tilespmem:s4+$0x9A80] =	vst v0  }
0x2d: {  	s3 =	simm.s32 $0x0;
	s4 =	simm.s32 $0x200  }
.LBB2_4:
0x2e: {  	p1 =	sne.s32 s4, $0x9E00;
	[tilespmem:s3+$0x70] =	vst v0  }
0x2f: {  	[tilespmem:s3+$0x0] =	vst v0  }
0x30: {  	[tilespmem:s3+$0x10] =	vst v0  }
.Ltmp1:
0x31: {  	[tilespmem:s3+$0x20] =	vst v0;
	(pc) =	sbr.rel @p1 .LBB2_4-.Ltmp1, $4  }
0x32: {  	[tilespmem:s3+$0x30] =	vst v0  }
0x33: {  	[tilespmem:s3+$0x40] =	vst v0  }
0x34: {  	[tilespmem:s3+$0x50] =	vst v0  }
0x35: {  	[tilespmem:s3+$0x60] =	vst v0;
	s3 =	sshra.s32 s4, $0x2;
	s4 =	sadd.s32 $0x200, s4  }
0x36: {  	[tilespmem:s3+$0x70] =	vst v0  }
0x37: {  	[tilespmem:s3+$0x0] =	vst v0  }
0x38: {  	[tilespmem:s3+$0x10] =	vst v0  }
0x39: {  	[tilespmem:s3+$0x20] =	vst v0  }
0x3a: {  	[tilespmem:s3+$0x30] =	vst v0  }
0x3b: {  	[tilespmem:s3+$0x40] =	vst v0  }
0x3c: {  	[tilespmem:s3+$0x50] =	vst v0  }
0x3d: {  	[tilespmem:s3+$0x60] =	vst v0  }
0x3e: {  	[spmem:s25] =	stream.linear.scatter [tilespmem:s22], [sflag:$0x6], $0x2800, $0x38;
	[tilespmem:$0x1FA80] =	vst v63  }
0x3f: {  	_ =	swait.ge [sflag:s16], $0x2800  }
0x40: {  	[sflag:s16] =	ssyncset.done $0x0  }
0x41: {  	[sflag:s16] =	ssyncadd.s32 $0xFFFFD800  }
0x42: {  	[spmem:s28] =	stream.linear.scatter [tilespmem:s22], [sflag:$0x6], $0x2800, $0x38;
	[tilespmem:$0x1FA80] =	vst v63  }
0x43: {  	_ =	swait.ge [sflag:s16], $0x2800  }
0x44: {  	[sflag:s16] =	ssyncset.done $0x0  }
0x45: {  	[sflag:s16] =	ssyncadd.s32 $0xFFFFD800  }
0x46: {  	[spmem:s29] =	stream.linear.scatter [tilespmem:s22], [sflag:$0x6], $0x2800, $0x38;
	[tilespmem:$0x1FA80] =	vst v63  }
0x47: {  	_ =	swait.ge [sflag:s16], $0x2800  }
0x48: {  	[sflag:s16] =	ssyncset.done $0x0  }
0x49: {  	s15 =	rddreg [dreg:$0x10];
	[sflag:s16] =	ssyncadd.s32 $0xFFFFD800  }
0x4a: {  	[spmem:s15] =	stream.linear.scatter [tilespmem:s22], [sflag:$0x6], $0x2800, $0x38;
	[tilespmem:$0x1FA80] =	vst v63  }
0x4b: {  	_ =	swait.ge [sflag:s16], $0x2800  }
0x4c: {  	[sflag:s16] =	ssyncset.done $0x0  }
0x4d: {  	s25 =	rddreg [dreg:$0x11];
	[sflag:s16] =	ssyncadd.s32 $0xFFFFD800  }
0x4e: {  	[spmem:s25] =	stream.linear.scatter [tilespmem:s22], [sflag:$0x6], $0x2800, $0x38;
	[tilespmem:$0x1FA80] =	vst v63  }
0x4f: {  	_ =	swait.ge [sflag:s16], $0x2800  }
0x50: {  	[sflag:s16] =	ssyncset.done $0x0  }
0x51: {  	s3 =	simm.s32 @!p0 $0x0;
	s4 =	rddreg [dreg:$0x12];
	[sflag:s16] =	ssyncadd.s32 $0xFFFFD800  }
0x52: {  	[spmem:s4] =	stream.linear.scatter @!p0 [tilespmem:s3], [sflag:$0x6], $0x2800, $0x38;
	[tilespmem:$0x1FA80] =	vst v63  }
0x53: {  	s4 =	simm.s32 @!p0 $0x6  }
0x54: {  	_ =	swait.ge @!p0 [sflag:s4], $0x2800  }
0x55: {  	[sflag:s4] =	ssyncset.done @!p0 $0x0  }
0x56: {  	s7 =	rddreg [dreg:$0x8];
	[sflag:s4] =	ssyncadd.s32 @!p0 $0xFFFFD800  }
0x57: {  	[spmem:s7] =	stream.linear.scatter @!p0 [tilespmem:s3], [sflag:$0x6], $0x2800, $0x38;
	[tilespmem:$0x1FA80] =	vst v63  }
0x58: {  	_ =	swait.ge @!p0 [sflag:s4], $0x2800  }
0x59: {  	[sflag:s4] =	ssyncset.done @!p0 $0x0  }
0x5a: {  	s7 =	rddreg [dreg:$0x9];
	[sflag:s4] =	ssyncadd.s32 @!p0 $0xFFFFD800  }
0x5b: {  	[spmem:s7] =	stream.linear.scatter @!p0 [tilespmem:s3], [sflag:$0x6], $0x2800, $0x38;
	[tilespmem:$0x1FA80] =	vst v63  }
0x5c: {  	_ =	swait.ge @!p0 [sflag:s4], $0x2800  }
0x5d: {  	[sflag:s4] =	ssyncset.done @!p0 $0x0  }
0x5e: {  	[sflag:s4] =	ssyncadd.s32 @!p0 $0xFFFFD800  }
0x5f: {  	[bflag:$0x0] =	sbarrier.arrive $0xFFFF  }
0x60: {  	s29 =	simm.s32 $0x5000;
	s4 =	simm.s32 $0x0;
	s28 =	rddreg [dreg:$0xa]  }
0x61: {  	[tilespmem:s29], [sflag:$0x4] =	stream.linear.gather [hbm4b:s28+s26], $0x2800, $0x38;
	[tilespmem:$0x1FA80] =	vst v63  }
.LBB2_6:
0x62: {  	s3 =	smul.u32 $0x7D0, s4;
	_ =	sdelay $0x1  }
0x63: {  	s3 =	sadd.s32 s9, s3  }
0x64: {  	s12 =	rddreg [dreg:$0x4];
	s7 =	sshrl.u32 s3, $0x3  }
0x65: {  	s22 =	sshll.u32 s4, $0xC;
	s12 =	sadd.s32 s12, s7  }
0x66: {  	[tilespmem:s17], [sflag:$0x6] =	stream.linear.gather [hbm4b:s12+s26], $0x7D0, $0x38;
	[tilespmem:$0x1FA80] =	vst v63  }
0x67: {  	s12 =	sadd.s32 s18, s22;
	_ =	swait.ge [sflag:s16], $0x7D0  }
0x68: {  	s12 =	sshrl.u32 s12, $0x3;
	[sflag:s16] =	ssyncset.done $0x0  }
0x69: {  	s12 =	sadd.s32 s8, s12;
	[sflag:s16] =	ssyncadd.s32 $0xFFFFF830  }
0x6a: {  	[tilespmem:s21], [sflag:$0x6] =	stream.linear.gather [hbm4b:s12+s26], $0xC80, $0x38;
	[tilespmem:$0x1FA80] =	vst v63  }
0x6b: {  	_ =	swait.ge [sflag:s16], $0xC80  }
0x6c: {  	[sflag:s16] =	ssyncset.done $0x0  }
0x6d: {  	s25 =	simm.s32 $0x9000;
	s7 =	sadd.s32 s10, s7;
	[sflag:s16] =	ssyncadd.s32 $0xFFFFF380  }
0x6e: {  	[tilespmem:s25], [sflag:$0x6] =	stream.linear.gather [hbm4b:s7+s26], $0x7D0, $0x38;
	[tilespmem:$0x1FA80] =	vst v63  }
0x6f: {  	_ =	swait.ge [sflag:s16], $0x7D0  }
0x70: {  	[sflag:s16] =	ssyncset.done $0x0  }
0x71: {  	[sflag:s16] =	ssyncadd.s32 $0xFFFFF830  }
0x72: {  	[tilespmem:s26], [sflag:$0x1] =	stream.indirect.gather [hbm4b:s1+s23], $0x80, s17, s23, $0xb8;
	[tilespmem:$0x1FA80] =	vst v63  }
0x73: {  	s28 =	simm.s32 $0x9800;
	s29 =	simm.s32 $0x9900;
	s15 =	smul.u32 $0x19, s4  }
0x74: {  	[tilespmem:s28], [sflag:$0x2] =	stream.indirect.gather [hbm4b:s5+s23], $0x1, s17, s23, $0xb8;
	[tilespmem:$0x1FA80] =	vst v63  }
0x75: {  	p1 =	por $0x0, $0x0;
	s14 =	simm.s32 $0x0;
	s12 =	sadd.s32 $0x50, s3  }
0x76: {  	[tilespmem:s29], [sflag:$0x3] =	stream.indirect.gather [hbm4b:s6+s23], $0x1, s21, s23, $0xb8;
	[tilespmem:$0x1FA80] =	vst v63  }
.LBB2_7:
0x77: {  	_ =	swait.ge [sflag:s30], $0x2800  }
0x78: {  	[sflag:s30] =	ssyncset.done $0x0  }
0x79: {  	[sflag:s30] =	ssyncadd.s32 $0xFFFFD800  }
0x7a: {  	_ =	swait.ge [sflag:s31], $0x50  }
0x7b: {  	[sflag:s31] =	ssyncset.done $0x0  }
0x7c: {  	[sflag:s31] =	ssyncadd.s32 $0xFFFFFFB0  }
0x7d: {  	s3 =	sand.u32 $0x1, s14;
	_ =	swait.ge [sflag:s0], $0x50  }
0x7e: {  	s7 =	smul.u32 $0x50, s3;
	[sflag:s0] =	ssyncset.done $0x0  }
0x7f: {  	[sflag:s0] =	ssyncadd.s32 $0xFFFFFFB0  }
0x80: {  	s22 =	smul.u32 $0x140, s14;
	v1 =	vld [tilespmem:s7+$0x9800]  }
0x81: {  	v2 =	vld [tilespmem:s7+$0x9900]  }
0x82: {  	s22 =	sshra.s32 s22, $0x2  }
0x83: {  	v3 =	vld [tilespmem:s22+$0x9000];
	_ =	sdelay $0x2  }
0x84: {  	v1 =	vadd.f32 v2, v1;
	_ =	sdelay $0x1  }
0x85: {  	v1 =	vadd.f32 v3, v1;
	_ =	sdelay $0x1  }
0x86: {  	v2 =	vmul.f32 $2.000000030e-01, v1;
	_ =	sdelay $0x1  }
0x87: {  	v1 =	vmax.f32 v1, v2  }
0x88: {  	v1 =	vmul.f32 $1.442695020e+00, v1;
	_ =	sdelay $0x1  }
0x89: {  	(erf) = vpow2.f32 v1;
	_ =	sdelay $0x8  }
0x8a: {  	s25 =	sshll.u32 s14, $0x7;
	v1 =	vpop (erf)  }
0x8b: {  	s25 =	sand.u32 $0x3FFFFF80, s25;
	[tilespmem:$0x9A00] =	vst v1  }
0x8c: {  	v2 =	vld [tilespmem:s25+$0x8000];
	_ =	sdelay $0x7  }
0x8d: {  	[tilespmem:v2+s13+$0x0] =	vst.idx.add.f32.msk $0xffff, v1  }
0x8e: {  	v1 =	vld [tilespmem:s7+$0x9810]  }
0x8f: {  	v2 =	vld [tilespmem:s7+$0x9910];
	_ =	sdelay $0x1  }
0x90: {  	v3 =	vld [tilespmem:s22+$0x9010];
	_ =	sdelay $0x2  }
0x91: {  	v1 =	vadd.f32 v2, v1;
	_ =	sdelay $0x1  }
0x92: {  	v1 =	vadd.f32 v3, v1;
	_ =	sdelay $0x1  }
0x93: {  	v2 =	vmul.f32 $2.000000030e-01, v1;
	_ =	sdelay $0x1  }
0x94: {  	v1 =	vmax.f32 v1, v2  }
0x95: {  	v1 =	vmul.f32 $1.442695020e+00, v1;
	_ =	sdelay $0x1  }
0x96: {  	(erf) = vpow2.f32 v1;
	_ =	sdelay $0x8  }
0x97: {  	v1 =	vpop (erf)  }
0x98: {  	[tilespmem:$0x9A10] =	vst v1  }
0x99: {  	v2 =	vld [tilespmem:s25+$0x8010];
	_ =	sdelay $0x7  }
0x9a: {  	[tilespmem:v2+s13+$0x0] =	vst.idx.add.f32.msk $0xffff, v1  }
0x9b: {  	v1 =	vld [tilespmem:s7+$0x9820]  }
0x9c: {  	v2 =	vld [tilespmem:s7+$0x9920];
	_ =	sdelay $0x1  }
0x9d: {  	v3 =	vld [tilespmem:s22+$0x9020];
	_ =	sdelay $0x2  }
0x9e: {  	v1 =	vadd.f32 v2, v1;
	_ =	sdelay $0x1  }
0x9f: {  	v1 =	vadd.f32 v3, v1;
	_ =	sdelay $0x1  }
0xa0: {  	v2 =	vmul.f32 $2.000000030e-01, v1;
	_ =	sdelay $0x1  }
0xa1: {  	v1 =	vmax.f32 v1, v2  }
0xa2: {  	v1 =	vmul.f32 $1.442695020e+00, v1;
	_ =	sdelay $0x1  }
0xa3: {  	(erf) = vpow2.f32 v1;
	_ =	sdelay $0x8  }
0xa4: {  	v1 =	vpop (erf)  }
0xa5: {  	[tilespmem:$0x9A20] =	vst v1  }
0xa6: {  	v2 =	vld [tilespmem:s25+$0x8020];
	_ =	sdelay $0x7  }
0xa7: {  	[tilespmem:v2+s13+$0x0] =	vst.idx.add.f32.msk $0xffff, v1  }
0xa8: {  	v1 =	vld [tilespmem:s7+$0x9830]  }
0xa9: {  	v2 =	vld [tilespmem:s7+$0x9930];
	_ =	sdelay $0x1  }
0xaa: {  	v3 =	vld [tilespmem:s22+$0x9030];
	_ =	sdelay $0x2  }
0xab: {  	v1 =	vadd.f32 v2, v1;
	_ =	sdelay $0x1  }
0xac: {  	v1 =	vadd.f32 v3, v1;
	_ =	sdelay $0x1  }
0xad: {  	v2 =	vmul.f32 $2.000000030e-01, v1;
	_ =	sdelay $0x1  }
0xae: {  	v1 =	vmax.f32 v1, v2  }
0xaf: {  	v1 =	vmul.f32 $1.442695020e+00, v1;
	_ =	sdelay $0x1  }
0xb0: {  	(erf) = vpow2.f32 v1;
	_ =	sdelay $0x8  }
0xb1: {  	v1 =	vpop (erf)  }
0xb2: {  	[tilespmem:$0x9A30] =	vst v1  }
0xb3: {  	v2 =	vld [tilespmem:s25+$0x8030];
	_ =	sdelay $0x7  }
0xb4: {  	[tilespmem:v2+s13+$0x0] =	vst.idx.add.f32.msk $0xffff, v1  }
0xb5: {  	v1 =	vld [tilespmem:s7+$0x9840]  }
0xb6: {  	v2 =	vld [tilespmem:s7+$0x9940];
	_ =	sdelay $0x1  }
0xb7: {  	v3 =	vld [tilespmem:s22+$0x9040];
	_ =	sdelay $0x2  }
0xb8: {  	v1 =	vadd.f32 v2, v1;
	_ =	sdelay $0x1  }
0xb9: {  	v1 =	vadd.f32 v3, v1;
	_ =	sdelay $0x1  }
0xba: {  	v2 =	vmul.f32 $2.000000030e-01, v1;
	_ =	sdelay $0x1  }
0xbb: {  	v1 =	vmax.f32 v1, v2  }
0xbc: {  	v1 =	vmul.f32 $1.442695020e+00, v1;
	_ =	sdelay $0x1  }
0xbd: {  	(erf) = vpow2.f32 v1;
	_ =	sdelay $0x8  }
0xbe: {  	v1 =	vpop (erf)  }
0xbf: {  	[tilespmem:$0x9A40] =	vst v1  }
0xc0: {  	v2 =	vld [tilespmem:s25+$0x8040];
	_ =	sdelay $0x6  }
0xc1: {  	p2 =	seq.s32 s14, $0x0  }
0xc2: {  	s7 =	simm.s32 @!p2 $0x5;
	[tilespmem:v2+s13+$0x0] =	vst.idx.add.f32.msk $0xffff, v1  }
0xc3: {  	p3 =	seq.s32 @!p2 s14, $0x18;
	_ =	swait.ge @!p2 [sflag:s7], $0x2800  }
0xc4: {  	p3 =	por p2, !p3;
	[sflag:s7] =	ssyncset.done @!p2 $0x0  }
0xc5: {  	[sflag:s7] =	ssyncadd.s32 @!p2 $0xFFFFD800;
	s7 =	sadd.s32 @p3 $0x1, s14  }
0xc6: {  	s22 =	sxor.u32 @p3 $0x1, s3;
	s28 =	smul.u32 @p3 $0x140, s7  }
0xc7: {  	s29 =	smul.u32 @p3 $0xA000, s22  }
0xc8: {  	s22 =	smul.u32 @p3 $0x50, s22;
	s28 =	sshra.s32 @p3 s28, $0x2  }
0xc9: {  	s29 =	sshrl.u32 @p3 s29, $0x2;
	s7 =	sshll.u32 @p3 s7, $0x7;
	s28 =	sadd.s32 @p3 $0x7800, s28  }
0xca: {  	[tilespmem:s29], [sflag:$0x1] =	stream.indirect.gather @p3 [hbm4b:s1+s23], $0x80, s28, s23, $0xb8;
	[tilespmem:$0x1FA80] =	vst v63  }
0xcb: {  	s7 =	sand.u32 @p3 $0x3FFFFF80, s7;
	s29 =	sor.u32 @p3 $0x9800, s22  }
0xcc: {  	[tilespmem:s29], [sflag:$0x2] =	stream.indirect.gather @p3 [hbm4b:s5+s23], $0x1, s28, s23, $0xb8;
	[tilespmem:$0x1FA80] =	vst v63  }
0xcd: {  	s7 =	sadd.s32 @p3 $0x8000, s7;
	s22 =	sor.u32 @p3 $0x9900, s22  }
0xce: {  	[tilespmem:s22], [sflag:$0x3] =	stream.indirect.gather @p3 [hbm4b:s6+s23], $0x1, s7, s23, $0xb8;
	[tilespmem:$0x1FA80] =	vst v63  }
0xcf: {  	s7 =	simm.s32 $0x1  }
0xd0: {  	s7 =	simm.s32 @!p1 $0x0  }
0xd1: {  	s22 =	simm.s32 $0x0;
	_ =	swait.ge [sflag:s19], $0x2800;
	s7 =	smul.u32 $0xA000, s7  }
0xd2: {  	v1 =	vmov s22;
	[sflag:s19] =	ssyncset.done $0x0  }
0xd3: {  	s22 =	simm.s32 $0x5040;
	[sflag:s19] =	ssyncadd.s32 $0xFFFFD800;
	s7 =	sshrl.u32 s7, $0x2  }
0xd4: {  	v3 =	vld [tilespmem:s22+$0xFFFFFFC0];
	s28 =	sor.u32 $0x40, s7  }
0xd5: {  	v2 =	vld [tilespmem:s28+$0xFFFFFFC0];
	_ =	sdelay $0x1  }
0xd6: {  	v1 =	vld.idx.msk [tilespmem:v1+s20+$0x0], $0xffff;
	_ =	sdelay $0x2  }
0xd7: {  	v2 =	vadd.f32 v3, v2;
	_ =	sdelay $0x1  }
0xd8: {  	v2 =	vmul.f32 v2, v1;
	_ =	sdelay $0x1  }
0xd9: {  	[tilespmem:s28+$0xFFFFFFC0] =	vst v2;
	v2 =	vld [tilespmem:s28+$0xFFFFFFD0]  }
0xda: {  	v3 =	vld [tilespmem:s22+$0xFFFFFFD0];
	_ =	sdelay $0x4  }
0xdb: {  	v2 =	vadd.f32 v3, v2;
	_ =	sdelay $0x1  }
0xdc: {  	v2 =	vmul.f32 v2, v1;
	_ =	sdelay $0x1  }
0xdd: {  	[tilespmem:s28+$0xFFFFFFD0] =	vst v2;
	v2 =	vld [tilespmem:s28+$0xFFFFFFE0]  }
0xde: {  	v3 =	vld [tilespmem:s22+$0xFFFFFFE0];
	_ =	sdelay $0x4  }
0xdf: {  	v2 =	vadd.f32 v3, v2;
	_ =	sdelay $0x1  }
0xe0: {  	v2 =	vmul.f32 v2, v1;
	_ =	sdelay $0x1  }
0xe1: {  	[tilespmem:s28+$0xFFFFFFE0] =	vst v2;
	v2 =	vld [tilespmem:s28+$0xFFFFFFF0]  }
0xe2: {  	v3 =	vld [tilespmem:s22+$0xFFFFFFF0];
	_ =	sdelay $0x4  }
0xe3: {  	v2 =	vadd.f32 v3, v2;
	_ =	sdelay $0x1  }
0xe4: {  	v2 =	vmul.f32 v2, v1;
	_ =	sdelay $0x1  }
0xe5: {  	[tilespmem:s28+$0xFFFFFFF0] =	vst v2;
	v2 =	vld [tilespmem:s28+$0x0]  }
0xe6: {  	v3 =	vld [tilespmem:s22+$0x0];
	_ =	sdelay $0x4  }
0xe7: {  	v2 =	vadd.f32 v3, v2;
	_ =	sdelay $0x1  }
0xe8: {  	v2 =	vmul.f32 v2, v1;
	_ =	sdelay $0x1  }
0xe9: {  	[tilespmem:s28+$0x0] =	vst v2;
	v2 =	vld [tilespmem:s28+$0x10]  }
0xea: {  	v3 =	vld [tilespmem:s22+$0x10];
	_ =	sdelay $0x4  }
0xeb: {  	v2 =	vadd.f32 v3, v2;
	_ =	sdelay $0x1  }
0xec: {  	v2 =	vmul.f32 v2, v1;
	_ =	sdelay $0x1  }
0xed: {  	[tilespmem:s28+$0x10] =	vst v2;
	v2 =	vld [tilespmem:s28+$0x20]  }
0xee: {  	v3 =	vld [tilespmem:s22+$0x20];
	_ =	sdelay $0x4  }
0xef: {  	v2 =	vadd.f32 v3, v2;
	_ =	sdelay $0x1  }
0xf0: {  	v2 =	vmul.f32 v2, v1;
	_ =	sdelay $0x1  }
0xf1: {  	[tilespmem:s28+$0x20] =	vst v2;
	v2 =	vld [tilespmem:s28+$0x30]  }
0xf2: {  	v3 =	vld [tilespmem:s22+$0x30];
	_ =	sdelay $0x4  }
0xf3: {  	s7 =	simm.s32 $0x1;
	v3 =	vadd.f32 v3, v2  }
0xf4: {  	s25 =	sadd.s32 $0x8000, s25;
	s29 =	smov.u32 s28;
	v2 =	vmov s7;
	s7 =	simm.s32 $0x2  }
.LBB2_8:
0xf5: {  	p2 =	sne.s32 s7, $0x4F;
	v1 =	vmul.f32 v3, v1  }
0xf6: {  	s28 =	sadd.s32 $0x80, s28  }
0xf7: {  	s22 =	sadd.s32 $0x80, s22;
	v3 =	vld [tilespmem:s28+$0xFFFFFFC0];
	[tilespmem:s29+$0x30] =	vst v1;
	s29 =	smov.u32 s28  }
0xf8: {  	v4 =	vld [tilespmem:s22+$0xFFFFFFC0]  }
0xf9: {  	v1 =	vld.idx.msk [tilespmem:v2+s20+$0x0], $0xffff;
	_ =	sdelay $0x3  }
0xfa: {  	v2 =	vadd.f32 v4, v3;
	_ =	sdelay $0x1  }
0xfb: {  	v2 =	vmul.f32 v2, v1;
	_ =	sdelay $0x1  }
0xfc: {  	[tilespmem:s28+$0xFFFFFFC0] =	vst v2;
	v2 =	vld [tilespmem:s28+$0xFFFFFFD0]  }
0xfd: {  	v3 =	vld [tilespmem:s22+$0xFFFFFFD0];
	_ =	sdelay $0x4  }
0xfe: {  	v2 =	vadd.f32 v3, v2;
	_ =	sdelay $0x1  }
0xff: {  	v2 =	vmul.f32 v2, v1;
	_ =	sdelay $0x1  }
0x100: {  	[tilespmem:s28+$0xFFFFFFD0] =	vst v2;
	v2 =	vld [tilespmem:s28+$0xFFFFFFE0]  }
0x101: {  	v3 =	vld [tilespmem:s22+$0xFFFFFFE0];
	_ =	sdelay $0x4  }
0x102: {  	v2 =	vadd.f32 v3, v2;
	_ =	sdelay $0x1  }
0x103: {  	v2 =	vmul.f32 v2, v1;
	_ =	sdelay $0x1  }
0x104: {  	[tilespmem:s28+$0xFFFFFFE0] =	vst v2;
	v2 =	vld [tilespmem:s28+$0xFFFFFFF0]  }
0x105: {  	v3 =	vld [tilespmem:s22+$0xFFFFFFF0];
	_ =	sdelay $0x4  }
0x106: {  	v2 =	vadd.f32 v3, v2;
	_ =	sdelay $0x1  }
0x107: {  	v2 =	vmul.f32 v2, v1;
	_ =	sdelay $0x1  }
0x108: {  	[tilespmem:s28+$0xFFFFFFF0] =	vst v2;
	v2 =	vld [tilespmem:s28+$0x0]  }
0x109: {  	v3 =	vld [tilespmem:s22+$0x0];
	_ =	sdelay $0x4  }
0x10a: {  	v2 =	vadd.f32 v3, v2;
	_ =	sdelay $0x1  }
0x10b: {  	v2 =	vmul.f32 v2, v1;
	_ =	sdelay $0x1  }
0x10c: {  	[tilespmem:s28+$0x0] =	vst v2;
	v2 =	vld [tilespmem:s28+$0x10]  }
0x10d: {  	v3 =	vld [tilespmem:s22+$0x10];
	_ =	sdelay $0x4  }
0x10e: {  	v2 =	vadd.f32 v3, v2;
	_ =	sdelay $0x1  }
0x10f: {  	v2 =	vmul.f32 v2, v1;
	_ =	sdelay $0x1  }
0x110: {  	[tilespmem:s28+$0x10] =	vst v2;
	v2 =	vld [tilespmem:s28+$0x20]  }
0x111: {  	v3 =	vld [tilespmem:s22+$0x20];
	_ =	sdelay $0x4  }
0x112: {  	v2 =	vadd.f32 v3, v2;
	_ =	sdelay $0x1  }
0x113: {  	v2 =	vmul.f32 v2, v1;
	_ =	sdelay $0x1  }
0x114: {  	[tilespmem:s28+$0x20] =	vst v2;
	v2 =	vld [tilespmem:s28+$0x30]  }
0x115: {  	v3 =	vld [tilespmem:s22+$0x30];
	_ =	sdelay $0x1  }
.Ltmp2:
0x116: {  	(pc) =	sbr.rel @p2 .LBB2_8-.Ltmp2, $3  }
0x117: {  	_ =	sdelay $0x1  }
0x118: {  	v3 =	vadd.f32 v3, v2  }
0x119: {  	v2 =	vmov s7;
	s7 =	sadd.s32 $0x1, s7  }
0x11a: {  	v1 =	vmul.f32 v3, v1  }
0x11b: {  	s7 =	sadd.s32 $0x80, s28  }
0x11c: {  	s22 =	sadd.s32 $0x80, s22;
	v3 =	vld [tilespmem:s7+$0xFFFFFFC0];
	[tilespmem:s29+$0x30] =	vst v1  }
0x11d: {  	v1 =	vld [tilespmem:s22+$0xFFFFFFC0];
	_ =	sdelay $0x1  }
0x11e: {  	v2 =	vld.idx.msk [tilespmem:v2+s20+$0x0], $0xffff;
	_ =	sdelay $0x2  }
0x11f: {  	v1 =	vadd.f32 v1, v3;
	_ =	sdelay $0x1  }
0x120: {  	v1 =	vmul.f32 v1, v2;
	_ =	sdelay $0x1  }
0x121: {  	[tilespmem:s7+$0xFFFFFFC0] =	vst v1;
	v1 =	vld [tilespmem:s7+$0xFFFFFFD0]  }
0x122: {  	v3 =	vld [tilespmem:s22+$0xFFFFFFD0];
	_ =	sdelay $0x4  }
0x123: {  	v1 =	vadd.f32 v3, v1;
	_ =	sdelay $0x1  }
0x124: {  	v1 =	vmul.f32 v1, v2;
	_ =	sdelay $0x1  }
0x125: {  	[tilespmem:s7+$0xFFFFFFD0] =	vst v1;
	v1 =	vld [tilespmem:s7+$0xFFFFFFE0]  }
0x126: {  	v3 =	vld [tilespmem:s22+$0xFFFFFFE0];
	_ =	sdelay $0x4  }
0x127: {  	v1 =	vadd.f32 v3, v1;
	_ =	sdelay $0x1  }
0x128: {  	v1 =	vmul.f32 v1, v2;
	_ =	sdelay $0x1  }
0x129: {  	[tilespmem:s7+$0xFFFFFFE0] =	vst v1;
	v1 =	vld [tilespmem:s7+$0xFFFFFFF0]  }
0x12a: {  	v3 =	vld [tilespmem:s22+$0xFFFFFFF0];
	_ =	sdelay $0x4  }
0x12b: {  	v1 =	vadd.f32 v3, v1;
	_ =	sdelay $0x1  }
0x12c: {  	v1 =	vmul.f32 v1, v2;
	_ =	sdelay $0x1  }
0x12d: {  	[tilespmem:s7+$0xFFFFFFF0] =	vst v1;
	v1 =	vld [tilespmem:s7+$0x0]  }
0x12e: {  	v3 =	vld [tilespmem:s22+$0x0];
	_ =	sdelay $0x4  }
0x12f: {  	v1 =	vadd.f32 v3, v1;
	_ =	sdelay $0x1  }
0x130: {  	v1 =	vmul.f32 v1, v2;
	_ =	sdelay $0x1  }
0x131: {  	[tilespmem:s7+$0x0] =	vst v1;
	v1 =	vld [tilespmem:s7+$0x10]  }
0x132: {  	v3 =	vld [tilespmem:s22+$0x10];
	_ =	sdelay $0x4  }
0x133: {  	v1 =	vadd.f32 v3, v1;
	_ =	sdelay $0x1  }
0x134: {  	v1 =	vmul.f32 v1, v2;
	_ =	sdelay $0x1  }
0x135: {  	[tilespmem:s7+$0x10] =	vst v1;
	v1 =	vld [tilespmem:s7+$0x20]  }
0x136: {  	v3 =	vld [tilespmem:s22+$0x20];
	_ =	sdelay $0x4  }
0x137: {  	v1 =	vadd.f32 v3, v1;
	_ =	sdelay $0x1  }
0x138: {  	v1 =	vmul.f32 v1, v2;
	_ =	sdelay $0x1  }
0x139: {  	[tilespmem:s7+$0x20] =	vst v1;
	v1 =	vld [tilespmem:s7+$0x30]  }
0x13a: {  	v3 =	vld [tilespmem:s22+$0x30];
	_ =	sdelay $0x2  }
0x13b: {  	s29 =	sadd.s32 s15, s14  }
0x13c: {  	p2 =	sgt.u32 s29, $0x7B  }
0x13d: {  	s22 =	smul.u32 @!p2 $0x50, s14;
	v1 =	vadd.f32 v3, v1;
	_ =	sdelay $0x1  }
0x13e: {  	s22 =	sadd.s32 @!p2 s22, s12;
	v1 =	vmul.f32 v1, v2  }
0x13f: {  	s28 =	simm.s32 @!p2 $0x5000;
	s22 =	sshll.u32 @!p2 s22, $0x4  }
0x140: {  	s14 =	sadd.s32 $0x1, s14;
	s22 =	sadd.s32 @!p2 s11, s22;
	[tilespmem:s7+$0x30] =	vst v1;
	s7 =	simm.s32 @!p2 $0x0  }
0x141: {  	[tilespmem:s28], [sflag:$0x4] =	stream.linear.gather @!p2 [hbm4b:s22+s7], $0x2800, $0x38;
	[tilespmem:$0x1FA80] =	vst v63  }
0x142: {  	p2 =	sne.s32 s14, $0x19  }
.Ltmp3:
0x143: {  	_ = 	snop;
	(pc) =	sbr.rel @p2 .LBB2_7-.Ltmp3, $3  }
0x144: {  	s3 =	smul.u32 $0xA000, s3;
	_ =	sdelay $0x1  }
0x145: {  	p1 =	por !p1, !p1;
	s3 =	sshrl.u32 s3, $0x2  }
0x146: {  	[spmem:s2] =	stream.indirect.scatter.add.f32 [tilespmem:s3], [sflag:$0x5], $0x80, s25, s23, $0xb8;
	[tilespmem:$0x1FA80] =	vst v63  }
0x147: {  	s4 =	sadd.s32 $0x1, s4  }
0x148: {  	p1 =	sne.s32 s4, $0x5  }
.Ltmp4:
0x149: {  	_ = 	snop;
	(pc) =	sbr.rel @p1 .LBB2_6-.Ltmp4, $4  }
0x14a: {  	_ = 	snop  }
0x14b: {  	_ =	swait.ge [sflag:s24], $0x2800  }
0x14c: {  	[sflag:s24] =	ssyncset.done $0x0  }
0x14d: {  	[sflag:s24] =	ssyncadd.s32 $0xFFFFD800  }
0x14e: {  	s3 =	stileid.u32;
	[bflag:$0x0] =	sbarrier.arrive $0xFFFF  }
0x14f: {  	s3 =	sshll.u32 s3, $0x6;
	s25 =	rddreg [dreg:$0x6]  }
0x150: {  	s7 =	rddreg [dreg:$0xd];
	s3 =	sor.u32 $0x1C06, s3;
	s4 =	sshrl.u32 s25, $0x3  }
0x151: {  	[hbm:s7], [sflag:s3] =	dma.local [spmem:s4], $0x500  }
0x152: {  	_ =	swait.ge [sflag:s16], $0x500  }
0x153: {  	[sflag:s16] =	ssyncset.done $0x0;
	s28 =	rddreg [dreg:$0xb]  }
0x154: {  	s14 =	rddreg [dreg:$0xe];
	[sflag:s16] =	ssyncadd.s32 $0xFFFFFB00;
	s12 =	sshrl.u32 s28, $0x3  }
0x155: {  	[hbm:s14], [sflag:s3] =	dma.local [spmem:s12], $0x500  }
0x156: {  	_ =	swait.ge [sflag:s16], $0x500  }
0x157: {  	[sflag:s16] =	ssyncset.done $0x0;
	s29 =	rddreg [dreg:$0xc]  }
0x158: {  	s22 =	rddreg [dreg:$0xf];
	[sflag:s16] =	ssyncadd.s32 $0xFFFFFB00;
	s15 =	sshrl.u32 s29, $0x3  }
0x159: {  	[hbm:s22], [sflag:s3] =	dma.local [spmem:s15], $0x500  }
0x15a: {  	_ =	swait.ge [sflag:s16], $0x500  }
0x15b: {  	[sflag:s16] =	ssyncset.done $0x0;
	s12 =	rddreg [dreg:$0x10]  }
0x15c: {  	s14 =	rddreg [dreg:$0x13];
	[sflag:s16] =	ssyncadd.s32 $0xFFFFFB00;
	s4 =	sshrl.u32 s12, $0x3  }
0x15d: {  	[hbm:s14], [sflag:s3] =	dma.local [spmem:s4], $0x500  }
0x15e: {  	_ =	swait.ge [sflag:s16], $0x500  }
0x15f: {  	[sflag:s16] =	ssyncset.done $0x0;
	s15 =	rddreg [dreg:$0x11]  }
0x160: {  	s22 =	rddreg [dreg:$0x14];
	[sflag:s16] =	ssyncadd.s32 $0xFFFFFB00;
	s4 =	sshrl.u32 s15, $0x3  }
0x161: {  	[hbm:s22], [sflag:s3] =	dma.local [spmem:s4], $0x500  }
0x162: {  	_ =	swait.ge [sflag:s16], $0x500  }
0x163: {  	[sflag:s16] =	ssyncset.done $0x0;
	s4 =	rddreg [dreg:$0x12]  }
0x164: {  	s7 =	rddreg [dreg:$0x15];
	[sflag:s16] =	ssyncadd.s32 $0xFFFFFB00;
	s4 =	sshrl.u32 @!p0 s4, $0x3  }
0x165: {  	[hbm:s7], [sflag:s3] =	dma.local @!p0 [spmem:s4], $0x500  }
0x166: {  	s4 =	simm.s32 @!p0 $0x6  }
0x167: {  	_ =	swait.ge @!p0 [sflag:s4], $0x500  }
0x168: {  	s15 =	rddreg [dreg:$0x7]  }
0x169: {  	s12 =	rddreg [dreg:$0x18]  }
0x16a: {  	[sflag:s4] =	ssyncset.done @!p0 $0x0;
	s7 =	sadd.s32 @!p0 s15, s12  }
0x16b: {  	s14 =	rddreg [dreg:$0x5];
	s12 =	sadd.s32 @!p0 s12, s2;
	s7 =	sshrl.u32 @!p0 s7, $0x3  }
0x16c: {  	[sflag:s4] =	ssyncadd.s32 @!p0 $0xFFFFFB00;
	s12 =	sshrl.u32 @!p0 s12, $0x3;
	s7 =	sadd.s32 @!p0 s14, s7  }
0x16d: {  	[hbm:s7], [sflag:s3] =	dma.local @!p0 [spmem:s12], $0x500  }
0x16e: {  	_ =	swait.ge @!p0 [sflag:s4], $0x500  }
0x16f: {  	s12 =	rddreg [dreg:$0x19]  }
0x170: {  	s7 =	sadd.s32 @!p0 s15, s12  }
0x171: {  	[sflag:s4] =	ssyncset.done @!p0 $0x0;
	s12 =	sadd.s32 @!p0 s12, s2;
	s7 =	sshrl.u32 @!p0 s7, $0x3  }
0x172: {  	[sflag:s4] =	ssyncadd.s32 @!p0 $0xFFFFFB00;
	s12 =	sshrl.u32 @!p0 s12, $0x3;
	s7 =	sadd.s32 @!p0 s14, s7  }
0x173: {  	[hbm:s7], [sflag:s3] =	dma.local @!p0 [spmem:s12], $0x500  }
0x174: {  	_ =	swait.ge @!p0 [sflag:s4], $0x500  }
0x175: {  	[sflag:s4] =	ssyncset.done @!p0 $0x0  }
0x176: {  	s22 =	simm.s32 $0x0;
	s12 =	rddreg [dreg:$0x16];
	[sflag:s4] =	ssyncadd.s32 @!p0 $0xFFFFFB00  }
0x177: {  	[hbm4b:s12+s22] =	stream.linear.scatter [tilespmem:s13], [sflag:$0x6], $0x2710, $0x38;
	[tilespmem:$0x1FA80] =	vst v63  }
0x178: {  	_ =	swait.ge [sflag:s16], $0x2710  }
0x179: {  	s14 =	rddreg [dreg:$0x1a]  }
0x17a: {  	s15 =	rddreg [dreg:$0x17];
	s4 =	sadd.s32 $0x1, s14  }
0x17b: {  	p1 =	sne.s32 s4, s15  }
.Ltmp5:
0x17c: {  	_ = 	snop;
	(pc) =	sbr.rel @p1 .LBB2_1-.Ltmp5, $3  }
0x17d: {  	_ =	sdelay $0x1  }
0x17e: {  	[sflag:s16] =	ssyncset.done $0x0  }
0x17f: {  	[sflag:s16] =	ssyncadd.s32 $0xFFFFD8F0  }
0x180: {  	_ =	sfence.sel $0x180000  }
0x181: {  	[bflag:$0x0] =	sbarrier.arrive $0xFFFF  }
0x182: {  	_ =	strace $0x9000004D  }
0x183: {  	s0 =	stileid.u32;
	[bflag:$0x2] =	sbarrier.arrive $0xFFFF  }
0x184: {  	p0 =	sne.s32 s0, $0x0;
	s0 =	rddreg [dreg:$0x3]  }
0x185: {  	s0 =	sadd.s32 @!p0 $0x100000, s0  }
0x186: {  	[sflag:s0] =	ssyncadd.tile.s32 @!p0 $0x1;
	_ =	shalt  }
.Lfunc_end2:
_tile_overlayer_lowered:
.L_overlay_start_2:
0x187: {  	(tag) =	ssettag $0x2  }
0x188: {  	s0 =	rddreg [dreg:$0x0];
	s2 =	stileid.u32  }
0x189: {  	s1 =	rddreg [dreg:$0x1];
	p0 =	sne.s32 s2, $0x0  }
0x18a: {  	s3 =	rddreg [dreg:$0x2];
	[bflag:$0x3] =	sbarrier.arrive $0xFFFF;
	s2 =	simm.s32 @!p0 $0x1C06  }
0x18b: {  	[timem:s3], [sflag:s2] =	dma.local @!p0 [hbm:s0], s1  }
0x18c: {  	s0 =	simm.s32 @!p0 $0x6  }
0x18d: {  	_ =	swait.ge @!p0 [sflag:s0], s1  }
0x18e: {  	s1 =	ssub.s32 @!p0 $0x0, s1;
	[sflag:s0] =	ssyncset.done @!p0 $0x0  }
0x18f: {  	[sflag:s0] =	ssyncadd.s32 @!p0 s1  }
0x190: {  	[bflag:$0x3] =	sbarrier.arrive $0xFFFF  }
0x191: {  	_ =	shalt  }

</sc_bundles>
